<compile_context>
chip_gen: v7x
topology: tpu7x:2x2x1
jax: 0.10.2.dev20260603
libtpu: 0.0.44.dev20260713+nightly
codegen_flags: <defaults>
</compile_context>

<pallas_src>
import functools

import jax
import jax.numpy as jnp
from jax import lax
from jax.experimental import pallas as pl
from jax.experimental.pallas import tpu as pltpu
from jax.experimental.pallas import tpu_sc as plsc

B = 4
T = 2048
D = 1024
NC = 2
NS = 16
NW = NC * NS
T_PER_W = T // NW
CT = 8
NTC = T_PER_W // CT
DEPTH = 3
LANES = 16

_mesh = plsc.VectorSubcoreMesh(core_axis_name="c", subcore_axis_name="s")


@functools.partial(
    pl.kernel,
    mesh=_mesh,
    out_type=jax.ShapeDtypeStruct((B * T, D), jnp.float32),
    scratch_types=[
        pltpu.VMEM((B, T_PER_W), jnp.int32),
        pltpu.VMEM((CT, D), jnp.float32),
        pltpu.VMEM((CT, D), jnp.float32),
    ]
    + [pltpu.VMEM((CT, D), jnp.float32) for _ in range(DEPTH * B)]
    + [pltpu.SemaphoreType.DMA for _ in range(2 + 2 * DEPTH * B + 1)],
)
def _embed(idx_hbm, tok_hbm, pos_hbm, out_hbm, idx_v, *rest):
    nb = DEPTH * B
    posb = rest[0:2]
    toks = rest[2:2 + nb]
    psem = rest[2 + nb:4 + nb]
    gsem = rest[4 + nb:4 + 2 * nb]
    ssem = rest[4 + 2 * nb:4 + 3 * nb]
    isem = rest[4 + 3 * nb]
    wid = lax.axis_index("s") * NC + lax.axis_index("c")
    t0 = wid * T_PER_W

    idx_handles = [
        pltpu.async_copy(idx_hbm.at[pl.ds(b * T + t0, T_PER_W)],
                         idx_v.at[b], isem)
        for b in range(B)
    ]
    for h in idx_handles:
        h.wait()

    def issue_pos(p):
        return pltpu.async_copy(
            pos_hbm.at[pl.ds(t0 + p * CT, CT)], posb[p % 2], psem[p % 2])

    def issue_gather(p, b):
        k = (p % DEPTH) * B + b
        return pltpu.async_copy(
            tok_hbm.at[idx_v.at[b].at[pl.ds(p * CT, CT)]], toks[k], gsem[k])

    pos_handles = {0: issue_pos(0)}
    gathers = {(p, b): issue_gather(p, b)
               for p in range(DEPTH - 1) for b in range(B)}
    stores = {}
    for p in range(NTC):
        s = (p % DEPTH) * B
        pos_handles[p].wait()
        if p + 1 < NTC:
            pos_handles[p + 1] = issue_pos(p + 1)
        for b in range(B):
            gathers[(p, b)].wait()
        nxt = p + DEPTH - 1
        if nxt < NTC:
            for b in range(B):
                if nxt - DEPTH >= 0:
                    stores[(nxt - DEPTH, b)].wait()
                gathers[(nxt, b)] = issue_gather(nxt, b)
        t_s, pos = toks[s:s + B], posb[p % 2]

        @plsc.parallel_loop(0, CT, 1)
        def _add_rows(r, t_s=t_s, pos=pos):
            @plsc.parallel_loop(0, D, LANES, unroll=4)
            def _add_lanes(c, r=r, t_s=t_s, pos=pos):
                sl = pl.ds(c, LANES)
                pv = pos[r, sl]
                for b in range(B):
                    t_s[b][r, sl] += pv

        for b in range(B):
            stores[(p, b)] = pltpu.async_copy(
                toks[s + b], out_hbm.at[pl.ds(b * T + t0 + p * CT, CT)],
                ssem[s + b])
    for p in range(max(0, NTC - DEPTH), NTC):
        for b in range(B):
            stores[(p, b)].wait()


def kernel(idx, token_embedding_table, position_embedding_table):
    idx_flat = idx.astype(jnp.int32).reshape(B * T)
    out = _embed(idx_flat, token_embedding_table, position_embedding_table)
    return out.reshape(B, T, D)

# --- scband reference (transcript-rebuilt; emitter-appended) ---
"""Pipeline reference for scband-lan-model-manual-13331578487259 (READ-ONLY COPY).

The authoritative reference and input builder live on the scoring server;
editing this copy changes nothing except your own understanding.
"""

import jax, jax.numpy as jnp
import numpy as np

VOCAB_SIZE = 100000
EMBED = 1024
SENT_LEN = 2048
BATCH = 4

def setup_inputs(seed: int = 0) -> dict:
    key = jax.random.key(seed)
    k_idx, k_tok, k_pos = jax.random.split(key, 3)
    idx = jax.random.randint(k_idx, (BATCH, SENT_LEN), 0, VOCAB_SIZE, dtype=jnp.int64 if jax.config.read('jax_enable_x64') else jnp.int32)
    token_embedding_table = jax.random.normal(k_tok, (VOCAB_SIZE, EMBED), dtype=jnp.float32) * 0.02
    position_embedding_table = jax.random.normal(k_pos, (SENT_LEN, EMBED), dtype=jnp.float32) * 0.02
    return {"idx": idx, "token_embedding_table": token_embedding_table, "position_embedding_table": position_embedding_table}

def reference(idx, token_embedding_table, position_embedding_table):
    # tok_emb: [B, T, C] via embedding gather
    tok_emb = jnp.take(token_embedding_table, idx, axis=0)
    # pos_emb: [T, C] for positions 0..T-1, broadcast-added (standard GPT-style manual LM embedding forward)
    T = idx.shape[1]
    pos_ids = jnp.arange(T)
    pos_emb = jnp.take(position_embedding_table, pos_ids, axis=0)
    x = tok_emb + pos_emb[None, :, :]
    return x

if __name__ == "__main__":
    import jax
    _d = setup_inputs()
    print(jax.jit(kernel)(*tuple(_d.values())))

</pallas_src>

<mosaic_0001>
#map = affine_map<(d0, d1) -> (0)>
#map1 = affine_map<(d0, d1) -> (0, 0)>
module attributes {stable_mosaic.version = 14 : i64} {
  func.func @_embed(%arg0: i32, %arg1: i32, %arg2: memref<8192xi32, #tpu.memory_space<hbm>>, %arg3: memref<100000x1024xf32, #tpu.memory_space<hbm>>, %arg4: memref<2048x1024xf32, #tpu.memory_space<hbm>>, %arg5: memref<8192x1024xf32, #tpu.memory_space<hbm>>, %arg6: memref<4x64xi32, #tpu.memory_space<vmem>>, %arg7: memref<8x1024xf32, #tpu.memory_space<vmem>>, %arg8: memref<8x1024xf32, #tpu.memory_space<vmem>>, %arg9: memref<8x1024xf32, #tpu.memory_space<vmem>>, %arg10: memref<8x1024xf32, #tpu.memory_space<vmem>>, %arg11: memref<8x1024xf32, #tpu.memory_space<vmem>>, %arg12: memref<8x1024xf32, #tpu.memory_space<vmem>>, %arg13: memref<8x1024xf32, #tpu.memory_space<vmem>>, %arg14: memref<8x1024xf32, #tpu.memory_space<vmem>>, %arg15: memref<8x1024xf32, #tpu.memory_space<vmem>>, %arg16: memref<8x1024xf32, #tpu.memory_space<vmem>>, %arg17: memref<8x1024xf32, #tpu.memory_space<vmem>>, %arg18: memref<8x1024xf32, #tpu.memory_space<vmem>>, %arg19: memref<8x1024xf32, #tpu.memory_space<vmem>>, %arg20: memref<8x1024xf32, #tpu.memory_space<vmem>>, %arg21: memref<!tpu.dma_semaphore, #tpu.memory_space<semaphore_mem>>, %arg22: memref<!tpu.dma_semaphore, #tpu.memory_space<semaphore_mem>>, %arg23: memref<!tpu.dma_semaphore, #tpu.memory_space<semaphore_mem>>, %arg24: memref<!tpu.dma_semaphore, #tpu.memory_space<semaphore_mem>>, %arg25: memref<!tpu.dma_semaphore, #tpu.memory_space<semaphore_mem>>, %arg26: memref<!tpu.dma_semaphore, #tpu.memory_space<semaphore_mem>>, %arg27: memref<!tpu.dma_semaphore, #tpu.memory_space<semaphore_mem>>, %arg28: memref<!tpu.dma_semaphore, #tpu.memory_space<semaphore_mem>>, %arg29: memref<!tpu.dma_semaphore, #tpu.memory_space<semaphore_mem>>, %arg30: memref<!tpu.dma_semaphore, #tpu.memory_space<semaphore_mem>>, %arg31: memref<!tpu.dma_semaphore, #tpu.memory_space<semaphore_mem>>, %arg32: memref<!tpu.dma_semaphore, #tpu.memory_space<semaphore_mem>>, %arg33: memref<!tpu.dma_semaphore, #tpu.memory_space<semaphore_mem>>, %arg34: memref<!tpu.dma_semaphore, #tpu.memory_space<semaphore_mem>>, %arg35: memref<!tpu.dma_semaphore, #tpu.memory_space<semaphore_mem>>, %arg36: memref<!tpu.dma_semaphore, #tpu.memory_space<semaphore_mem>>, %arg37: memref<!tpu.dma_semaphore, #tpu.memory_space<semaphore_mem>>, %arg38: memref<!tpu.dma_semaphore, #tpu.memory_space<semaphore_mem>>, %arg39: memref<!tpu.dma_semaphore, #tpu.memory_space<semaphore_mem>>, %arg40: memref<!tpu.dma_semaphore, #tpu.memory_space<semaphore_mem>>, %arg41: memref<!tpu.dma_semaphore, #tpu.memory_space<semaphore_mem>>, %arg42: memref<!tpu.dma_semaphore, #tpu.memory_space<semaphore_mem>>, %arg43: memref<!tpu.dma_semaphore, #tpu.memory_space<semaphore_mem>>, %arg44: memref<!tpu.dma_semaphore, #tpu.memory_space<semaphore_mem>>, %arg45: memref<!tpu.dma_semaphore, #tpu.memory_space<semaphore_mem>>, %arg46: memref<!tpu.dma_semaphore, #tpu.memory_space<semaphore_mem>>, %arg47: memref<!tpu.dma_semaphore, #tpu.memory_space<semaphore_mem>>) attributes {dimension_semantics = [#tpu.dimension_semantics<core_parallel>, #tpu.dimension_semantics<subcore_parallel>], iteration_bounds = array<i64: 2, 16>, scalar_prefetch = 0 : i64, scratch_operands = 42 : i64, tpu.core_type = #tpu.core_type<sc_vector_subcore>, window_params = [{transform_indices = #map}, {transform_indices = #map1}, {transform_indices = #map1}, {transform_indices = #map1}]} {
    %mul3A = arith.constant 2 : i32
    %mul3A_0 = arith.muli %arg1, %mul3A : i32
    %add3A = arith.addi %mul3A_0, %arg0 : i32
    %mul3A_1 = arith.constant 64 : i32
    %mul3A_2 = arith.muli %add3A, %mul3A_1 : i32
    %add3A_3 = arith.constant 0 : i32
    %add3A_4 = arith.addi %add3A_3, %mul3A_2 : i32
    %dma_start3A = arith.constant 0 : i32
    %dma_start3A_5 = arith.constant 0 : i32
    %dma_start3A_6 = tpu.memref_slice %arg6[%dma_start3A, %dma_start3A_5] : memref<4x64xi32, #tpu.memory_space<vmem>> -> memref<1x64xi32, #tpu.memory_space<vmem>>
    %dma_start3A_7 = tpu.memref_squeeze %dma_start3A_6 : memref<1x64xi32, #tpu.memory_space<vmem>> -> memref<64xi32, #tpu.memory_space<vmem>>
    %dma_start3A_8 = tpu.memref_slice %arg2[%add3A_4] : memref<8192xi32, #tpu.memory_space<hbm>> -> memref<64xi32, #tpu.memory_space<hbm>>
    %dma_start3A_9 = arith.constant 0 : i32
    %dma_start3A_10 = tpu.memref_slice %arg6[%dma_start3A, %dma_start3A_9] : memref<4x64xi32, #tpu.memory_space<vmem>> -> memref<1x64xi32, #tpu.memory_space<vmem>>
    %dma_start3A_11 = tpu.memref_squeeze %dma_start3A_10 : memref<1x64xi32, #tpu.memory_space<vmem>> -> memref<64xi32, #tpu.memory_space<vmem>>
    %dma_start3A_12 = tpu.memref_slice %arg2[%add3A_4] : memref<8192xi32, #tpu.memory_space<hbm>> -> memref<64xi32, #tpu.memory_space<hbm>>
    tpu.enqueue_dma source(%dma_start3A_12 : memref<64xi32, #tpu.memory_space<hbm>>) target(%dma_start3A_11 : memref<64xi32, #tpu.memory_space<vmem>>) target_semaphore(%arg47 : memref<!tpu.dma_semaphore, #tpu.memory_space<semaphore_mem>>)
    %add3A_13 = arith.constant 2048 : i32
    %add3A_14 = arith.addi %add3A_13, %mul3A_2 : i32
    %dma_start3A_15 = arith.constant 1 : i32
    %dma_start3A_16 = arith.constant 0 : i32
    %dma_start3A_17 = tpu.memref_slice %arg6[%dma_start3A_15, %dma_start3A_16] : memref<4x64xi32, #tpu.memory_space<vmem>> -> memref<1x64xi32, #tpu.memory_space<vmem>>
    %dma_start3A_18 = tpu.memref_squeeze %dma_start3A_17 : memref<1x64xi32, #tpu.memory_space<vmem>> -> memref<64xi32, #tpu.memory_space<vmem>>
    %dma_start3A_19 = tpu.memref_slice %arg2[%add3A_14] : memref<8192xi32, #tpu.memory_space<hbm>> -> memref<64xi32, #tpu.memory_space<hbm>>
    %dma_start3A_20 = arith.constant 0 : i32
    %dma_start3A_21 = tpu.memref_slice %arg6[%dma_start3A_15, %dma_start3A_20] : memref<4x64xi32, #tpu.memory_space<vmem>> -> memref<1x64xi32, #tpu.memory_space<vmem>>
    %dma_start3A_22 = tpu.memref_squeeze %dma_start3A_21 : memref<1x64xi32, #tpu.memory_space<vmem>> -> memref<64xi32, #tpu.memory_space<vmem>>
    %dma_start3A_23 = tpu.memref_slice %arg2[%add3A_14] : memref<8192xi32, #tpu.memory_space<hbm>> -> memref<64xi32, #tpu.memory_space<hbm>>
    tpu.enqueue_dma source(%dma_start3A_23 : memref<64xi32, #tpu.memory_space<hbm>>) target(%dma_start3A_22 : memref<64xi32, #tpu.memory_space<vmem>>) target_semaphore(%arg47 : memref<!tpu.dma_semaphore, #tpu.memory_space<semaphore_mem>>)
    %add3A_24 = arith.constant 4096 : i32
    %add3A_25 = arith.addi %add3A_24, %mul3A_2 : i32
    %dma_start3A_26 = arith.constant 2 : i32
    %dma_start3A_27 = arith.constant 0 : i32
    %dma_start3A_28 = tpu.memref_slice %arg6[%dma_start3A_26, %dma_start3A_27] : memref<4x64xi32, #tpu.memory_space<vmem>> -> memref<1x64xi32, #tpu.memory_space<vmem>>
    %dma_start3A_29 = tpu.memref_squeeze %dma_start3A_28 : memref<1x64xi32, #tpu.memory_space<vmem>> -> memref<64xi32, #tpu.memory_space<vmem>>
    %dma_start3A_30 = tpu.memref_slice %arg2[%add3A_25] : memref<8192xi32, #tpu.memory_space<hbm>> -> memref<64xi32, #tpu.memory_space<hbm>>
    %dma_start3A_31 = arith.constant 0 : i32
    %dma_start3A_32 = tpu.memref_slice %arg6[%dma_start3A_26, %dma_start3A_31] : memref<4x64xi32, #tpu.memory_space<vmem>> -> memref<1x64xi32, #tpu.memory_space<vmem>>
    %dma_start3A_33 = tpu.memref_squeeze %dma_start3A_32 : memref<1x64xi32, #tpu.memory_space<vmem>> -> memref<64xi32, #tpu.memory_space<vmem>>
    %dma_start3A_34 = tpu.memref_slice %arg2[%add3A_25] : memref<8192xi32, #tpu.memory_space<hbm>> -> memref<64xi32, #tpu.memory_space<hbm>>
    tpu.enqueue_dma source(%dma_start3A_34 : memref<64xi32, #tpu.memory_space<hbm>>) target(%dma_start3A_33 : memref<64xi32, #tpu.memory_space<vmem>>) target_semaphore(%arg47 : memref<!tpu.dma_semaphore, #tpu.memory_space<semaphore_mem>>)
    %add3A_35 = arith.constant 6144 : i32
    %add3A_36 = arith.addi %add3A_35, %mul3A_2 : i32
    %dma_start3A_37 = arith.constant 3 : i32
    %dma_start3A_38 = arith.constant 0 : i32
    %dma_start3A_39 = tpu.memref_slice %arg6[%dma_start3A_37, %dma_start3A_38] : memref<4x64xi32, #tpu.memory_space<vmem>> -> memref<1x64xi32, #tpu.memory_space<vmem>>
    %dma_start3A_40 = tpu.memref_squeeze %dma_start3A_39 : memref<1x64xi32, #tpu.memory_space<vmem>> -> memref<64xi32, #tpu.memory_space<vmem>>
    %dma_start3A_41 = tpu.memref_slice %arg2[%add3A_36] : memref<8192xi32, #tpu.memory_space<hbm>> -> memref<64xi32, #tpu.memory_space<hbm>>
    %dma_start3A_42 = arith.constant 0 : i32
    %dma_start3A_43 = tpu.memref_slice %arg6[%dma_start3A_37, %dma_start3A_42] : memref<4x64xi32, #tpu.memory_space<vmem>> -> memref<1x64xi32, #tpu.memory_space<vmem>>
    %dma_start3A_44 = tpu.memref_squeeze %dma_start3A_43 : memref<1x64xi32, #tpu.memory_space<vmem>> -> memref<64xi32, #tpu.memory_space<vmem>>
    %dma_start3A_45 = tpu.memref_slice %arg2[%add3A_36] : memref<8192xi32, #tpu.memory_space<hbm>> -> memref<64xi32, #tpu.memory_space<hbm>>
    tpu.enqueue_dma source(%dma_start3A_45 : memref<64xi32, #tpu.memory_space<hbm>>) target(%dma_start3A_44 : memref<64xi32, #tpu.memory_space<vmem>>) target_semaphore(%arg47 : memref<!tpu.dma_semaphore, #tpu.memory_space<semaphore_mem>>)
    %dma_wait3A = arith.constant 0 : i32
    %dma_wait3A_46 = arith.constant 0 : i32
    %dma_wait3A_47 = tpu.memref_slice %arg6[%dma_wait3A, %dma_wait3A_46] : memref<4x64xi32, #tpu.memory_space<vmem>> -> memref<1x64xi32, #tpu.memory_space<vmem>>
    %dma_wait3A_48 = tpu.memref_squeeze %dma_wait3A_47 : memref<1x64xi32, #tpu.memory_space<vmem>> -> memref<64xi32, #tpu.memory_space<vmem>>
    %dma_wait3A_49 = tpu.memref_slice %arg2[%add3A_4] : memref<8192xi32, #tpu.memory_space<hbm>> -> memref<64xi32, #tpu.memory_space<hbm>>
    %dma_wait3A_50 = arith.constant 0 : i32
    %dma_wait3A_51 = tpu.memref_slice %arg6[%dma_wait3A, %dma_wait3A_50] : memref<4x64xi32, #tpu.memory_space<vmem>> -> memref<1x64xi32, #tpu.memory_space<vmem>>
    %dma_wait3A_52 = tpu.memref_squeeze %dma_wait3A_51 : memref<1x64xi32, #tpu.memory_space<vmem>> -> memref<64xi32, #tpu.memory_space<vmem>>
    %dma_wait3A_53 = tpu.memref_slice %arg2[%add3A_4] : memref<8192xi32, #tpu.memory_space<hbm>> -> memref<64xi32, #tpu.memory_space<hbm>>
    tpu.wait_dma2 semaphore(%arg47 : memref<!tpu.dma_semaphore, #tpu.memory_space<semaphore_mem>>) src(%dma_wait3A_53 : memref<64xi32, #tpu.memory_space<hbm>>) dst(%dma_wait3A_52 : memref<64xi32, #tpu.memory_space<vmem>>)
    %dma_wait3A_54 = arith.constant 1 : i32
    %dma_wait3A_55 = arith.constant 0 : i32
    %dma_wait3A_56 = tpu.memref_slice %arg6[%dma_wait3A_54, %dma_wait3A_55] : memref<4x64xi32, #tpu.memory_space<vmem>> -> memref<1x64xi32, #tpu.memory_space<vmem>>
    %dma_wait3A_57 = tpu.memref_squeeze %dma_wait3A_56 : memref<1x64xi32, #tpu.memory_space<vmem>> -> memref<64xi32, #tpu.memory_space<vmem>>
    %dma_wait3A_58 = tpu.memref_slice %arg2[%add3A_14] : memref<8192xi32, #tpu.memory_space<hbm>> -> memref<64xi32, #tpu.memory_space<hbm>>
    %dma_wait3A_59 = arith.constant 0 : i32
    %dma_wait3A_60 = tpu.memref_slice %arg6[%dma_wait3A_54, %dma_wait3A_59] : memref<4x64xi32, #tpu.memory_space<vmem>> -> memref<1x64xi32, #tpu.memory_space<vmem>>
    %dma_wait3A_61 = tpu.memref_squeeze %dma_wait3A_60 : memref<1x64xi32, #tpu.memory_space<vmem>> -> memref<64xi32, #tpu.memory_space<vmem>>
    %dma_wait3A_62 = tpu.memref_slice %arg2[%add3A_14] : memref<8192xi32, #tpu.memory_space<hbm>> -> memref<64xi32, #tpu.memory_space<hbm>>
    tpu.wait_dma2 semaphore(%arg47 : memref<!tpu.dma_semaphore, #tpu.memory_space<semaphore_mem>>) src(%dma_wait3A_62 : memref<64xi32, #tpu.memory_space<hbm>>) dst(%dma_wait3A_61 : memref<64xi32, #tpu.memory_space<vmem>>)
    %dma_wait3A_63 = arith.constant 2 : i32
    %dma_wait3A_64 = arith.constant 0 : i32
    %dma_wait3A_65 = tpu.memref_slice %arg6[%dma_wait3A_63, %dma_wait3A_64] : memref<4x64xi32, #tpu.memory_space<vmem>> -> memref<1x64xi32, #tpu.memory_space<vmem>>
    %dma_wait3A_66 = tpu.memref_squeeze %dma_wait3A_65 : memref<1x64xi32, #tpu.memory_space<vmem>> -> memref<64xi32, #tpu.memory_space<vmem>>
    %dma_wait3A_67 = tpu.memref_slice %arg2[%add3A_25] : memref<8192xi32, #tpu.memory_space<hbm>> -> memref<64xi32, #tpu.memory_space<hbm>>
    %dma_wait3A_68 = arith.constant 0 : i32
    %dma_wait3A_69 = tpu.memref_slice %arg6[%dma_wait3A_63, %dma_wait3A_68] : memref<4x64xi32, #tpu.memory_space<vmem>> -> memref<1x64xi32, #tpu.memory_space<vmem>>
    %dma_wait3A_70 = tpu.memref_squeeze %dma_wait3A_69 : memref<1x64xi32, #tpu.memory_space<vmem>> -> memref<64xi32, #tpu.memory_space<vmem>>
    %dma_wait3A_71 = tpu.memref_slice %arg2[%add3A_25] : memref<8192xi32, #tpu.memory_space<hbm>> -> memref<64xi32, #tpu.memory_space<hbm>>
    tpu.wait_dma2 semaphore(%arg47 : memref<!tpu.dma_semaphore, #tpu.memory_space<semaphore_mem>>) src(%dma_wait3A_71 : memref<64xi32, #tpu.memory_space<hbm>>) dst(%dma_wait3A_70 : memref<64xi32, #tpu.memory_space<vmem>>)
    %dma_wait3A_72 = arith.constant 3 : i32
    %dma_wait3A_73 = arith.constant 0 : i32
    %dma_wait3A_74 = tpu.memref_slice %arg6[%dma_wait3A_72, %dma_wait3A_73] : memref<4x64xi32, #tpu.memory_space<vmem>> -> memref<1x64xi32, #tpu.memory_space<vmem>>
    %dma_wait3A_75 = tpu.memref_squeeze %dma_wait3A_74 : memref<1x64xi32, #tpu.memory_space<vmem>> -> memref<64xi32, #tpu.memory_space<vmem>>
    %dma_wait3A_76 = tpu.memref_slice %arg2[%add3A_36] : memref<8192xi32, #tpu.memory_space<hbm>> -> memref<64xi32, #tpu.memory_space<hbm>>
    %dma_wait3A_77 = arith.constant 0 : i32
    %dma_wait3A_78 = tpu.memref_slice %arg6[%dma_wait3A_72, %dma_wait3A_77] : memref<4x64xi32, #tpu.memory_space<vmem>> -> memref<1x64xi32, #tpu.memory_space<vmem>>
    %dma_wait3A_79 = tpu.memref_squeeze %dma_wait3A_78 : memref<1x64xi32, #tpu.memory_space<vmem>> -> memref<64xi32, #tpu.memory_space<vmem>>
    %dma_wait3A_80 = tpu.memref_slice %arg2[%add3A_36] : memref<8192xi32, #tpu.memory_space<hbm>> -> memref<64xi32, #tpu.memory_space<hbm>>
    tpu.wait_dma2 semaphore(%arg47 : memref<!tpu.dma_semaphore, #tpu.memory_space<semaphore_mem>>) src(%dma_wait3A_80 : memref<64xi32, #tpu.memory_space<hbm>>) dst(%dma_wait3A_79 : memref<64xi32, #tpu.memory_space<vmem>>)
    %add3A_81 = arith.constant 0 : i32
    %add3A_82 = arith.addi %mul3A_2, %add3A_81 : i32
    %dma_start3A_83 = arith.constant 0 : i32
    %dma_start3A_84 = tpu.memref_slice %arg4[%add3A_82, %dma_start3A_83] : memref<2048x1024xf32, #tpu.memory_space<hbm>> -> memref<8x1024xf32, #tpu.memory_space<hbm>>
    %dma_start3A_85 = arith.constant 0 : i32
    %dma_start3A_86 = tpu.memref_slice %arg4[%add3A_82, %dma_start3A_85] : memref<2048x1024xf32, #tpu.memory_space<hbm>> -> memref<8x1024xf32, #tpu.memory_space<hbm>>
    tpu.enqueue_dma source(%dma_start3A_86 : memref<8x1024xf32, #tpu.memory_space<hbm>>) target(%arg7 : memref<8x1024xf32, #tpu.memory_space<vmem>>) target_semaphore(%arg21 : memref<!tpu.dma_semaphore, #tpu.memory_space<semaphore_mem>>)
    %dma_start3A_87 = arith.constant 0 : i32
    %dma_start3A_88 = arith.constant 0 : i32
    %dma_start3A_89 = tpu.memref_slice %arg6[%dma_start3A_87, %dma_start3A_88] : memref<4x64xi32, #tpu.memory_space<vmem>> -> memref<1x64xi32, #tpu.memory_space<vmem>>
    %dma_start3A_90 = tpu.memref_squeeze %dma_start3A_89 : memref<1x64xi32, #tpu.memory_space<vmem>> -> memref<64xi32, #tpu.memory_space<vmem>>
    %dma_start3A_91 = arith.constant 0 : i32
    %dma_start3A_92 = tpu.memref_slice %dma_start3A_90[%dma_start3A_91] : memref<64xi32, #tpu.memory_space<vmem>> -> memref<8xi32, #tpu.memory_space<vmem>>
    %dma_start3A_93 = arith.constant 0 : i32
    %dma_start3A_94 = arith.constant 0 : i32
    %dma_start3A_95 = tpu.memref_slice %arg3[%dma_start3A_93, %dma_start3A_94] : memref<100000x1024xf32, #tpu.memory_space<hbm>> -> memref<100000x1024xf32, #tpu.memory_space<hbm>>
    tpu.enqueue_indirect_dma source(%dma_start3A_95 : memref<100000x1024xf32, #tpu.memory_space<hbm>>) target(%arg9 : memref<8x1024xf32, #tpu.memory_space<vmem>>) offsets(%dma_start3A_92 : memref<8xi32, #tpu.memory_space<vmem>>) semaphore(%arg23 : memref<!tpu.dma_semaphore, #tpu.memory_space<semaphore_mem>>)
    %dma_start3A_96 = arith.constant 1 : i32
    %dma_start3A_97 = arith.constant 0 : i32
    %dma_start3A_98 = tpu.memref_slice %arg6[%dma_start3A_96, %dma_start3A_97] : memref<4x64xi32, #tpu.memory_space<vmem>> -> memref<1x64xi32, #tpu.memory_space<vmem>>
    %dma_start3A_99 = tpu.memref_squeeze %dma_start3A_98 : memref<1x64xi32, #tpu.memory_space<vmem>> -> memref<64xi32, #tpu.memory_space<vmem>>
    %dma_start3A_100 = arith.constant 0 : i32
    %dma_start3A_101 = tpu.memref_slice %dma_start3A_99[%dma_start3A_100] : memref<64xi32, #tpu.memory_space<vmem>> -> memref<8xi32, #tpu.memory_space<vmem>>
    %dma_start3A_102 = arith.constant 0 : i32
    %dma_start3A_103 = arith.constant 0 : i32
    %dma_start3A_104 = tpu.memref_slice %arg3[%dma_start3A_102, %dma_start3A_103] : memref<100000x1024xf32, #tpu.memory_space<hbm>> -> memref<100000x1024xf32, #tpu.memory_space<hbm>>
    tpu.enqueue_indirect_dma source(%dma_start3A_104 : memref<100000x1024xf32, #tpu.memory_space<hbm>>) target(%arg10 : memref<8x1024xf32, #tpu.memory_space<vmem>>) offsets(%dma_start3A_101 : memref<8xi32, #tpu.memory_space<vmem>>) semaphore(%arg24 : memref<!tpu.dma_semaphore, #tpu.memory_space<semaphore_mem>>)
    %dma_start3A_105 = arith.constant 2 : i32
    %dma_start3A_106 = arith.constant 0 : i32
    %dma_start3A_107 = tpu.memref_slice %arg6[%dma_start3A_105, %dma_start3A_106] : memref<4x64xi32, #tpu.memory_space<vmem>> -> memref<1x64xi32, #tpu.memory_space<vmem>>
    %dma_start3A_108 = tpu.memref_squeeze %dma_start3A_107 : memref<1x64xi32, #tpu.memory_space<vmem>> -> memref<64xi32, #tpu.memory_space<vmem>>
    %dma_start3A_109 = arith.constant 0 : i32
    %dma_start3A_110 = tpu.memref_slice %dma_start3A_108[%dma_start3A_109] : memref<64xi32, #tpu.memory_space<vmem>> -> memref<8xi32, #tpu.memory_space<vmem>>
    %dma_start3A_111 = arith.constant 0 : i32
    %dma_start3A_112 = arith.constant 0 : i32
    %dma_start3A_113 = tpu.memref_slice %arg3[%dma_start3A_111, %dma_start3A_112] : memref<100000x1024xf32, #tpu.memory_space<hbm>> -> memref<100000x1024xf32, #tpu.memory_space<hbm>>
    tpu.enqueue_indirect_dma source(%dma_start3A_113 : memref<100000x1024xf32, #tpu.memory_space<hbm>>) target(%arg11 : memref<8x1024xf32, #tpu.memory_space<vmem>>) offsets(%dma_start3A_110 : memref<8xi32, #tpu.memory_space<vmem>>) semaphore(%arg25 : memref<!tpu.dma_semaphore, #tpu.memory_space<semaphore_mem>>)
    %dma_start3A_114 = arith.constant 3 : i32
    %dma_start3A_115 = arith.constant 0 : i32
    %dma_start3A_116 = tpu.memref_slice %arg6[%dma_start3A_114, %dma_start3A_115] : memref<4x64xi32, #tpu.memory_space<vmem>> -> memref<1x64xi32, #tpu.memory_space<vmem>>
    %dma_start3A_117 = tpu.memref_squeeze %dma_start3A_116 : memref<1x64xi32, #tpu.memory_space<vmem>> -> memref<64xi32, #tpu.memory_space<vmem>>
    %dma_start3A_118 = arith.constant 0 : i32
    %dma_start3A_119 = tpu.memref_slice %dma_start3A_117[%dma_start3A_118] : memref<64xi32, #tpu.memory_space<vmem>> -> memref<8xi32, #tpu.memory_space<vmem>>
    %dma_start3A_120 = arith.constant 0 : i32
    %dma_start3A_121 = arith.constant 0 : i32
    %dma_start3A_122 = tpu.memref_slice %arg3[%dma_start3A_120, %dma_start3A_121] : memref<100000x1024xf32, #tpu.memory_space<hbm>> -> memref<100000x1024xf32, #tpu.memory_space<hbm>>
    tpu.enqueue_indirect_dma source(%dma_start3A_122 : memref<100000x1024xf32, #tpu.memory_space<hbm>>) target(%arg12 : memref<8x1024xf32, #tpu.memory_space<vmem>>) offsets(%dma_start3A_119 : memref<8xi32, #tpu.memory_space<vmem>>) semaphore(%arg26 : memref<!tpu.dma_semaphore, #tpu.memory_space<semaphore_mem>>)
    %dma_start3A_123 = arith.constant 0 : i32
    %dma_start3A_124 = arith.constant 0 : i32
    %dma_start3A_125 = tpu.memref_slice %arg6[%dma_start3A_123, %dma_start3A_124] : memref<4x64xi32, #tpu.memory_space<vmem>> -> memref<1x64xi32, #tpu.memory_space<vmem>>
    %dma_start3A_126 = tpu.memref_squeeze %dma_start3A_125 : memref<1x64xi32, #tpu.memory_space<vmem>> -> memref<64xi32, #tpu.memory_space<vmem>>
    %dma_start3A_127 = arith.constant 8 : i32
    %dma_start3A_128 = tpu.memref_slice %dma_start3A_126[%dma_start3A_127] : memref<64xi32, #tpu.memory_space<vmem>> -> memref<8xi32, #tpu.memory_space<vmem>>
    %dma_start3A_129 = arith.constant 0 : i32
    %dma_start3A_130 = arith.constant 0 : i32
    %dma_start3A_131 = tpu.memref_slice %arg3[%dma_start3A_129, %dma_start3A_130] : memref<100000x1024xf32, #tpu.memory_space<hbm>> -> memref<100000x1024xf32, #tpu.memory_space<hbm>>
    tpu.enqueue_indirect_dma source(%dma_start3A_131 : memref<100000x1024xf32, #tpu.memory_space<hbm>>) target(%arg13 : memref<8x1024xf32, #tpu.memory_space<vmem>>) offsets(%dma_start3A_128 : memref<8xi32, #tpu.memory_space<vmem>>) semaphore(%arg27 : memref<!tpu.dma_semaphore, #tpu.memory_space<semaphore_mem>>)
    %dma_start3A_132 = arith.constant 1 : i32
    %dma_start3A_133 = arith.constant 0 : i32
    %dma_start3A_134 = tpu.memref_slice %arg6[%dma_start3A_132, %dma_start3A_133] : memref<4x64xi32, #tpu.memory_space<vmem>> -> memref<1x64xi32, #tpu.memory_space<vmem>>
    %dma_start3A_135 = tpu.memref_squeeze %dma_start3A_134 : memref<1x64xi32, #tpu.memory_space<vmem>> -> memref<64xi32, #tpu.memory_space<vmem>>
    %dma_start3A_136 = arith.constant 8 : i32
    %dma_start3A_137 = tpu.memref_slice %dma_start3A_135[%dma_start3A_136] : memref<64xi32, #tpu.memory_space<vmem>> -> memref<8xi32, #tpu.memory_space<vmem>>
    %dma_start3A_138 = arith.constant 0 : i32
    %dma_start3A_139 = arith.constant 0 : i32
    %dma_start3A_140 = tpu.memref_slice %arg3[%dma_start3A_138, %dma_start3A_139] : memref<100000x1024xf32, #tpu.memory_space<hbm>> -> memref<100000x1024xf32, #tpu.memory_space<hbm>>
    tpu.enqueue_indirect_dma source(%dma_start3A_140 : memref<100000x1024xf32, #tpu.memory_space<hbm>>) target(%arg14 : memref<8x1024xf32, #tpu.memory_space<vmem>>) offsets(%dma_start3A_137 : memref<8xi32, #tpu.memory_space<vmem>>) semaphore(%arg28 : memref<!tpu.dma_semaphore, #tpu.memory_space<semaphore_mem>>)
    %dma_start3A_141 = arith.constant 2 : i32
    %dma_start3A_142 = arith.constant 0 : i32
    %dma_start3A_143 = tpu.memref_slice %arg6[%dma_start3A_141, %dma_start3A_142] : memref<4x64xi32, #tpu.memory_space<vmem>> -> memref<1x64xi32, #tpu.memory_space<vmem>>
    %dma_start3A_144 = tpu.memref_squeeze %dma_start3A_143 : memref<1x64xi32, #tpu.memory_space<vmem>> -> memref<64xi32, #tpu.memory_space<vmem>>
    %dma_start3A_145 = arith.constant 8 : i32
    %dma_start3A_146 = tpu.memref_slice %dma_start3A_144[%dma_start3A_145] : memref<64xi32, #tpu.memory_space<vmem>> -> memref<8xi32, #tpu.memory_space<vmem>>
    %dma_start3A_147 = arith.constant 0 : i32
    %dma_start3A_148 = arith.constant 0 : i32
    %dma_start3A_149 = tpu.memref_slice %arg3[%dma_start3A_147, %dma_start3A_148] : memref<100000x1024xf32, #tpu.memory_space<hbm>> -> memref<100000x1024xf32, #tpu.memory_space<hbm>>
    tpu.enqueue_indirect_dma source(%dma_start3A_149 : memref<100000x1024xf32, #tpu.memory_space<hbm>>) target(%arg15 : memref<8x1024xf32, #tpu.memory_space<vmem>>) offsets(%dma_start3A_146 : memref<8xi32, #tpu.memory_space<vmem>>) semaphore(%arg29 : memref<!tpu.dma_semaphore, #tpu.memory_space<semaphore_mem>>)
    %dma_start3A_150 = arith.constant 3 : i32
    %dma_start3A_151 = arith.constant 0 : i32
    %dma_start3A_152 = tpu.memref_slice %arg6[%dma_start3A_150, %dma_start3A_151] : memref<4x64xi32, #tpu.memory_space<vmem>> -> memref<1x64xi32, #tpu.memory_space<vmem>>
    %dma_start3A_153 = tpu.memref_squeeze %dma_start3A_152 : memref<1x64xi32, #tpu.memory_space<vmem>> -> memref<64xi32, #tpu.memory_space<vmem>>
    %dma_start3A_154 = arith.constant 8 : i32
    %dma_start3A_155 = tpu.memref_slice %dma_start3A_153[%dma_start3A_154] : memref<64xi32, #tpu.memory_space<vmem>> -> memref<8xi32, #tpu.memory_space<vmem>>
    %dma_start3A_156 = arith.constant 0 : i32
    %dma_start3A_157 = arith.constant 0 : i32
    %dma_start3A_158 = tpu.memref_slice %arg3[%dma_start3A_156, %dma_start3A_157] : memref<100000x1024xf32, #tpu.memory_space<hbm>> -> memref<100000x1024xf32, #tpu.memory_space<hbm>>
    tpu.enqueue_indirect_dma source(%dma_start3A_158 : memref<100000x1024xf32, #tpu.memory_space<hbm>>) target(%arg16 : memref<8x1024xf32, #tpu.memory_space<vmem>>) offsets(%dma_start3A_155 : memref<8xi32, #tpu.memory_space<vmem>>) semaphore(%arg30 : memref<!tpu.dma_semaphore, #tpu.memory_space<semaphore_mem>>)
    %dma_wait3A_159 = arith.constant 0 : i32
    %dma_wait3A_160 = tpu.memref_slice %arg4[%add3A_82, %dma_wait3A_159] : memref<2048x1024xf32, #tpu.memory_space<hbm>> -> memref<8x1024xf32, #tpu.memory_space<hbm>>
    %dma_wait3A_161 = arith.constant 0 : i32
    %dma_wait3A_162 = tpu.memref_slice %arg4[%add3A_82, %dma_wait3A_161] : memref<2048x1024xf32, #tpu.memory_space<hbm>> -> memref<8x1024xf32, #tpu.memory_space<hbm>>
    tpu.wait_dma2 semaphore(%arg21 : memref<!tpu.dma_semaphore, #tpu.memory_space<semaphore_mem>>) src(%dma_wait3A_162 : memref<8x1024xf32, #tpu.memory_space<hbm>>) dst(%arg7 : memref<8x1024xf32, #tpu.memory_space<vmem>>)
    %add3A_163 = arith.constant 8 : i32
    %add3A_164 = arith.addi %mul3A_2, %add3A_163 : i32
    %dma_start3A_165 = arith.constant 0 : i32
    %dma_start3A_166 = tpu.memref_slice %arg4[%add3A_164, %dma_start3A_165] : memref<2048x1024xf32, #tpu.memory_space<hbm>> -> memref<8x1024xf32, #tpu.memory_space<hbm>>
    %dma_start3A_167 = arith.constant 0 : i32
    %dma_start3A_168 = tpu.memref_slice %arg4[%add3A_164, %dma_start3A_167] : memref<2048x1024xf32, #tpu.memory_space<hbm>> -> memref<8x1024xf32, #tpu.memory_space<hbm>>
    tpu.enqueue_dma source(%dma_start3A_168 : memref<8x1024xf32, #tpu.memory_space<hbm>>) target(%arg8 : memref<8x1024xf32, #tpu.memory_space<vmem>>) target_semaphore(%arg22 : memref<!tpu.dma_semaphore, #tpu.memory_space<semaphore_mem>>)
    %dma_wait3A_169 = arith.constant 0 : i32
    %dma_wait3A_170 = arith.constant 0 : i32
    %dma_wait3A_171 = tpu.memref_slice %arg6[%dma_wait3A_169, %dma_wait3A_170] : memref<4x64xi32, #tpu.memory_space<vmem>> -> memref<1x64xi32, #tpu.memory_space<vmem>>
    %dma_wait3A_172 = tpu.memref_squeeze %dma_wait3A_171 : memref<1x64xi32, #tpu.memory_space<vmem>> -> memref<64xi32, #tpu.memory_space<vmem>>
    %dma_wait3A_173 = arith.constant 0 : i32
    %dma_wait3A_174 = tpu.memref_slice %dma_wait3A_172[%dma_wait3A_173] : memref<64xi32, #tpu.memory_space<vmem>> -> memref<8xi32, #tpu.memory_space<vmem>>
    %dma_wait3A_175 = arith.constant 0 : i32
    %dma_wait3A_176 = arith.constant 0 : i32
    %dma_wait3A_177 = tpu.memref_slice %arg3[%dma_wait3A_175, %dma_wait3A_176] : memref<100000x1024xf32, #tpu.memory_space<hbm>> -> memref<100000x1024xf32, #tpu.memory_space<hbm>>
    tpu.wait_indirect_dma semaphore(%arg23 : memref<!tpu.dma_semaphore, #tpu.memory_space<semaphore_mem>>) src(%dma_wait3A_177 : memref<100000x1024xf32, #tpu.memory_space<hbm>>) dst(%arg9 : memref<8x1024xf32, #tpu.memory_space<vmem>>)
    %dma_wait3A_178 = arith.constant 1 : i32
    %dma_wait3A_179 = arith.constant 0 : i32
    %dma_wait3A_180 = tpu.memref_slice %arg6[%dma_wait3A_178, %dma_wait3A_179] : memref<4x64xi32, #tpu.memory_space<vmem>> -> memref<1x64xi32, #tpu.memory_space<vmem>>
    %dma_wait3A_181 = tpu.memref_squeeze %dma_wait3A_180 : memref<1x64xi32, #tpu.memory_space<vmem>> -> memref<64xi32, #tpu.memory_space<vmem>>
    %dma_wait3A_182 = arith.constant 0 : i32
    %dma_wait3A_183 = tpu.memref_slice %dma_wait3A_181[%dma_wait3A_182] : memref<64xi32, #tpu.memory_space<vmem>> -> memref<8xi32, #tpu.memory_space<vmem>>
    %dma_wait3A_184 = arith.constant 0 : i32
    %dma_wait3A_185 = arith.constant 0 : i32
    %dma_wait3A_186 = tpu.memref_slice %arg3[%dma_wait3A_184, %dma_wait3A_185] : memref<100000x1024xf32, #tpu.memory_space<hbm>> -> memref<100000x1024xf32, #tpu.memory_space<hbm>>
    tpu.wait_indirect_dma semaphore(%arg24 : memref<!tpu.dma_semaphore, #tpu.memory_space<semaphore_mem>>) src(%dma_wait3A_186 : memref<100000x1024xf32, #tpu.memory_space<hbm>>) dst(%arg10 : memref<8x1024xf32, #tpu.memory_space<vmem>>)
    %dma_wait3A_187 = arith.constant 2 : i32
    %dma_wait3A_188 = arith.constant 0 : i32
    %dma_wait3A_189 = tpu.memref_slice %arg6[%dma_wait3A_187, %dma_wait3A_188] : memref<4x64xi32, #tpu.memory_space<vmem>> -> memref<1x64xi32, #tpu.memory_space<vmem>>
    %dma_wait3A_190 = tpu.memref_squeeze %dma_wait3A_189 : memref<1x64xi32, #tpu.memory_space<vmem>> -> memref<64xi32, #tpu.memory_space<vmem>>
    %dma_wait3A_191 = arith.constant 0 : i32
    %dma_wait3A_192 = tpu.memref_slice %dma_wait3A_190[%dma_wait3A_191] : memref<64xi32, #tpu.memory_space<vmem>> -> memref<8xi32, #tpu.memory_space<vmem>>
    %dma_wait3A_193 = arith.constant 0 : i32
    %dma_wait3A_194 = arith.constant 0 : i32
    %dma_wait3A_195 = tpu.memref_slice %arg3[%dma_wait3A_193, %dma_wait3A_194] : memref<100000x1024xf32, #tpu.memory_space<hbm>> -> memref<100000x1024xf32, #tpu.memory_space<hbm>>
    tpu.wait_indirect_dma semaphore(%arg25 : memref<!tpu.dma_semaphore, #tpu.memory_space<semaphore_mem>>) src(%dma_wait3A_195 : memref<100000x1024xf32, #tpu.memory_space<hbm>>) dst(%arg11 : memref<8x1024xf32, #tpu.memory_space<vmem>>)
    %dma_wait3A_196 = arith.constant 3 : i32
    %dma_wait3A_197 = arith.constant 0 : i32
    %dma_wait3A_198 = tpu.memref_slice %arg6[%dma_wait3A_196, %dma_wait3A_197] : memref<4x64xi32, #tpu.memory_space<vmem>> -> memref<1x64xi32, #tpu.memory_space<vmem>>
    %dma_wait3A_199 = tpu.memref_squeeze %dma_wait3A_198 : memref<1x64xi32, #tpu.memory_space<vmem>> -> memref<64xi32, #tpu.memory_space<vmem>>
    %dma_wait3A_200 = arith.constant 0 : i32
    %dma_wait3A_201 = tpu.memref_slice %dma_wait3A_199[%dma_wait3A_200] : memref<64xi32, #tpu.memory_space<vmem>> -> memref<8xi32, #tpu.memory_space<vmem>>
    %dma_wait3A_202 = arith.constant 0 : i32
    %dma_wait3A_203 = arith.constant 0 : i32
    %dma_wait3A_204 = tpu.memref_slice %arg3[%dma_wait3A_202, %dma_wait3A_203] : memref<100000x1024xf32, #tpu.memory_space<hbm>> -> memref<100000x1024xf32, #tpu.memory_space<hbm>>
    tpu.wait_indirect_dma semaphore(%arg26 : memref<!tpu.dma_semaphore, #tpu.memory_space<semaphore_mem>>) src(%dma_wait3A_204 : memref<100000x1024xf32, #tpu.memory_space<hbm>>) dst(%arg12 : memref<8x1024xf32, #tpu.memory_space<vmem>>)
    %dma_start3A_205 = arith.constant 0 : i32
    %dma_start3A_206 = arith.constant 0 : i32
    %dma_start3A_207 = tpu.memref_slice %arg6[%dma_start3A_205, %dma_start3A_206] : memref<4x64xi32, #tpu.memory_space<vmem>> -> memref<1x64xi32, #tpu.memory_space<vmem>>
    %dma_start3A_208 = tpu.memref_squeeze %dma_start3A_207 : memref<1x64xi32, #tpu.memory_space<vmem>> -> memref<64xi32, #tpu.memory_space<vmem>>
    %dma_start3A_209 = arith.constant 16 : i32
    %dma_start3A_210 = tpu.memref_slice %dma_start3A_208[%dma_start3A_209] : memref<64xi32, #tpu.memory_space<vmem>> -> memref<8xi32, #tpu.memory_space<vmem>>
    %dma_start3A_211 = arith.constant 0 : i32
    %dma_start3A_212 = arith.constant 0 : i32
    %dma_start3A_213 = tpu.memref_slice %arg3[%dma_start3A_211, %dma_start3A_212] : memref<100000x1024xf32, #tpu.memory_space<hbm>> -> memref<100000x1024xf32, #tpu.memory_space<hbm>>
    tpu.enqueue_indirect_dma source(%dma_start3A_213 : memref<100000x1024xf32, #tpu.memory_space<hbm>>) target(%arg17 : memref<8x1024xf32, #tpu.memory_space<vmem>>) offsets(%dma_start3A_210 : memref<8xi32, #tpu.memory_space<vmem>>) semaphore(%arg31 : memref<!tpu.dma_semaphore, #tpu.memory_space<semaphore_mem>>)
    %dma_start3A_214 = arith.constant 1 : i32
    %dma_start3A_215 = arith.constant 0 : i32
    %dma_start3A_216 = tpu.memref_slice %arg6[%dma_start3A_214, %dma_start3A_215] : memref<4x64xi32, #tpu.memory_space<vmem>> -> memref<1x64xi32, #tpu.memory_space<vmem>>
    %dma_start3A_217 = tpu.memref_squeeze %dma_start3A_216 : memref<1x64xi32, #tpu.memory_space<vmem>> -> memref<64xi32, #tpu.memory_space<vmem>>
    %dma_start3A_218 = arith.constant 16 : i32
    %dma_start3A_219 = tpu.memref_slice %dma_start3A_217[%dma_start3A_218] : memref<64xi32, #tpu.memory_space<vmem>> -> memref<8xi32, #tpu.memory_space<vmem>>
    %dma_start3A_220 = arith.constant 0 : i32
    %dma_start3A_221 = arith.constant 0 : i32
    %dma_start3A_222 = tpu.memref_slice %arg3[%dma_start3A_220, %dma_start3A_221] : memref<100000x1024xf32, #tpu.memory_space<hbm>> -> memref<100000x1024xf32, #tpu.memory_space<hbm>>
    tpu.enqueue_indirect_dma source(%dma_start3A_222 : memref<100000x1024xf32, #tpu.memory_space<hbm>>) target(%arg18 : memref<8x1024xf32, #tpu.memory_space<vmem>>) offsets(%dma_start3A_219 : memref<8xi32, #tpu.memory_space<vmem>>) semaphore(%arg32 : memref<!tpu.dma_semaphore, #tpu.memory_space<semaphore_mem>>)
    %dma_start3A_223 = arith.constant 2 : i32
    %dma_start3A_224 = arith.constant 0 : i32
    %dma_start3A_225 = tpu.memref_slice %arg6[%dma_start3A_223, %dma_start3A_224] : memref<4x64xi32, #tpu.memory_space<vmem>> -> memref<1x64xi32, #tpu.memory_space<vmem>>
    %dma_start3A_226 = tpu.memref_squeeze %dma_start3A_225 : memref<1x64xi32, #tpu.memory_space<vmem>> -> memref<64xi32, #tpu.memory_space<vmem>>
    %dma_start3A_227 = arith.constant 16 : i32
    %dma_start3A_228 = tpu.memref_slice %dma_start3A_226[%dma_start3A_227] : memref<64xi32, #tpu.memory_space<vmem>> -> memref<8xi32, #tpu.memory_space<vmem>>
    %dma_start3A_229 = arith.constant 0 : i32
    %dma_start3A_230 = arith.constant 0 : i32
    %dma_start3A_231 = tpu.memref_slice %arg3[%dma_start3A_229, %dma_start3A_230] : memref<100000x1024xf32, #tpu.memory_space<hbm>> -> memref<100000x1024xf32, #tpu.memory_space<hbm>>
    tpu.enqueue_indirect_dma source(%dma_start3A_231 : memref<100000x1024xf32, #tpu.memory_space<hbm>>) target(%arg19 : memref<8x1024xf32, #tpu.memory_space<vmem>>) offsets(%dma_start3A_228 : memref<8xi32, #tpu.memory_space<vmem>>) semaphore(%arg33 : memref<!tpu.dma_semaphore, #tpu.memory_space<semaphore_mem>>)
    %dma_start3A_232 = arith.constant 3 : i32
    %dma_start3A_233 = arith.constant 0 : i32
    %dma_start3A_234 = tpu.memref_slice %arg6[%dma_start3A_232, %dma_start3A_233] : memref<4x64xi32, #tpu.memory_space<vmem>> -> memref<1x64xi32, #tpu.memory_space<vmem>>
    %dma_start3A_235 = tpu.memref_squeeze %dma_start3A_234 : memref<1x64xi32, #tpu.memory_space<vmem>> -> memref<64xi32, #tpu.memory_space<vmem>>
    %dma_start3A_236 = arith.constant 16 : i32
    %dma_start3A_237 = tpu.memref_slice %dma_start3A_235[%dma_start3A_236] : memref<64xi32, #tpu.memory_space<vmem>> -> memref<8xi32, #tpu.memory_space<vmem>>
    %dma_start3A_238 = arith.constant 0 : i32
    %dma_start3A_239 = arith.constant 0 : i32
    %dma_start3A_240 = tpu.memref_slice %arg3[%dma_start3A_238, %dma_start3A_239] : memref<100000x1024xf32, #tpu.memory_space<hbm>> -> memref<100000x1024xf32, #tpu.memory_space<hbm>>
    tpu.enqueue_indirect_dma source(%dma_start3A_240 : memref<100000x1024xf32, #tpu.memory_space<hbm>>) target(%arg20 : memref<8x1024xf32, #tpu.memory_space<vmem>>) offsets(%dma_start3A_237 : memref<8xi32, #tpu.memory_space<vmem>>) semaphore(%arg34 : memref<!tpu.dma_semaphore, #tpu.memory_space<semaphore_mem>>)
    %parallel_loop3A = arith.constant 0 : i32
    %parallel_loop3A_241 = arith.constant 8 : i32
    %parallel_loop3A_242 = arith.constant 1 : i32
    scf.for %parallel_loop3A_1144 = %parallel_loop3A to %parallel_loop3A_241 step %parallel_loop3A_242  : i32 {
      %parallel_loop3A_1145 = arith.constant 0 : i32
      %parallel_loop3A_1146 = arith.constant 1024 : i32
      %parallel_loop3A_1147 = arith.constant 16 : i32
      scf.for %parallel_loop3A_1148 = %parallel_loop3A_1145 to %parallel_loop3A_1146 step %parallel_loop3A_1147  : i32 {
        %parallel_loop3A_1149 = arith.index_cast %parallel_loop3A_1144 : i32 to index
        %parallel_loop3A_1150 = arith.index_cast %parallel_loop3A_1148 : i32 to index
        %parallel_loop3A_1151 = tpu.vector_load %arg7[%parallel_loop3A_1149, %parallel_loop3A_1150] {strides = array<i32>} : memref<8x1024xf32, #tpu.memory_space<vmem>>, vector<1x16xf32>,
        %parallel_loop3A_1152 = vector.shape_cast %parallel_loop3A_1151 : vector<1x16xf32> to vector<16xf32>
        %parallel_loop3A_1153 = arith.index_cast %parallel_loop3A_1144 : i32 to index
        %parallel_loop3A_1154 = arith.index_cast %parallel_loop3A_1148 : i32 to index
        %parallel_loop3A_1155 = tpu.vector_load %arg9[%parallel_loop3A_1153, %parallel_loop3A_1154] {strides = array<i32>} : memref<8x1024xf32, #tpu.memory_space<vmem>>, vector<1x16xf32>,
        %parallel_loop3A_1156 = vector.shape_cast %parallel_loop3A_1155 : vector<1x16xf32> to vector<16xf32>
        %parallel_loop3A_1157 = arith.addf %parallel_loop3A_1156, %parallel_loop3A_1152 : vector<16xf32>
        %parallel_loop3A_1158 = arith.index_cast %parallel_loop3A_1144 : i32 to index
        %parallel_loop3A_1159 = arith.index_cast %parallel_loop3A_1148 : i32 to index
        %parallel_loop3A_1160 = tpu.vector_load %arg9[%parallel_loop3A_1158, %parallel_loop3A_1159] {strides = array<i32>} : memref<8x1024xf32, #tpu.memory_space<vmem>>, vector<1x16xf32>,
        %parallel_loop3A_1161 = vector.shape_cast %parallel_loop3A_1160 : vector<1x16xf32> to vector<16xf32>
        %parallel_loop3A_1162 = vector.shape_cast %parallel_loop3A_1157 : vector<16xf32> to vector<1x16xf32>
        tpu.vector_store %arg9[%parallel_loop3A_1158, %parallel_loop3A_1159], %parallel_loop3A_1162 {strides = array<i32>} : memref<8x1024xf32, #tpu.memory_space<vmem>>, vector<1x16xf32>,
        %parallel_loop3A_1163 = arith.index_cast %parallel_loop3A_1144 : i32 to index
        %parallel_loop3A_1164 = arith.index_cast %parallel_loop3A_1148 : i32 to index
        %parallel_loop3A_1165 = tpu.vector_load %arg10[%parallel_loop3A_1163, %parallel_loop3A_1164] {strides = array<i32>} : memref<8x1024xf32, #tpu.memory_space<vmem>>, vector<1x16xf32>,
        %parallel_loop3A_1166 = vector.shape_cast %parallel_loop3A_1165 : vector<1x16xf32> to vector<16xf32>
        %parallel_loop3A_1167 = arith.addf %parallel_loop3A_1166, %parallel_loop3A_1152 : vector<16xf32>
        %parallel_loop3A_1168 = arith.index_cast %parallel_loop3A_1144 : i32 to index
        %parallel_loop3A_1169 = arith.index_cast %parallel_loop3A_1148 : i32 to index
        %parallel_loop3A_1170 = tpu.vector_load %arg10[%parallel_loop3A_1168, %parallel_loop3A_1169] {strides = array<i32>} : memref<8x1024xf32, #tpu.memory_space<vmem>>, vector<1x16xf32>,
        %parallel_loop3A_1171 = vector.shape_cast %parallel_loop3A_1170 : vector<1x16xf32> to vector<16xf32>
        %parallel_loop3A_1172 = vector.shape_cast %parallel_loop3A_1167 : vector<16xf32> to vector<1x16xf32>
        tpu.vector_store %arg10[%parallel_loop3A_1168, %parallel_loop3A_1169], %parallel_loop3A_1172 {strides = array<i32>} : memref<8x1024xf32, #tpu.memory_space<vmem>>, vector<1x16xf32>,
        %parallel_loop3A_1173 = arith.index_cast %parallel_loop3A_1144 : i32 to index
        %parallel_loop3A_1174 = arith.index_cast %parallel_loop3A_1148 : i32 to index
        %parallel_loop3A_1175 = tpu.vector_load %arg11[%parallel_loop3A_1173, %parallel_loop3A_1174] {strides = array<i32>} : memref<8x1024xf32, #tpu.memory_space<vmem>>, vector<1x16xf32>,
        %parallel_loop3A_1176 = vector.shape_cast %parallel_loop3A_1175 : vector<1x16xf32> to vector<16xf32>
        %parallel_loop3A_1177 = arith.addf %parallel_loop3A_1176, %parallel_loop3A_1152 : vector<16xf32>
        %parallel_loop3A_1178 = arith.index_cast %parallel_loop3A_1144 : i32 to index
        %parallel_loop3A_1179 = arith.index_cast %parallel_loop3A_1148 : i32 to index
        %parallel_loop3A_1180 = tpu.vector_load %arg11[%parallel_loop3A_1178, %parallel_loop3A_1179] {strides = array<i32>} : memref<8x1024xf32, #tpu.memory_space<vmem>>, vector<1x16xf32>,
        %parallel_loop3A_1181 = vector.shape_cast %parallel_loop3A_1180 : vector<1x16xf32> to vector<16xf32>
        %parallel_loop3A_1182 = vector.shape_cast %parallel_loop3A_1177 : vector<16xf32> to vector<1x16xf32>
        tpu.vector_store %arg11[%parallel_loop3A_1178, %parallel_loop3A_1179], %parallel_loop3A_1182 {strides = array<i32>} : memref<8x1024xf32, #tpu.memory_space<vmem>>, vector<1x16xf32>,
        %parallel_loop3A_1183 = arith.index_cast %parallel_loop3A_1144 : i32 to index
        %parallel_loop3A_1184 = arith.index_cast %parallel_loop3A_1148 : i32 to index
        %parallel_loop3A_1185 = tpu.vector_load %arg12[%parallel_loop3A_1183, %parallel_loop3A_1184] {strides = array<i32>} : memref<8x1024xf32, #tpu.memory_space<vmem>>, vector<1x16xf32>,
        %parallel_loop3A_1186 = vector.shape_cast %parallel_loop3A_1185 : vector<1x16xf32> to vector<16xf32>
        %parallel_loop3A_1187 = arith.addf %parallel_loop3A_1186, %parallel_loop3A_1152 : vector<16xf32>
        %parallel_loop3A_1188 = arith.index_cast %parallel_loop3A_1144 : i32 to index
        %parallel_loop3A_1189 = arith.index_cast %parallel_loop3A_1148 : i32 to index
        %parallel_loop3A_1190 = tpu.vector_load %arg12[%parallel_loop3A_1188, %parallel_loop3A_1189] {strides = array<i32>} : memref<8x1024xf32, #tpu.memory_space<vmem>>, vector<1x16xf32>,
        %parallel_loop3A_1191 = vector.shape_cast %parallel_loop3A_1190 : vector<1x16xf32> to vector<16xf32>
        %parallel_loop3A_1192 = vector.shape_cast %parallel_loop3A_1187 : vector<16xf32> to vector<1x16xf32>
        tpu.vector_store %arg12[%parallel_loop3A_1188, %parallel_loop3A_1189], %parallel_loop3A_1192 {strides = array<i32>} : memref<8x1024xf32, #tpu.memory_space<vmem>>, vector<1x16xf32>,
      } {sc.loop_unroll_factor = 4 : i64, sc.parallel_access}
    } {sc.loop_unroll_factor = 1 : i64, sc.parallel_access}
    %add3A_243 = arith.constant 0 : i32
    %add3A_244 = arith.addi %add3A_243, %mul3A_2 : i32
    %add3A_245 = arith.constant 0 : i32
    %add3A_246 = arith.addi %add3A_244, %add3A_245 : i32
    %dma_start3A_247 = arith.constant 0 : i32
    %dma_start3A_248 = tpu.memref_slice %arg5[%add3A_246, %dma_start3A_247] : memref<8192x1024xf32, #tpu.memory_space<hbm>> -> memref<8x1024xf32, #tpu.memory_space<hbm>>
    %dma_start3A_249 = arith.constant 0 : i32
    %dma_start3A_250 = tpu.memref_slice %arg5[%add3A_246, %dma_start3A_249] : memref<8192x1024xf32, #tpu.memory_space<hbm>> -> memref<8x1024xf32, #tpu.memory_space<hbm>>
    tpu.enqueue_dma source(%arg9 : memref<8x1024xf32, #tpu.memory_space<vmem>>) target(%dma_start3A_250 : memref<8x1024xf32, #tpu.memory_space<hbm>>) target_semaphore(%arg35 : memref<!tpu.dma_semaphore, #tpu.memory_space<semaphore_mem>>)
    %add3A_251 = arith.constant 2048 : i32
    %add3A_252 = arith.addi %add3A_251, %mul3A_2 : i32
    %add3A_253 = arith.constant 0 : i32
    %add3A_254 = arith.addi %add3A_252, %add3A_253 : i32
    %dma_start3A_255 = arith.constant 0 : i32
    %dma_start3A_256 = tpu.memref_slice %arg5[%add3A_254, %dma_start3A_255] : memref<8192x1024xf32, #tpu.memory_space<hbm>> -> memref<8x1024xf32, #tpu.memory_space<hbm>>
    %dma_start3A_257 = arith.constant 0 : i32
    %dma_start3A_258 = tpu.memref_slice %arg5[%add3A_254, %dma_start3A_257] : memref<8192x1024xf32, #tpu.memory_space<hbm>> -> memref<8x1024xf32, #tpu.memory_space<hbm>>
    tpu.enqueue_dma source(%arg10 : memref<8x1024xf32, #tpu.memory_space<vmem>>) target(%dma_start3A_258 : memref<8x1024xf32, #tpu.memory_space<hbm>>) target_semaphore(%arg36 : memref<!tpu.dma_semaphore, #tpu.memory_space<semaphore_mem>>)
    %add3A_259 = arith.constant 4096 : i32
    %add3A_260 = arith.addi %add3A_259, %mul3A_2 : i32
    %add3A_261 = arith.constant 0 : i32
    %add3A_262 = arith.addi %add3A_260, %add3A_261 : i32
    %dma_start3A_263 = arith.constant 0 : i32
    %dma_start3A_264 = tpu.memref_slice %arg5[%add3A_262, %dma_start3A_263] : memref<8192x1024xf32, #tpu.memory_space<hbm>> -> memref<8x1024xf32, #tpu.memory_space<hbm>>
    %dma_start3A_265 = arith.constant 0 : i32
    %dma_start3A_266 = tpu.memref_slice %arg5[%add3A_262, %dma_start3A_265] : memref<8192x1024xf32, #tpu.memory_space<hbm>> -> memref<8x1024xf32, #tpu.memory_space<hbm>>
    tpu.enqueue_dma source(%arg11 : memref<8x1024xf32, #tpu.memory_space<vmem>>) target(%dma_start3A_266 : memref<8x1024xf32, #tpu.memory_space<hbm>>) target_semaphore(%arg37 : memref<!tpu.dma_semaphore, #tpu.memory_space<semaphore_mem>>)
    %add3A_267 = arith.constant 6144 : i32
    %add3A_268 = arith.addi %add3A_267, %mul3A_2 : i32
    %add3A_269 = arith.constant 0 : i32
    %add3A_270 = arith.addi %add3A_268, %add3A_269 : i32
    %dma_start3A_271 = arith.constant 0 : i32
    %dma_start3A_272 = tpu.memref_slice %arg5[%add3A_270, %dma_start3A_271] : memref<8192x1024xf32, #tpu.memory_space<hbm>> -> memref<8x1024xf32, #tpu.memory_space<hbm>>
    %dma_start3A_273 = arith.constant 0 : i32
    %dma_start3A_274 = tpu.memref_slice %arg5[%add3A_270, %dma_start3A_273] : memref<8192x1024xf32, #tpu.memory_space<hbm>> -> memref<8x1024xf32, #tpu.memory_space<hbm>>
    tpu.enqueue_dma source(%arg12 : memref<8x1024xf32, #tpu.memory_space<vmem>>) target(%dma_start3A_274 : memref<8x1024xf32, #tpu.memory_space<hbm>>) target_semaphore(%arg38 : memref<!tpu.dma_semaphore, #tpu.memory_space<semaphore_mem>>)
    %dma_wait3A_275 = arith.constant 0 : i32
    %dma_wait3A_276 = tpu.memref_slice %arg4[%add3A_164, %dma_wait3A_275] : memref<2048x1024xf32, #tpu.memory_space<hbm>> -> memref<8x1024xf32, #tpu.memory_space<hbm>>
    %dma_wait3A_277 = arith.constant 0 : i32
    %dma_wait3A_278 = tpu.memref_slice %arg4[%add3A_164, %dma_wait3A_277] : memref<2048x1024xf32, #tpu.memory_space<hbm>> -> memref<8x1024xf32, #tpu.memory_space<hbm>>
    tpu.wait_dma2 semaphore(%arg22 : memref<!tpu.dma_semaphore, #tpu.memory_space<semaphore_mem>>) src(%dma_wait3A_278 : memref<8x1024xf32, #tpu.memory_space<hbm>>) dst(%arg8 : memref<8x1024xf32, #tpu.memory_space<vmem>>)
    %add3A_279 = arith.constant 16 : i32
    %add3A_280 = arith.addi %mul3A_2, %add3A_279 : i32
    %dma_start3A_281 = arith.constant 0 : i32
    %dma_start3A_282 = tpu.memref_slice %arg4[%add3A_280, %dma_start3A_281] : memref<2048x1024xf32, #tpu.memory_space<hbm>> -> memref<8x1024xf32, #tpu.memory_space<hbm>>
    %dma_start3A_283 = arith.constant 0 : i32
    %dma_start3A_284 = tpu.memref_slice %arg4[%add3A_280, %dma_start3A_283] : memref<2048x1024xf32, #tpu.memory_space<hbm>> -> memref<8x1024xf32, #tpu.memory_space<hbm>>
    tpu.enqueue_dma source(%dma_start3A_284 : memref<8x1024xf32, #tpu.memory_space<hbm>>) target(%arg7 : memref<8x1024xf32, #tpu.memory_space<vmem>>) target_semaphore(%arg21 : memref<!tpu.dma_semaphore, #tpu.memory_space<semaphore_mem>>)
    %dma_wait3A_285 = arith.constant 0 : i32
    %dma_wait3A_286 = arith.constant 0 : i32
    %dma_wait3A_287 = tpu.memref_slice %arg6[%dma_wait3A_285, %dma_wait3A_286] : memref<4x64xi32, #tpu.memory_space<vmem>> -> memref<1x64xi32, #tpu.memory_space<vmem>>
    %dma_wait3A_288 = tpu.memref_squeeze %dma_wait3A_287 : memref<1x64xi32, #tpu.memory_space<vmem>> -> memref<64xi32, #tpu.memory_space<vmem>>
    %dma_wait3A_289 = arith.constant 8 : i32
    %dma_wait3A_290 = tpu.memref_slice %dma_wait3A_288[%dma_wait3A_289] : memref<64xi32, #tpu.memory_space<vmem>> -> memref<8xi32, #tpu.memory_space<vmem>>
    %dma_wait3A_291 = arith.constant 0 : i32
    %dma_wait3A_292 = arith.constant 0 : i32
    %dma_wait3A_293 = tpu.memref_slice %arg3[%dma_wait3A_291, %dma_wait3A_292] : memref<100000x1024xf32, #tpu.memory_space<hbm>> -> memref<100000x1024xf32, #tpu.memory_space<hbm>>
    tpu.wait_indirect_dma semaphore(%arg27 : memref<!tpu.dma_semaphore, #tpu.memory_space<semaphore_mem>>) src(%dma_wait3A_293 : memref<100000x1024xf32, #tpu.memory_space<hbm>>) dst(%arg13 : memref<8x1024xf32, #tpu.memory_space<vmem>>)
    %dma_wait3A_294 = arith.constant 1 : i32
    %dma_wait3A_295 = arith.constant 0 : i32
    %dma_wait3A_296 = tpu.memref_slice %arg6[%dma_wait3A_294, %dma_wait3A_295] : memref<4x64xi32, #tpu.memory_space<vmem>> -> memref<1x64xi32, #tpu.memory_space<vmem>>
    %dma_wait3A_297 = tpu.memref_squeeze %dma_wait3A_296 : memref<1x64xi32, #tpu.memory_space<vmem>> -> memref<64xi32, #tpu.memory_space<vmem>>
    %dma_wait3A_298 = arith.constant 8 : i32
    %dma_wait3A_299 = tpu.memref_slice %dma_wait3A_297[%dma_wait3A_298] : memref<64xi32, #tpu.memory_space<vmem>> -> memref<8xi32, #tpu.memory_space<vmem>>
    %dma_wait3A_300 = arith.constant 0 : i32
    %dma_wait3A_301 = arith.constant 0 : i32
    %dma_wait3A_302 = tpu.memref_slice %arg3[%dma_wait3A_300, %dma_wait3A_301] : memref<100000x1024xf32, #tpu.memory_space<hbm>> -> memref<100000x1024xf32, #tpu.memory_space<hbm>>
    tpu.wait_indirect_dma semaphore(%arg28 : memref<!tpu.dma_semaphore, #tpu.memory_space<semaphore_mem>>) src(%dma_wait3A_302 : memref<100000x1024xf32, #tpu.memory_space<hbm>>) dst(%arg14 : memref<8x1024xf32, #tpu.memory_space<vmem>>)
    %dma_wait3A_303 = arith.constant 2 : i32
    %dma_wait3A_304 = arith.constant 0 : i32
    %dma_wait3A_305 = tpu.memref_slice %arg6[%dma_wait3A_303, %dma_wait3A_304] : memref<4x64xi32, #tpu.memory_space<vmem>> -> memref<1x64xi32, #tpu.memory_space<vmem>>
    %dma_wait3A_306 = tpu.memref_squeeze %dma_wait3A_305 : memref<1x64xi32, #tpu.memory_space<vmem>> -> memref<64xi32, #tpu.memory_space<vmem>>
    %dma_wait3A_307 = arith.constant 8 : i32
    %dma_wait3A_308 = tpu.memref_slice %dma_wait3A_306[%dma_wait3A_307] : memref<64xi32, #tpu.memory_space<vmem>> -> memref<8xi32, #tpu.memory_space<vmem>>
    %dma_wait3A_309 = arith.constant 0 : i32
    %dma_wait3A_310 = arith.constant 0 : i32
    %dma_wait3A_311 = tpu.memref_slice %arg3[%dma_wait3A_309, %dma_wait3A_310] : memref<100000x1024xf32, #tpu.memory_space<hbm>> -> memref<100000x1024xf32, #tpu.memory_space<hbm>>
    tpu.wait_indirect_dma semaphore(%arg29 : memref<!tpu.dma_semaphore, #tpu.memory_space<semaphore_mem>>) src(%dma_wait3A_311 : memref<100000x1024xf32, #tpu.memory_space<hbm>>) dst(%arg15 : memref<8x1024xf32, #tpu.memory_space<vmem>>)
    %dma_wait3A_312 = arith.constant 3 : i32
    %dma_wait3A_313 = arith.constant 0 : i32
    %dma_wait3A_314 = tpu.memref_slice %arg6[%dma_wait3A_312, %dma_wait3A_313] : memref<4x64xi32, #tpu.memory_space<vmem>> -> memref<1x64xi32, #tpu.memory_space<vmem>>
    %dma_wait3A_315 = tpu.memref_squeeze %dma_wait3A_314 : memref<1x64xi32, #tpu.memory_space<vmem>> -> memref<64xi32, #tpu.memory_space<vmem>>
    %dma_wait3A_316 = arith.constant 8 : i32
    %dma_wait3A_317 = tpu.memref_slice %dma_wait3A_315[%dma_wait3A_316] : memref<64xi32, #tpu.memory_space<vmem>> -> memref<8xi32, #tpu.memory_space<vmem>>
    %dma_wait3A_318 = arith.constant 0 : i32
    %dma_wait3A_319 = arith.constant 0 : i32
    %dma_wait3A_320 = tpu.memref_slice %arg3[%dma_wait3A_318, %dma_wait3A_319] : memref<100000x1024xf32, #tpu.memory_space<hbm>> -> memref<100000x1024xf32, #tpu.memory_space<hbm>>
    tpu.wait_indirect_dma semaphore(%arg30 : memref<!tpu.dma_semaphore, #tpu.memory_space<semaphore_mem>>) src(%dma_wait3A_320 : memref<100000x1024xf32, #tpu.memory_space<hbm>>) dst(%arg16 : memref<8x1024xf32, #tpu.memory_space<vmem>>)
    %dma_wait3A_321 = arith.constant 0 : i32
    %dma_wait3A_322 = tpu.memref_slice %arg5[%add3A_246, %dma_wait3A_321] : memref<8192x1024xf32, #tpu.memory_space<hbm>> -> memref<8x1024xf32, #tpu.memory_space<hbm>>
    %dma_wait3A_323 = arith.constant 0 : i32
    %dma_wait3A_324 = tpu.memref_slice %arg5[%add3A_246, %dma_wait3A_323] : memref<8192x1024xf32, #tpu.memory_space<hbm>> -> memref<8x1024xf32, #tpu.memory_space<hbm>>
    tpu.wait_dma2 semaphore(%arg35 : memref<!tpu.dma_semaphore, #tpu.memory_space<semaphore_mem>>) src(%arg9 : memref<8x1024xf32, #tpu.memory_space<vmem>>) dst(%dma_wait3A_324 : memref<8x1024xf32, #tpu.memory_space<hbm>>)
    %dma_start3A_325 = arith.constant 0 : i32
    %dma_start3A_326 = arith.constant 0 : i32
    %dma_start3A_327 = tpu.memref_slice %arg6[%dma_start3A_325, %dma_start3A_326] : memref<4x64xi32, #tpu.memory_space<vmem>> -> memref<1x64xi32, #tpu.memory_space<vmem>>
    %dma_start3A_328 = tpu.memref_squeeze %dma_start3A_327 : memref<1x64xi32, #tpu.memory_space<vmem>> -> memref<64xi32, #tpu.memory_space<vmem>>
    %dma_start3A_329 = arith.constant 24 : i32
    %dma_start3A_330 = tpu.memref_slice %dma_start3A_328[%dma_start3A_329] : memref<64xi32, #tpu.memory_space<vmem>> -> memref<8xi32, #tpu.memory_space<vmem>>
    %dma_start3A_331 = arith.constant 0 : i32
    %dma_start3A_332 = arith.constant 0 : i32
    %dma_start3A_333 = tpu.memref_slice %arg3[%dma_start3A_331, %dma_start3A_332] : memref<100000x1024xf32, #tpu.memory_space<hbm>> -> memref<100000x1024xf32, #tpu.memory_space<hbm>>
    tpu.enqueue_indirect_dma source(%dma_start3A_333 : memref<100000x1024xf32, #tpu.memory_space<hbm>>) target(%arg9 : memref<8x1024xf32, #tpu.memory_space<vmem>>) offsets(%dma_start3A_330 : memref<8xi32, #tpu.memory_space<vmem>>) semaphore(%arg23 : memref<!tpu.dma_semaphore, #tpu.memory_space<semaphore_mem>>)
    %dma_wait3A_334 = arith.constant 0 : i32
    %dma_wait3A_335 = tpu.memref_slice %arg5[%add3A_254, %dma_wait3A_334] : memref<8192x1024xf32, #tpu.memory_space<hbm>> -> memref<8x1024xf32, #tpu.memory_space<hbm>>
    %dma_wait3A_336 = arith.constant 0 : i32
    %dma_wait3A_337 = tpu.memref_slice %arg5[%add3A_254, %dma_wait3A_336] : memref<8192x1024xf32, #tpu.memory_space<hbm>> -> memref<8x1024xf32, #tpu.memory_space<hbm>>
    tpu.wait_dma2 semaphore(%arg36 : memref<!tpu.dma_semaphore, #tpu.memory_space<semaphore_mem>>) src(%arg10 : memref<8x1024xf32, #tpu.memory_space<vmem>>) dst(%dma_wait3A_337 : memref<8x1024xf32, #tpu.memory_space<hbm>>)
    %dma_start3A_338 = arith.constant 1 : i32
    %dma_start3A_339 = arith.constant 0 : i32
    %dma_start3A_340 = tpu.memref_slice %arg6[%dma_start3A_338, %dma_start3A_339] : memref<4x64xi32, #tpu.memory_space<vmem>> -> memref<1x64xi32, #tpu.memory_space<vmem>>
    %dma_start3A_341 = tpu.memref_squeeze %dma_start3A_340 : memref<1x64xi32, #tpu.memory_space<vmem>> -> memref<64xi32, #tpu.memory_space<vmem>>
    %dma_start3A_342 = arith.constant 24 : i32
    %dma_start3A_343 = tpu.memref_slice %dma_start3A_341[%dma_start3A_342] : memref<64xi32, #tpu.memory_space<vmem>> -> memref<8xi32, #tpu.memory_space<vmem>>
    %dma_start3A_344 = arith.constant 0 : i32
    %dma_start3A_345 = arith.constant 0 : i32
    %dma_start3A_346 = tpu.memref_slice %arg3[%dma_start3A_344, %dma_start3A_345] : memref<100000x1024xf32, #tpu.memory_space<hbm>> -> memref<100000x1024xf32, #tpu.memory_space<hbm>>
    tpu.enqueue_indirect_dma source(%dma_start3A_346 : memref<100000x1024xf32, #tpu.memory_space<hbm>>) target(%arg10 : memref<8x1024xf32, #tpu.memory_space<vmem>>) offsets(%dma_start3A_343 : memref<8xi32, #tpu.memory_space<vmem>>) semaphore(%arg24 : memref<!tpu.dma_semaphore, #tpu.memory_space<semaphore_mem>>)
    %dma_wait3A_347 = arith.constant 0 : i32
    %dma_wait3A_348 = tpu.memref_slice %arg5[%add3A_262, %dma_wait3A_347] : memref<8192x1024xf32, #tpu.memory_space<hbm>> -> memref<8x1024xf32, #tpu.memory_space<hbm>>
    %dma_wait3A_349 = arith.constant 0 : i32
    %dma_wait3A_350 = tpu.memref_slice %arg5[%add3A_262, %dma_wait3A_349] : memref<8192x1024xf32, #tpu.memory_space<hbm>> -> memref<8x1024xf32, #tpu.memory_space<hbm>>
    tpu.wait_dma2 semaphore(%arg37 : memref<!tpu.dma_semaphore, #tpu.memory_space<semaphore_mem>>) src(%arg11 : memref<8x1024xf32, #tpu.memory_space<vmem>>) dst(%dma_wait3A_350 : memref<8x1024xf32, #tpu.memory_space<hbm>>)
    %dma_start3A_351 = arith.constant 2 : i32
    %dma_start3A_352 = arith.constant 0 : i32
    %dma_start3A_353 = tpu.memref_slice %arg6[%dma_start3A_351, %dma_start3A_352] : memref<4x64xi32, #tpu.memory_space<vmem>> -> memref<1x64xi32, #tpu.memory_space<vmem>>
    %dma_start3A_354 = tpu.memref_squeeze %dma_start3A_353 : memref<1x64xi32, #tpu.memory_space<vmem>> -> memref<64xi32, #tpu.memory_space<vmem>>
    %dma_start3A_355 = arith.constant 24 : i32
    %dma_start3A_356 = tpu.memref_slice %dma_start3A_354[%dma_start3A_355] : memref<64xi32, #tpu.memory_space<vmem>> -> memref<8xi32, #tpu.memory_space<vmem>>
    %dma_start3A_357 = arith.constant 0 : i32
    %dma_start3A_358 = arith.constant 0 : i32
    %dma_start3A_359 = tpu.memref_slice %arg3[%dma_start3A_357, %dma_start3A_358] : memref<100000x1024xf32, #tpu.memory_space<hbm>> -> memref<100000x1024xf32, #tpu.memory_space<hbm>>
    tpu.enqueue_indirect_dma source(%dma_start3A_359 : memref<100000x1024xf32, #tpu.memory_space<hbm>>) target(%arg11 : memref<8x1024xf32, #tpu.memory_space<vmem>>) offsets(%dma_start3A_356 : memref<8xi32, #tpu.memory_space<vmem>>) semaphore(%arg25 : memref<!tpu.dma_semaphore, #tpu.memory_space<semaphore_mem>>)
    %dma_wait3A_360 = arith.constant 0 : i32
    %dma_wait3A_361 = tpu.memref_slice %arg5[%add3A_270, %dma_wait3A_360] : memref<8192x1024xf32, #tpu.memory_space<hbm>> -> memref<8x1024xf32, #tpu.memory_space<hbm>>
    %dma_wait3A_362 = arith.constant 0 : i32
    %dma_wait3A_363 = tpu.memref_slice %arg5[%add3A_270, %dma_wait3A_362] : memref<8192x1024xf32, #tpu.memory_space<hbm>> -> memref<8x1024xf32, #tpu.memory_space<hbm>>
    tpu.wait_dma2 semaphore(%arg38 : memref<!tpu.dma_semaphore, #tpu.memory_space<semaphore_mem>>) src(%arg12 : memref<8x1024xf32, #tpu.memory_space<vmem>>) dst(%dma_wait3A_363 : memref<8x1024xf32, #tpu.memory_space<hbm>>)
    %dma_start3A_364 = arith.constant 3 : i32
    %dma_start3A_365 = arith.constant 0 : i32
    %dma_start3A_366 = tpu.memref_slice %arg6[%dma_start3A_364, %dma_start3A_365] : memref<4x64xi32, #tpu.memory_space<vmem>> -> memref<1x64xi32, #tpu.memory_space<vmem>>
    %dma_start3A_367 = tpu.memref_squeeze %dma_start3A_366 : memref<1x64xi32, #tpu.memory_space<vmem>> -> memref<64xi32, #tpu.memory_space<vmem>>
    %dma_start3A_368 = arith.constant 24 : i32
    %dma_start3A_369 = tpu.memref_slice %dma_start3A_367[%dma_start3A_368] : memref<64xi32, #tpu.memory_space<vmem>> -> memref<8xi32, #tpu.memory_space<vmem>>
    %dma_start3A_370 = arith.constant 0 : i32
    %dma_start3A_371 = arith.constant 0 : i32
    %dma_start3A_372 = tpu.memref_slice %arg3[%dma_start3A_370, %dma_start3A_371] : memref<100000x1024xf32, #tpu.memory_space<hbm>> -> memref<100000x1024xf32, #tpu.memory_space<hbm>>
    tpu.enqueue_indirect_dma source(%dma_start3A_372 : memref<100000x1024xf32, #tpu.memory_space<hbm>>) target(%arg12 : memref<8x1024xf32, #tpu.memory_space<vmem>>) offsets(%dma_start3A_369 : memref<8xi32, #tpu.memory_space<vmem>>) semaphore(%arg26 : memref<!tpu.dma_semaphore, #tpu.memory_space<semaphore_mem>>)
    %parallel_loop3A_373 = arith.constant 0 : i32
    %parallel_loop3A_374 = arith.constant 8 : i32
    %parallel_loop3A_375 = arith.constant 1 : i32
    scf.for %parallel_loop3A_1144 = %parallel_loop3A_373 to %parallel_loop3A_374 step %parallel_loop3A_375  : i32 {
      %parallel_loop3A_1145 = arith.constant 0 : i32
      %parallel_loop3A_1146 = arith.constant 1024 : i32
      %parallel_loop3A_1147 = arith.constant 16 : i32
      scf.for %parallel_loop3A_1148 = %parallel_loop3A_1145 to %parallel_loop3A_1146 step %parallel_loop3A_1147  : i32 {
        %parallel_loop3A_1149 = arith.index_cast %parallel_loop3A_1144 : i32 to index
        %parallel_loop3A_1150 = arith.index_cast %parallel_loop3A_1148 : i32 to index
        %parallel_loop3A_1151 = tpu.vector_load %arg8[%parallel_loop3A_1149, %parallel_loop3A_1150] {strides = array<i32>} : memref<8x1024xf32, #tpu.memory_space<vmem>>, vector<1x16xf32>,
        %parallel_loop3A_1152 = vector.shape_cast %parallel_loop3A_1151 : vector<1x16xf32> to vector<16xf32>
        %parallel_loop3A_1153 = arith.index_cast %parallel_loop3A_1144 : i32 to index
        %parallel_loop3A_1154 = arith.index_cast %parallel_loop3A_1148 : i32 to index
        %parallel_loop3A_1155 = tpu.vector_load %arg13[%parallel_loop3A_1153, %parallel_loop3A_1154] {strides = array<i32>} : memref<8x1024xf32, #tpu.memory_space<vmem>>, vector<1x16xf32>,
        %parallel_loop3A_1156 = vector.shape_cast %parallel_loop3A_1155 : vector<1x16xf32> to vector<16xf32>
        %parallel_loop3A_1157 = arith.addf %parallel_loop3A_1156, %parallel_loop3A_1152 : vector<16xf32>
        %parallel_loop3A_1158 = arith.index_cast %parallel_loop3A_1144 : i32 to index
        %parallel_loop3A_1159 = arith.index_cast %parallel_loop3A_1148 : i32 to index
        %parallel_loop3A_1160 = tpu.vector_load %arg13[%parallel_loop3A_1158, %parallel_loop3A_1159] {strides = array<i32>} : memref<8x1024xf32, #tpu.memory_space<vmem>>, vector<1x16xf32>,
        %parallel_loop3A_1161 = vector.shape_cast %parallel_loop3A_1160 : vector<1x16xf32> to vector<16xf32>
        %parallel_loop3A_1162 = vector.shape_cast %parallel_loop3A_1157 : vector<16xf32> to vector<1x16xf32>
        tpu.vector_store %arg13[%parallel_loop3A_1158, %parallel_loop3A_1159], %parallel_loop3A_1162 {strides = array<i32>} : memref<8x1024xf32, #tpu.memory_space<vmem>>, vector<1x16xf32>,
        %parallel_loop3A_1163 = arith.index_cast %parallel_loop3A_1144 : i32 to index
        %parallel_loop3A_1164 = arith.index_cast %parallel_loop3A_1148 : i32 to index
        %parallel_loop3A_1165 = tpu.vector_load %arg14[%parallel_loop3A_1163, %parallel_loop3A_1164] {strides = array<i32>} : memref<8x1024xf32, #tpu.memory_space<vmem>>, vector<1x16xf32>,
        %parallel_loop3A_1166 = vector.shape_cast %parallel_loop3A_1165 : vector<1x16xf32> to vector<16xf32>
        %parallel_loop3A_1167 = arith.addf %parallel_loop3A_1166, %parallel_loop3A_1152 : vector<16xf32>
        %parallel_loop3A_1168 = arith.index_cast %parallel_loop3A_1144 : i32 to index
        %parallel_loop3A_1169 = arith.index_cast %parallel_loop3A_1148 : i32 to index
        %parallel_loop3A_1170 = tpu.vector_load %arg14[%parallel_loop3A_1168, %parallel_loop3A_1169] {strides = array<i32>} : memref<8x1024xf32, #tpu.memory_space<vmem>>, vector<1x16xf32>,
        %parallel_loop3A_1171 = vector.shape_cast %parallel_loop3A_1170 : vector<1x16xf32> to vector<16xf32>
        %parallel_loop3A_1172 = vector.shape_cast %parallel_loop3A_1167 : vector<16xf32> to vector<1x16xf32>
        tpu.vector_store %arg14[%parallel_loop3A_1168, %parallel_loop3A_1169], %parallel_loop3A_1172 {strides = array<i32>} : memref<8x1024xf32, #tpu.memory_space<vmem>>, vector<1x16xf32>,
        %parallel_loop3A_1173 = arith.index_cast %parallel_loop3A_1144 : i32 to index
        %parallel_loop3A_1174 = arith.index_cast %parallel_loop3A_1148 : i32 to index
        %parallel_loop3A_1175 = tpu.vector_load %arg15[%parallel_loop3A_1173, %parallel_loop3A_1174] {strides = array<i32>} : memref<8x1024xf32, #tpu.memory_space<vmem>>, vector<1x16xf32>,
        %parallel_loop3A_1176 = vector.shape_cast %parallel_loop3A_1175 : vector<1x16xf32> to vector<16xf32>
        %parallel_loop3A_1177 = arith.addf %parallel_loop3A_1176, %parallel_loop3A_1152 : vector<16xf32>
        %parallel_loop3A_1178 = arith.index_cast %parallel_loop3A_1144 : i32 to index
        %parallel_loop3A_1179 = arith.index_cast %parallel_loop3A_1148 : i32 to index
        %parallel_loop3A_1180 = tpu.vector_load %arg15[%parallel_loop3A_1178, %parallel_loop3A_1179] {strides = array<i32>} : memref<8x1024xf32, #tpu.memory_space<vmem>>, vector<1x16xf32>,
        %parallel_loop3A_1181 = vector.shape_cast %parallel_loop3A_1180 : vector<1x16xf32> to vector<16xf32>
        %parallel_loop3A_1182 = vector.shape_cast %parallel_loop3A_1177 : vector<16xf32> to vector<1x16xf32>
        tpu.vector_store %arg15[%parallel_loop3A_1178, %parallel_loop3A_1179], %parallel_loop3A_1182 {strides = array<i32>} : memref<8x1024xf32, #tpu.memory_space<vmem>>, vector<1x16xf32>,
        %parallel_loop3A_1183 = arith.index_cast %parallel_loop3A_1144 : i32 to index
        %parallel_loop3A_1184 = arith.index_cast %parallel_loop3A_1148 : i32 to index
        %parallel_loop3A_1185 = tpu.vector_load %arg16[%parallel_loop3A_1183, %parallel_loop3A_1184] {strides = array<i32>} : memref<8x1024xf32, #tpu.memory_space<vmem>>, vector<1x16xf32>,
        %parallel_loop3A_1186 = vector.shape_cast %parallel_loop3A_1185 : vector<1x16xf32> to vector<16xf32>
        %parallel_loop3A_1187 = arith.addf %parallel_loop3A_1186, %parallel_loop3A_1152 : vector<16xf32>
        %parallel_loop3A_1188 = arith.index_cast %parallel_loop3A_1144 : i32 to index
        %parallel_loop3A_1189 = arith.index_cast %parallel_loop3A_1148 : i32 to index
        %parallel_loop3A_1190 = tpu.vector_load %arg16[%parallel_loop3A_1188, %parallel_loop3A_1189] {strides = array<i32>} : memref<8x1024xf32, #tpu.memory_space<vmem>>, vector<1x16xf32>,
        %parallel_loop3A_1191 = vector.shape_cast %parallel_loop3A_1190 : vector<1x16xf32> to vector<16xf32>
        %parallel_loop3A_1192 = vector.shape_cast %parallel_loop3A_1187 : vector<16xf32> to vector<1x16xf32>
        tpu.vector_store %arg16[%parallel_loop3A_1188, %parallel_loop3A_1189], %parallel_loop3A_1192 {strides = array<i32>} : memref<8x1024xf32, #tpu.memory_space<vmem>>, vector<1x16xf32>,
      } {sc.loop_unroll_factor = 4 : i64, sc.parallel_access}
    } {sc.loop_unroll_factor = 1 : i64, sc.parallel_access}
    %add3A_376 = arith.constant 0 : i32
    %add3A_377 = arith.addi %add3A_376, %mul3A_2 : i32
    %add3A_378 = arith.constant 8 : i32
    %add3A_379 = arith.addi %add3A_377, %add3A_378 : i32
    %dma_start3A_380 = arith.constant 0 : i32
    %dma_start3A_381 = tpu.memref_slice %arg5[%add3A_379, %dma_start3A_380] : memref<8192x1024xf32, #tpu.memory_space<hbm>> -> memref<8x1024xf32, #tpu.memory_space<hbm>>
    %dma_start3A_382 = arith.constant 0 : i32
    %dma_start3A_383 = tpu.memref_slice %arg5[%add3A_379, %dma_start3A_382] : memref<8192x1024xf32, #tpu.memory_space<hbm>> -> memref<8x1024xf32, #tpu.memory_space<hbm>>
    tpu.enqueue_dma source(%arg13 : memref<8x1024xf32, #tpu.memory_space<vmem>>) target(%dma_start3A_383 : memref<8x1024xf32, #tpu.memory_space<hbm>>) target_semaphore(%arg39 : memref<!tpu.dma_semaphore, #tpu.memory_space<semaphore_mem>>)
    %add3A_384 = arith.constant 2048 : i32
    %add3A_385 = arith.addi %add3A_384, %mul3A_2 : i32
    %add3A_386 = arith.constant 8 : i32
    %add3A_387 = arith.addi %add3A_385, %add3A_386 : i32
    %dma_start3A_388 = arith.constant 0 : i32
    %dma_start3A_389 = tpu.memref_slice %arg5[%add3A_387, %dma_start3A_388] : memref<8192x1024xf32, #tpu.memory_space<hbm>> -> memref<8x1024xf32, #tpu.memory_space<hbm>>
    %dma_start3A_390 = arith.constant 0 : i32
    %dma_start3A_391 = tpu.memref_slice %arg5[%add3A_387, %dma_start3A_390] : memref<8192x1024xf32, #tpu.memory_space<hbm>> -> memref<8x1024xf32, #tpu.memory_space<hbm>>
    tpu.enqueue_dma source(%arg14 : memref<8x1024xf32, #tpu.memory_space<vmem>>) target(%dma_start3A_391 : memref<8x1024xf32, #tpu.memory_space<hbm>>) target_semaphore(%arg40 : memref<!tpu.dma_semaphore, #tpu.memory_space<semaphore_mem>>)
    %add3A_392 = arith.constant 4096 : i32
    %add3A_393 = arith.addi %add3A_392, %mul3A_2 : i32
    %add3A_394 = arith.constant 8 : i32
    %add3A_395 = arith.addi %add3A_393, %add3A_394 : i32
    %dma_start3A_396 = arith.constant 0 : i32
    %dma_start3A_397 = tpu.memref_slice %arg5[%add3A_395, %dma_start3A_396] : memref<8192x1024xf32, #tpu.memory_space<hbm>> -> memref<8x1024xf32, #tpu.memory_space<hbm>>
    %dma_start3A_398 = arith.constant 0 : i32
    %dma_start3A_399 = tpu.memref_slice %arg5[%add3A_395, %dma_start3A_398] : memref<8192x1024xf32, #tpu.memory_space<hbm>> -> memref<8x1024xf32, #tpu.memory_space<hbm>>
    tpu.enqueue_dma source(%arg15 : memref<8x1024xf32, #tpu.memory_space<vmem>>) target(%dma_start3A_399 : memref<8x1024xf32, #tpu.memory_space<hbm>>) target_semaphore(%arg41 : memref<!tpu.dma_semaphore, #tpu.memory_space<semaphore_mem>>)
    %add3A_400 = arith.constant 6144 : i32
    %add3A_401 = arith.addi %add3A_400, %mul3A_2 : i32
    %add3A_402 = arith.constant 8 : i32
    %add3A_403 = arith.addi %add3A_401, %add3A_402 : i32
    %dma_start3A_404 = arith.constant 0 : i32
    %dma_start3A_405 = tpu.memref_slice %arg5[%add3A_403, %dma_start3A_404] : memref<8192x1024xf32, #tpu.memory_space<hbm>> -> memref<8x1024xf32, #tpu.memory_space<hbm>>
    %dma_start3A_406 = arith.constant 0 : i32
    %dma_start3A_407 = tpu.memref_slice %arg5[%add3A_403, %dma_start3A_406] : memref<8192x1024xf32, #tpu.memory_space<hbm>> -> memref<8x1024xf32, #tpu.memory_space<hbm>>
    tpu.enqueue_dma source(%arg16 : memref<8x1024xf32, #tpu.memory_space<vmem>>) target(%dma_start3A_407 : memref<8x1024xf32, #tpu.memory_space<hbm>>) target_semaphore(%arg42 : memref<!tpu.dma_semaphore, #tpu.memory_space<semaphore_mem>>)
    %dma_wait3A_408 = arith.constant 0 : i32
    %dma_wait3A_409 = tpu.memref_slice %arg4[%add3A_280, %dma_wait3A_408] : memref<2048x1024xf32, #tpu.memory_space<hbm>> -> memref<8x1024xf32, #tpu.memory_space<hbm>>
    %dma_wait3A_410 = arith.constant 0 : i32
    %dma_wait3A_411 = tpu.memref_slice %arg4[%add3A_280, %dma_wait3A_410] : memref<2048x1024xf32, #tpu.memory_space<hbm>> -> memref<8x1024xf32, #tpu.memory_space<hbm>>
    tpu.wait_dma2 semaphore(%arg21 : memref<!tpu.dma_semaphore, #tpu.memory_space<semaphore_mem>>) src(%dma_wait3A_411 : memref<8x1024xf32, #tpu.memory_space<hbm>>) dst(%arg7 : memref<8x1024xf32, #tpu.memory_space<vmem>>)
    %add3A_412 = arith.constant 24 : i32
    %add3A_413 = arith.addi %mul3A_2, %add3A_412 : i32
    %dma_start3A_414 = arith.constant 0 : i32
    %dma_start3A_415 = tpu.memref_slice %arg4[%add3A_413, %dma_start3A_414] : memref<2048x1024xf32, #tpu.memory_space<hbm>> -> memref<8x1024xf32, #tpu.memory_space<hbm>>
    %dma_start3A_416 = arith.constant 0 : i32
    %dma_start3A_417 = tpu.memref_slice %arg4[%add3A_413, %dma_start3A_416] : memref<2048x1024xf32, #tpu.memory_space<hbm>> -> memref<8x1024xf32, #tpu.memory_space<hbm>>
    tpu.enqueue_dma source(%dma_start3A_417 : memref<8x1024xf32, #tpu.memory_space<hbm>>) target(%arg8 : memref<8x1024xf32, #tpu.memory_space<vmem>>) target_semaphore(%arg22 : memref<!tpu.dma_semaphore, #tpu.memory_space<semaphore_mem>>)
    %dma_wait3A_418 = arith.constant 0 : i32
    %dma_wait3A_419 = arith.constant 0 : i32
    %dma_wait3A_420 = tpu.memref_slice %arg6[%dma_wait3A_418, %dma_wait3A_419] : memref<4x64xi32, #tpu.memory_space<vmem>> -> memref<1x64xi32, #tpu.memory_space<vmem>>
    %dma_wait3A_421 = tpu.memref_squeeze %dma_wait3A_420 : memref<1x64xi32, #tpu.memory_space<vmem>> -> memref<64xi32, #tpu.memory_space<vmem>>
    %dma_wait3A_422 = arith.constant 16 : i32
    %dma_wait3A_423 = tpu.memref_slice %dma_wait3A_421[%dma_wait3A_422] : memref<64xi32, #tpu.memory_space<vmem>> -> memref<8xi32, #tpu.memory_space<vmem>>
    %dma_wait3A_424 = arith.constant 0 : i32
    %dma_wait3A_425 = arith.constant 0 : i32
    %dma_wait3A_426 = tpu.memref_slice %arg3[%dma_wait3A_424, %dma_wait3A_425] : memref<100000x1024xf32, #tpu.memory_space<hbm>> -> memref<100000x1024xf32, #tpu.memory_space<hbm>>
    tpu.wait_indirect_dma semaphore(%arg31 : memref<!tpu.dma_semaphore, #tpu.memory_space<semaphore_mem>>) src(%dma_wait3A_426 : memref<100000x1024xf32, #tpu.memory_space<hbm>>) dst(%arg17 : memref<8x1024xf32, #tpu.memory_space<vmem>>)
    %dma_wait3A_427 = arith.constant 1 : i32
    %dma_wait3A_428 = arith.constant 0 : i32
    %dma_wait3A_429 = tpu.memref_slice %arg6[%dma_wait3A_427, %dma_wait3A_428] : memref<4x64xi32, #tpu.memory_space<vmem>> -> memref<1x64xi32, #tpu.memory_space<vmem>>
    %dma_wait3A_430 = tpu.memref_squeeze %dma_wait3A_429 : memref<1x64xi32, #tpu.memory_space<vmem>> -> memref<64xi32, #tpu.memory_space<vmem>>
    %dma_wait3A_431 = arith.constant 16 : i32
    %dma_wait3A_432 = tpu.memref_slice %dma_wait3A_430[%dma_wait3A_431] : memref<64xi32, #tpu.memory_space<vmem>> -> memref<8xi32, #tpu.memory_space<vmem>>
    %dma_wait3A_433 = arith.constant 0 : i32
    %dma_wait3A_434 = arith.constant 0 : i32
    %dma_wait3A_435 = tpu.memref_slice %arg3[%dma_wait3A_433, %dma_wait3A_434] : memref<100000x1024xf32, #tpu.memory_space<hbm>> -> memref<100000x1024xf32, #tpu.memory_space<hbm>>
    tpu.wait_indirect_dma semaphore(%arg32 : memref<!tpu.dma_semaphore, #tpu.memory_space<semaphore_mem>>) src(%dma_wait3A_435 : memref<100000x1024xf32, #tpu.memory_space<hbm>>) dst(%arg18 : memref<8x1024xf32, #tpu.memory_space<vmem>>)
    %dma_wait3A_436 = arith.constant 2 : i32
    %dma_wait3A_437 = arith.constant 0 : i32
    %dma_wait3A_438 = tpu.memref_slice %arg6[%dma_wait3A_436, %dma_wait3A_437] : memref<4x64xi32, #tpu.memory_space<vmem>> -> memref<1x64xi32, #tpu.memory_space<vmem>>
    %dma_wait3A_439 = tpu.memref_squeeze %dma_wait3A_438 : memref<1x64xi32, #tpu.memory_space<vmem>> -> memref<64xi32, #tpu.memory_space<vmem>>
    %dma_wait3A_440 = arith.constant 16 : i32
    %dma_wait3A_441 = tpu.memref_slice %dma_wait3A_439[%dma_wait3A_440] : memref<64xi32, #tpu.memory_space<vmem>> -> memref<8xi32, #tpu.memory_space<vmem>>
    %dma_wait3A_442 = arith.constant 0 : i32
    %dma_wait3A_443 = arith.constant 0 : i32
    %dma_wait3A_444 = tpu.memref_slice %arg3[%dma_wait3A_442, %dma_wait3A_443] : memref<100000x1024xf32, #tpu.memory_space<hbm>> -> memref<100000x1024xf32, #tpu.memory_space<hbm>>
    tpu.wait_indirect_dma semaphore(%arg33 : memref<!tpu.dma_semaphore, #tpu.memory_space<semaphore_mem>>) src(%dma_wait3A_444 : memref<100000x1024xf32, #tpu.memory_space<hbm>>) dst(%arg19 : memref<8x1024xf32, #tpu.memory_space<vmem>>)
    %dma_wait3A_445 = arith.constant 3 : i32
    %dma_wait3A_446 = arith.constant 0 : i32
    %dma_wait3A_447 = tpu.memref_slice %arg6[%dma_wait3A_445, %dma_wait3A_446] : memref<4x64xi32, #tpu.memory_space<vmem>> -> memref<1x64xi32, #tpu.memory_space<vmem>>
    %dma_wait3A_448 = tpu.memref_squeeze %dma_wait3A_447 : memref<1x64xi32, #tpu.memory_space<vmem>> -> memref<64xi32, #tpu.memory_space<vmem>>
    %dma_wait3A_449 = arith.constant 16 : i32
    %dma_wait3A_450 = tpu.memref_slice %dma_wait3A_448[%dma_wait3A_449] : memref<64xi32, #tpu.memory_space<vmem>> -> memref<8xi32, #tpu.memory_space<vmem>>
    %dma_wait3A_451 = arith.constant 0 : i32
    %dma_wait3A_452 = arith.constant 0 : i32
    %dma_wait3A_453 = tpu.memref_slice %arg3[%dma_wait3A_451, %dma_wait3A_452] : memref<100000x1024xf32, #tpu.memory_space<hbm>> -> memref<100000x1024xf32, #tpu.memory_space<hbm>>
    tpu.wait_indirect_dma semaphore(%arg34 : memref<!tpu.dma_semaphore, #tpu.memory_space<semaphore_mem>>) src(%dma_wait3A_453 : memref<100000x1024xf32, #tpu.memory_space<hbm>>) dst(%arg20 : memref<8x1024xf32, #tpu.memory_space<vmem>>)
    %dma_wait3A_454 = arith.constant 0 : i32
    %dma_wait3A_455 = tpu.memref_slice %arg5[%add3A_379, %dma_wait3A_454] : memref<8192x1024xf32, #tpu.memory_space<hbm>> -> memref<8x1024xf32, #tpu.memory_space<hbm>>
    %dma_wait3A_456 = arith.constant 0 : i32
    %dma_wait3A_457 = tpu.memref_slice %arg5[%add3A_379, %dma_wait3A_456] : memref<8192x1024xf32, #tpu.memory_space<hbm>> -> memref<8x1024xf32, #tpu.memory_space<hbm>>
    tpu.wait_dma2 semaphore(%arg39 : memref<!tpu.dma_semaphore, #tpu.memory_space<semaphore_mem>>) src(%arg13 : memref<8x1024xf32, #tpu.memory_space<vmem>>) dst(%dma_wait3A_457 : memref<8x1024xf32, #tpu.memory_space<hbm>>)
    %dma_start3A_458 = arith.constant 0 : i32
    %dma_start3A_459 = arith.constant 0 : i32
    %dma_start3A_460 = tpu.memref_slice %arg6[%dma_start3A_458, %dma_start3A_459] : memref<4x64xi32, #tpu.memory_space<vmem>> -> memref<1x64xi32, #tpu.memory_space<vmem>>
    %dma_start3A_461 = tpu.memref_squeeze %dma_start3A_460 : memref<1x64xi32, #tpu.memory_space<vmem>> -> memref<64xi32, #tpu.memory_space<vmem>>
    %dma_start3A_462 = arith.constant 32 : i32
    %dma_start3A_463 = tpu.memref_slice %dma_start3A_461[%dma_start3A_462] : memref<64xi32, #tpu.memory_space<vmem>> -> memref<8xi32, #tpu.memory_space<vmem>>
    %dma_start3A_464 = arith.constant 0 : i32
    %dma_start3A_465 = arith.constant 0 : i32
    %dma_start3A_466 = tpu.memref_slice %arg3[%dma_start3A_464, %dma_start3A_465] : memref<100000x1024xf32, #tpu.memory_space<hbm>> -> memref<100000x1024xf32, #tpu.memory_space<hbm>>
    tpu.enqueue_indirect_dma source(%dma_start3A_466 : memref<100000x1024xf32, #tpu.memory_space<hbm>>) target(%arg13 : memref<8x1024xf32, #tpu.memory_space<vmem>>) offsets(%dma_start3A_463 : memref<8xi32, #tpu.memory_space<vmem>>) semaphore(%arg27 : memref<!tpu.dma_semaphore, #tpu.memory_space<semaphore_mem>>)
    %dma_wait3A_467 = arith.constant 0 : i32
    %dma_wait3A_468 = tpu.memref_slice %arg5[%add3A_387, %dma_wait3A_467] : memref<8192x1024xf32, #tpu.memory_space<hbm>> -> memref<8x1024xf32, #tpu.memory_space<hbm>>
    %dma_wait3A_469 = arith.constant 0 : i32
    %dma_wait3A_470 = tpu.memref_slice %arg5[%add3A_387, %dma_wait3A_469] : memref<8192x1024xf32, #tpu.memory_space<hbm>> -> memref<8x1024xf32, #tpu.memory_space<hbm>>
    tpu.wait_dma2 semaphore(%arg40 : memref<!tpu.dma_semaphore, #tpu.memory_space<semaphore_mem>>) src(%arg14 : memref<8x1024xf32, #tpu.memory_space<vmem>>) dst(%dma_wait3A_470 : memref<8x1024xf32, #tpu.memory_space<hbm>>)
    %dma_start3A_471 = arith.constant 1 : i32
    %dma_start3A_472 = arith.constant 0 : i32
    %dma_start3A_473 = tpu.memref_slice %arg6[%dma_start3A_471, %dma_start3A_472] : memref<4x64xi32, #tpu.memory_space<vmem>> -> memref<1x64xi32, #tpu.memory_space<vmem>>
    %dma_start3A_474 = tpu.memref_squeeze %dma_start3A_473 : memref<1x64xi32, #tpu.memory_space<vmem>> -> memref<64xi32, #tpu.memory_space<vmem>>
    %dma_start3A_475 = arith.constant 32 : i32
    %dma_start3A_476 = tpu.memref_slice %dma_start3A_474[%dma_start3A_475] : memref<64xi32, #tpu.memory_space<vmem>> -> memref<8xi32, #tpu.memory_space<vmem>>
    %dma_start3A_477 = arith.constant 0 : i32
    %dma_start3A_478 = arith.constant 0 : i32
    %dma_start3A_479 = tpu.memref_slice %arg3[%dma_start3A_477, %dma_start3A_478] : memref<100000x1024xf32, #tpu.memory_space<hbm>> -> memref<100000x1024xf32, #tpu.memory_space<hbm>>
    tpu.enqueue_indirect_dma source(%dma_start3A_479 : memref<100000x1024xf32, #tpu.memory_space<hbm>>) target(%arg14 : memref<8x1024xf32, #tpu.memory_space<vmem>>) offsets(%dma_start3A_476 : memref<8xi32, #tpu.memory_space<vmem>>) semaphore(%arg28 : memref<!tpu.dma_semaphore, #tpu.memory_space<semaphore_mem>>)
    %dma_wait3A_480 = arith.constant 0 : i32
    %dma_wait3A_481 = tpu.memref_slice %arg5[%add3A_395, %dma_wait3A_480] : memref<8192x1024xf32, #tpu.memory_space<hbm>> -> memref<8x1024xf32, #tpu.memory_space<hbm>>
    %dma_wait3A_482 = arith.constant 0 : i32
    %dma_wait3A_483 = tpu.memref_slice %arg5[%add3A_395, %dma_wait3A_482] : memref<8192x1024xf32, #tpu.memory_space<hbm>> -> memref<8x1024xf32, #tpu.memory_space<hbm>>
    tpu.wait_dma2 semaphore(%arg41 : memref<!tpu.dma_semaphore, #tpu.memory_space<semaphore_mem>>) src(%arg15 : memref<8x1024xf32, #tpu.memory_space<vmem>>) dst(%dma_wait3A_483 : memref<8x1024xf32, #tpu.memory_space<hbm>>)
    %dma_start3A_484 = arith.constant 2 : i32
    %dma_start3A_485 = arith.constant 0 : i32
    %dma_start3A_486 = tpu.memref_slice %arg6[%dma_start3A_484, %dma_start3A_485] : memref<4x64xi32, #tpu.memory_space<vmem>> -> memref<1x64xi32, #tpu.memory_space<vmem>>
    %dma_start3A_487 = tpu.memref_squeeze %dma_start3A_486 : memref<1x64xi32, #tpu.memory_space<vmem>> -> memref<64xi32, #tpu.memory_space<vmem>>
    %dma_start3A_488 = arith.constant 32 : i32
    %dma_start3A_489 = tpu.memref_slice %dma_start3A_487[%dma_start3A_488] : memref<64xi32, #tpu.memory_space<vmem>> -> memref<8xi32, #tpu.memory_space<vmem>>
    %dma_start3A_490 = arith.constant 0 : i32
    %dma_start3A_491 = arith.constant 0 : i32
    %dma_start3A_492 = tpu.memref_slice %arg3[%dma_start3A_490, %dma_start3A_491] : memref<100000x1024xf32, #tpu.memory_space<hbm>> -> memref<100000x1024xf32, #tpu.memory_space<hbm>>
    tpu.enqueue_indirect_dma source(%dma_start3A_492 : memref<100000x1024xf32, #tpu.memory_space<hbm>>) target(%arg15 : memref<8x1024xf32, #tpu.memory_space<vmem>>) offsets(%dma_start3A_489 : memref<8xi32, #tpu.memory_space<vmem>>) semaphore(%arg29 : memref<!tpu.dma_semaphore, #tpu.memory_space<semaphore_mem>>)
    %dma_wait3A_493 = arith.constant 0 : i32
    %dma_wait3A_494 = tpu.memref_slice %arg5[%add3A_403, %dma_wait3A_493] : memref<8192x1024xf32, #tpu.memory_space<hbm>> -> memref<8x1024xf32, #tpu.memory_space<hbm>>
    %dma_wait3A_495 = arith.constant 0 : i32
    %dma_wait3A_496 = tpu.memref_slice %arg5[%add3A_403, %dma_wait3A_495] : memref<8192x1024xf32, #tpu.memory_space<hbm>> -> memref<8x1024xf32, #tpu.memory_space<hbm>>
    tpu.wait_dma2 semaphore(%arg42 : memref<!tpu.dma_semaphore, #tpu.memory_space<semaphore_mem>>) src(%arg16 : memref<8x1024xf32, #tpu.memory_space<vmem>>) dst(%dma_wait3A_496 : memref<8x1024xf32, #tpu.memory_space<hbm>>)
    %dma_start3A_497 = arith.constant 3 : i32
    %dma_start3A_498 = arith.constant 0 : i32
    %dma_start3A_499 = tpu.memref_slice %arg6[%dma_start3A_497, %dma_start3A_498] : memref<4x64xi32, #tpu.memory_space<vmem>> -> memref<1x64xi32, #tpu.memory_space<vmem>>
    %dma_start3A_500 = tpu.memref_squeeze %dma_start3A_499 : memref<1x64xi32, #tpu.memory_space<vmem>> -> memref<64xi32, #tpu.memory_space<vmem>>
    %dma_start3A_501 = arith.constant 32 : i32
    %dma_start3A_502 = tpu.memref_slice %dma_start3A_500[%dma_start3A_501] : memref<64xi32, #tpu.memory_space<vmem>> -> memref<8xi32, #tpu.memory_space<vmem>>
    %dma_start3A_503 = arith.constant 0 : i32
    %dma_start3A_504 = arith.constant 0 : i32
    %dma_start3A_505 = tpu.memref_slice %arg3[%dma_start3A_503, %dma_start3A_504] : memref<100000x1024xf32, #tpu.memory_space<hbm>> -> memref<100000x1024xf32, #tpu.memory_space<hbm>>
    tpu.enqueue_indirect_dma source(%dma_start3A_505 : memref<100000x1024xf32, #tpu.memory_space<hbm>>) target(%arg16 : memref<8x1024xf32, #tpu.memory_space<vmem>>) offsets(%dma_start3A_502 : memref<8xi32, #tpu.memory_space<vmem>>) semaphore(%arg30 : memref<!tpu.dma_semaphore, #tpu.memory_space<semaphore_mem>>)
    %parallel_loop3A_506 = arith.constant 0 : i32
    %parallel_loop3A_507 = arith.constant 8 : i32
    %parallel_loop3A_508 = arith.constant 1 : i32
    scf.for %parallel_loop3A_1144 = %parallel_loop3A_506 to %parallel_loop3A_507 step %parallel_loop3A_508  : i32 {
      %parallel_loop3A_1145 = arith.constant 0 : i32
      %parallel_loop3A_1146 = arith.constant 1024 : i32
      %parallel_loop3A_1147 = arith.constant 16 : i32
      scf.for %parallel_loop3A_1148 = %parallel_loop3A_1145 to %parallel_loop3A_1146 step %parallel_loop3A_1147  : i32 {
        %parallel_loop3A_1149 = arith.index_cast %parallel_loop3A_1144 : i32 to index
        %parallel_loop3A_1150 = arith.index_cast %parallel_loop3A_1148 : i32 to index
        %parallel_loop3A_1151 = tpu.vector_load %arg7[%parallel_loop3A_1149, %parallel_loop3A_1150] {strides = array<i32>} : memref<8x1024xf32, #tpu.memory_space<vmem>>, vector<1x16xf32>,
        %parallel_loop3A_1152 = vector.shape_cast %parallel_loop3A_1151 : vector<1x16xf32> to vector<16xf32>
        %parallel_loop3A_1153 = arith.index_cast %parallel_loop3A_1144 : i32 to index
        %parallel_loop3A_1154 = arith.index_cast %parallel_loop3A_1148 : i32 to index
        %parallel_loop3A_1155 = tpu.vector_load %arg17[%parallel_loop3A_1153, %parallel_loop3A_1154] {strides = array<i32>} : memref<8x1024xf32, #tpu.memory_space<vmem>>, vector<1x16xf32>,
        %parallel_loop3A_1156 = vector.shape_cast %parallel_loop3A_1155 : vector<1x16xf32> to vector<16xf32>
        %parallel_loop3A_1157 = arith.addf %parallel_loop3A_1156, %parallel_loop3A_1152 : vector<16xf32>
        %parallel_loop3A_1158 = arith.index_cast %parallel_loop3A_1144 : i32 to index
        %parallel_loop3A_1159 = arith.index_cast %parallel_loop3A_1148 : i32 to index
        %parallel_loop3A_1160 = tpu.vector_load %arg17[%parallel_loop3A_1158, %parallel_loop3A_1159] {strides = array<i32>} : memref<8x1024xf32, #tpu.memory_space<vmem>>, vector<1x16xf32>,
        %parallel_loop3A_1161 = vector.shape_cast %parallel_loop3A_1160 : vector<1x16xf32> to vector<16xf32>
        %parallel_loop3A_1162 = vector.shape_cast %parallel_loop3A_1157 : vector<16xf32> to vector<1x16xf32>
        tpu.vector_store %arg17[%parallel_loop3A_1158, %parallel_loop3A_1159], %parallel_loop3A_1162 {strides = array<i32>} : memref<8x1024xf32, #tpu.memory_space<vmem>>, vector<1x16xf32>,
        %parallel_loop3A_1163 = arith.index_cast %parallel_loop3A_1144 : i32 to index
        %parallel_loop3A_1164 = arith.index_cast %parallel_loop3A_1148 : i32 to index
        %parallel_loop3A_1165 = tpu.vector_load %arg18[%parallel_loop3A_1163, %parallel_loop3A_1164] {strides = array<i32>} : memref<8x1024xf32, #tpu.memory_space<vmem>>, vector<1x16xf32>,
        %parallel_loop3A_1166 = vector.shape_cast %parallel_loop3A_1165 : vector<1x16xf32> to vector<16xf32>
        %parallel_loop3A_1167 = arith.addf %parallel_loop3A_1166, %parallel_loop3A_1152 : vector<16xf32>
        %parallel_loop3A_1168 = arith.index_cast %parallel_loop3A_1144 : i32 to index
        %parallel_loop3A_1169 = arith.index_cast %parallel_loop3A_1148 : i32 to index
        %parallel_loop3A_1170 = tpu.vector_load %arg18[%parallel_loop3A_1168, %parallel_loop3A_1169] {strides = array<i32>} : memref<8x1024xf32, #tpu.memory_space<vmem>>, vector<1x16xf32>,
        %parallel_loop3A_1171 = vector.shape_cast %parallel_loop3A_1170 : vector<1x16xf32> to vector<16xf32>
        %parallel_loop3A_1172 = vector.shape_cast %parallel_loop3A_1167 : vector<16xf32> to vector<1x16xf32>
        tpu.vector_store %arg18[%parallel_loop3A_1168, %parallel_loop3A_1169], %parallel_loop3A_1172 {strides = array<i32>} : memref<8x1024xf32, #tpu.memory_space<vmem>>, vector<1x16xf32>,
        %parallel_loop3A_1173 = arith.index_cast %parallel_loop3A_1144 : i32 to index
        %parallel_loop3A_1174 = arith.index_cast %parallel_loop3A_1148 : i32 to index
        %parallel_loop3A_1175 = tpu.vector_load %arg19[%parallel_loop3A_1173, %parallel_loop3A_1174] {strides = array<i32>} : memref<8x1024xf32, #tpu.memory_space<vmem>>, vector<1x16xf32>,
        %parallel_loop3A_1176 = vector.shape_cast %parallel_loop3A_1175 : vector<1x16xf32> to vector<16xf32>
        %parallel_loop3A_1177 = arith.addf %parallel_loop3A_1176, %parallel_loop3A_1152 : vector<16xf32>
        %parallel_loop3A_1178 = arith.index_cast %parallel_loop3A_1144 : i32 to index
        %parallel_loop3A_1179 = arith.index_cast %parallel_loop3A_1148 : i32 to index
        %parallel_loop3A_1180 = tpu.vector_load %arg19[%parallel_loop3A_1178, %parallel_loop3A_1179] {strides = array<i32>} : memref<8x1024xf32, #tpu.memory_space<vmem>>, vector<1x16xf32>,
        %parallel_loop3A_1181 = vector.shape_cast %parallel_loop3A_1180 : vector<1x16xf32> to vector<16xf32>
        %parallel_loop3A_1182 = vector.shape_cast %parallel_loop3A_1177 : vector<16xf32> to vector<1x16xf32>
        tpu.vector_store %arg19[%parallel_loop3A_1178, %parallel_loop3A_1179], %parallel_loop3A_1182 {strides = array<i32>} : memref<8x1024xf32, #tpu.memory_space<vmem>>, vector<1x16xf32>,
        %parallel_loop3A_1183 = arith.index_cast %parallel_loop3A_1144 : i32 to index
        %parallel_loop3A_1184 = arith.index_cast %parallel_loop3A_1148 : i32 to index
        %parallel_loop3A_1185 = tpu.vector_load %arg20[%parallel_loop3A_1183, %parallel_loop3A_1184] {strides = array<i32>} : memref<8x1024xf32, #tpu.memory_space<vmem>>, vector<1x16xf32>,
        %parallel_loop3A_1186 = vector.shape_cast %parallel_loop3A_1185 : vector<1x16xf32> to vector<16xf32>
        %parallel_loop3A_1187 = arith.addf %parallel_loop3A_1186, %parallel_loop3A_1152 : vector<16xf32>
        %parallel_loop3A_1188 = arith.index_cast %parallel_loop3A_1144 : i32 to index
        %parallel_loop3A_1189 = arith.index_cast %parallel_loop3A_1148 : i32 to index
        %parallel_loop3A_1190 = tpu.vector_load %arg20[%parallel_loop3A_1188, %parallel_loop3A_1189] {strides = array<i32>} : memref<8x1024xf32, #tpu.memory_space<vmem>>, vector<1x16xf32>,
        %parallel_loop3A_1191 = vector.shape_cast %parallel_loop3A_1190 : vector<1x16xf32> to vector<16xf32>
        %parallel_loop3A_1192 = vector.shape_cast %parallel_loop3A_1187 : vector<16xf32> to vector<1x16xf32>
        tpu.vector_store %arg20[%parallel_loop3A_1188, %parallel_loop3A_1189], %parallel_loop3A_1192 {strides = array<i32>} : memref<8x1024xf32, #tpu.memory_space<vmem>>, vector<1x16xf32>,
      } {sc.loop_unroll_factor = 4 : i64, sc.parallel_access}
    } {sc.loop_unroll_factor = 1 : i64, sc.parallel_access}
    %add3A_509 = arith.constant 0 : i32
    %add3A_510 = arith.addi %add3A_509, %mul3A_2 : i32
    %add3A_511 = arith.constant 16 : i32
    %add3A_512 = arith.addi %add3A_510, %add3A_511 : i32
    %dma_start3A_513 = arith.constant 0 : i32
    %dma_start3A_514 = tpu.memref_slice %arg5[%add3A_512, %dma_start3A_513] : memref<8192x1024xf32, #tpu.memory_space<hbm>> -> memref<8x1024xf32, #tpu.memory_space<hbm>>
    %dma_start3A_515 = arith.constant 0 : i32
    %dma_start3A_516 = tpu.memref_slice %arg5[%add3A_512, %dma_start3A_515] : memref<8192x1024xf32, #tpu.memory_space<hbm>> -> memref<8x1024xf32, #tpu.memory_space<hbm>>
    tpu.enqueue_dma source(%arg17 : memref<8x1024xf32, #tpu.memory_space<vmem>>) target(%dma_start3A_516 : memref<8x1024xf32, #tpu.memory_space<hbm>>) target_semaphore(%arg43 : memref<!tpu.dma_semaphore, #tpu.memory_space<semaphore_mem>>)
    %add3A_517 = arith.constant 2048 : i32
    %add3A_518 = arith.addi %add3A_517, %mul3A_2 : i32
    %add3A_519 = arith.constant 16 : i32
    %add3A_520 = arith.addi %add3A_518, %add3A_519 : i32
    %dma_start3A_521 = arith.constant 0 : i32
    %dma_start3A_522 = tpu.memref_slice %arg5[%add3A_520, %dma_start3A_521] : memref<8192x1024xf32, #tpu.memory_space<hbm>> -> memref<8x1024xf32, #tpu.memory_space<hbm>>
    %dma_start3A_523 = arith.constant 0 : i32
    %dma_start3A_524 = tpu.memref_slice %arg5[%add3A_520, %dma_start3A_523] : memref<8192x1024xf32, #tpu.memory_space<hbm>> -> memref<8x1024xf32, #tpu.memory_space<hbm>>
    tpu.enqueue_dma source(%arg18 : memref<8x1024xf32, #tpu.memory_space<vmem>>) target(%dma_start3A_524 : memref<8x1024xf32, #tpu.memory_space<hbm>>) target_semaphore(%arg44 : memref<!tpu.dma_semaphore, #tpu.memory_space<semaphore_mem>>)
    %add3A_525 = arith.constant 4096 : i32
    %add3A_526 = arith.addi %add3A_525, %mul3A_2 : i32
    %add3A_527 = arith.constant 16 : i32
    %add3A_528 = arith.addi %add3A_526, %add3A_527 : i32
    %dma_start3A_529 = arith.constant 0 : i32
    %dma_start3A_530 = tpu.memref_slice %arg5[%add3A_528, %dma_start3A_529] : memref<8192x1024xf32, #tpu.memory_space<hbm>> -> memref<8x1024xf32, #tpu.memory_space<hbm>>
    %dma_start3A_531 = arith.constant 0 : i32
    %dma_start3A_532 = tpu.memref_slice %arg5[%add3A_528, %dma_start3A_531] : memref<8192x1024xf32, #tpu.memory_space<hbm>> -> memref<8x1024xf32, #tpu.memory_space<hbm>>
    tpu.enqueue_dma source(%arg19 : memref<8x1024xf32, #tpu.memory_space<vmem>>) target(%dma_start3A_532 : memref<8x1024xf32, #tpu.memory_space<hbm>>) target_semaphore(%arg45 : memref<!tpu.dma_semaphore, #tpu.memory_space<semaphore_mem>>)
    %add3A_533 = arith.constant 6144 : i32
    %add3A_534 = arith.addi %add3A_533, %mul3A_2 : i32
    %add3A_535 = arith.constant 16 : i32
    %add3A_536 = arith.addi %add3A_534, %add3A_535 : i32
    %dma_start3A_537 = arith.constant 0 : i32
    %dma_start3A_538 = tpu.memref_slice %arg5[%add3A_536, %dma_start3A_537] : memref<8192x1024xf32, #tpu.memory_space<hbm>> -> memref<8x1024xf32, #tpu.memory_space<hbm>>
    %dma_start3A_539 = arith.constant 0 : i32
    %dma_start3A_540 = tpu.memref_slice %arg5[%add3A_536, %dma_start3A_539] : memref<8192x1024xf32, #tpu.memory_space<hbm>> -> memref<8x1024xf32, #tpu.memory_space<hbm>>
    tpu.enqueue_dma source(%arg20 : memref<8x1024xf32, #tpu.memory_space<vmem>>) target(%dma_start3A_540 : memref<8x1024xf32, #tpu.memory_space<hbm>>) target_semaphore(%arg46 : memref<!tpu.dma_semaphore, #tpu.memory_space<semaphore_mem>>)
    %dma_wait3A_541 = arith.constant 0 : i32
    %dma_wait3A_542 = tpu.memref_slice %arg4[%add3A_413, %dma_wait3A_541] : memref<2048x1024xf32, #tpu.memory_space<hbm>> -> memref<8x1024xf32, #tpu.memory_space<hbm>>
    %dma_wait3A_543 = arith.constant 0 : i32
    %dma_wait3A_544 = tpu.memref_slice %arg4[%add3A_413, %dma_wait3A_543] : memref<2048x1024xf32, #tpu.memory_space<hbm>> -> memref<8x1024xf32, #tpu.memory_space<hbm>>
    tpu.wait_dma2 semaphore(%arg22 : memref<!tpu.dma_semaphore, #tpu.memory_space<semaphore_mem>>) src(%dma_wait3A_544 : memref<8x1024xf32, #tpu.memory_space<hbm>>) dst(%arg8 : memref<8x1024xf32, #tpu.memory_space<vmem>>)
    %add3A_545 = arith.constant 32 : i32
    %add3A_546 = arith.addi %mul3A_2, %add3A_545 : i32
    %dma_start3A_547 = arith.constant 0 : i32
    %dma_start3A_548 = tpu.memref_slice %arg4[%add3A_546, %dma_start3A_547] : memref<2048x1024xf32, #tpu.memory_space<hbm>> -> memref<8x1024xf32, #tpu.memory_space<hbm>>
    %dma_start3A_549 = arith.constant 0 : i32
    %dma_start3A_550 = tpu.memref_slice %arg4[%add3A_546, %dma_start3A_549] : memref<2048x1024xf32, #tpu.memory_space<hbm>> -> memref<8x1024xf32, #tpu.memory_space<hbm>>
    tpu.enqueue_dma source(%dma_start3A_550 : memref<8x1024xf32, #tpu.memory_space<hbm>>) target(%arg7 : memref<8x1024xf32, #tpu.memory_space<vmem>>) target_semaphore(%arg21 : memref<!tpu.dma_semaphore, #tpu.memory_space<semaphore_mem>>)
    %dma_wait3A_551 = arith.constant 0 : i32
    %dma_wait3A_552 = arith.constant 0 : i32
    %dma_wait3A_553 = tpu.memref_slice %arg6[%dma_wait3A_551, %dma_wait3A_552] : memref<4x64xi32, #tpu.memory_space<vmem>> -> memref<1x64xi32, #tpu.memory_space<vmem>>
    %dma_wait3A_554 = tpu.memref_squeeze %dma_wait3A_553 : memref<1x64xi32, #tpu.memory_space<vmem>> -> memref<64xi32, #tpu.memory_space<vmem>>
    %dma_wait3A_555 = arith.constant 24 : i32
    %dma_wait3A_556 = tpu.memref_slice %dma_wait3A_554[%dma_wait3A_555] : memref<64xi32, #tpu.memory_space<vmem>> -> memref<8xi32, #tpu.memory_space<vmem>>
    %dma_wait3A_557 = arith.constant 0 : i32
    %dma_wait3A_558 = arith.constant 0 : i32
    %dma_wait3A_559 = tpu.memref_slice %arg3[%dma_wait3A_557, %dma_wait3A_558] : memref<100000x1024xf32, #tpu.memory_space<hbm>> -> memref<100000x1024xf32, #tpu.memory_space<hbm>>
    tpu.wait_indirect_dma semaphore(%arg23 : memref<!tpu.dma_semaphore, #tpu.memory_space<semaphore_mem>>) src(%dma_wait3A_559 : memref<100000x1024xf32, #tpu.memory_space<hbm>>) dst(%arg9 : memref<8x1024xf32, #tpu.memory_space<vmem>>)
    %dma_wait3A_560 = arith.constant 1 : i32
    %dma_wait3A_561 = arith.constant 0 : i32
    %dma_wait3A_562 = tpu.memref_slice %arg6[%dma_wait3A_560, %dma_wait3A_561] : memref<4x64xi32, #tpu.memory_space<vmem>> -> memref<1x64xi32, #tpu.memory_space<vmem>>
    %dma_wait3A_563 = tpu.memref_squeeze %dma_wait3A_562 : memref<1x64xi32, #tpu.memory_space<vmem>> -> memref<64xi32, #tpu.memory_space<vmem>>
    %dma_wait3A_564 = arith.constant 24 : i32
    %dma_wait3A_565 = tpu.memref_slice %dma_wait3A_563[%dma_wait3A_564] : memref<64xi32, #tpu.memory_space<vmem>> -> memref<8xi32, #tpu.memory_space<vmem>>
    %dma_wait3A_566 = arith.constant 0 : i32
    %dma_wait3A_567 = arith.constant 0 : i32
    %dma_wait3A_568 = tpu.memref_slice %arg3[%dma_wait3A_566, %dma_wait3A_567] : memref<100000x1024xf32, #tpu.memory_space<hbm>> -> memref<100000x1024xf32, #tpu.memory_space<hbm>>
    tpu.wait_indirect_dma semaphore(%arg24 : memref<!tpu.dma_semaphore, #tpu.memory_space<semaphore_mem>>) src(%dma_wait3A_568 : memref<100000x1024xf32, #tpu.memory_space<hbm>>) dst(%arg10 : memref<8x1024xf32, #tpu.memory_space<vmem>>)
    %dma_wait3A_569 = arith.constant 2 : i32
    %dma_wait3A_570 = arith.constant 0 : i32
    %dma_wait3A_571 = tpu.memref_slice %arg6[%dma_wait3A_569, %dma_wait3A_570] : memref<4x64xi32, #tpu.memory_space<vmem>> -> memref<1x64xi32, #tpu.memory_space<vmem>>
    %dma_wait3A_572 = tpu.memref_squeeze %dma_wait3A_571 : memref<1x64xi32, #tpu.memory_space<vmem>> -> memref<64xi32, #tpu.memory_space<vmem>>
    %dma_wait3A_573 = arith.constant 24 : i32
    %dma_wait3A_574 = tpu.memref_slice %dma_wait3A_572[%dma_wait3A_573] : memref<64xi32, #tpu.memory_space<vmem>> -> memref<8xi32, #tpu.memory_space<vmem>>
    %dma_wait3A_575 = arith.constant 0 : i32
    %dma_wait3A_576 = arith.constant 0 : i32
    %dma_wait3A_577 = tpu.memref_slice %arg3[%dma_wait3A_575, %dma_wait3A_576] : memref<100000x1024xf32, #tpu.memory_space<hbm>> -> memref<100000x1024xf32, #tpu.memory_space<hbm>>
    tpu.wait_indirect_dma semaphore(%arg25 : memref<!tpu.dma_semaphore, #tpu.memory_space<semaphore_mem>>) src(%dma_wait3A_577 : memref<100000x1024xf32, #tpu.memory_space<hbm>>) dst(%arg11 : memref<8x1024xf32, #tpu.memory_space<vmem>>)
    %dma_wait3A_578 = arith.constant 3 : i32
    %dma_wait3A_579 = arith.constant 0 : i32
    %dma_wait3A_580 = tpu.memref_slice %arg6[%dma_wait3A_578, %dma_wait3A_579] : memref<4x64xi32, #tpu.memory_space<vmem>> -> memref<1x64xi32, #tpu.memory_space<vmem>>
    %dma_wait3A_581 = tpu.memref_squeeze %dma_wait3A_580 : memref<1x64xi32, #tpu.memory_space<vmem>> -> memref<64xi32, #tpu.memory_space<vmem>>
    %dma_wait3A_582 = arith.constant 24 : i32
    %dma_wait3A_583 = tpu.memref_slice %dma_wait3A_581[%dma_wait3A_582] : memref<64xi32, #tpu.memory_space<vmem>> -> memref<8xi32, #tpu.memory_space<vmem>>
    %dma_wait3A_584 = arith.constant 0 : i32
    %dma_wait3A_585 = arith.constant 0 : i32
    %dma_wait3A_586 = tpu.memref_slice %arg3[%dma_wait3A_584, %dma_wait3A_585] : memref<100000x1024xf32, #tpu.memory_space<hbm>> -> memref<100000x1024xf32, #tpu.memory_space<hbm>>
    tpu.wait_indirect_dma semaphore(%arg26 : memref<!tpu.dma_semaphore, #tpu.memory_space<semaphore_mem>>) src(%dma_wait3A_586 : memref<100000x1024xf32, #tpu.memory_space<hbm>>) dst(%arg12 : memref<8x1024xf32, #tpu.memory_space<vmem>>)
    %dma_wait3A_587 = arith.constant 0 : i32
    %dma_wait3A_588 = tpu.memref_slice %arg5[%add3A_512, %dma_wait3A_587] : memref<8192x1024xf32, #tpu.memory_space<hbm>> -> memref<8x1024xf32, #tpu.memory_space<hbm>>
    %dma_wait3A_589 = arith.constant 0 : i32
    %dma_wait3A_590 = tpu.memref_slice %arg5[%add3A_512, %dma_wait3A_589] : memref<8192x1024xf32, #tpu.memory_space<hbm>> -> memref<8x1024xf32, #tpu.memory_space<hbm>>
    tpu.wait_dma2 semaphore(%arg43 : memref<!tpu.dma_semaphore, #tpu.memory_space<semaphore_mem>>) src(%arg17 : memref<8x1024xf32, #tpu.memory_space<vmem>>) dst(%dma_wait3A_590 : memref<8x1024xf32, #tpu.memory_space<hbm>>)
    %dma_start3A_591 = arith.constant 0 : i32
    %dma_start3A_592 = arith.constant 0 : i32
    %dma_start3A_593 = tpu.memref_slice %arg6[%dma_start3A_591, %dma_start3A_592] : memref<4x64xi32, #tpu.memory_space<vmem>> -> memref<1x64xi32, #tpu.memory_space<vmem>>
    %dma_start3A_594 = tpu.memref_squeeze %dma_start3A_593 : memref<1x64xi32, #tpu.memory_space<vmem>> -> memref<64xi32, #tpu.memory_space<vmem>>
    %dma_start3A_595 = arith.constant 40 : i32
    %dma_start3A_596 = tpu.memref_slice %dma_start3A_594[%dma_start3A_595] : memref<64xi32, #tpu.memory_space<vmem>> -> memref<8xi32, #tpu.memory_space<vmem>>
    %dma_start3A_597 = arith.constant 0 : i32
    %dma_start3A_598 = arith.constant 0 : i32
    %dma_start3A_599 = tpu.memref_slice %arg3[%dma_start3A_597, %dma_start3A_598] : memref<100000x1024xf32, #tpu.memory_space<hbm>> -> memref<100000x1024xf32, #tpu.memory_space<hbm>>
    tpu.enqueue_indirect_dma source(%dma_start3A_599 : memref<100000x1024xf32, #tpu.memory_space<hbm>>) target(%arg17 : memref<8x1024xf32, #tpu.memory_space<vmem>>) offsets(%dma_start3A_596 : memref<8xi32, #tpu.memory_space<vmem>>) semaphore(%arg31 : memref<!tpu.dma_semaphore, #tpu.memory_space<semaphore_mem>>)
    %dma_wait3A_600 = arith.constant 0 : i32
    %dma_wait3A_601 = tpu.memref_slice %arg5[%add3A_520, %dma_wait3A_600] : memref<8192x1024xf32, #tpu.memory_space<hbm>> -> memref<8x1024xf32, #tpu.memory_space<hbm>>
    %dma_wait3A_602 = arith.constant 0 : i32
    %dma_wait3A_603 = tpu.memref_slice %arg5[%add3A_520, %dma_wait3A_602] : memref<8192x1024xf32, #tpu.memory_space<hbm>> -> memref<8x1024xf32, #tpu.memory_space<hbm>>
    tpu.wait_dma2 semaphore(%arg44 : memref<!tpu.dma_semaphore, #tpu.memory_space<semaphore_mem>>) src(%arg18 : memref<8x1024xf32, #tpu.memory_space<vmem>>) dst(%dma_wait3A_603 : memref<8x1024xf32, #tpu.memory_space<hbm>>)
    %dma_start3A_604 = arith.constant 1 : i32
    %dma_start3A_605 = arith.constant 0 : i32
    %dma_start3A_606 = tpu.memref_slice %arg6[%dma_start3A_604, %dma_start3A_605] : memref<4x64xi32, #tpu.memory_space<vmem>> -> memref<1x64xi32, #tpu.memory_space<vmem>>
    %dma_start3A_607 = tpu.memref_squeeze %dma_start3A_606 : memref<1x64xi32, #tpu.memory_space<vmem>> -> memref<64xi32, #tpu.memory_space<vmem>>
    %dma_start3A_608 = arith.constant 40 : i32
    %dma_start3A_609 = tpu.memref_slice %dma_start3A_607[%dma_start3A_608] : memref<64xi32, #tpu.memory_space<vmem>> -> memref<8xi32, #tpu.memory_space<vmem>>
    %dma_start3A_610 = arith.constant 0 : i32
    %dma_start3A_611 = arith.constant 0 : i32
    %dma_start3A_612 = tpu.memref_slice %arg3[%dma_start3A_610, %dma_start3A_611] : memref<100000x1024xf32, #tpu.memory_space<hbm>> -> memref<100000x1024xf32, #tpu.memory_space<hbm>>
    tpu.enqueue_indirect_dma source(%dma_start3A_612 : memref<100000x1024xf32, #tpu.memory_space<hbm>>) target(%arg18 : memref<8x1024xf32, #tpu.memory_space<vmem>>) offsets(%dma_start3A_609 : memref<8xi32, #tpu.memory_space<vmem>>) semaphore(%arg32 : memref<!tpu.dma_semaphore, #tpu.memory_space<semaphore_mem>>)
    %dma_wait3A_613 = arith.constant 0 : i32
    %dma_wait3A_614 = tpu.memref_slice %arg5[%add3A_528, %dma_wait3A_613] : memref<8192x1024xf32, #tpu.memory_space<hbm>> -> memref<8x1024xf32, #tpu.memory_space<hbm>>
    %dma_wait3A_615 = arith.constant 0 : i32
    %dma_wait3A_616 = tpu.memref_slice %arg5[%add3A_528, %dma_wait3A_615] : memref<8192x1024xf32, #tpu.memory_space<hbm>> -> memref<8x1024xf32, #tpu.memory_space<hbm>>
    tpu.wait_dma2 semaphore(%arg45 : memref<!tpu.dma_semaphore, #tpu.memory_space<semaphore_mem>>) src(%arg19 : memref<8x1024xf32, #tpu.memory_space<vmem>>) dst(%dma_wait3A_616 : memref<8x1024xf32, #tpu.memory_space<hbm>>)
    %dma_start3A_617 = arith.constant 2 : i32
    %dma_start3A_618 = arith.constant 0 : i32
    %dma_start3A_619 = tpu.memref_slice %arg6[%dma_start3A_617, %dma_start3A_618] : memref<4x64xi32, #tpu.memory_space<vmem>> -> memref<1x64xi32, #tpu.memory_space<vmem>>
    %dma_start3A_620 = tpu.memref_squeeze %dma_start3A_619 : memref<1x64xi32, #tpu.memory_space<vmem>> -> memref<64xi32, #tpu.memory_space<vmem>>
    %dma_start3A_621 = arith.constant 40 : i32
    %dma_start3A_622 = tpu.memref_slice %dma_start3A_620[%dma_start3A_621] : memref<64xi32, #tpu.memory_space<vmem>> -> memref<8xi32, #tpu.memory_space<vmem>>
    %dma_start3A_623 = arith.constant 0 : i32
    %dma_start3A_624 = arith.constant 0 : i32
    %dma_start3A_625 = tpu.memref_slice %arg3[%dma_start3A_623, %dma_start3A_624] : memref<100000x1024xf32, #tpu.memory_space<hbm>> -> memref<100000x1024xf32, #tpu.memory_space<hbm>>
    tpu.enqueue_indirect_dma source(%dma_start3A_625 : memref<100000x1024xf32, #tpu.memory_space<hbm>>) target(%arg19 : memref<8x1024xf32, #tpu.memory_space<vmem>>) offsets(%dma_start3A_622 : memref<8xi32, #tpu.memory_space<vmem>>) semaphore(%arg33 : memref<!tpu.dma_semaphore, #tpu.memory_space<semaphore_mem>>)
    %dma_wait3A_626 = arith.constant 0 : i32
    %dma_wait3A_627 = tpu.memref_slice %arg5[%add3A_536, %dma_wait3A_626] : memref<8192x1024xf32, #tpu.memory_space<hbm>> -> memref<8x1024xf32, #tpu.memory_space<hbm>>
    %dma_wait3A_628 = arith.constant 0 : i32
    %dma_wait3A_629 = tpu.memref_slice %arg5[%add3A_536, %dma_wait3A_628] : memref<8192x1024xf32, #tpu.memory_space<hbm>> -> memref<8x1024xf32, #tpu.memory_space<hbm>>
    tpu.wait_dma2 semaphore(%arg46 : memref<!tpu.dma_semaphore, #tpu.memory_space<semaphore_mem>>) src(%arg20 : memref<8x1024xf32, #tpu.memory_space<vmem>>) dst(%dma_wait3A_629 : memref<8x1024xf32, #tpu.memory_space<hbm>>)
    %dma_start3A_630 = arith.constant 3 : i32
    %dma_start3A_631 = arith.constant 0 : i32
    %dma_start3A_632 = tpu.memref_slice %arg6[%dma_start3A_630, %dma_start3A_631] : memref<4x64xi32, #tpu.memory_space<vmem>> -> memref<1x64xi32, #tpu.memory_space<vmem>>
    %dma_start3A_633 = tpu.memref_squeeze %dma_start3A_632 : memref<1x64xi32, #tpu.memory_space<vmem>> -> memref<64xi32, #tpu.memory_space<vmem>>
    %dma_start3A_634 = arith.constant 40 : i32
    %dma_start3A_635 = tpu.memref_slice %dma_start3A_633[%dma_start3A_634] : memref<64xi32, #tpu.memory_space<vmem>> -> memref<8xi32, #tpu.memory_space<vmem>>
    %dma_start3A_636 = arith.constant 0 : i32
    %dma_start3A_637 = arith.constant 0 : i32
    %dma_start3A_638 = tpu.memref_slice %arg3[%dma_start3A_636, %dma_start3A_637] : memref<100000x1024xf32, #tpu.memory_space<hbm>> -> memref<100000x1024xf32, #tpu.memory_space<hbm>>
    tpu.enqueue_indirect_dma source(%dma_start3A_638 : memref<100000x1024xf32, #tpu.memory_space<hbm>>) target(%arg20 : memref<8x1024xf32, #tpu.memory_space<vmem>>) offsets(%dma_start3A_635 : memref<8xi32, #tpu.memory_space<vmem>>) semaphore(%arg34 : memref<!tpu.dma_semaphore, #tpu.memory_space<semaphore_mem>>)
    %parallel_loop3A_639 = arith.constant 0 : i32
    %parallel_loop3A_640 = arith.constant 8 : i32
    %parallel_loop3A_641 = arith.constant 1 : i32
    scf.for %parallel_loop3A_1144 = %parallel_loop3A_639 to %parallel_loop3A_640 step %parallel_loop3A_641  : i32 {
      %parallel_loop3A_1145 = arith.constant 0 : i32
      %parallel_loop3A_1146 = arith.constant 1024 : i32
      %parallel_loop3A_1147 = arith.constant 16 : i32
      scf.for %parallel_loop3A_1148 = %parallel_loop3A_1145 to %parallel_loop3A_1146 step %parallel_loop3A_1147  : i32 {
        %parallel_loop3A_1149 = arith.index_cast %parallel_loop3A_1144 : i32 to index
        %parallel_loop3A_1150 = arith.index_cast %parallel_loop3A_1148 : i32 to index
        %parallel_loop3A_1151 = tpu.vector_load %arg8[%parallel_loop3A_1149, %parallel_loop3A_1150] {strides = array<i32>} : memref<8x1024xf32, #tpu.memory_space<vmem>>, vector<1x16xf32>,
        %parallel_loop3A_1152 = vector.shape_cast %parallel_loop3A_1151 : vector<1x16xf32> to vector<16xf32>
        %parallel_loop3A_1153 = arith.index_cast %parallel_loop3A_1144 : i32 to index
        %parallel_loop3A_1154 = arith.index_cast %parallel_loop3A_1148 : i32 to index
        %parallel_loop3A_1155 = tpu.vector_load %arg9[%parallel_loop3A_1153, %parallel_loop3A_1154] {strides = array<i32>} : memref<8x1024xf32, #tpu.memory_space<vmem>>, vector<1x16xf32>,
        %parallel_loop3A_1156 = vector.shape_cast %parallel_loop3A_1155 : vector<1x16xf32> to vector<16xf32>
        %parallel_loop3A_1157 = arith.addf %parallel_loop3A_1156, %parallel_loop3A_1152 : vector<16xf32>
        %parallel_loop3A_1158 = arith.index_cast %parallel_loop3A_1144 : i32 to index
        %parallel_loop3A_1159 = arith.index_cast %parallel_loop3A_1148 : i32 to index
        %parallel_loop3A_1160 = tpu.vector_load %arg9[%parallel_loop3A_1158, %parallel_loop3A_1159] {strides = array<i32>} : memref<8x1024xf32, #tpu.memory_space<vmem>>, vector<1x16xf32>,
        %parallel_loop3A_1161 = vector.shape_cast %parallel_loop3A_1160 : vector<1x16xf32> to vector<16xf32>
        %parallel_loop3A_1162 = vector.shape_cast %parallel_loop3A_1157 : vector<16xf32> to vector<1x16xf32>
        tpu.vector_store %arg9[%parallel_loop3A_1158, %parallel_loop3A_1159], %parallel_loop3A_1162 {strides = array<i32>} : memref<8x1024xf32, #tpu.memory_space<vmem>>, vector<1x16xf32>,
        %parallel_loop3A_1163 = arith.index_cast %parallel_loop3A_1144 : i32 to index
        %parallel_loop3A_1164 = arith.index_cast %parallel_loop3A_1148 : i32 to index
        %parallel_loop3A_1165 = tpu.vector_load %arg10[%parallel_loop3A_1163, %parallel_loop3A_1164] {strides = array<i32>} : memref<8x1024xf32, #tpu.memory_space<vmem>>, vector<1x16xf32>,
        %parallel_loop3A_1166 = vector.shape_cast %parallel_loop3A_1165 : vector<1x16xf32> to vector<16xf32>
        %parallel_loop3A_1167 = arith.addf %parallel_loop3A_1166, %parallel_loop3A_1152 : vector<16xf32>
        %parallel_loop3A_1168 = arith.index_cast %parallel_loop3A_1144 : i32 to index
        %parallel_loop3A_1169 = arith.index_cast %parallel_loop3A_1148 : i32 to index
        %parallel_loop3A_1170 = tpu.vector_load %arg10[%parallel_loop3A_1168, %parallel_loop3A_1169] {strides = array<i32>} : memref<8x1024xf32, #tpu.memory_space<vmem>>, vector<1x16xf32>,
        %parallel_loop3A_1171 = vector.shape_cast %parallel_loop3A_1170 : vector<1x16xf32> to vector<16xf32>
        %parallel_loop3A_1172 = vector.shape_cast %parallel_loop3A_1167 : vector<16xf32> to vector<1x16xf32>
        tpu.vector_store %arg10[%parallel_loop3A_1168, %parallel_loop3A_1169], %parallel_loop3A_1172 {strides = array<i32>} : memref<8x1024xf32, #tpu.memory_space<vmem>>, vector<1x16xf32>,
        %parallel_loop3A_1173 = arith.index_cast %parallel_loop3A_1144 : i32 to index
        %parallel_loop3A_1174 = arith.index_cast %parallel_loop3A_1148 : i32 to index
        %parallel_loop3A_1175 = tpu.vector_load %arg11[%parallel_loop3A_1173, %parallel_loop3A_1174] {strides = array<i32>} : memref<8x1024xf32, #tpu.memory_space<vmem>>, vector<1x16xf32>,
        %parallel_loop3A_1176 = vector.shape_cast %parallel_loop3A_1175 : vector<1x16xf32> to vector<16xf32>
        %parallel_loop3A_1177 = arith.addf %parallel_loop3A_1176, %parallel_loop3A_1152 : vector<16xf32>
        %parallel_loop3A_1178 = arith.index_cast %parallel_loop3A_1144 : i32 to index
        %parallel_loop3A_1179 = arith.index_cast %parallel_loop3A_1148 : i32 to index
        %parallel_loop3A_1180 = tpu.vector_load %arg11[%parallel_loop3A_1178, %parallel_loop3A_1179] {strides = array<i32>} : memref<8x1024xf32, #tpu.memory_space<vmem>>, vector<1x16xf32>,
        %parallel_loop3A_1181 = vector.shape_cast %parallel_loop3A_1180 : vector<1x16xf32> to vector<16xf32>
        %parallel_loop3A_1182 = vector.shape_cast %parallel_loop3A_1177 : vector<16xf32> to vector<1x16xf32>
        tpu.vector_store %arg11[%parallel_loop3A_1178, %parallel_loop3A_1179], %parallel_loop3A_1182 {strides = array<i32>} : memref<8x1024xf32, #tpu.memory_space<vmem>>, vector<1x16xf32>,
        %parallel_loop3A_1183 = arith.index_cast %parallel_loop3A_1144 : i32 to index
        %parallel_loop3A_1184 = arith.index_cast %parallel_loop3A_1148 : i32 to index
        %parallel_loop3A_1185 = tpu.vector_load %arg12[%parallel_loop3A_1183, %parallel_loop3A_1184] {strides = array<i32>} : memref<8x1024xf32, #tpu.memory_space<vmem>>, vector<1x16xf32>,
        %parallel_loop3A_1186 = vector.shape_cast %parallel_loop3A_1185 : vector<1x16xf32> to vector<16xf32>
        %parallel_loop3A_1187 = arith.addf %parallel_loop3A_1186, %parallel_loop3A_1152 : vector<16xf32>
        %parallel_loop3A_1188 = arith.index_cast %parallel_loop3A_1144 : i32 to index
        %parallel_loop3A_1189 = arith.index_cast %parallel_loop3A_1148 : i32 to index
        %parallel_loop3A_1190 = tpu.vector_load %arg12[%parallel_loop3A_1188, %parallel_loop3A_1189] {strides = array<i32>} : memref<8x1024xf32, #tpu.memory_space<vmem>>, vector<1x16xf32>,
        %parallel_loop3A_1191 = vector.shape_cast %parallel_loop3A_1190 : vector<1x16xf32> to vector<16xf32>
        %parallel_loop3A_1192 = vector.shape_cast %parallel_loop3A_1187 : vector<16xf32> to vector<1x16xf32>
        tpu.vector_store %arg12[%parallel_loop3A_1188, %parallel_loop3A_1189], %parallel_loop3A_1192 {strides = array<i32>} : memref<8x1024xf32, #tpu.memory_space<vmem>>, vector<1x16xf32>,
      } {sc.loop_unroll_factor = 4 : i64, sc.parallel_access}
    } {sc.loop_unroll_factor = 1 : i64, sc.parallel_access}
    %add3A_642 = arith.constant 0 : i32
    %add3A_643 = arith.addi %add3A_642, %mul3A_2 : i32
    %add3A_644 = arith.constant 24 : i32
    %add3A_645 = arith.addi %add3A_643, %add3A_644 : i32
    %dma_start3A_646 = arith.constant 0 : i32
    %dma_start3A_647 = tpu.memref_slice %arg5[%add3A_645, %dma_start3A_646] : memref<8192x1024xf32, #tpu.memory_space<hbm>> -> memref<8x1024xf32, #tpu.memory_space<hbm>>
    %dma_start3A_648 = arith.constant 0 : i32
    %dma_start3A_649 = tpu.memref_slice %arg5[%add3A_645, %dma_start3A_648] : memref<8192x1024xf32, #tpu.memory_space<hbm>> -> memref<8x1024xf32, #tpu.memory_space<hbm>>
    tpu.enqueue_dma source(%arg9 : memref<8x1024xf32, #tpu.memory_space<vmem>>) target(%dma_start3A_649 : memref<8x1024xf32, #tpu.memory_space<hbm>>) target_semaphore(%arg35 : memref<!tpu.dma_semaphore, #tpu.memory_space<semaphore_mem>>)
    %add3A_650 = arith.constant 2048 : i32
    %add3A_651 = arith.addi %add3A_650, %mul3A_2 : i32
    %add3A_652 = arith.constant 24 : i32
    %add3A_653 = arith.addi %add3A_651, %add3A_652 : i32
    %dma_start3A_654 = arith.constant 0 : i32
    %dma_start3A_655 = tpu.memref_slice %arg5[%add3A_653, %dma_start3A_654] : memref<8192x1024xf32, #tpu.memory_space<hbm>> -> memref<8x1024xf32, #tpu.memory_space<hbm>>
    %dma_start3A_656 = arith.constant 0 : i32
    %dma_start3A_657 = tpu.memref_slice %arg5[%add3A_653, %dma_start3A_656] : memref<8192x1024xf32, #tpu.memory_space<hbm>> -> memref<8x1024xf32, #tpu.memory_space<hbm>>
    tpu.enqueue_dma source(%arg10 : memref<8x1024xf32, #tpu.memory_space<vmem>>) target(%dma_start3A_657 : memref<8x1024xf32, #tpu.memory_space<hbm>>) target_semaphore(%arg36 : memref<!tpu.dma_semaphore, #tpu.memory_space<semaphore_mem>>)
    %add3A_658 = arith.constant 4096 : i32
    %add3A_659 = arith.addi %add3A_658, %mul3A_2 : i32
    %add3A_660 = arith.constant 24 : i32
    %add3A_661 = arith.addi %add3A_659, %add3A_660 : i32
    %dma_start3A_662 = arith.constant 0 : i32
    %dma_start3A_663 = tpu.memref_slice %arg5[%add3A_661, %dma_start3A_662] : memref<8192x1024xf32, #tpu.memory_space<hbm>> -> memref<8x1024xf32, #tpu.memory_space<hbm>>
    %dma_start3A_664 = arith.constant 0 : i32
    %dma_start3A_665 = tpu.memref_slice %arg5[%add3A_661, %dma_start3A_664] : memref<8192x1024xf32, #tpu.memory_space<hbm>> -> memref<8x1024xf32, #tpu.memory_space<hbm>>
    tpu.enqueue_dma source(%arg11 : memref<8x1024xf32, #tpu.memory_space<vmem>>) target(%dma_start3A_665 : memref<8x1024xf32, #tpu.memory_space<hbm>>) target_semaphore(%arg37 : memref<!tpu.dma_semaphore, #tpu.memory_space<semaphore_mem>>)
    %add3A_666 = arith.constant 6144 : i32
    %add3A_667 = arith.addi %add3A_666, %mul3A_2 : i32
    %add3A_668 = arith.constant 24 : i32
    %add3A_669 = arith.addi %add3A_667, %add3A_668 : i32
    %dma_start3A_670 = arith.constant 0 : i32
    %dma_start3A_671 = tpu.memref_slice %arg5[%add3A_669, %dma_start3A_670] : memref<8192x1024xf32, #tpu.memory_space<hbm>> -> memref<8x1024xf32, #tpu.memory_space<hbm>>
    %dma_start3A_672 = arith.constant 0 : i32
    %dma_start3A_673 = tpu.memref_slice %arg5[%add3A_669, %dma_start3A_672] : memref<8192x1024xf32, #tpu.memory_space<hbm>> -> memref<8x1024xf32, #tpu.memory_space<hbm>>
    tpu.enqueue_dma source(%arg12 : memref<8x1024xf32, #tpu.memory_space<vmem>>) target(%dma_start3A_673 : memref<8x1024xf32, #tpu.memory_space<hbm>>) target_semaphore(%arg38 : memref<!tpu.dma_semaphore, #tpu.memory_space<semaphore_mem>>)
    %dma_wait3A_674 = arith.constant 0 : i32
    %dma_wait3A_675 = tpu.memref_slice %arg4[%add3A_546, %dma_wait3A_674] : memref<2048x1024xf32, #tpu.memory_space<hbm>> -> memref<8x1024xf32, #tpu.memory_space<hbm>>
    %dma_wait3A_676 = arith.constant 0 : i32
    %dma_wait3A_677 = tpu.memref_slice %arg4[%add3A_546, %dma_wait3A_676] : memref<2048x1024xf32, #tpu.memory_space<hbm>> -> memref<8x1024xf32, #tpu.memory_space<hbm>>
    tpu.wait_dma2 semaphore(%arg21 : memref<!tpu.dma_semaphore, #tpu.memory_space<semaphore_mem>>) src(%dma_wait3A_677 : memref<8x1024xf32, #tpu.memory_space<hbm>>) dst(%arg7 : memref<8x1024xf32, #tpu.memory_space<vmem>>)
    %add3A_678 = arith.constant 40 : i32
    %add3A_679 = arith.addi %mul3A_2, %add3A_678 : i32
    %dma_start3A_680 = arith.constant 0 : i32
    %dma_start3A_681 = tpu.memref_slice %arg4[%add3A_679, %dma_start3A_680] : memref<2048x1024xf32, #tpu.memory_space<hbm>> -> memref<8x1024xf32, #tpu.memory_space<hbm>>
    %dma_start3A_682 = arith.constant 0 : i32
    %dma_start3A_683 = tpu.memref_slice %arg4[%add3A_679, %dma_start3A_682] : memref<2048x1024xf32, #tpu.memory_space<hbm>> -> memref<8x1024xf32, #tpu.memory_space<hbm>>
    tpu.enqueue_dma source(%dma_start3A_683 : memref<8x1024xf32, #tpu.memory_space<hbm>>) target(%arg8 : memref<8x1024xf32, #tpu.memory_space<vmem>>) target_semaphore(%arg22 : memref<!tpu.dma_semaphore, #tpu.memory_space<semaphore_mem>>)
    %dma_wait3A_684 = arith.constant 0 : i32
    %dma_wait3A_685 = arith.constant 0 : i32
    %dma_wait3A_686 = tpu.memref_slice %arg6[%dma_wait3A_684, %dma_wait3A_685] : memref<4x64xi32, #tpu.memory_space<vmem>> -> memref<1x64xi32, #tpu.memory_space<vmem>>
    %dma_wait3A_687 = tpu.memref_squeeze %dma_wait3A_686 : memref<1x64xi32, #tpu.memory_space<vmem>> -> memref<64xi32, #tpu.memory_space<vmem>>
    %dma_wait3A_688 = arith.constant 32 : i32
    %dma_wait3A_689 = tpu.memref_slice %dma_wait3A_687[%dma_wait3A_688] : memref<64xi32, #tpu.memory_space<vmem>> -> memref<8xi32, #tpu.memory_space<vmem>>
    %dma_wait3A_690 = arith.constant 0 : i32
    %dma_wait3A_691 = arith.constant 0 : i32
    %dma_wait3A_692 = tpu.memref_slice %arg3[%dma_wait3A_690, %dma_wait3A_691] : memref<100000x1024xf32, #tpu.memory_space<hbm>> -> memref<100000x1024xf32, #tpu.memory_space<hbm>>
    tpu.wait_indirect_dma semaphore(%arg27 : memref<!tpu.dma_semaphore, #tpu.memory_space<semaphore_mem>>) src(%dma_wait3A_692 : memref<100000x1024xf32, #tpu.memory_space<hbm>>) dst(%arg13 : memref<8x1024xf32, #tpu.memory_space<vmem>>)
    %dma_wait3A_693 = arith.constant 1 : i32
    %dma_wait3A_694 = arith.constant 0 : i32
    %dma_wait3A_695 = tpu.memref_slice %arg6[%dma_wait3A_693, %dma_wait3A_694] : memref<4x64xi32, #tpu.memory_space<vmem>> -> memref<1x64xi32, #tpu.memory_space<vmem>>
    %dma_wait3A_696 = tpu.memref_squeeze %dma_wait3A_695 : memref<1x64xi32, #tpu.memory_space<vmem>> -> memref<64xi32, #tpu.memory_space<vmem>>
    %dma_wait3A_697 = arith.constant 32 : i32
    %dma_wait3A_698 = tpu.memref_slice %dma_wait3A_696[%dma_wait3A_697] : memref<64xi32, #tpu.memory_space<vmem>> -> memref<8xi32, #tpu.memory_space<vmem>>
    %dma_wait3A_699 = arith.constant 0 : i32
    %dma_wait3A_700 = arith.constant 0 : i32
    %dma_wait3A_701 = tpu.memref_slice %arg3[%dma_wait3A_699, %dma_wait3A_700] : memref<100000x1024xf32, #tpu.memory_space<hbm>> -> memref<100000x1024xf32, #tpu.memory_space<hbm>>
    tpu.wait_indirect_dma semaphore(%arg28 : memref<!tpu.dma_semaphore, #tpu.memory_space<semaphore_mem>>) src(%dma_wait3A_701 : memref<100000x1024xf32, #tpu.memory_space<hbm>>) dst(%arg14 : memref<8x1024xf32, #tpu.memory_space<vmem>>)
    %dma_wait3A_702 = arith.constant 2 : i32
    %dma_wait3A_703 = arith.constant 0 : i32
    %dma_wait3A_704 = tpu.memref_slice %arg6[%dma_wait3A_702, %dma_wait3A_703] : memref<4x64xi32, #tpu.memory_space<vmem>> -> memref<1x64xi32, #tpu.memory_space<vmem>>
    %dma_wait3A_705 = tpu.memref_squeeze %dma_wait3A_704 : memref<1x64xi32, #tpu.memory_space<vmem>> -> memref<64xi32, #tpu.memory_space<vmem>>
    %dma_wait3A_706 = arith.constant 32 : i32
    %dma_wait3A_707 = tpu.memref_slice %dma_wait3A_705[%dma_wait3A_706] : memref<64xi32, #tpu.memory_space<vmem>> -> memref<8xi32, #tpu.memory_space<vmem>>
    %dma_wait3A_708 = arith.constant 0 : i32
    %dma_wait3A_709 = arith.constant 0 : i32
    %dma_wait3A_710 = tpu.memref_slice %arg3[%dma_wait3A_708, %dma_wait3A_709] : memref<100000x1024xf32, #tpu.memory_space<hbm>> -> memref<100000x1024xf32, #tpu.memory_space<hbm>>
    tpu.wait_indirect_dma semaphore(%arg29 : memref<!tpu.dma_semaphore, #tpu.memory_space<semaphore_mem>>) src(%dma_wait3A_710 : memref<100000x1024xf32, #tpu.memory_space<hbm>>) dst(%arg15 : memref<8x1024xf32, #tpu.memory_space<vmem>>)
    %dma_wait3A_711 = arith.constant 3 : i32
    %dma_wait3A_712 = arith.constant 0 : i32
    %dma_wait3A_713 = tpu.memref_slice %arg6[%dma_wait3A_711, %dma_wait3A_712] : memref<4x64xi32, #tpu.memory_space<vmem>> -> memref<1x64xi32, #tpu.memory_space<vmem>>
    %dma_wait3A_714 = tpu.memref_squeeze %dma_wait3A_713 : memref<1x64xi32, #tpu.memory_space<vmem>> -> memref<64xi32, #tpu.memory_space<vmem>>
    %dma_wait3A_715 = arith.constant 32 : i32
    %dma_wait3A_716 = tpu.memref_slice %dma_wait3A_714[%dma_wait3A_715] : memref<64xi32, #tpu.memory_space<vmem>> -> memref<8xi32, #tpu.memory_space<vmem>>
    %dma_wait3A_717 = arith.constant 0 : i32
    %dma_wait3A_718 = arith.constant 0 : i32
    %dma_wait3A_719 = tpu.memref_slice %arg3[%dma_wait3A_717, %dma_wait3A_718] : memref<100000x1024xf32, #tpu.memory_space<hbm>> -> memref<100000x1024xf32, #tpu.memory_space<hbm>>
    tpu.wait_indirect_dma semaphore(%arg30 : memref<!tpu.dma_semaphore, #tpu.memory_space<semaphore_mem>>) src(%dma_wait3A_719 : memref<100000x1024xf32, #tpu.memory_space<hbm>>) dst(%arg16 : memref<8x1024xf32, #tpu.memory_space<vmem>>)
    %dma_wait3A_720 = arith.constant 0 : i32
    %dma_wait3A_721 = tpu.memref_slice %arg5[%add3A_645, %dma_wait3A_720] : memref<8192x1024xf32, #tpu.memory_space<hbm>> -> memref<8x1024xf32, #tpu.memory_space<hbm>>
    %dma_wait3A_722 = arith.constant 0 : i32
    %dma_wait3A_723 = tpu.memref_slice %arg5[%add3A_645, %dma_wait3A_722] : memref<8192x1024xf32, #tpu.memory_space<hbm>> -> memref<8x1024xf32, #tpu.memory_space<hbm>>
    tpu.wait_dma2 semaphore(%arg35 : memref<!tpu.dma_semaphore, #tpu.memory_space<semaphore_mem>>) src(%arg9 : memref<8x1024xf32, #tpu.memory_space<vmem>>) dst(%dma_wait3A_723 : memref<8x1024xf32, #tpu.memory_space<hbm>>)
    %dma_start3A_724 = arith.constant 0 : i32
    %dma_start3A_725 = arith.constant 0 : i32
    %dma_start3A_726 = tpu.memref_slice %arg6[%dma_start3A_724, %dma_start3A_725] : memref<4x64xi32, #tpu.memory_space<vmem>> -> memref<1x64xi32, #tpu.memory_space<vmem>>
    %dma_start3A_727 = tpu.memref_squeeze %dma_start3A_726 : memref<1x64xi32, #tpu.memory_space<vmem>> -> memref<64xi32, #tpu.memory_space<vmem>>
    %dma_start3A_728 = arith.constant 48 : i32
    %dma_start3A_729 = tpu.memref_slice %dma_start3A_727[%dma_start3A_728] : memref<64xi32, #tpu.memory_space<vmem>> -> memref<8xi32, #tpu.memory_space<vmem>>
    %dma_start3A_730 = arith.constant 0 : i32
    %dma_start3A_731 = arith.constant 0 : i32
    %dma_start3A_732 = tpu.memref_slice %arg3[%dma_start3A_730, %dma_start3A_731] : memref<100000x1024xf32, #tpu.memory_space<hbm>> -> memref<100000x1024xf32, #tpu.memory_space<hbm>>
    tpu.enqueue_indirect_dma source(%dma_start3A_732 : memref<100000x1024xf32, #tpu.memory_space<hbm>>) target(%arg9 : memref<8x1024xf32, #tpu.memory_space<vmem>>) offsets(%dma_start3A_729 : memref<8xi32, #tpu.memory_space<vmem>>) semaphore(%arg23 : memref<!tpu.dma_semaphore, #tpu.memory_space<semaphore_mem>>)
    %dma_wait3A_733 = arith.constant 0 : i32
    %dma_wait3A_734 = tpu.memref_slice %arg5[%add3A_653, %dma_wait3A_733] : memref<8192x1024xf32, #tpu.memory_space<hbm>> -> memref<8x1024xf32, #tpu.memory_space<hbm>>
    %dma_wait3A_735 = arith.constant 0 : i32
    %dma_wait3A_736 = tpu.memref_slice %arg5[%add3A_653, %dma_wait3A_735] : memref<8192x1024xf32, #tpu.memory_space<hbm>> -> memref<8x1024xf32, #tpu.memory_space<hbm>>
    tpu.wait_dma2 semaphore(%arg36 : memref<!tpu.dma_semaphore, #tpu.memory_space<semaphore_mem>>) src(%arg10 : memref<8x1024xf32, #tpu.memory_space<vmem>>) dst(%dma_wait3A_736 : memref<8x1024xf32, #tpu.memory_space<hbm>>)
    %dma_start3A_737 = arith.constant 1 : i32
    %dma_start3A_738 = arith.constant 0 : i32
    %dma_start3A_739 = tpu.memref_slice %arg6[%dma_start3A_737, %dma_start3A_738] : memref<4x64xi32, #tpu.memory_space<vmem>> -> memref<1x64xi32, #tpu.memory_space<vmem>>
    %dma_start3A_740 = tpu.memref_squeeze %dma_start3A_739 : memref<1x64xi32, #tpu.memory_space<vmem>> -> memref<64xi32, #tpu.memory_space<vmem>>
    %dma_start3A_741 = arith.constant 48 : i32
    %dma_start3A_742 = tpu.memref_slice %dma_start3A_740[%dma_start3A_741] : memref<64xi32, #tpu.memory_space<vmem>> -> memref<8xi32, #tpu.memory_space<vmem>>
    %dma_start3A_743 = arith.constant 0 : i32
    %dma_start3A_744 = arith.constant 0 : i32
    %dma_start3A_745 = tpu.memref_slice %arg3[%dma_start3A_743, %dma_start3A_744] : memref<100000x1024xf32, #tpu.memory_space<hbm>> -> memref<100000x1024xf32, #tpu.memory_space<hbm>>
    tpu.enqueue_indirect_dma source(%dma_start3A_745 : memref<100000x1024xf32, #tpu.memory_space<hbm>>) target(%arg10 : memref<8x1024xf32, #tpu.memory_space<vmem>>) offsets(%dma_start3A_742 : memref<8xi32, #tpu.memory_space<vmem>>) semaphore(%arg24 : memref<!tpu.dma_semaphore, #tpu.memory_space<semaphore_mem>>)
    %dma_wait3A_746 = arith.constant 0 : i32
    %dma_wait3A_747 = tpu.memref_slice %arg5[%add3A_661, %dma_wait3A_746] : memref<8192x1024xf32, #tpu.memory_space<hbm>> -> memref<8x1024xf32, #tpu.memory_space<hbm>>
    %dma_wait3A_748 = arith.constant 0 : i32
    %dma_wait3A_749 = tpu.memref_slice %arg5[%add3A_661, %dma_wait3A_748] : memref<8192x1024xf32, #tpu.memory_space<hbm>> -> memref<8x1024xf32, #tpu.memory_space<hbm>>
    tpu.wait_dma2 semaphore(%arg37 : memref<!tpu.dma_semaphore, #tpu.memory_space<semaphore_mem>>) src(%arg11 : memref<8x1024xf32, #tpu.memory_space<vmem>>) dst(%dma_wait3A_749 : memref<8x1024xf32, #tpu.memory_space<hbm>>)
    %dma_start3A_750 = arith.constant 2 : i32
    %dma_start3A_751 = arith.constant 0 : i32
    %dma_start3A_752 = tpu.memref_slice %arg6[%dma_start3A_750, %dma_start3A_751] : memref<4x64xi32, #tpu.memory_space<vmem>> -> memref<1x64xi32, #tpu.memory_space<vmem>>
    %dma_start3A_753 = tpu.memref_squeeze %dma_start3A_752 : memref<1x64xi32, #tpu.memory_space<vmem>> -> memref<64xi32, #tpu.memory_space<vmem>>
    %dma_start3A_754 = arith.constant 48 : i32
    %dma_start3A_755 = tpu.memref_slice %dma_start3A_753[%dma_start3A_754] : memref<64xi32, #tpu.memory_space<vmem>> -> memref<8xi32, #tpu.memory_space<vmem>>
    %dma_start3A_756 = arith.constant 0 : i32
    %dma_start3A_757 = arith.constant 0 : i32
    %dma_start3A_758 = tpu.memref_slice %arg3[%dma_start3A_756, %dma_start3A_757] : memref<100000x1024xf32, #tpu.memory_space<hbm>> -> memref<100000x1024xf32, #tpu.memory_space<hbm>>
    tpu.enqueue_indirect_dma source(%dma_start3A_758 : memref<100000x1024xf32, #tpu.memory_space<hbm>>) target(%arg11 : memref<8x1024xf32, #tpu.memory_space<vmem>>) offsets(%dma_start3A_755 : memref<8xi32, #tpu.memory_space<vmem>>) semaphore(%arg25 : memref<!tpu.dma_semaphore, #tpu.memory_space<semaphore_mem>>)
    %dma_wait3A_759 = arith.constant 0 : i32
    %dma_wait3A_760 = tpu.memref_slice %arg5[%add3A_669, %dma_wait3A_759] : memref<8192x1024xf32, #tpu.memory_space<hbm>> -> memref<8x1024xf32, #tpu.memory_space<hbm>>
    %dma_wait3A_761 = arith.constant 0 : i32
    %dma_wait3A_762 = tpu.memref_slice %arg5[%add3A_669, %dma_wait3A_761] : memref<8192x1024xf32, #tpu.memory_space<hbm>> -> memref<8x1024xf32, #tpu.memory_space<hbm>>
    tpu.wait_dma2 semaphore(%arg38 : memref<!tpu.dma_semaphore, #tpu.memory_space<semaphore_mem>>) src(%arg12 : memref<8x1024xf32, #tpu.memory_space<vmem>>) dst(%dma_wait3A_762 : memref<8x1024xf32, #tpu.memory_space<hbm>>)
    %dma_start3A_763 = arith.constant 3 : i32
    %dma_start3A_764 = arith.constant 0 : i32
    %dma_start3A_765 = tpu.memref_slice %arg6[%dma_start3A_763, %dma_start3A_764] : memref<4x64xi32, #tpu.memory_space<vmem>> -> memref<1x64xi32, #tpu.memory_space<vmem>>
    %dma_start3A_766 = tpu.memref_squeeze %dma_start3A_765 : memref<1x64xi32, #tpu.memory_space<vmem>> -> memref<64xi32, #tpu.memory_space<vmem>>
    %dma_start3A_767 = arith.constant 48 : i32
    %dma_start3A_768 = tpu.memref_slice %dma_start3A_766[%dma_start3A_767] : memref<64xi32, #tpu.memory_space<vmem>> -> memref<8xi32, #tpu.memory_space<vmem>>
    %dma_start3A_769 = arith.constant 0 : i32
    %dma_start3A_770 = arith.constant 0 : i32
    %dma_start3A_771 = tpu.memref_slice %arg3[%dma_start3A_769, %dma_start3A_770] : memref<100000x1024xf32, #tpu.memory_space<hbm>> -> memref<100000x1024xf32, #tpu.memory_space<hbm>>
    tpu.enqueue_indirect_dma source(%dma_start3A_771 : memref<100000x1024xf32, #tpu.memory_space<hbm>>) target(%arg12 : memref<8x1024xf32, #tpu.memory_space<vmem>>) offsets(%dma_start3A_768 : memref<8xi32, #tpu.memory_space<vmem>>) semaphore(%arg26 : memref<!tpu.dma_semaphore, #tpu.memory_space<semaphore_mem>>)
    %parallel_loop3A_772 = arith.constant 0 : i32
    %parallel_loop3A_773 = arith.constant 8 : i32
    %parallel_loop3A_774 = arith.constant 1 : i32
    scf.for %parallel_loop3A_1144 = %parallel_loop3A_772 to %parallel_loop3A_773 step %parallel_loop3A_774  : i32 {
      %parallel_loop3A_1145 = arith.constant 0 : i32
      %parallel_loop3A_1146 = arith.constant 1024 : i32
      %parallel_loop3A_1147 = arith.constant 16 : i32
      scf.for %parallel_loop3A_1148 = %parallel_loop3A_1145 to %parallel_loop3A_1146 step %parallel_loop3A_1147  : i32 {
        %parallel_loop3A_1149 = arith.index_cast %parallel_loop3A_1144 : i32 to index
        %parallel_loop3A_1150 = arith.index_cast %parallel_loop3A_1148 : i32 to index
        %parallel_loop3A_1151 = tpu.vector_load %arg7[%parallel_loop3A_1149, %parallel_loop3A_1150] {strides = array<i32>} : memref<8x1024xf32, #tpu.memory_space<vmem>>, vector<1x16xf32>,
        %parallel_loop3A_1152 = vector.shape_cast %parallel_loop3A_1151 : vector<1x16xf32> to vector<16xf32>
        %parallel_loop3A_1153 = arith.index_cast %parallel_loop3A_1144 : i32 to index
        %parallel_loop3A_1154 = arith.index_cast %parallel_loop3A_1148 : i32 to index
        %parallel_loop3A_1155 = tpu.vector_load %arg13[%parallel_loop3A_1153, %parallel_loop3A_1154] {strides = array<i32>} : memref<8x1024xf32, #tpu.memory_space<vmem>>, vector<1x16xf32>,
        %parallel_loop3A_1156 = vector.shape_cast %parallel_loop3A_1155 : vector<1x16xf32> to vector<16xf32>
        %parallel_loop3A_1157 = arith.addf %parallel_loop3A_1156, %parallel_loop3A_1152 : vector<16xf32>
        %parallel_loop3A_1158 = arith.index_cast %parallel_loop3A_1144 : i32 to index
        %parallel_loop3A_1159 = arith.index_cast %parallel_loop3A_1148 : i32 to index
        %parallel_loop3A_1160 = tpu.vector_load %arg13[%parallel_loop3A_1158, %parallel_loop3A_1159] {strides = array<i32>} : memref<8x1024xf32, #tpu.memory_space<vmem>>, vector<1x16xf32>,
        %parallel_loop3A_1161 = vector.shape_cast %parallel_loop3A_1160 : vector<1x16xf32> to vector<16xf32>
        %parallel_loop3A_1162 = vector.shape_cast %parallel_loop3A_1157 : vector<16xf32> to vector<1x16xf32>
        tpu.vector_store %arg13[%parallel_loop3A_1158, %parallel_loop3A_1159], %parallel_loop3A_1162 {strides = array<i32>} : memref<8x1024xf32, #tpu.memory_space<vmem>>, vector<1x16xf32>,
        %parallel_loop3A_1163 = arith.index_cast %parallel_loop3A_1144 : i32 to index
        %parallel_loop3A_1164 = arith.index_cast %parallel_loop3A_1148 : i32 to index
        %parallel_loop3A_1165 = tpu.vector_load %arg14[%parallel_loop3A_1163, %parallel_loop3A_1164] {strides = array<i32>} : memref<8x1024xf32, #tpu.memory_space<vmem>>, vector<1x16xf32>,
        %parallel_loop3A_1166 = vector.shape_cast %parallel_loop3A_1165 : vector<1x16xf32> to vector<16xf32>
        %parallel_loop3A_1167 = arith.addf %parallel_loop3A_1166, %parallel_loop3A_1152 : vector<16xf32>
        %parallel_loop3A_1168 = arith.index_cast %parallel_loop3A_1144 : i32 to index
        %parallel_loop3A_1169 = arith.index_cast %parallel_loop3A_1148 : i32 to index
        %parallel_loop3A_1170 = tpu.vector_load %arg14[%parallel_loop3A_1168, %parallel_loop3A_1169] {strides = array<i32>} : memref<8x1024xf32, #tpu.memory_space<vmem>>, vector<1x16xf32>,
        %parallel_loop3A_1171 = vector.shape_cast %parallel_loop3A_1170 : vector<1x16xf32> to vector<16xf32>
        %parallel_loop3A_1172 = vector.shape_cast %parallel_loop3A_1167 : vector<16xf32> to vector<1x16xf32>
        tpu.vector_store %arg14[%parallel_loop3A_1168, %parallel_loop3A_1169], %parallel_loop3A_1172 {strides = array<i32>} : memref<8x1024xf32, #tpu.memory_space<vmem>>, vector<1x16xf32>,
        %parallel_loop3A_1173 = arith.index_cast %parallel_loop3A_1144 : i32 to index
        %parallel_loop3A_1174 = arith.index_cast %parallel_loop3A_1148 : i32 to index
        %parallel_loop3A_1175 = tpu.vector_load %arg15[%parallel_loop3A_1173, %parallel_loop3A_1174] {strides = array<i32>} : memref<8x1024xf32, #tpu.memory_space<vmem>>, vector<1x16xf32>,
        %parallel_loop3A_1176 = vector.shape_cast %parallel_loop3A_1175 : vector<1x16xf32> to vector<16xf32>
        %parallel_loop3A_1177 = arith.addf %parallel_loop3A_1176, %parallel_loop3A_1152 : vector<16xf32>
        %parallel_loop3A_1178 = arith.index_cast %parallel_loop3A_1144 : i32 to index
        %parallel_loop3A_1179 = arith.index_cast %parallel_loop3A_1148 : i32 to index
        %parallel_loop3A_1180 = tpu.vector_load %arg15[%parallel_loop3A_1178, %parallel_loop3A_1179] {strides = array<i32>} : memref<8x1024xf32, #tpu.memory_space<vmem>>, vector<1x16xf32>,
        %parallel_loop3A_1181 = vector.shape_cast %parallel_loop3A_1180 : vector<1x16xf32> to vector<16xf32>
        %parallel_loop3A_1182 = vector.shape_cast %parallel_loop3A_1177 : vector<16xf32> to vector<1x16xf32>
        tpu.vector_store %arg15[%parallel_loop3A_1178, %parallel_loop3A_1179], %parallel_loop3A_1182 {strides = array<i32>} : memref<8x1024xf32, #tpu.memory_space<vmem>>, vector<1x16xf32>,
        %parallel_loop3A_1183 = arith.index_cast %parallel_loop3A_1144 : i32 to index
        %parallel_loop3A_1184 = arith.index_cast %parallel_loop3A_1148 : i32 to index
        %parallel_loop3A_1185 = tpu.vector_load %arg16[%parallel_loop3A_1183, %parallel_loop3A_1184] {strides = array<i32>} : memref<8x1024xf32, #tpu.memory_space<vmem>>, vector<1x16xf32>,
        %parallel_loop3A_1186 = vector.shape_cast %parallel_loop3A_1185 : vector<1x16xf32> to vector<16xf32>
        %parallel_loop3A_1187 = arith.addf %parallel_loop3A_1186, %parallel_loop3A_1152 : vector<16xf32>
        %parallel_loop3A_1188 = arith.index_cast %parallel_loop3A_1144 : i32 to index
        %parallel_loop3A_1189 = arith.index_cast %parallel_loop3A_1148 : i32 to index
        %parallel_loop3A_1190 = tpu.vector_load %arg16[%parallel_loop3A_1188, %parallel_loop3A_1189] {strides = array<i32>} : memref<8x1024xf32, #tpu.memory_space<vmem>>, vector<1x16xf32>,
        %parallel_loop3A_1191 = vector.shape_cast %parallel_loop3A_1190 : vector<1x16xf32> to vector<16xf32>
        %parallel_loop3A_1192 = vector.shape_cast %parallel_loop3A_1187 : vector<16xf32> to vector<1x16xf32>
        tpu.vector_store %arg16[%parallel_loop3A_1188, %parallel_loop3A_1189], %parallel_loop3A_1192 {strides = array<i32>} : memref<8x1024xf32, #tpu.memory_space<vmem>>, vector<1x16xf32>,
      } {sc.loop_unroll_factor = 4 : i64, sc.parallel_access}
    } {sc.loop_unroll_factor = 1 : i64, sc.parallel_access}
    %add3A_775 = arith.constant 0 : i32
    %add3A_776 = arith.addi %add3A_775, %mul3A_2 : i32
    %add3A_777 = arith.constant 32 : i32
    %add3A_778 = arith.addi %add3A_776, %add3A_777 : i32
    %dma_start3A_779 = arith.constant 0 : i32
    %dma_start3A_780 = tpu.memref_slice %arg5[%add3A_778, %dma_start3A_779] : memref<8192x1024xf32, #tpu.memory_space<hbm>> -> memref<8x1024xf32, #tpu.memory_space<hbm>>
    %dma_start3A_781 = arith.constant 0 : i32
    %dma_start3A_782 = tpu.memref_slice %arg5[%add3A_778, %dma_start3A_781] : memref<8192x1024xf32, #tpu.memory_space<hbm>> -> memref<8x1024xf32, #tpu.memory_space<hbm>>
    tpu.enqueue_dma source(%arg13 : memref<8x1024xf32, #tpu.memory_space<vmem>>) target(%dma_start3A_782 : memref<8x1024xf32, #tpu.memory_space<hbm>>) target_semaphore(%arg39 : memref<!tpu.dma_semaphore, #tpu.memory_space<semaphore_mem>>)
    %add3A_783 = arith.constant 2048 : i32
    %add3A_784 = arith.addi %add3A_783, %mul3A_2 : i32
    %add3A_785 = arith.constant 32 : i32
    %add3A_786 = arith.addi %add3A_784, %add3A_785 : i32
    %dma_start3A_787 = arith.constant 0 : i32
    %dma_start3A_788 = tpu.memref_slice %arg5[%add3A_786, %dma_start3A_787] : memref<8192x1024xf32, #tpu.memory_space<hbm>> -> memref<8x1024xf32, #tpu.memory_space<hbm>>
    %dma_start3A_789 = arith.constant 0 : i32
    %dma_start3A_790 = tpu.memref_slice %arg5[%add3A_786, %dma_start3A_789] : memref<8192x1024xf32, #tpu.memory_space<hbm>> -> memref<8x1024xf32, #tpu.memory_space<hbm>>
    tpu.enqueue_dma source(%arg14 : memref<8x1024xf32, #tpu.memory_space<vmem>>) target(%dma_start3A_790 : memref<8x1024xf32, #tpu.memory_space<hbm>>) target_semaphore(%arg40 : memref<!tpu.dma_semaphore, #tpu.memory_space<semaphore_mem>>)
    %add3A_791 = arith.constant 4096 : i32
    %add3A_792 = arith.addi %add3A_791, %mul3A_2 : i32
    %add3A_793 = arith.constant 32 : i32
    %add3A_794 = arith.addi %add3A_792, %add3A_793 : i32
    %dma_start3A_795 = arith.constant 0 : i32
    %dma_start3A_796 = tpu.memref_slice %arg5[%add3A_794, %dma_start3A_795] : memref<8192x1024xf32, #tpu.memory_space<hbm>> -> memref<8x1024xf32, #tpu.memory_space<hbm>>
    %dma_start3A_797 = arith.constant 0 : i32
    %dma_start3A_798 = tpu.memref_slice %arg5[%add3A_794, %dma_start3A_797] : memref<8192x1024xf32, #tpu.memory_space<hbm>> -> memref<8x1024xf32, #tpu.memory_space<hbm>>
    tpu.enqueue_dma source(%arg15 : memref<8x1024xf32, #tpu.memory_space<vmem>>) target(%dma_start3A_798 : memref<8x1024xf32, #tpu.memory_space<hbm>>) target_semaphore(%arg41 : memref<!tpu.dma_semaphore, #tpu.memory_space<semaphore_mem>>)
    %add3A_799 = arith.constant 6144 : i32
    %add3A_800 = arith.addi %add3A_799, %mul3A_2 : i32
    %add3A_801 = arith.constant 32 : i32
    %add3A_802 = arith.addi %add3A_800, %add3A_801 : i32
    %dma_start3A_803 = arith.constant 0 : i32
    %dma_start3A_804 = tpu.memref_slice %arg5[%add3A_802, %dma_start3A_803] : memref<8192x1024xf32, #tpu.memory_space<hbm>> -> memref<8x1024xf32, #tpu.memory_space<hbm>>
    %dma_start3A_805 = arith.constant 0 : i32
    %dma_start3A_806 = tpu.memref_slice %arg5[%add3A_802, %dma_start3A_805] : memref<8192x1024xf32, #tpu.memory_space<hbm>> -> memref<8x1024xf32, #tpu.memory_space<hbm>>
    tpu.enqueue_dma source(%arg16 : memref<8x1024xf32, #tpu.memory_space<vmem>>) target(%dma_start3A_806 : memref<8x1024xf32, #tpu.memory_space<hbm>>) target_semaphore(%arg42 : memref<!tpu.dma_semaphore, #tpu.memory_space<semaphore_mem>>)
    %dma_wait3A_807 = arith.constant 0 : i32
    %dma_wait3A_808 = tpu.memref_slice %arg4[%add3A_679, %dma_wait3A_807] : memref<2048x1024xf32, #tpu.memory_space<hbm>> -> memref<8x1024xf32, #tpu.memory_space<hbm>>
    %dma_wait3A_809 = arith.constant 0 : i32
    %dma_wait3A_810 = tpu.memref_slice %arg4[%add3A_679, %dma_wait3A_809] : memref<2048x1024xf32, #tpu.memory_space<hbm>> -> memref<8x1024xf32, #tpu.memory_space<hbm>>
    tpu.wait_dma2 semaphore(%arg22 : memref<!tpu.dma_semaphore, #tpu.memory_space<semaphore_mem>>) src(%dma_wait3A_810 : memref<8x1024xf32, #tpu.memory_space<hbm>>) dst(%arg8 : memref<8x1024xf32, #tpu.memory_space<vmem>>)
    %add3A_811 = arith.constant 48 : i32
    %add3A_812 = arith.addi %mul3A_2, %add3A_811 : i32
    %dma_start3A_813 = arith.constant 0 : i32
    %dma_start3A_814 = tpu.memref_slice %arg4[%add3A_812, %dma_start3A_813] : memref<2048x1024xf32, #tpu.memory_space<hbm>> -> memref<8x1024xf32, #tpu.memory_space<hbm>>
    %dma_start3A_815 = arith.constant 0 : i32
    %dma_start3A_816 = tpu.memref_slice %arg4[%add3A_812, %dma_start3A_815] : memref<2048x1024xf32, #tpu.memory_space<hbm>> -> memref<8x1024xf32, #tpu.memory_space<hbm>>
    tpu.enqueue_dma source(%dma_start3A_816 : memref<8x1024xf32, #tpu.memory_space<hbm>>) target(%arg7 : memref<8x1024xf32, #tpu.memory_space<vmem>>) target_semaphore(%arg21 : memref<!tpu.dma_semaphore, #tpu.memory_space<semaphore_mem>>)
    %dma_wait3A_817 = arith.constant 0 : i32
    %dma_wait3A_818 = arith.constant 0 : i32
    %dma_wait3A_819 = tpu.memref_slice %arg6[%dma_wait3A_817, %dma_wait3A_818] : memref<4x64xi32, #tpu.memory_space<vmem>> -> memref<1x64xi32, #tpu.memory_space<vmem>>
    %dma_wait3A_820 = tpu.memref_squeeze %dma_wait3A_819 : memref<1x64xi32, #tpu.memory_space<vmem>> -> memref<64xi32, #tpu.memory_space<vmem>>
    %dma_wait3A_821 = arith.constant 40 : i32
    %dma_wait3A_822 = tpu.memref_slice %dma_wait3A_820[%dma_wait3A_821] : memref<64xi32, #tpu.memory_space<vmem>> -> memref<8xi32, #tpu.memory_space<vmem>>
    %dma_wait3A_823 = arith.constant 0 : i32
    %dma_wait3A_824 = arith.constant 0 : i32
    %dma_wait3A_825 = tpu.memref_slice %arg3[%dma_wait3A_823, %dma_wait3A_824] : memref<100000x1024xf32, #tpu.memory_space<hbm>> -> memref<100000x1024xf32, #tpu.memory_space<hbm>>
    tpu.wait_indirect_dma semaphore(%arg31 : memref<!tpu.dma_semaphore, #tpu.memory_space<semaphore_mem>>) src(%dma_wait3A_825 : memref<100000x1024xf32, #tpu.memory_space<hbm>>) dst(%arg17 : memref<8x1024xf32, #tpu.memory_space<vmem>>)
    %dma_wait3A_826 = arith.constant 1 : i32
    %dma_wait3A_827 = arith.constant 0 : i32
    %dma_wait3A_828 = tpu.memref_slice %arg6[%dma_wait3A_826, %dma_wait3A_827] : memref<4x64xi32, #tpu.memory_space<vmem>> -> memref<1x64xi32, #tpu.memory_space<vmem>>
    %dma_wait3A_829 = tpu.memref_squeeze %dma_wait3A_828 : memref<1x64xi32, #tpu.memory_space<vmem>> -> memref<64xi32, #tpu.memory_space<vmem>>
    %dma_wait3A_830 = arith.constant 40 : i32
    %dma_wait3A_831 = tpu.memref_slice %dma_wait3A_829[%dma_wait3A_830] : memref<64xi32, #tpu.memory_space<vmem>> -> memref<8xi32, #tpu.memory_space<vmem>>
    %dma_wait3A_832 = arith.constant 0 : i32
    %dma_wait3A_833 = arith.constant 0 : i32
    %dma_wait3A_834 = tpu.memref_slice %arg3[%dma_wait3A_832, %dma_wait3A_833] : memref<100000x1024xf32, #tpu.memory_space<hbm>> -> memref<100000x1024xf32, #tpu.memory_space<hbm>>
    tpu.wait_indirect_dma semaphore(%arg32 : memref<!tpu.dma_semaphore, #tpu.memory_space<semaphore_mem>>) src(%dma_wait3A_834 : memref<100000x1024xf32, #tpu.memory_space<hbm>>) dst(%arg18 : memref<8x1024xf32, #tpu.memory_space<vmem>>)
    %dma_wait3A_835 = arith.constant 2 : i32
    %dma_wait3A_836 = arith.constant 0 : i32
    %dma_wait3A_837 = tpu.memref_slice %arg6[%dma_wait3A_835, %dma_wait3A_836] : memref<4x64xi32, #tpu.memory_space<vmem>> -> memref<1x64xi32, #tpu.memory_space<vmem>>
    %dma_wait3A_838 = tpu.memref_squeeze %dma_wait3A_837 : memref<1x64xi32, #tpu.memory_space<vmem>> -> memref<64xi32, #tpu.memory_space<vmem>>
    %dma_wait3A_839 = arith.constant 40 : i32
    %dma_wait3A_840 = tpu.memref_slice %dma_wait3A_838[%dma_wait3A_839] : memref<64xi32, #tpu.memory_space<vmem>> -> memref<8xi32, #tpu.memory_space<vmem>>
    %dma_wait3A_841 = arith.constant 0 : i32
    %dma_wait3A_842 = arith.constant 0 : i32
    %dma_wait3A_843 = tpu.memref_slice %arg3[%dma_wait3A_841, %dma_wait3A_842] : memref<100000x1024xf32, #tpu.memory_space<hbm>> -> memref<100000x1024xf32, #tpu.memory_space<hbm>>
    tpu.wait_indirect_dma semaphore(%arg33 : memref<!tpu.dma_semaphore, #tpu.memory_space<semaphore_mem>>) src(%dma_wait3A_843 : memref<100000x1024xf32, #tpu.memory_space<hbm>>) dst(%arg19 : memref<8x1024xf32, #tpu.memory_space<vmem>>)
    %dma_wait3A_844 = arith.constant 3 : i32
    %dma_wait3A_845 = arith.constant 0 : i32
    %dma_wait3A_846 = tpu.memref_slice %arg6[%dma_wait3A_844, %dma_wait3A_845] : memref<4x64xi32, #tpu.memory_space<vmem>> -> memref<1x64xi32, #tpu.memory_space<vmem>>
    %dma_wait3A_847 = tpu.memref_squeeze %dma_wait3A_846 : memref<1x64xi32, #tpu.memory_space<vmem>> -> memref<64xi32, #tpu.memory_space<vmem>>
    %dma_wait3A_848 = arith.constant 40 : i32
    %dma_wait3A_849 = tpu.memref_slice %dma_wait3A_847[%dma_wait3A_848] : memref<64xi32, #tpu.memory_space<vmem>> -> memref<8xi32, #tpu.memory_space<vmem>>
    %dma_wait3A_850 = arith.constant 0 : i32
    %dma_wait3A_851 = arith.constant 0 : i32
    %dma_wait3A_852 = tpu.memref_slice %arg3[%dma_wait3A_850, %dma_wait3A_851] : memref<100000x1024xf32, #tpu.memory_space<hbm>> -> memref<100000x1024xf32, #tpu.memory_space<hbm>>
    tpu.wait_indirect_dma semaphore(%arg34 : memref<!tpu.dma_semaphore, #tpu.memory_space<semaphore_mem>>) src(%dma_wait3A_852 : memref<100000x1024xf32, #tpu.memory_space<hbm>>) dst(%arg20 : memref<8x1024xf32, #tpu.memory_space<vmem>>)
    %dma_wait3A_853 = arith.constant 0 : i32
    %dma_wait3A_854 = tpu.memref_slice %arg5[%add3A_778, %dma_wait3A_853] : memref<8192x1024xf32, #tpu.memory_space<hbm>> -> memref<8x1024xf32, #tpu.memory_space<hbm>>
    %dma_wait3A_855 = arith.constant 0 : i32
    %dma_wait3A_856 = tpu.memref_slice %arg5[%add3A_778, %dma_wait3A_855] : memref<8192x1024xf32, #tpu.memory_space<hbm>> -> memref<8x1024xf32, #tpu.memory_space<hbm>>
    tpu.wait_dma2 semaphore(%arg39 : memref<!tpu.dma_semaphore, #tpu.memory_space<semaphore_mem>>) src(%arg13 : memref<8x1024xf32, #tpu.memory_space<vmem>>) dst(%dma_wait3A_856 : memref<8x1024xf32, #tpu.memory_space<hbm>>)
    %dma_start3A_857 = arith.constant 0 : i32
    %dma_start3A_858 = arith.constant 0 : i32
    %dma_start3A_859 = tpu.memref_slice %arg6[%dma_start3A_857, %dma_start3A_858] : memref<4x64xi32, #tpu.memory_space<vmem>> -> memref<1x64xi32, #tpu.memory_space<vmem>>
    %dma_start3A_860 = tpu.memref_squeeze %dma_start3A_859 : memref<1x64xi32, #tpu.memory_space<vmem>> -> memref<64xi32, #tpu.memory_space<vmem>>
    %dma_start3A_861 = arith.constant 56 : i32
    %dma_start3A_862 = tpu.memref_slice %dma_start3A_860[%dma_start3A_861] : memref<64xi32, #tpu.memory_space<vmem>> -> memref<8xi32, #tpu.memory_space<vmem>>
    %dma_start3A_863 = arith.constant 0 : i32
    %dma_start3A_864 = arith.constant 0 : i32
    %dma_start3A_865 = tpu.memref_slice %arg3[%dma_start3A_863, %dma_start3A_864] : memref<100000x1024xf32, #tpu.memory_space<hbm>> -> memref<100000x1024xf32, #tpu.memory_space<hbm>>
    tpu.enqueue_indirect_dma source(%dma_start3A_865 : memref<100000x1024xf32, #tpu.memory_space<hbm>>) target(%arg13 : memref<8x1024xf32, #tpu.memory_space<vmem>>) offsets(%dma_start3A_862 : memref<8xi32, #tpu.memory_space<vmem>>) semaphore(%arg27 : memref<!tpu.dma_semaphore, #tpu.memory_space<semaphore_mem>>)
    %dma_wait3A_866 = arith.constant 0 : i32
    %dma_wait3A_867 = tpu.memref_slice %arg5[%add3A_786, %dma_wait3A_866] : memref<8192x1024xf32, #tpu.memory_space<hbm>> -> memref<8x1024xf32, #tpu.memory_space<hbm>>
    %dma_wait3A_868 = arith.constant 0 : i32
    %dma_wait3A_869 = tpu.memref_slice %arg5[%add3A_786, %dma_wait3A_868] : memref<8192x1024xf32, #tpu.memory_space<hbm>> -> memref<8x1024xf32, #tpu.memory_space<hbm>>
    tpu.wait_dma2 semaphore(%arg40 : memref<!tpu.dma_semaphore, #tpu.memory_space<semaphore_mem>>) src(%arg14 : memref<8x1024xf32, #tpu.memory_space<vmem>>) dst(%dma_wait3A_869 : memref<8x1024xf32, #tpu.memory_space<hbm>>)
    %dma_start3A_870 = arith.constant 1 : i32
    %dma_start3A_871 = arith.constant 0 : i32
    %dma_start3A_872 = tpu.memref_slice %arg6[%dma_start3A_870, %dma_start3A_871] : memref<4x64xi32, #tpu.memory_space<vmem>> -> memref<1x64xi32, #tpu.memory_space<vmem>>
    %dma_start3A_873 = tpu.memref_squeeze %dma_start3A_872 : memref<1x64xi32, #tpu.memory_space<vmem>> -> memref<64xi32, #tpu.memory_space<vmem>>
    %dma_start3A_874 = arith.constant 56 : i32
    %dma_start3A_875 = tpu.memref_slice %dma_start3A_873[%dma_start3A_874] : memref<64xi32, #tpu.memory_space<vmem>> -> memref<8xi32, #tpu.memory_space<vmem>>
    %dma_start3A_876 = arith.constant 0 : i32
    %dma_start3A_877 = arith.constant 0 : i32
    %dma_start3A_878 = tpu.memref_slice %arg3[%dma_start3A_876, %dma_start3A_877] : memref<100000x1024xf32, #tpu.memory_space<hbm>> -> memref<100000x1024xf32, #tpu.memory_space<hbm>>
    tpu.enqueue_indirect_dma source(%dma_start3A_878 : memref<100000x1024xf32, #tpu.memory_space<hbm>>) target(%arg14 : memref<8x1024xf32, #tpu.memory_space<vmem>>) offsets(%dma_start3A_875 : memref<8xi32, #tpu.memory_space<vmem>>) semaphore(%arg28 : memref<!tpu.dma_semaphore, #tpu.memory_space<semaphore_mem>>)
    %dma_wait3A_879 = arith.constant 0 : i32
    %dma_wait3A_880 = tpu.memref_slice %arg5[%add3A_794, %dma_wait3A_879] : memref<8192x1024xf32, #tpu.memory_space<hbm>> -> memref<8x1024xf32, #tpu.memory_space<hbm>>
    %dma_wait3A_881 = arith.constant 0 : i32
    %dma_wait3A_882 = tpu.memref_slice %arg5[%add3A_794, %dma_wait3A_881] : memref<8192x1024xf32, #tpu.memory_space<hbm>> -> memref<8x1024xf32, #tpu.memory_space<hbm>>
    tpu.wait_dma2 semaphore(%arg41 : memref<!tpu.dma_semaphore, #tpu.memory_space<semaphore_mem>>) src(%arg15 : memref<8x1024xf32, #tpu.memory_space<vmem>>) dst(%dma_wait3A_882 : memref<8x1024xf32, #tpu.memory_space<hbm>>)
    %dma_start3A_883 = arith.constant 2 : i32
    %dma_start3A_884 = arith.constant 0 : i32
    %dma_start3A_885 = tpu.memref_slice %arg6[%dma_start3A_883, %dma_start3A_884] : memref<4x64xi32, #tpu.memory_space<vmem>> -> memref<1x64xi32, #tpu.memory_space<vmem>>
    %dma_start3A_886 = tpu.memref_squeeze %dma_start3A_885 : memref<1x64xi32, #tpu.memory_space<vmem>> -> memref<64xi32, #tpu.memory_space<vmem>>
    %dma_start3A_887 = arith.constant 56 : i32
    %dma_start3A_888 = tpu.memref_slice %dma_start3A_886[%dma_start3A_887] : memref<64xi32, #tpu.memory_space<vmem>> -> memref<8xi32, #tpu.memory_space<vmem>>
    %dma_start3A_889 = arith.constant 0 : i32
    %dma_start3A_890 = arith.constant 0 : i32
    %dma_start3A_891 = tpu.memref_slice %arg3[%dma_start3A_889, %dma_start3A_890] : memref<100000x1024xf32, #tpu.memory_space<hbm>> -> memref<100000x1024xf32, #tpu.memory_space<hbm>>
    tpu.enqueue_indirect_dma source(%dma_start3A_891 : memref<100000x1024xf32, #tpu.memory_space<hbm>>) target(%arg15 : memref<8x1024xf32, #tpu.memory_space<vmem>>) offsets(%dma_start3A_888 : memref<8xi32, #tpu.memory_space<vmem>>) semaphore(%arg29 : memref<!tpu.dma_semaphore, #tpu.memory_space<semaphore_mem>>)
    %dma_wait3A_892 = arith.constant 0 : i32
    %dma_wait3A_893 = tpu.memref_slice %arg5[%add3A_802, %dma_wait3A_892] : memref<8192x1024xf32, #tpu.memory_space<hbm>> -> memref<8x1024xf32, #tpu.memory_space<hbm>>
    %dma_wait3A_894 = arith.constant 0 : i32
    %dma_wait3A_895 = tpu.memref_slice %arg5[%add3A_802, %dma_wait3A_894] : memref<8192x1024xf32, #tpu.memory_space<hbm>> -> memref<8x1024xf32, #tpu.memory_space<hbm>>
    tpu.wait_dma2 semaphore(%arg42 : memref<!tpu.dma_semaphore, #tpu.memory_space<semaphore_mem>>) src(%arg16 : memref<8x1024xf32, #tpu.memory_space<vmem>>) dst(%dma_wait3A_895 : memref<8x1024xf32, #tpu.memory_space<hbm>>)
    %dma_start3A_896 = arith.constant 3 : i32
    %dma_start3A_897 = arith.constant 0 : i32
    %dma_start3A_898 = tpu.memref_slice %arg6[%dma_start3A_896, %dma_start3A_897] : memref<4x64xi32, #tpu.memory_space<vmem>> -> memref<1x64xi32, #tpu.memory_space<vmem>>
    %dma_start3A_899 = tpu.memref_squeeze %dma_start3A_898 : memref<1x64xi32, #tpu.memory_space<vmem>> -> memref<64xi32, #tpu.memory_space<vmem>>
    %dma_start3A_900 = arith.constant 56 : i32
    %dma_start3A_901 = tpu.memref_slice %dma_start3A_899[%dma_start3A_900] : memref<64xi32, #tpu.memory_space<vmem>> -> memref<8xi32, #tpu.memory_space<vmem>>
    %dma_start3A_902 = arith.constant 0 : i32
    %dma_start3A_903 = arith.constant 0 : i32
    %dma_start3A_904 = tpu.memref_slice %arg3[%dma_start3A_902, %dma_start3A_903] : memref<100000x1024xf32, #tpu.memory_space<hbm>> -> memref<100000x1024xf32, #tpu.memory_space<hbm>>
    tpu.enqueue_indirect_dma source(%dma_start3A_904 : memref<100000x1024xf32, #tpu.memory_space<hbm>>) target(%arg16 : memref<8x1024xf32, #tpu.memory_space<vmem>>) offsets(%dma_start3A_901 : memref<8xi32, #tpu.memory_space<vmem>>) semaphore(%arg30 : memref<!tpu.dma_semaphore, #tpu.memory_space<semaphore_mem>>)
    %parallel_loop3A_905 = arith.constant 0 : i32
    %parallel_loop3A_906 = arith.constant 8 : i32
    %parallel_loop3A_907 = arith.constant 1 : i32
    scf.for %parallel_loop3A_1144 = %parallel_loop3A_905 to %parallel_loop3A_906 step %parallel_loop3A_907  : i32 {
      %parallel_loop3A_1145 = arith.constant 0 : i32
      %parallel_loop3A_1146 = arith.constant 1024 : i32
      %parallel_loop3A_1147 = arith.constant 16 : i32
      scf.for %parallel_loop3A_1148 = %parallel_loop3A_1145 to %parallel_loop3A_1146 step %parallel_loop3A_1147  : i32 {
        %parallel_loop3A_1149 = arith.index_cast %parallel_loop3A_1144 : i32 to index
        %parallel_loop3A_1150 = arith.index_cast %parallel_loop3A_1148 : i32 to index
        %parallel_loop3A_1151 = tpu.vector_load %arg8[%parallel_loop3A_1149, %parallel_loop3A_1150] {strides = array<i32>} : memref<8x1024xf32, #tpu.memory_space<vmem>>, vector<1x16xf32>,
        %parallel_loop3A_1152 = vector.shape_cast %parallel_loop3A_1151 : vector<1x16xf32> to vector<16xf32>
        %parallel_loop3A_1153 = arith.index_cast %parallel_loop3A_1144 : i32 to index
        %parallel_loop3A_1154 = arith.index_cast %parallel_loop3A_1148 : i32 to index
        %parallel_loop3A_1155 = tpu.vector_load %arg17[%parallel_loop3A_1153, %parallel_loop3A_1154] {strides = array<i32>} : memref<8x1024xf32, #tpu.memory_space<vmem>>, vector<1x16xf32>,
        %parallel_loop3A_1156 = vector.shape_cast %parallel_loop3A_1155 : vector<1x16xf32> to vector<16xf32>
        %parallel_loop3A_1157 = arith.addf %parallel_loop3A_1156, %parallel_loop3A_1152 : vector<16xf32>
        %parallel_loop3A_1158 = arith.index_cast %parallel_loop3A_1144 : i32 to index
        %parallel_loop3A_1159 = arith.index_cast %parallel_loop3A_1148 : i32 to index
        %parallel_loop3A_1160 = tpu.vector_load %arg17[%parallel_loop3A_1158, %parallel_loop3A_1159] {strides = array<i32>} : memref<8x1024xf32, #tpu.memory_space<vmem>>, vector<1x16xf32>,
        %parallel_loop3A_1161 = vector.shape_cast %parallel_loop3A_1160 : vector<1x16xf32> to vector<16xf32>
        %parallel_loop3A_1162 = vector.shape_cast %parallel_loop3A_1157 : vector<16xf32> to vector<1x16xf32>
        tpu.vector_store %arg17[%parallel_loop3A_1158, %parallel_loop3A_1159], %parallel_loop3A_1162 {strides = array<i32>} : memref<8x1024xf32, #tpu.memory_space<vmem>>, vector<1x16xf32>,
        %parallel_loop3A_1163 = arith.index_cast %parallel_loop3A_1144 : i32 to index
        %parallel_loop3A_1164 = arith.index_cast %parallel_loop3A_1148 : i32 to index
        %parallel_loop3A_1165 = tpu.vector_load %arg18[%parallel_loop3A_1163, %parallel_loop3A_1164] {strides = array<i32>} : memref<8x1024xf32, #tpu.memory_space<vmem>>, vector<1x16xf32>,
        %parallel_loop3A_1166 = vector.shape_cast %parallel_loop3A_1165 : vector<1x16xf32> to vector<16xf32>
        %parallel_loop3A_1167 = arith.addf %parallel_loop3A_1166, %parallel_loop3A_1152 : vector<16xf32>
        %parallel_loop3A_1168 = arith.index_cast %parallel_loop3A_1144 : i32 to index
        %parallel_loop3A_1169 = arith.index_cast %parallel_loop3A_1148 : i32 to index
        %parallel_loop3A_1170 = tpu.vector_load %arg18[%parallel_loop3A_1168, %parallel_loop3A_1169] {strides = array<i32>} : memref<8x1024xf32, #tpu.memory_space<vmem>>, vector<1x16xf32>,
        %parallel_loop3A_1171 = vector.shape_cast %parallel_loop3A_1170 : vector<1x16xf32> to vector<16xf32>
        %parallel_loop3A_1172 = vector.shape_cast %parallel_loop3A_1167 : vector<16xf32> to vector<1x16xf32>
        tpu.vector_store %arg18[%parallel_loop3A_1168, %parallel_loop3A_1169], %parallel_loop3A_1172 {strides = array<i32>} : memref<8x1024xf32, #tpu.memory_space<vmem>>, vector<1x16xf32>,
        %parallel_loop3A_1173 = arith.index_cast %parallel_loop3A_1144 : i32 to index
        %parallel_loop3A_1174 = arith.index_cast %parallel_loop3A_1148 : i32 to index
        %parallel_loop3A_1175 = tpu.vector_load %arg19[%parallel_loop3A_1173, %parallel_loop3A_1174] {strides = array<i32>} : memref<8x1024xf32, #tpu.memory_space<vmem>>, vector<1x16xf32>,
        %parallel_loop3A_1176 = vector.shape_cast %parallel_loop3A_1175 : vector<1x16xf32> to vector<16xf32>
        %parallel_loop3A_1177 = arith.addf %parallel_loop3A_1176, %parallel_loop3A_1152 : vector<16xf32>
        %parallel_loop3A_1178 = arith.index_cast %parallel_loop3A_1144 : i32 to index
        %parallel_loop3A_1179 = arith.index_cast %parallel_loop3A_1148 : i32 to index
        %parallel_loop3A_1180 = tpu.vector_load %arg19[%parallel_loop3A_1178, %parallel_loop3A_1179] {strides = array<i32>} : memref<8x1024xf32, #tpu.memory_space<vmem>>, vector<1x16xf32>,
        %parallel_loop3A_1181 = vector.shape_cast %parallel_loop3A_1180 : vector<1x16xf32> to vector<16xf32>
        %parallel_loop3A_1182 = vector.shape_cast %parallel_loop3A_1177 : vector<16xf32> to vector<1x16xf32>
        tpu.vector_store %arg19[%parallel_loop3A_1178, %parallel_loop3A_1179], %parallel_loop3A_1182 {strides = array<i32>} : memref<8x1024xf32, #tpu.memory_space<vmem>>, vector<1x16xf32>,
        %parallel_loop3A_1183 = arith.index_cast %parallel_loop3A_1144 : i32 to index
        %parallel_loop3A_1184 = arith.index_cast %parallel_loop3A_1148 : i32 to index
        %parallel_loop3A_1185 = tpu.vector_load %arg20[%parallel_loop3A_1183, %parallel_loop3A_1184] {strides = array<i32>} : memref<8x1024xf32, #tpu.memory_space<vmem>>, vector<1x16xf32>,
        %parallel_loop3A_1186 = vector.shape_cast %parallel_loop3A_1185 : vector<1x16xf32> to vector<16xf32>
        %parallel_loop3A_1187 = arith.addf %parallel_loop3A_1186, %parallel_loop3A_1152 : vector<16xf32>
        %parallel_loop3A_1188 = arith.index_cast %parallel_loop3A_1144 : i32 to index
        %parallel_loop3A_1189 = arith.index_cast %parallel_loop3A_1148 : i32 to index
        %parallel_loop3A_1190 = tpu.vector_load %arg20[%parallel_loop3A_1188, %parallel_loop3A_1189] {strides = array<i32>} : memref<8x1024xf32, #tpu.memory_space<vmem>>, vector<1x16xf32>,
        %parallel_loop3A_1191 = vector.shape_cast %parallel_loop3A_1190 : vector<1x16xf32> to vector<16xf32>
        %parallel_loop3A_1192 = vector.shape_cast %parallel_loop3A_1187 : vector<16xf32> to vector<1x16xf32>
        tpu.vector_store %arg20[%parallel_loop3A_1188, %parallel_loop3A_1189], %parallel_loop3A_1192 {strides = array<i32>} : memref<8x1024xf32, #tpu.memory_space<vmem>>, vector<1x16xf32>,
      } {sc.loop_unroll_factor = 4 : i64, sc.parallel_access}
    } {sc.loop_unroll_factor = 1 : i64, sc.parallel_access}
    %add3A_908 = arith.constant 0 : i32
    %add3A_909 = arith.addi %add3A_908, %mul3A_2 : i32
    %add3A_910 = arith.constant 40 : i32
    %add3A_911 = arith.addi %add3A_909, %add3A_910 : i32
    %dma_start3A_912 = arith.constant 0 : i32
    %dma_start3A_913 = tpu.memref_slice %arg5[%add3A_911, %dma_start3A_912] : memref<8192x1024xf32, #tpu.memory_space<hbm>> -> memref<8x1024xf32, #tpu.memory_space<hbm>>
    %dma_start3A_914 = arith.constant 0 : i32
    %dma_start3A_915 = tpu.memref_slice %arg5[%add3A_911, %dma_start3A_914] : memref<8192x1024xf32, #tpu.memory_space<hbm>> -> memref<8x1024xf32, #tpu.memory_space<hbm>>
    tpu.enqueue_dma source(%arg17 : memref<8x1024xf32, #tpu.memory_space<vmem>>) target(%dma_start3A_915 : memref<8x1024xf32, #tpu.memory_space<hbm>>) target_semaphore(%arg43 : memref<!tpu.dma_semaphore, #tpu.memory_space<semaphore_mem>>)
    %add3A_916 = arith.constant 2048 : i32
    %add3A_917 = arith.addi %add3A_916, %mul3A_2 : i32
    %add3A_918 = arith.constant 40 : i32
    %add3A_919 = arith.addi %add3A_917, %add3A_918 : i32
    %dma_start3A_920 = arith.constant 0 : i32
    %dma_start3A_921 = tpu.memref_slice %arg5[%add3A_919, %dma_start3A_920] : memref<8192x1024xf32, #tpu.memory_space<hbm>> -> memref<8x1024xf32, #tpu.memory_space<hbm>>
    %dma_start3A_922 = arith.constant 0 : i32
    %dma_start3A_923 = tpu.memref_slice %arg5[%add3A_919, %dma_start3A_922] : memref<8192x1024xf32, #tpu.memory_space<hbm>> -> memref<8x1024xf32, #tpu.memory_space<hbm>>
    tpu.enqueue_dma source(%arg18 : memref<8x1024xf32, #tpu.memory_space<vmem>>) target(%dma_start3A_923 : memref<8x1024xf32, #tpu.memory_space<hbm>>) target_semaphore(%arg44 : memref<!tpu.dma_semaphore, #tpu.memory_space<semaphore_mem>>)
    %add3A_924 = arith.constant 4096 : i32
    %add3A_925 = arith.addi %add3A_924, %mul3A_2 : i32
    %add3A_926 = arith.constant 40 : i32
    %add3A_927 = arith.addi %add3A_925, %add3A_926 : i32
    %dma_start3A_928 = arith.constant 0 : i32
    %dma_start3A_929 = tpu.memref_slice %arg5[%add3A_927, %dma_start3A_928] : memref<8192x1024xf32, #tpu.memory_space<hbm>> -> memref<8x1024xf32, #tpu.memory_space<hbm>>
    %dma_start3A_930 = arith.constant 0 : i32
    %dma_start3A_931 = tpu.memref_slice %arg5[%add3A_927, %dma_start3A_930] : memref<8192x1024xf32, #tpu.memory_space<hbm>> -> memref<8x1024xf32, #tpu.memory_space<hbm>>
    tpu.enqueue_dma source(%arg19 : memref<8x1024xf32, #tpu.memory_space<vmem>>) target(%dma_start3A_931 : memref<8x1024xf32, #tpu.memory_space<hbm>>) target_semaphore(%arg45 : memref<!tpu.dma_semaphore, #tpu.memory_space<semaphore_mem>>)
    %add3A_932 = arith.constant 6144 : i32
    %add3A_933 = arith.addi %add3A_932, %mul3A_2 : i32
    %add3A_934 = arith.constant 40 : i32
    %add3A_935 = arith.addi %add3A_933, %add3A_934 : i32
    %dma_start3A_936 = arith.constant 0 : i32
    %dma_start3A_937 = tpu.memref_slice %arg5[%add3A_935, %dma_start3A_936] : memref<8192x1024xf32, #tpu.memory_space<hbm>> -> memref<8x1024xf32, #tpu.memory_space<hbm>>
    %dma_start3A_938 = arith.constant 0 : i32
    %dma_start3A_939 = tpu.memref_slice %arg5[%add3A_935, %dma_start3A_938] : memref<8192x1024xf32, #tpu.memory_space<hbm>> -> memref<8x1024xf32, #tpu.memory_space<hbm>>
    tpu.enqueue_dma source(%arg20 : memref<8x1024xf32, #tpu.memory_space<vmem>>) target(%dma_start3A_939 : memref<8x1024xf32, #tpu.memory_space<hbm>>) target_semaphore(%arg46 : memref<!tpu.dma_semaphore, #tpu.memory_space<semaphore_mem>>)
    %dma_wait3A_940 = arith.constant 0 : i32
    %dma_wait3A_941 = tpu.memref_slice %arg4[%add3A_812, %dma_wait3A_940] : memref<2048x1024xf32, #tpu.memory_space<hbm>> -> memref<8x1024xf32, #tpu.memory_space<hbm>>
    %dma_wait3A_942 = arith.constant 0 : i32
    %dma_wait3A_943 = tpu.memref_slice %arg4[%add3A_812, %dma_wait3A_942] : memref<2048x1024xf32, #tpu.memory_space<hbm>> -> memref<8x1024xf32, #tpu.memory_space<hbm>>
    tpu.wait_dma2 semaphore(%arg21 : memref<!tpu.dma_semaphore, #tpu.memory_space<semaphore_mem>>) src(%dma_wait3A_943 : memref<8x1024xf32, #tpu.memory_space<hbm>>) dst(%arg7 : memref<8x1024xf32, #tpu.memory_space<vmem>>)
    %add3A_944 = arith.constant 56 : i32
    %add3A_945 = arith.addi %mul3A_2, %add3A_944 : i32
    %dma_start3A_946 = arith.constant 0 : i32
    %dma_start3A_947 = tpu.memref_slice %arg4[%add3A_945, %dma_start3A_946] : memref<2048x1024xf32, #tpu.memory_space<hbm>> -> memref<8x1024xf32, #tpu.memory_space<hbm>>
    %dma_start3A_948 = arith.constant 0 : i32
    %dma_start3A_949 = tpu.memref_slice %arg4[%add3A_945, %dma_start3A_948] : memref<2048x1024xf32, #tpu.memory_space<hbm>> -> memref<8x1024xf32, #tpu.memory_space<hbm>>
    tpu.enqueue_dma source(%dma_start3A_949 : memref<8x1024xf32, #tpu.memory_space<hbm>>) target(%arg8 : memref<8x1024xf32, #tpu.memory_space<vmem>>) target_semaphore(%arg22 : memref<!tpu.dma_semaphore, #tpu.memory_space<semaphore_mem>>)
    %dma_wait3A_950 = arith.constant 0 : i32
    %dma_wait3A_951 = arith.constant 0 : i32
    %dma_wait3A_952 = tpu.memref_slice %arg6[%dma_wait3A_950, %dma_wait3A_951] : memref<4x64xi32, #tpu.memory_space<vmem>> -> memref<1x64xi32, #tpu.memory_space<vmem>>
    %dma_wait3A_953 = tpu.memref_squeeze %dma_wait3A_952 : memref<1x64xi32, #tpu.memory_space<vmem>> -> memref<64xi32, #tpu.memory_space<vmem>>
    %dma_wait3A_954 = arith.constant 48 : i32
    %dma_wait3A_955 = tpu.memref_slice %dma_wait3A_953[%dma_wait3A_954] : memref<64xi32, #tpu.memory_space<vmem>> -> memref<8xi32, #tpu.memory_space<vmem>>
    %dma_wait3A_956 = arith.constant 0 : i32
    %dma_wait3A_957 = arith.constant 0 : i32
    %dma_wait3A_958 = tpu.memref_slice %arg3[%dma_wait3A_956, %dma_wait3A_957] : memref<100000x1024xf32, #tpu.memory_space<hbm>> -> memref<100000x1024xf32, #tpu.memory_space<hbm>>
    tpu.wait_indirect_dma semaphore(%arg23 : memref<!tpu.dma_semaphore, #tpu.memory_space<semaphore_mem>>) src(%dma_wait3A_958 : memref<100000x1024xf32, #tpu.memory_space<hbm>>) dst(%arg9 : memref<8x1024xf32, #tpu.memory_space<vmem>>)
    %dma_wait3A_959 = arith.constant 1 : i32
    %dma_wait3A_960 = arith.constant 0 : i32
    %dma_wait3A_961 = tpu.memref_slice %arg6[%dma_wait3A_959, %dma_wait3A_960] : memref<4x64xi32, #tpu.memory_space<vmem>> -> memref<1x64xi32, #tpu.memory_space<vmem>>
    %dma_wait3A_962 = tpu.memref_squeeze %dma_wait3A_961 : memref<1x64xi32, #tpu.memory_space<vmem>> -> memref<64xi32, #tpu.memory_space<vmem>>
    %dma_wait3A_963 = arith.constant 48 : i32
    %dma_wait3A_964 = tpu.memref_slice %dma_wait3A_962[%dma_wait3A_963] : memref<64xi32, #tpu.memory_space<vmem>> -> memref<8xi32, #tpu.memory_space<vmem>>
    %dma_wait3A_965 = arith.constant 0 : i32
    %dma_wait3A_966 = arith.constant 0 : i32
    %dma_wait3A_967 = tpu.memref_slice %arg3[%dma_wait3A_965, %dma_wait3A_966] : memref<100000x1024xf32, #tpu.memory_space<hbm>> -> memref<100000x1024xf32, #tpu.memory_space<hbm>>
    tpu.wait_indirect_dma semaphore(%arg24 : memref<!tpu.dma_semaphore, #tpu.memory_space<semaphore_mem>>) src(%dma_wait3A_967 : memref<100000x1024xf32, #tpu.memory_space<hbm>>) dst(%arg10 : memref<8x1024xf32, #tpu.memory_space<vmem>>)
    %dma_wait3A_968 = arith.constant 2 : i32
    %dma_wait3A_969 = arith.constant 0 : i32
    %dma_wait3A_970 = tpu.memref_slice %arg6[%dma_wait3A_968, %dma_wait3A_969] : memref<4x64xi32, #tpu.memory_space<vmem>> -> memref<1x64xi32, #tpu.memory_space<vmem>>
    %dma_wait3A_971 = tpu.memref_squeeze %dma_wait3A_970 : memref<1x64xi32, #tpu.memory_space<vmem>> -> memref<64xi32, #tpu.memory_space<vmem>>
    %dma_wait3A_972 = arith.constant 48 : i32
    %dma_wait3A_973 = tpu.memref_slice %dma_wait3A_971[%dma_wait3A_972] : memref<64xi32, #tpu.memory_space<vmem>> -> memref<8xi32, #tpu.memory_space<vmem>>
    %dma_wait3A_974 = arith.constant 0 : i32
    %dma_wait3A_975 = arith.constant 0 : i32
    %dma_wait3A_976 = tpu.memref_slice %arg3[%dma_wait3A_974, %dma_wait3A_975] : memref<100000x1024xf32, #tpu.memory_space<hbm>> -> memref<100000x1024xf32, #tpu.memory_space<hbm>>
    tpu.wait_indirect_dma semaphore(%arg25 : memref<!tpu.dma_semaphore, #tpu.memory_space<semaphore_mem>>) src(%dma_wait3A_976 : memref<100000x1024xf32, #tpu.memory_space<hbm>>) dst(%arg11 : memref<8x1024xf32, #tpu.memory_space<vmem>>)
    %dma_wait3A_977 = arith.constant 3 : i32
    %dma_wait3A_978 = arith.constant 0 : i32
    %dma_wait3A_979 = tpu.memref_slice %arg6[%dma_wait3A_977, %dma_wait3A_978] : memref<4x64xi32, #tpu.memory_space<vmem>> -> memref<1x64xi32, #tpu.memory_space<vmem>>
    %dma_wait3A_980 = tpu.memref_squeeze %dma_wait3A_979 : memref<1x64xi32, #tpu.memory_space<vmem>> -> memref<64xi32, #tpu.memory_space<vmem>>
    %dma_wait3A_981 = arith.constant 48 : i32
    %dma_wait3A_982 = tpu.memref_slice %dma_wait3A_980[%dma_wait3A_981] : memref<64xi32, #tpu.memory_space<vmem>> -> memref<8xi32, #tpu.memory_space<vmem>>
    %dma_wait3A_983 = arith.constant 0 : i32
    %dma_wait3A_984 = arith.constant 0 : i32
    %dma_wait3A_985 = tpu.memref_slice %arg3[%dma_wait3A_983, %dma_wait3A_984] : memref<100000x1024xf32, #tpu.memory_space<hbm>> -> memref<100000x1024xf32, #tpu.memory_space<hbm>>
    tpu.wait_indirect_dma semaphore(%arg26 : memref<!tpu.dma_semaphore, #tpu.memory_space<semaphore_mem>>) src(%dma_wait3A_985 : memref<100000x1024xf32, #tpu.memory_space<hbm>>) dst(%arg12 : memref<8x1024xf32, #tpu.memory_space<vmem>>)
    %parallel_loop3A_986 = arith.constant 0 : i32
    %parallel_loop3A_987 = arith.constant 8 : i32
    %parallel_loop3A_988 = arith.constant 1 : i32
    scf.for %parallel_loop3A_1144 = %parallel_loop3A_986 to %parallel_loop3A_987 step %parallel_loop3A_988  : i32 {
      %parallel_loop3A_1145 = arith.constant 0 : i32
      %parallel_loop3A_1146 = arith.constant 1024 : i32
      %parallel_loop3A_1147 = arith.constant 16 : i32
      scf.for %parallel_loop3A_1148 = %parallel_loop3A_1145 to %parallel_loop3A_1146 step %parallel_loop3A_1147  : i32 {
        %parallel_loop3A_1149 = arith.index_cast %parallel_loop3A_1144 : i32 to index
        %parallel_loop3A_1150 = arith.index_cast %parallel_loop3A_1148 : i32 to index
        %parallel_loop3A_1151 = tpu.vector_load %arg7[%parallel_loop3A_1149, %parallel_loop3A_1150] {strides = array<i32>} : memref<8x1024xf32, #tpu.memory_space<vmem>>, vector<1x16xf32>,
        %parallel_loop3A_1152 = vector.shape_cast %parallel_loop3A_1151 : vector<1x16xf32> to vector<16xf32>
        %parallel_loop3A_1153 = arith.index_cast %parallel_loop3A_1144 : i32 to index
        %parallel_loop3A_1154 = arith.index_cast %parallel_loop3A_1148 : i32 to index
        %parallel_loop3A_1155 = tpu.vector_load %arg9[%parallel_loop3A_1153, %parallel_loop3A_1154] {strides = array<i32>} : memref<8x1024xf32, #tpu.memory_space<vmem>>, vector<1x16xf32>,
        %parallel_loop3A_1156 = vector.shape_cast %parallel_loop3A_1155 : vector<1x16xf32> to vector<16xf32>
        %parallel_loop3A_1157 = arith.addf %parallel_loop3A_1156, %parallel_loop3A_1152 : vector<16xf32>
        %parallel_loop3A_1158 = arith.index_cast %parallel_loop3A_1144 : i32 to index
        %parallel_loop3A_1159 = arith.index_cast %parallel_loop3A_1148 : i32 to index
        %parallel_loop3A_1160 = tpu.vector_load %arg9[%parallel_loop3A_1158, %parallel_loop3A_1159] {strides = array<i32>} : memref<8x1024xf32, #tpu.memory_space<vmem>>, vector<1x16xf32>,
        %parallel_loop3A_1161 = vector.shape_cast %parallel_loop3A_1160 : vector<1x16xf32> to vector<16xf32>
        %parallel_loop3A_1162 = vector.shape_cast %parallel_loop3A_1157 : vector<16xf32> to vector<1x16xf32>
        tpu.vector_store %arg9[%parallel_loop3A_1158, %parallel_loop3A_1159], %parallel_loop3A_1162 {strides = array<i32>} : memref<8x1024xf32, #tpu.memory_space<vmem>>, vector<1x16xf32>,
        %parallel_loop3A_1163 = arith.index_cast %parallel_loop3A_1144 : i32 to index
        %parallel_loop3A_1164 = arith.index_cast %parallel_loop3A_1148 : i32 to index
        %parallel_loop3A_1165 = tpu.vector_load %arg10[%parallel_loop3A_1163, %parallel_loop3A_1164] {strides = array<i32>} : memref<8x1024xf32, #tpu.memory_space<vmem>>, vector<1x16xf32>,
        %parallel_loop3A_1166 = vector.shape_cast %parallel_loop3A_1165 : vector<1x16xf32> to vector<16xf32>
        %parallel_loop3A_1167 = arith.addf %parallel_loop3A_1166, %parallel_loop3A_1152 : vector<16xf32>
        %parallel_loop3A_1168 = arith.index_cast %parallel_loop3A_1144 : i32 to index
        %parallel_loop3A_1169 = arith.index_cast %parallel_loop3A_1148 : i32 to index
        %parallel_loop3A_1170 = tpu.vector_load %arg10[%parallel_loop3A_1168, %parallel_loop3A_1169] {strides = array<i32>} : memref<8x1024xf32, #tpu.memory_space<vmem>>, vector<1x16xf32>,
        %parallel_loop3A_1171 = vector.shape_cast %parallel_loop3A_1170 : vector<1x16xf32> to vector<16xf32>
        %parallel_loop3A_1172 = vector.shape_cast %parallel_loop3A_1167 : vector<16xf32> to vector<1x16xf32>
        tpu.vector_store %arg10[%parallel_loop3A_1168, %parallel_loop3A_1169], %parallel_loop3A_1172 {strides = array<i32>} : memref<8x1024xf32, #tpu.memory_space<vmem>>, vector<1x16xf32>,
        %parallel_loop3A_1173 = arith.index_cast %parallel_loop3A_1144 : i32 to index
        %parallel_loop3A_1174 = arith.index_cast %parallel_loop3A_1148 : i32 to index
        %parallel_loop3A_1175 = tpu.vector_load %arg11[%parallel_loop3A_1173, %parallel_loop3A_1174] {strides = array<i32>} : memref<8x1024xf32, #tpu.memory_space<vmem>>, vector<1x16xf32>,
        %parallel_loop3A_1176 = vector.shape_cast %parallel_loop3A_1175 : vector<1x16xf32> to vector<16xf32>
        %parallel_loop3A_1177 = arith.addf %parallel_loop3A_1176, %parallel_loop3A_1152 : vector<16xf32>
        %parallel_loop3A_1178 = arith.index_cast %parallel_loop3A_1144 : i32 to index
        %parallel_loop3A_1179 = arith.index_cast %parallel_loop3A_1148 : i32 to index
        %parallel_loop3A_1180 = tpu.vector_load %arg11[%parallel_loop3A_1178, %parallel_loop3A_1179] {strides = array<i32>} : memref<8x1024xf32, #tpu.memory_space<vmem>>, vector<1x16xf32>,
        %parallel_loop3A_1181 = vector.shape_cast %parallel_loop3A_1180 : vector<1x16xf32> to vector<16xf32>
        %parallel_loop3A_1182 = vector.shape_cast %parallel_loop3A_1177 : vector<16xf32> to vector<1x16xf32>
        tpu.vector_store %arg11[%parallel_loop3A_1178, %parallel_loop3A_1179], %parallel_loop3A_1182 {strides = array<i32>} : memref<8x1024xf32, #tpu.memory_space<vmem>>, vector<1x16xf32>,
        %parallel_loop3A_1183 = arith.index_cast %parallel_loop3A_1144 : i32 to index
        %parallel_loop3A_1184 = arith.index_cast %parallel_loop3A_1148 : i32 to index
        %parallel_loop3A_1185 = tpu.vector_load %arg12[%parallel_loop3A_1183, %parallel_loop3A_1184] {strides = array<i32>} : memref<8x1024xf32, #tpu.memory_space<vmem>>, vector<1x16xf32>,
        %parallel_loop3A_1186 = vector.shape_cast %parallel_loop3A_1185 : vector<1x16xf32> to vector<16xf32>
        %parallel_loop3A_1187 = arith.addf %parallel_loop3A_1186, %parallel_loop3A_1152 : vector<16xf32>
        %parallel_loop3A_1188 = arith.index_cast %parallel_loop3A_1144 : i32 to index
        %parallel_loop3A_1189 = arith.index_cast %parallel_loop3A_1148 : i32 to index
        %parallel_loop3A_1190 = tpu.vector_load %arg12[%parallel_loop3A_1188, %parallel_loop3A_1189] {strides = array<i32>} : memref<8x1024xf32, #tpu.memory_space<vmem>>, vector<1x16xf32>,
        %parallel_loop3A_1191 = vector.shape_cast %parallel_loop3A_1190 : vector<1x16xf32> to vector<16xf32>
        %parallel_loop3A_1192 = vector.shape_cast %parallel_loop3A_1187 : vector<16xf32> to vector<1x16xf32>
        tpu.vector_store %arg12[%parallel_loop3A_1188, %parallel_loop3A_1189], %parallel_loop3A_1192 {strides = array<i32>} : memref<8x1024xf32, #tpu.memory_space<vmem>>, vector<1x16xf32>,
      } {sc.loop_unroll_factor = 4 : i64, sc.parallel_access}
    } {sc.loop_unroll_factor = 1 : i64, sc.parallel_access}
    %add3A_989 = arith.constant 0 : i32
    %add3A_990 = arith.addi %add3A_989, %mul3A_2 : i32
    %add3A_991 = arith.constant 48 : i32
    %add3A_992 = arith.addi %add3A_990, %add3A_991 : i32
    %dma_start3A_993 = arith.constant 0 : i32
    %dma_start3A_994 = tpu.memref_slice %arg5[%add3A_992, %dma_start3A_993] : memref<8192x1024xf32, #tpu.memory_space<hbm>> -> memref<8x1024xf32, #tpu.memory_space<hbm>>
    %dma_start3A_995 = arith.constant 0 : i32
    %dma_start3A_996 = tpu.memref_slice %arg5[%add3A_992, %dma_start3A_995] : memref<8192x1024xf32, #tpu.memory_space<hbm>> -> memref<8x1024xf32, #tpu.memory_space<hbm>>
    tpu.enqueue_dma source(%arg9 : memref<8x1024xf32, #tpu.memory_space<vmem>>) target(%dma_start3A_996 : memref<8x1024xf32, #tpu.memory_space<hbm>>) target_semaphore(%arg35 : memref<!tpu.dma_semaphore, #tpu.memory_space<semaphore_mem>>)
    %add3A_997 = arith.constant 2048 : i32
    %add3A_998 = arith.addi %add3A_997, %mul3A_2 : i32
    %add3A_999 = arith.constant 48 : i32
    %add3A_1000 = arith.addi %add3A_998, %add3A_999 : i32
    %dma_start3A_1001 = arith.constant 0 : i32
    %dma_start3A_1002 = tpu.memref_slice %arg5[%add3A_1000, %dma_start3A_1001] : memref<8192x1024xf32, #tpu.memory_space<hbm>> -> memref<8x1024xf32, #tpu.memory_space<hbm>>
    %dma_start3A_1003 = arith.constant 0 : i32
    %dma_start3A_1004 = tpu.memref_slice %arg5[%add3A_1000, %dma_start3A_1003] : memref<8192x1024xf32, #tpu.memory_space<hbm>> -> memref<8x1024xf32, #tpu.memory_space<hbm>>
    tpu.enqueue_dma source(%arg10 : memref<8x1024xf32, #tpu.memory_space<vmem>>) target(%dma_start3A_1004 : memref<8x1024xf32, #tpu.memory_space<hbm>>) target_semaphore(%arg36 : memref<!tpu.dma_semaphore, #tpu.memory_space<semaphore_mem>>)
    %add3A_1005 = arith.constant 4096 : i32
    %add3A_1006 = arith.addi %add3A_1005, %mul3A_2 : i32
    %add3A_1007 = arith.constant 48 : i32
    %add3A_1008 = arith.addi %add3A_1006, %add3A_1007 : i32
    %dma_start3A_1009 = arith.constant 0 : i32
    %dma_start3A_1010 = tpu.memref_slice %arg5[%add3A_1008, %dma_start3A_1009] : memref<8192x1024xf32, #tpu.memory_space<hbm>> -> memref<8x1024xf32, #tpu.memory_space<hbm>>
    %dma_start3A_1011 = arith.constant 0 : i32
    %dma_start3A_1012 = tpu.memref_slice %arg5[%add3A_1008, %dma_start3A_1011] : memref<8192x1024xf32, #tpu.memory_space<hbm>> -> memref<8x1024xf32, #tpu.memory_space<hbm>>
    tpu.enqueue_dma source(%arg11 : memref<8x1024xf32, #tpu.memory_space<vmem>>) target(%dma_start3A_1012 : memref<8x1024xf32, #tpu.memory_space<hbm>>) target_semaphore(%arg37 : memref<!tpu.dma_semaphore, #tpu.memory_space<semaphore_mem>>)
    %add3A_1013 = arith.constant 6144 : i32
    %add3A_1014 = arith.addi %add3A_1013, %mul3A_2 : i32
    %add3A_1015 = arith.constant 48 : i32
    %add3A_1016 = arith.addi %add3A_1014, %add3A_1015 : i32
    %dma_start3A_1017 = arith.constant 0 : i32
    %dma_start3A_1018 = tpu.memref_slice %arg5[%add3A_1016, %dma_start3A_1017] : memref<8192x1024xf32, #tpu.memory_space<hbm>> -> memref<8x1024xf32, #tpu.memory_space<hbm>>
    %dma_start3A_1019 = arith.constant 0 : i32
    %dma_start3A_1020 = tpu.memref_slice %arg5[%add3A_1016, %dma_start3A_1019] : memref<8192x1024xf32, #tpu.memory_space<hbm>> -> memref<8x1024xf32, #tpu.memory_space<hbm>>
    tpu.enqueue_dma source(%arg12 : memref<8x1024xf32, #tpu.memory_space<vmem>>) target(%dma_start3A_1020 : memref<8x1024xf32, #tpu.memory_space<hbm>>) target_semaphore(%arg38 : memref<!tpu.dma_semaphore, #tpu.memory_space<semaphore_mem>>)
    %dma_wait3A_1021 = arith.constant 0 : i32
    %dma_wait3A_1022 = tpu.memref_slice %arg4[%add3A_945, %dma_wait3A_1021] : memref<2048x1024xf32, #tpu.memory_space<hbm>> -> memref<8x1024xf32, #tpu.memory_space<hbm>>
    %dma_wait3A_1023 = arith.constant 0 : i32
    %dma_wait3A_1024 = tpu.memref_slice %arg4[%add3A_945, %dma_wait3A_1023] : memref<2048x1024xf32, #tpu.memory_space<hbm>> -> memref<8x1024xf32, #tpu.memory_space<hbm>>
    tpu.wait_dma2 semaphore(%arg22 : memref<!tpu.dma_semaphore, #tpu.memory_space<semaphore_mem>>) src(%dma_wait3A_1024 : memref<8x1024xf32, #tpu.memory_space<hbm>>) dst(%arg8 : memref<8x1024xf32, #tpu.memory_space<vmem>>)
    %dma_wait3A_1025 = arith.constant 0 : i32
    %dma_wait3A_1026 = arith.constant 0 : i32
    %dma_wait3A_1027 = tpu.memref_slice %arg6[%dma_wait3A_1025, %dma_wait3A_1026] : memref<4x64xi32, #tpu.memory_space<vmem>> -> memref<1x64xi32, #tpu.memory_space<vmem>>
    %dma_wait3A_1028 = tpu.memref_squeeze %dma_wait3A_1027 : memref<1x64xi32, #tpu.memory_space<vmem>> -> memref<64xi32, #tpu.memory_space<vmem>>
    %dma_wait3A_1029 = arith.constant 56 : i32
    %dma_wait3A_1030 = tpu.memref_slice %dma_wait3A_1028[%dma_wait3A_1029] : memref<64xi32, #tpu.memory_space<vmem>> -> memref<8xi32, #tpu.memory_space<vmem>>
    %dma_wait3A_1031 = arith.constant 0 : i32
    %dma_wait3A_1032 = arith.constant 0 : i32
    %dma_wait3A_1033 = tpu.memref_slice %arg3[%dma_wait3A_1031, %dma_wait3A_1032] : memref<100000x1024xf32, #tpu.memory_space<hbm>> -> memref<100000x1024xf32, #tpu.memory_space<hbm>>
    tpu.wait_indirect_dma semaphore(%arg27 : memref<!tpu.dma_semaphore, #tpu.memory_space<semaphore_mem>>) src(%dma_wait3A_1033 : memref<100000x1024xf32, #tpu.memory_space<hbm>>) dst(%arg13 : memref<8x1024xf32, #tpu.memory_space<vmem>>)
    %dma_wait3A_1034 = arith.constant 1 : i32
    %dma_wait3A_1035 = arith.constant 0 : i32
    %dma_wait3A_1036 = tpu.memref_slice %arg6[%dma_wait3A_1034, %dma_wait3A_1035] : memref<4x64xi32, #tpu.memory_space<vmem>> -> memref<1x64xi32, #tpu.memory_space<vmem>>
    %dma_wait3A_1037 = tpu.memref_squeeze %dma_wait3A_1036 : memref<1x64xi32, #tpu.memory_space<vmem>> -> memref<64xi32, #tpu.memory_space<vmem>>
    %dma_wait3A_1038 = arith.constant 56 : i32
    %dma_wait3A_1039 = tpu.memref_slice %dma_wait3A_1037[%dma_wait3A_1038] : memref<64xi32, #tpu.memory_space<vmem>> -> memref<8xi32, #tpu.memory_space<vmem>>
    %dma_wait3A_1040 = arith.constant 0 : i32
    %dma_wait3A_1041 = arith.constant 0 : i32
    %dma_wait3A_1042 = tpu.memref_slice %arg3[%dma_wait3A_1040, %dma_wait3A_1041] : memref<100000x1024xf32, #tpu.memory_space<hbm>> -> memref<100000x1024xf32, #tpu.memory_space<hbm>>
    tpu.wait_indirect_dma semaphore(%arg28 : memref<!tpu.dma_semaphore, #tpu.memory_space<semaphore_mem>>) src(%dma_wait3A_1042 : memref<100000x1024xf32, #tpu.memory_space<hbm>>) dst(%arg14 : memref<8x1024xf32, #tpu.memory_space<vmem>>)
    %dma_wait3A_1043 = arith.constant 2 : i32
    %dma_wait3A_1044 = arith.constant 0 : i32
    %dma_wait3A_1045 = tpu.memref_slice %arg6[%dma_wait3A_1043, %dma_wait3A_1044] : memref<4x64xi32, #tpu.memory_space<vmem>> -> memref<1x64xi32, #tpu.memory_space<vmem>>
    %dma_wait3A_1046 = tpu.memref_squeeze %dma_wait3A_1045 : memref<1x64xi32, #tpu.memory_space<vmem>> -> memref<64xi32, #tpu.memory_space<vmem>>
    %dma_wait3A_1047 = arith.constant 56 : i32
    %dma_wait3A_1048 = tpu.memref_slice %dma_wait3A_1046[%dma_wait3A_1047] : memref<64xi32, #tpu.memory_space<vmem>> -> memref<8xi32, #tpu.memory_space<vmem>>
    %dma_wait3A_1049 = arith.constant 0 : i32
    %dma_wait3A_1050 = arith.constant 0 : i32
    %dma_wait3A_1051 = tpu.memref_slice %arg3[%dma_wait3A_1049, %dma_wait3A_1050] : memref<100000x1024xf32, #tpu.memory_space<hbm>> -> memref<100000x1024xf32, #tpu.memory_space<hbm>>
    tpu.wait_indirect_dma semaphore(%arg29 : memref<!tpu.dma_semaphore, #tpu.memory_space<semaphore_mem>>) src(%dma_wait3A_1051 : memref<100000x1024xf32, #tpu.memory_space<hbm>>) dst(%arg15 : memref<8x1024xf32, #tpu.memory_space<vmem>>)
    %dma_wait3A_1052 = arith.constant 3 : i32
    %dma_wait3A_1053 = arith.constant 0 : i32
    %dma_wait3A_1054 = tpu.memref_slice %arg6[%dma_wait3A_1052, %dma_wait3A_1053] : memref<4x64xi32, #tpu.memory_space<vmem>> -> memref<1x64xi32, #tpu.memory_space<vmem>>
    %dma_wait3A_1055 = tpu.memref_squeeze %dma_wait3A_1054 : memref<1x64xi32, #tpu.memory_space<vmem>> -> memref<64xi32, #tpu.memory_space<vmem>>
    %dma_wait3A_1056 = arith.constant 56 : i32
    %dma_wait3A_1057 = tpu.memref_slice %dma_wait3A_1055[%dma_wait3A_1056] : memref<64xi32, #tpu.memory_space<vmem>> -> memref<8xi32, #tpu.memory_space<vmem>>
    %dma_wait3A_1058 = arith.constant 0 : i32
    %dma_wait3A_1059 = arith.constant 0 : i32
    %dma_wait3A_1060 = tpu.memref_slice %arg3[%dma_wait3A_1058, %dma_wait3A_1059] : memref<100000x1024xf32, #tpu.memory_space<hbm>> -> memref<100000x1024xf32, #tpu.memory_space<hbm>>
    tpu.wait_indirect_dma semaphore(%arg30 : memref<!tpu.dma_semaphore, #tpu.memory_space<semaphore_mem>>) src(%dma_wait3A_1060 : memref<100000x1024xf32, #tpu.memory_space<hbm>>) dst(%arg16 : memref<8x1024xf32, #tpu.memory_space<vmem>>)
    %parallel_loop3A_1061 = arith.constant 0 : i32
    %parallel_loop3A_1062 = arith.constant 8 : i32
    %parallel_loop3A_1063 = arith.constant 1 : i32
    scf.for %parallel_loop3A_1144 = %parallel_loop3A_1061 to %parallel_loop3A_1062 step %parallel_loop3A_1063  : i32 {
      %parallel_loop3A_1145 = arith.constant 0 : i32
      %parallel_loop3A_1146 = arith.constant 1024 : i32
      %parallel_loop3A_1147 = arith.constant 16 : i32
      scf.for %parallel_loop3A_1148 = %parallel_loop3A_1145 to %parallel_loop3A_1146 step %parallel_loop3A_1147  : i32 {
        %parallel_loop3A_1149 = arith.index_cast %parallel_loop3A_1144 : i32 to index
        %parallel_loop3A_1150 = arith.index_cast %parallel_loop3A_1148 : i32 to index
        %parallel_loop3A_1151 = tpu.vector_load %arg8[%parallel_loop3A_1149, %parallel_loop3A_1150] {strides = array<i32>} : memref<8x1024xf32, #tpu.memory_space<vmem>>, vector<1x16xf32>,
        %parallel_loop3A_1152 = vector.shape_cast %parallel_loop3A_1151 : vector<1x16xf32> to vector<16xf32>
        %parallel_loop3A_1153 = arith.index_cast %parallel_loop3A_1144 : i32 to index
        %parallel_loop3A_1154 = arith.index_cast %parallel_loop3A_1148 : i32 to index
        %parallel_loop3A_1155 = tpu.vector_load %arg13[%parallel_loop3A_1153, %parallel_loop3A_1154] {strides = array<i32>} : memref<8x1024xf32, #tpu.memory_space<vmem>>, vector<1x16xf32>,
        %parallel_loop3A_1156 = vector.shape_cast %parallel_loop3A_1155 : vector<1x16xf32> to vector<16xf32>
        %parallel_loop3A_1157 = arith.addf %parallel_loop3A_1156, %parallel_loop3A_1152 : vector<16xf32>
        %parallel_loop3A_1158 = arith.index_cast %parallel_loop3A_1144 : i32 to index
        %parallel_loop3A_1159 = arith.index_cast %parallel_loop3A_1148 : i32 to index
        %parallel_loop3A_1160 = tpu.vector_load %arg13[%parallel_loop3A_1158, %parallel_loop3A_1159] {strides = array<i32>} : memref<8x1024xf32, #tpu.memory_space<vmem>>, vector<1x16xf32>,
        %parallel_loop3A_1161 = vector.shape_cast %parallel_loop3A_1160 : vector<1x16xf32> to vector<16xf32>
        %parallel_loop3A_1162 = vector.shape_cast %parallel_loop3A_1157 : vector<16xf32> to vector<1x16xf32>
        tpu.vector_store %arg13[%parallel_loop3A_1158, %parallel_loop3A_1159], %parallel_loop3A_1162 {strides = array<i32>} : memref<8x1024xf32, #tpu.memory_space<vmem>>, vector<1x16xf32>,
        %parallel_loop3A_1163 = arith.index_cast %parallel_loop3A_1144 : i32 to index
        %parallel_loop3A_1164 = arith.index_cast %parallel_loop3A_1148 : i32 to index
        %parallel_loop3A_1165 = tpu.vector_load %arg14[%parallel_loop3A_1163, %parallel_loop3A_1164] {strides = array<i32>} : memref<8x1024xf32, #tpu.memory_space<vmem>>, vector<1x16xf32>,
        %parallel_loop3A_1166 = vector.shape_cast %parallel_loop3A_1165 : vector<1x16xf32> to vector<16xf32>
        %parallel_loop3A_1167 = arith.addf %parallel_loop3A_1166, %parallel_loop3A_1152 : vector<16xf32>
        %parallel_loop3A_1168 = arith.index_cast %parallel_loop3A_1144 : i32 to index
        %parallel_loop3A_1169 = arith.index_cast %parallel_loop3A_1148 : i32 to index
        %parallel_loop3A_1170 = tpu.vector_load %arg14[%parallel_loop3A_1168, %parallel_loop3A_1169] {strides = array<i32>} : memref<8x1024xf32, #tpu.memory_space<vmem>>, vector<1x16xf32>,
        %parallel_loop3A_1171 = vector.shape_cast %parallel_loop3A_1170 : vector<1x16xf32> to vector<16xf32>
        %parallel_loop3A_1172 = vector.shape_cast %parallel_loop3A_1167 : vector<16xf32> to vector<1x16xf32>
        tpu.vector_store %arg14[%parallel_loop3A_1168, %parallel_loop3A_1169], %parallel_loop3A_1172 {strides = array<i32>} : memref<8x1024xf32, #tpu.memory_space<vmem>>, vector<1x16xf32>,
        %parallel_loop3A_1173 = arith.index_cast %parallel_loop3A_1144 : i32 to index
        %parallel_loop3A_1174 = arith.index_cast %parallel_loop3A_1148 : i32 to index
        %parallel_loop3A_1175 = tpu.vector_load %arg15[%parallel_loop3A_1173, %parallel_loop3A_1174] {strides = array<i32>} : memref<8x1024xf32, #tpu.memory_space<vmem>>, vector<1x16xf32>,
        %parallel_loop3A_1176 = vector.shape_cast %parallel_loop3A_1175 : vector<1x16xf32> to vector<16xf32>
        %parallel_loop3A_1177 = arith.addf %parallel_loop3A_1176, %parallel_loop3A_1152 : vector<16xf32>
        %parallel_loop3A_1178 = arith.index_cast %parallel_loop3A_1144 : i32 to index
        %parallel_loop3A_1179 = arith.index_cast %parallel_loop3A_1148 : i32 to index
        %parallel_loop3A_1180 = tpu.vector_load %arg15[%parallel_loop3A_1178, %parallel_loop3A_1179] {strides = array<i32>} : memref<8x1024xf32, #tpu.memory_space<vmem>>, vector<1x16xf32>,
        %parallel_loop3A_1181 = vector.shape_cast %parallel_loop3A_1180 : vector<1x16xf32> to vector<16xf32>
        %parallel_loop3A_1182 = vector.shape_cast %parallel_loop3A_1177 : vector<16xf32> to vector<1x16xf32>
        tpu.vector_store %arg15[%parallel_loop3A_1178, %parallel_loop3A_1179], %parallel_loop3A_1182 {strides = array<i32>} : memref<8x1024xf32, #tpu.memory_space<vmem>>, vector<1x16xf32>,
        %parallel_loop3A_1183 = arith.index_cast %parallel_loop3A_1144 : i32 to index
        %parallel_loop3A_1184 = arith.index_cast %parallel_loop3A_1148 : i32 to index
        %parallel_loop3A_1185 = tpu.vector_load %arg16[%parallel_loop3A_1183, %parallel_loop3A_1184] {strides = array<i32>} : memref<8x1024xf32, #tpu.memory_space<vmem>>, vector<1x16xf32>,
        %parallel_loop3A_1186 = vector.shape_cast %parallel_loop3A_1185 : vector<1x16xf32> to vector<16xf32>
        %parallel_loop3A_1187 = arith.addf %parallel_loop3A_1186, %parallel_loop3A_1152 : vector<16xf32>
        %parallel_loop3A_1188 = arith.index_cast %parallel_loop3A_1144 : i32 to index
        %parallel_loop3A_1189 = arith.index_cast %parallel_loop3A_1148 : i32 to index
        %parallel_loop3A_1190 = tpu.vector_load %arg16[%parallel_loop3A_1188, %parallel_loop3A_1189] {strides = array<i32>} : memref<8x1024xf32, #tpu.memory_space<vmem>>, vector<1x16xf32>,
        %parallel_loop3A_1191 = vector.shape_cast %parallel_loop3A_1190 : vector<1x16xf32> to vector<16xf32>
        %parallel_loop3A_1192 = vector.shape_cast %parallel_loop3A_1187 : vector<16xf32> to vector<1x16xf32>
        tpu.vector_store %arg16[%parallel_loop3A_1188, %parallel_loop3A_1189], %parallel_loop3A_1192 {strides = array<i32>} : memref<8x1024xf32, #tpu.memory_space<vmem>>, vector<1x16xf32>,
      } {sc.loop_unroll_factor = 4 : i64, sc.parallel_access}
    } {sc.loop_unroll_factor = 1 : i64, sc.parallel_access}
    %add3A_1064 = arith.constant 0 : i32
    %add3A_1065 = arith.addi %add3A_1064, %mul3A_2 : i32
    %add3A_1066 = arith.constant 56 : i32
    %add3A_1067 = arith.addi %add3A_1065, %add3A_1066 : i32
    %dma_start3A_1068 = arith.constant 0 : i32
    %dma_start3A_1069 = tpu.memref_slice %arg5[%add3A_1067, %dma_start3A_1068] : memref<8192x1024xf32, #tpu.memory_space<hbm>> -> memref<8x1024xf32, #tpu.memory_space<hbm>>
    %dma_start3A_1070 = arith.constant 0 : i32
    %dma_start3A_1071 = tpu.memref_slice %arg5[%add3A_1067, %dma_start3A_1070] : memref<8192x1024xf32, #tpu.memory_space<hbm>> -> memref<8x1024xf32, #tpu.memory_space<hbm>>
    tpu.enqueue_dma source(%arg13 : memref<8x1024xf32, #tpu.memory_space<vmem>>) target(%dma_start3A_1071 : memref<8x1024xf32, #tpu.memory_space<hbm>>) target_semaphore(%arg39 : memref<!tpu.dma_semaphore, #tpu.memory_space<semaphore_mem>>)
    %add3A_1072 = arith.constant 2048 : i32
    %add3A_1073 = arith.addi %add3A_1072, %mul3A_2 : i32
    %add3A_1074 = arith.constant 56 : i32
    %add3A_1075 = arith.addi %add3A_1073, %add3A_1074 : i32
    %dma_start3A_1076 = arith.constant 0 : i32
    %dma_start3A_1077 = tpu.memref_slice %arg5[%add3A_1075, %dma_start3A_1076] : memref<8192x1024xf32, #tpu.memory_space<hbm>> -> memref<8x1024xf32, #tpu.memory_space<hbm>>
    %dma_start3A_1078 = arith.constant 0 : i32
    %dma_start3A_1079 = tpu.memref_slice %arg5[%add3A_1075, %dma_start3A_1078] : memref<8192x1024xf32, #tpu.memory_space<hbm>> -> memref<8x1024xf32, #tpu.memory_space<hbm>>
    tpu.enqueue_dma source(%arg14 : memref<8x1024xf32, #tpu.memory_space<vmem>>) target(%dma_start3A_1079 : memref<8x1024xf32, #tpu.memory_space<hbm>>) target_semaphore(%arg40 : memref<!tpu.dma_semaphore, #tpu.memory_space<semaphore_mem>>)
    %add3A_1080 = arith.constant 4096 : i32
    %add3A_1081 = arith.addi %add3A_1080, %mul3A_2 : i32
    %add3A_1082 = arith.constant 56 : i32
    %add3A_1083 = arith.addi %add3A_1081, %add3A_1082 : i32
    %dma_start3A_1084 = arith.constant 0 : i32
    %dma_start3A_1085 = tpu.memref_slice %arg5[%add3A_1083, %dma_start3A_1084] : memref<8192x1024xf32, #tpu.memory_space<hbm>> -> memref<8x1024xf32, #tpu.memory_space<hbm>>
    %dma_start3A_1086 = arith.constant 0 : i32
    %dma_start3A_1087 = tpu.memref_slice %arg5[%add3A_1083, %dma_start3A_1086] : memref<8192x1024xf32, #tpu.memory_space<hbm>> -> memref<8x1024xf32, #tpu.memory_space<hbm>>
    tpu.enqueue_dma source(%arg15 : memref<8x1024xf32, #tpu.memory_space<vmem>>) target(%dma_start3A_1087 : memref<8x1024xf32, #tpu.memory_space<hbm>>) target_semaphore(%arg41 : memref<!tpu.dma_semaphore, #tpu.memory_space<semaphore_mem>>)
    %add3A_1088 = arith.constant 6144 : i32
    %add3A_1089 = arith.addi %add3A_1088, %mul3A_2 : i32
    %add3A_1090 = arith.constant 56 : i32
    %add3A_1091 = arith.addi %add3A_1089, %add3A_1090 : i32
    %dma_start3A_1092 = arith.constant 0 : i32
    %dma_start3A_1093 = tpu.memref_slice %arg5[%add3A_1091, %dma_start3A_1092] : memref<8192x1024xf32, #tpu.memory_space<hbm>> -> memref<8x1024xf32, #tpu.memory_space<hbm>>
    %dma_start3A_1094 = arith.constant 0 : i32
    %dma_start3A_1095 = tpu.memref_slice %arg5[%add3A_1091, %dma_start3A_1094] : memref<8192x1024xf32, #tpu.memory_space<hbm>> -> memref<8x1024xf32, #tpu.memory_space<hbm>>
    tpu.enqueue_dma source(%arg16 : memref<8x1024xf32, #tpu.memory_space<vmem>>) target(%dma_start3A_1095 : memref<8x1024xf32, #tpu.memory_space<hbm>>) target_semaphore(%arg42 : memref<!tpu.dma_semaphore, #tpu.memory_space<semaphore_mem>>)
    %dma_wait3A_1096 = arith.constant 0 : i32
    %dma_wait3A_1097 = tpu.memref_slice %arg5[%add3A_911, %dma_wait3A_1096] : memref<8192x1024xf32, #tpu.memory_space<hbm>> -> memref<8x1024xf32, #tpu.memory_space<hbm>>
    %dma_wait3A_1098 = arith.constant 0 : i32
    %dma_wait3A_1099 = tpu.memref_slice %arg5[%add3A_911, %dma_wait3A_1098] : memref<8192x1024xf32, #tpu.memory_space<hbm>> -> memref<8x1024xf32, #tpu.memory_space<hbm>>
    tpu.wait_dma2 semaphore(%arg43 : memref<!tpu.dma_semaphore, #tpu.memory_space<semaphore_mem>>) src(%arg17 : memref<8x1024xf32, #tpu.memory_space<vmem>>) dst(%dma_wait3A_1099 : memref<8x1024xf32, #tpu.memory_space<hbm>>)
    %dma_wait3A_1100 = arith.constant 0 : i32
    %dma_wait3A_1101 = tpu.memref_slice %arg5[%add3A_919, %dma_wait3A_1100] : memref<8192x1024xf32, #tpu.memory_space<hbm>> -> memref<8x1024xf32, #tpu.memory_space<hbm>>
    %dma_wait3A_1102 = arith.constant 0 : i32
    %dma_wait3A_1103 = tpu.memref_slice %arg5[%add3A_919, %dma_wait3A_1102] : memref<8192x1024xf32, #tpu.memory_space<hbm>> -> memref<8x1024xf32, #tpu.memory_space<hbm>>
    tpu.wait_dma2 semaphore(%arg44 : memref<!tpu.dma_semaphore, #tpu.memory_space<semaphore_mem>>) src(%arg18 : memref<8x1024xf32, #tpu.memory_space<vmem>>) dst(%dma_wait3A_1103 : memref<8x1024xf32, #tpu.memory_space<hbm>>)
    %dma_wait3A_1104 = arith.constant 0 : i32
    %dma_wait3A_1105 = tpu.memref_slice %arg5[%add3A_927, %dma_wait3A_1104] : memref<8192x1024xf32, #tpu.memory_space<hbm>> -> memref<8x1024xf32, #tpu.memory_space<hbm>>
    %dma_wait3A_1106 = arith.constant 0 : i32
    %dma_wait3A_1107 = tpu.memref_slice %arg5[%add3A_927, %dma_wait3A_1106] : memref<8192x1024xf32, #tpu.memory_space<hbm>> -> memref<8x1024xf32, #tpu.memory_space<hbm>>
    tpu.wait_dma2 semaphore(%arg45 : memref<!tpu.dma_semaphore, #tpu.memory_space<semaphore_mem>>) src(%arg19 : memref<8x1024xf32, #tpu.memory_space<vmem>>) dst(%dma_wait3A_1107 : memref<8x1024xf32, #tpu.memory_space<hbm>>)
    %dma_wait3A_1108 = arith.constant 0 : i32
    %dma_wait3A_1109 = tpu.memref_slice %arg5[%add3A_935, %dma_wait3A_1108] : memref<8192x1024xf32, #tpu.memory_space<hbm>> -> memref<8x1024xf32, #tpu.memory_space<hbm>>
    %dma_wait3A_1110 = arith.constant 0 : i32
    %dma_wait3A_1111 = tpu.memref_slice %arg5[%add3A_935, %dma_wait3A_1110] : memref<8192x1024xf32, #tpu.memory_space<hbm>> -> memref<8x1024xf32, #tpu.memory_space<hbm>>
    tpu.wait_dma2 semaphore(%arg46 : memref<!tpu.dma_semaphore, #tpu.memory_space<semaphore_mem>>) src(%arg20 : memref<8x1024xf32, #tpu.memory_space<vmem>>) dst(%dma_wait3A_1111 : memref<8x1024xf32, #tpu.memory_space<hbm>>)
    %dma_wait3A_1112 = arith.constant 0 : i32
    %dma_wait3A_1113 = tpu.memref_slice %arg5[%add3A_992, %dma_wait3A_1112] : memref<8192x1024xf32, #tpu.memory_space<hbm>> -> memref<8x1024xf32, #tpu.memory_space<hbm>>
    %dma_wait3A_1114 = arith.constant 0 : i32
    %dma_wait3A_1115 = tpu.memref_slice %arg5[%add3A_992, %dma_wait3A_1114] : memref<8192x1024xf32, #tpu.memory_space<hbm>> -> memref<8x1024xf32, #tpu.memory_space<hbm>>
    tpu.wait_dma2 semaphore(%arg35 : memref<!tpu.dma_semaphore, #tpu.memory_space<semaphore_mem>>) src(%arg9 : memref<8x1024xf32, #tpu.memory_space<vmem>>) dst(%dma_wait3A_1115 : memref<8x1024xf32, #tpu.memory_space<hbm>>)
    %dma_wait3A_1116 = arith.constant 0 : i32
    %dma_wait3A_1117 = tpu.memref_slice %arg5[%add3A_1000, %dma_wait3A_1116] : memref<8192x1024xf32, #tpu.memory_space<hbm>> -> memref<8x1024xf32, #tpu.memory_space<hbm>>
    %dma_wait3A_1118 = arith.constant 0 : i32
    %dma_wait3A_1119 = tpu.memref_slice %arg5[%add3A_1000, %dma_wait3A_1118] : memref<8192x1024xf32, #tpu.memory_space<hbm>> -> memref<8x1024xf32, #tpu.memory_space<hbm>>
    tpu.wait_dma2 semaphore(%arg36 : memref<!tpu.dma_semaphore, #tpu.memory_space<semaphore_mem>>) src(%arg10 : memref<8x1024xf32, #tpu.memory_space<vmem>>) dst(%dma_wait3A_1119 : memref<8x1024xf32, #tpu.memory_space<hbm>>)
    %dma_wait3A_1120 = arith.constant 0 : i32
    %dma_wait3A_1121 = tpu.memref_slice %arg5[%add3A_1008, %dma_wait3A_1120] : memref<8192x1024xf32, #tpu.memory_space<hbm>> -> memref<8x1024xf32, #tpu.memory_space<hbm>>
    %dma_wait3A_1122 = arith.constant 0 : i32
    %dma_wait3A_1123 = tpu.memref_slice %arg5[%add3A_1008, %dma_wait3A_1122] : memref<8192x1024xf32, #tpu.memory_space<hbm>> -> memref<8x1024xf32, #tpu.memory_space<hbm>>
    tpu.wait_dma2 semaphore(%arg37 : memref<!tpu.dma_semaphore, #tpu.memory_space<semaphore_mem>>) src(%arg11 : memref<8x1024xf32, #tpu.memory_space<vmem>>) dst(%dma_wait3A_1123 : memref<8x1024xf32, #tpu.memory_space<hbm>>)
    %dma_wait3A_1124 = arith.constant 0 : i32
    %dma_wait3A_1125 = tpu.memref_slice %arg5[%add3A_1016, %dma_wait3A_1124] : memref<8192x1024xf32, #tpu.memory_space<hbm>> -> memref<8x1024xf32, #tpu.memory_space<hbm>>
    %dma_wait3A_1126 = arith.constant 0 : i32
    %dma_wait3A_1127 = tpu.memref_slice %arg5[%add3A_1016, %dma_wait3A_1126] : memref<8192x1024xf32, #tpu.memory_space<hbm>> -> memref<8x1024xf32, #tpu.memory_space<hbm>>
    tpu.wait_dma2 semaphore(%arg38 : memref<!tpu.dma_semaphore, #tpu.memory_space<semaphore_mem>>) src(%arg12 : memref<8x1024xf32, #tpu.memory_space<vmem>>) dst(%dma_wait3A_1127 : memref<8x1024xf32, #tpu.memory_space<hbm>>)
    %dma_wait3A_1128 = arith.constant 0 : i32
    %dma_wait3A_1129 = tpu.memref_slice %arg5[%add3A_1067, %dma_wait3A_1128] : memref<8192x1024xf32, #tpu.memory_space<hbm>> -> memref<8x1024xf32, #tpu.memory_space<hbm>>
    %dma_wait3A_1130 = arith.constant 0 : i32
    %dma_wait3A_1131 = tpu.memref_slice %arg5[%add3A_1067, %dma_wait3A_1130] : memref<8192x1024xf32, #tpu.memory_space<hbm>> -> memref<8x1024xf32, #tpu.memory_space<hbm>>
    tpu.wait_dma2 semaphore(%arg39 : memref<!tpu.dma_semaphore, #tpu.memory_space<semaphore_mem>>) src(%arg13 : memref<8x1024xf32, #tpu.memory_space<vmem>>) dst(%dma_wait3A_1131 : memref<8x1024xf32, #tpu.memory_space<hbm>>)
    %dma_wait3A_1132 = arith.constant 0 : i32
    %dma_wait3A_1133 = tpu.memref_slice %arg5[%add3A_1075, %dma_wait3A_1132] : memref<8192x1024xf32, #tpu.memory_space<hbm>> -> memref<8x1024xf32, #tpu.memory_space<hbm>>
    %dma_wait3A_1134 = arith.constant 0 : i32
    %dma_wait3A_1135 = tpu.memref_slice %arg5[%add3A_1075, %dma_wait3A_1134] : memref<8192x1024xf32, #tpu.memory_space<hbm>> -> memref<8x1024xf32, #tpu.memory_space<hbm>>
    tpu.wait_dma2 semaphore(%arg40 : memref<!tpu.dma_semaphore, #tpu.memory_space<semaphore_mem>>) src(%arg14 : memref<8x1024xf32, #tpu.memory_space<vmem>>) dst(%dma_wait3A_1135 : memref<8x1024xf32, #tpu.memory_space<hbm>>)
    %dma_wait3A_1136 = arith.constant 0 : i32
    %dma_wait3A_1137 = tpu.memref_slice %arg5[%add3A_1083, %dma_wait3A_1136] : memref<8192x1024xf32, #tpu.memory_space<hbm>> -> memref<8x1024xf32, #tpu.memory_space<hbm>>
    %dma_wait3A_1138 = arith.constant 0 : i32
    %dma_wait3A_1139 = tpu.memref_slice %arg5[%add3A_1083, %dma_wait3A_1138] : memref<8192x1024xf32, #tpu.memory_space<hbm>> -> memref<8x1024xf32, #tpu.memory_space<hbm>>
    tpu.wait_dma2 semaphore(%arg41 : memref<!tpu.dma_semaphore, #tpu.memory_space<semaphore_mem>>) src(%arg15 : memref<8x1024xf32, #tpu.memory_space<vmem>>) dst(%dma_wait3A_1139 : memref<8x1024xf32, #tpu.memory_space<hbm>>)
    %dma_wait3A_1140 = arith.constant 0 : i32
    %dma_wait3A_1141 = tpu.memref_slice %arg5[%add3A_1091, %dma_wait3A_1140] : memref<8192x1024xf32, #tpu.memory_space<hbm>> -> memref<8x1024xf32, #tpu.memory_space<hbm>>
    %dma_wait3A_1142 = arith.constant 0 : i32
    %dma_wait3A_1143 = tpu.memref_slice %arg5[%add3A_1091, %dma_wait3A_1142] : memref<8192x1024xf32, #tpu.memory_space<hbm>> -> memref<8x1024xf32, #tpu.memory_space<hbm>>
    tpu.wait_dma2 semaphore(%arg42 : memref<!tpu.dma_semaphore, #tpu.memory_space<semaphore_mem>>) src(%arg16 : memref<8x1024xf32, #tpu.memory_space<vmem>>) dst(%dma_wait3A_1143 : memref<8x1024xf32, #tpu.memory_space<hbm>>)
    return
  }
}

</mosaic_0001>

<sc_bundles>
// kernel: kernel.3.cloned.1.call-start
scs
__scs_entry_jumppad:
0x0: {  	(pc) =	sbr.rel $0x88, $3  }
0x1: {  	(tag) =	ssettag $0x0;
	lr =	simm.s32 $0x1  }
0x2: {  	[smem:$0x3F9E] =	sst lr;
	_ =	strace $0xD0000000  }
0x3: {  	_ = 	snop  }
0x4: {  	_ = 	snop  }
0x5: {  	_ = 	snop  }
0x6: {  	_ = 	snop  }
0x7: {  	_ = 	snop  }
__scs_overlays_trampoline_lowered:
0x8: {  	[smem:$0x3FAD] =	sst s0  }
0x9: {  	[smem:$0x3FAE] =	sst s1  }
0xa: {  	[smem:$0x3FAF] =	sst s2  }
0xb: {  	[smem:$0x3FB0] =	sst s3  }
0xc: {  	[smem:$0x3FB1] =	sst s4  }
0xd: {  	[smem:$0x3FB2] =	sst s5  }
0xe: {  	[smem:$0x3FB3] =	sst s6  }
0xf: {  	[smem:$0x3FB4] =	sst s7  }
0x10: {  	[smem:$0x3FB5] =	sst s8  }
0x11: {  	[smem:$0x3FB6] =	sst s9;
	s0 =	simm.s32 @!p0 $0x0  }
0x12: {  	s1 =	sld [smem:$0x3F9C];
	s0 =	simm.s32 @p0 $0x1  }
0x13: {  	[smem:$0x3FB7] =	sst s0;
	s0 =	simm.s32 @!p1 $0x0  }
0x14: {  	s2 =	sld [smem:$0x3F9B];
	s0 =	simm.s32 @p1 $0x1  }
0x15: {  	[smem:$0x3FB8] =	sst s0;
	s0 =	simm.s32 @!p2 $0x0  }
0x16: {  	s3 =	sld [smem:$0x3FDB];
	s0 =	simm.s32 @p2 $0x1  }
0x17: {  	s4 =	simm.s32 $0x1BF5;
	[smem:$0x3FBA] =	sst s0  }
0x18: {  	s0 =	sld [smem:$0x3F9D];
	_ =	swait.ge [sflag:s4], $0x0  }
0x19: {  	s7 =	sld [smem:$0x3F9E]  }
0x1a: {  	s8 =	sadd.s32 $0xFFFFE003, lr  }
0x1b: {  	s9 =	sadd.s32 $0xFFFFFEF7, lr;
	s5 =	simm.s32 $0xFFFFFFFF;
	p2 =	slt.u32 s8, $0xFFFFF086  }
0x1c: {  	p1 =	slt.u32 s9, $0xF7A;
	s5 =	simm.s32 @!p2 $0x0  }
0x1d: {  	s5 =	simm.s32 @p1 $0x1;
	p0 =	seq.s32 s7, s2  }
0x1e: {  	s7 =	smul.u32 @!p0 $0xF7A, s2;
	p2 =	seq.s32 @!p0 s5, $0x0  }
0x1f: {  	s9 =	smul.u32 $0xF7A, s1;
	s8 =	simm.s32 @!p0 $0x1BF5;
	p2 =	por !p2, p0  }
0x20: {  	[sflag:s8] =	ssyncset.s32 @!p0 $0xFFFFF086;
	s6 =	sadd.s32 @!p0 s3, s7;
	s7 =	simm.s32 @!p0 $0x108  }
0x21: {  	s3 =	sadd.s32 s3, s9;
	s6 =	sadd.s32 @!p0 $0x88, s6;
	s7 =	simm.s32 @p2 $0x1082  }
0x22: {  	[simem:s7], [sflag:s8] =	dma.local @!p0 [hbm:s6], $0xF7A  }
0x23: {  	s9 =	sor.u32 $0xD0000000, s2;
	s6 =	simm.s32 $0x108;
	_ =	swait.ge @!p0 [sflag:s8], $0x0  }
0x24: {  	s3 =	sadd.s32 $0x88, s3;
	s6 =	simm.s32 @!p1 $0x1082;
	[sflag:s4] =	ssyncset.s32 $0xFFFFF086  }
0x25: {  	[simem:s6], [sflag:s4] =	dma.local [hbm:s3], $0xF7A  }
0x26: {  	[smem:$0x3F9E] =	sst s1;
	(tag) =	ssettag s2;
	_ =	strace s9  }
0x27: {  	s1 =	sld [smem:$0x3FAE]  }
0x28: {  	s2 =	sld [smem:$0x3FAF]  }
0x29: {  	s4 =	sld [smem:$0x3FB1]  }
0x2a: {  	p0 =	seq.s32 s5, $0x0;
	s5 =	sld [smem:$0x3FB2]  }
0x2b: {  	s6 =	sld [smem:$0x3FB3]  }
0x2c: {  	s7 =	sld [smem:$0x3FB4]  }
0x2d: {  	s3 =	simm.s32 $0x108;
	s8 =	sld [smem:$0x3FB5]  }
0x2e: {  	s3 =	simm.s32 @!p0 $0x1082;
	s9 =	sld [smem:$0x3FB6]  }
0x2f: {  	lr =	sadd.s32 s0, s3;
	s0 =	sld [smem:$0x3FAD]  }
0x30: {  	s3 =	sld [smem:$0x3FB0]  }
0x31: {  	[smem:$0x3FB9] =	sst s10  }
0x32: {  	s10 =	sld [smem:$0x3FB7];
	_ =	sdelay $0x3  }
0x33: {  	p0 =	seq.s32 s10, $0x1;
	s10 =	sld [smem:$0x3FB9];
	_ =	sdelay $0x3  }
0x34: {  	[smem:$0x3FB9] =	sst s10  }
0x35: {  	s10 =	sld [smem:$0x3FB8];
	_ =	sdelay $0x3  }
0x36: {  	p1 =	seq.s32 s10, $0x1;
	s10 =	sld [smem:$0x3FB9];
	_ =	sdelay $0x3  }
0x37: {  	[smem:$0x3FB9] =	sst s10  }
0x38: {  	s10 =	sld [smem:$0x3FBA]  }
0x39: {  	_ = 	snop;
	(pc) =	sbr.ind lr, $3  }
0x3a: {  	_ = 	snop  }
0x3b: {  	_ = 	snop  }
0x3c: {  	p2 =	seq.s32 s10, $0x1;
	s10 =	sld [smem:$0x3FB9]  }
0x3d: {  	_ =	shalt  }
0x3e: {  	_ =	shalt  }
0x3f: {  	_ =	shalt  }
0x40: {  	_ =	shalt  }
0x41: {  	_ =	shalt  }
0x42: {  	_ =	shalt  }
0x43: {  	_ =	shalt  }
0x44: {  	_ =	shalt  }
0x45: {  	_ =	shalt  }
0x46: {  	_ =	shalt  }
0x47: {  	_ =	shalt  }
0x48: {  	_ =	shalt  }
0x49: {  	_ =	shalt  }
0x4a: {  	_ =	shalt  }
0x4b: {  	_ =	shalt  }
0x4c: {  	_ =	shalt  }
0x4d: {  	_ =	shalt  }
0x4e: {  	_ =	shalt  }
0x4f: {  	_ =	shalt  }
0x50: {  	_ =	shalt  }
0x51: {  	_ =	shalt  }
0x52: {  	_ =	shalt  }
0x53: {  	_ =	shalt  }
0x54: {  	_ =	shalt  }
0x55: {  	_ =	shalt  }
0x56: {  	_ =	shalt  }
0x57: {  	_ =	shalt  }
0x58: {  	_ =	shalt  }
0x59: {  	_ =	shalt  }
0x5a: {  	_ =	shalt  }
0x5b: {  	_ =	shalt  }
0x5c: {  	_ =	shalt  }
0x5d: {  	_ =	shalt  }
0x5e: {  	_ =	shalt  }
0x5f: {  	_ =	shalt  }
0x60: {  	_ =	shalt  }
0x61: {  	_ =	shalt  }
0x62: {  	_ =	shalt  }
0x63: {  	_ =	shalt  }
0x64: {  	_ =	shalt  }
0x65: {  	_ =	shalt  }
0x66: {  	_ =	shalt  }
0x67: {  	_ =	shalt  }
0x68: {  	_ =	shalt  }
0x69: {  	_ =	shalt  }
0x6a: {  	_ =	shalt  }
0x6b: {  	_ =	shalt  }
0x6c: {  	_ =	shalt  }
0x6d: {  	_ =	shalt  }
0x6e: {  	_ =	shalt  }
0x6f: {  	_ =	shalt  }
0x70: {  	_ =	shalt  }
0x71: {  	_ =	shalt  }
0x72: {  	_ =	shalt  }
0x73: {  	_ =	shalt  }
0x74: {  	_ =	shalt  }
0x75: {  	_ =	shalt  }
0x76: {  	_ =	shalt  }
0x77: {  	_ =	shalt  }
0x78: {  	_ =	shalt  }
0x79: {  	_ =	shalt  }
0x7a: {  	_ =	shalt  }
0x7b: {  	_ =	shalt  }
0x7c: {  	_ =	shalt  }
0x7d: {  	_ =	shalt  }
0x7e: {  	_ =	shalt  }
0x7f: {  	_ =	shalt  }
0x80: {  	_ =	shalt  }
0x81: {  	_ =	shalt  }
0x82: {  	_ =	shalt  }
0x83: {  	_ =	shalt  }
0x84: {  	_ =	shalt  }
0x85: {  	_ =	shalt  }
0x86: {  	_ =	shalt  }
0x87: {  	_ =	shalt  }
.Lfunc_end0:
.L_simem_size_0:
called_computation_lowered:
.L_overlay_start_0:
0x88: {  	s2 =	sld [smem:$0x3FD9]  }
0x89: {  	s3 =	sld [smem:$0x3FFE];
	_ =	sdelay $0x1  }
0x8a: {  	s1 =	srdreg.scid  }
0x8b: {  	s0 =	sand.u32 $0x1, s1  }
0x8c: {  	s17 =	sshll.u32 s0, $0xA;
	s2 =	sadd.s32 s3, s2  }
0x8d: {  	s2 =	sadd.s32 s2, s17  }
0x8e: {  	[smem:$0x3FC5] =	sst s2  }
0x8f: {  	_ = 	snop  }
0x90: {  	s2 =	sld [smem:$0x3FC8]  }
0x91: {  	s18 =	sld [smem:$0x3FC7]  }
0x92: {  	s4 =	sld [smem:$0x3FD0];
	(tm) =	ssettm $0x1  }
0x93: {  	s5 =	sld [smem:$0x3FFB];
	_ =	sdelay $0x3  }
0x94: {  	_ =	strace s5  }
0x95: {  	s5 =	sld [smem:$0x3FFC];
	_ =	sdelay $0x3  }
0x96: {  	_ =	strace s5  }
0x97: {  	s5 =	sld [smem:$0x3FFD];
	_ =	sdelay $0x3  }
0x98: {  	_ =	strace s5  }
0x99: {  	_ =	strace $0x8FFFFFFF  }
0x9a: {  	s19 =	sld [smem:$0x3FDB];
	_ =	sdelay $0x1  }
0x9b: {  	s6 =	simm.s32 $_scs_section_size  }
0x9c: {  	s7 =	simm.s32 $_size__tile_overlayer_lowered;
	s8 =	simm.s32 $_tile_overlayer_lowered  }
0x9d: {  	s22 =	simm.s32 $0x1BFF;
	s21 =	sshll.u32 s8, $0x1;
	s5 =	sadd.s32 s6, s19  }
0x9e: {  	s9 =	simm.s32 $0x0;
	s20 =	sshll.u32 s7, $0x1;
	s7 =	sadd.s32 s21, s5  }
0x9f: {  	[timem:s9], [sflag:s22] =	dma.local [hbm:s7], s20  }
0xa0: {  	_ =	swait.ge [sflag:s22], s20  }
0xa1: {  	s6 =	ssub.s32 $0x0, s20;
	[sflag:s22] =	ssyncset.done $0x0  }
0xa2: {  	[sflag:s22] =	ssyncadd.s32 s6;
	_ =	sdelay $0x1  }
0xa3: {  	s23 =	simm.s32 $0x1B8B  }
0xa4: {  	_ =	swait.ge [sflag:s23], $0x1  }
0xa5: {  	[sflag:s23] =	ssyncset.done $0x0  }
0xa6: {  	s25 =	simm.s32 $0x1B8E;
	s24 =	sld [smem:$0x3FFE];
	[sflag:s23] =	ssyncadd.s32 $0xFFFFFFFF  }
0xa7: {  	s26 =	simm.s32 $execute0_lowered;
	[smem:$0x3FD2] =	sst s25  }
0xa8: {  	s7 =	sshll.u32 s26, $0x1;
	_ =	strace $0x80000046;
	[dreg:$0x1] =	wrdreg $0xFFFFFFFF  }
0xa9: {  	s28 =	simm.s32 $_size_execute0_lowered;
	s5 =	sadd.s32 s5, s7;
	[dreg:$0x0] =	wrdreg $0x0  }
0xaa: {  	s7 =	sshll.u32 s28, $0x1;
	[dreg:$0x2] =	wrdreg s5  }
0xab: {  	[dreg:$0x3] =	wrdreg s7  }
0xac: {  	[dreg:$0x4] =	wrdreg $0xC0  }
0xad: {  	_ =	task [dreg:s9], $0x5FFFF  }
0xae: {  	[dreg:$0x1] =	wrdreg $0xFFFFFFFF  }
0xaf: {  	[dreg:$0x0] =	wrdreg $0x60  }
0xb0: {  	[dreg:$0x2] =	wrdreg s24  }
0xb1: {  	[dreg:$0x3] =	wrdreg s2  }
0xb2: {  	[dreg:$0x4] =	wrdreg s18  }
0xb3: {  	[dreg:$0x5] =	wrdreg s4  }
0xb4: {  	[dreg:$0x6] =	wrdreg $0x9  }
0xb5: {  	_ =	task.clear_ibuf [dreg:s9], $0x7FFFF;
	_ =	strace $0x90000046  }
0xb6: {  	s29 =	simm.s32 $0x9;
	_ =	strace $0x80000048  }
0xb7: {  	_ =	swait.ge [sflag:s29], $0x1  }
0xb8: {  	[sflag:s29] =	ssyncadd.s32 $0xFFFFFFFF  }
0xb9: {  	_ =	strace $0x90000048  }
0xba: {  	_ =	sfence  }
0xbb: {  	s30 =	sld [smem:$0x0];
	_ =	sdelay $0x2  }
0xbc: {  	s31 =	sshll.u32 s1, $0xD;
	s1 =	sshrl.u32 s1, $0x2  }
0xbd: {  	s3 =	sand.u32 $0x4000, s31;
	s1 =	sadd.s32 s1, s30  }
0xbe: {  	s0 =	sor.u32 s3, s0;
	s1 =	sshll.u32 s1, $0x11  }
0xbf: {  	s0 =	sor.u32 s1, s0  }
0xc0: {  	s0 =	sadd.s32 $0x8F2B, s0  }
0xc1: {  	[sflag:s0] =	ssyncadd.remote.s32 $0x1  }
0xc2: {  	_ =	sfence.sel $0xFFFF  }
0xc3: {  	[dreg:$0x0] =	wrdreg $0xFFFFFFFF;
	(pc) =	sbr.abs _section_cstart, $3  }
0xc4: {  	[dreg:$0x1] =	wrdreg $0xFFFFFFFF  }
0xc5: {  	_ =	task.clear_ibuf [dreg:s9], $0x2FFFF;
	_ =	strace $0x9FFFFFFF  }
0xc6: {  	(tm) =	ssettm $0x7FFFFFFF  }
0xc7: {  	_ =	shalt  }
tec
execute0_lowered:
.L_overlay_start_1:
0x0: {  	(tag) =	ssettag $0x1  }
0x1: {  	s0 =	rddreg [dreg:$0x0]  }
0x2: {  	s2 =	rddreg [dreg:$0x2];
	s1 =	srdreg.scid  }
0x3: {  	s3 =	rddreg [dreg:$0x3];
	s5 =	stileid.u32;
	s4 =	sand.u32 $0x1, s1  }
0x4: {  	s1 =	simm.s32 $0x0;
	s5 =	sshll.u32 s5, $0x7;
	s6 =	sshll.u32 s4, $0x6  }
0x5: {  	s0 =	sadd.s32 $0x400, s0;
	s4 =	ssub.s32 $0x2, s4;
	s5 =	sor.u32 s6, s5  }
0x6: {  	[smem:$0x7FF] =	sst s1;
	s21 =	sshrl.u32 s4, $0x1;
	s7 =	sor.u32 $0x800, s5  }
0x7: {  	s22 =	sshrl.u32 s5, $0x3;
	s24 =	sor.u32 $0x1000, s5;
	s9 =	sor.u32 $0x1800, s5  }
0x8: {  	s5 =	sshll.u32 s5, $0x7;
	s8 =	sshrl.u32 s7, $0x3;
	s6 =	sadd.s32 s0, s22  }
0x9: {  	s25 =	sshrl.u32 s24, $0x3;
	[dreg:$0x5] =	wrdreg s6;
	s23 =	sadd.s32 s0, s8  }
0xa: {  	s26 =	sshrl.u32 s9, $0x3;
	s8 =	sadd.s32 s0, s25;
	[dreg:$0x6] =	wrdreg s23  }
0xb: {  	s10 =	sor.u32 $0x400, s5;
	s0 =	sadd.s32 s0, s26;
	[dreg:$0x7] =	wrdreg s8  }
0xc: {  	s15 =	sor.u32 $0x800, s5;
	s11 =	sadd.s32 s2, s10;
	[dreg:$0x8] =	wrdreg s0  }
0xd: {  	s4 =	ssub.s32 s4, s21;
	s17 =	sadd.s32 s2, s15;
	[dreg:$0xa] =	wrdreg s11  }
0xe: {  	s16 =	sor.u32 $0xC00, s5;
	s18 =	sadd.s32 s3, s10;
	[dreg:$0xf] =	wrdreg s17  }
0xf: {  	s20 =	sor.u32 $0x1000, s5;
	s19 =	sadd.s32 s2, s16;
	[dreg:$0x10] =	wrdreg s18  }
0x10: {  	s21 =	sor.u32 $0x1400, s5;
	s22 =	sadd.s32 s2, s20;
	[dreg:$0x11] =	wrdreg s19  }
0x11: {  	s25 =	sadd.s32 s3, s21;
	[dreg:$0x13] =	wrdreg s22  }
0x12: {  	[dreg:$0x17] =	wrdreg s25  }
0x13: {  	s12 =	sshll.u32 s7, $0x7;
	s8 =	sadd.s32 s2, s5;
	s22 =	rddreg [dreg:$0x1]  }
0x14: {  	s6 =	sshll.u32 s24, $0x7;
	s0 =	sadd.s32 s3, s12;
	[dreg:$0x9] =	wrdreg s8  }
0x15: {  	s13 =	sadd.s32 s3, s6;
	[dreg:$0xc] =	wrdreg s0  }
0x16: {  	s6 =	sadd.s32 s3, s16;
	[dreg:$0xd] =	wrdreg s13  }
0x17: {  	s24 =	sor.u32 $0x1800, s5;
	s23 =	sadd.s32 s2, s21;
	[dreg:$0x14] =	wrdreg s6  }
0x18: {  	s14 =	sshll.u32 s9, $0x7;
	s26 =	sadd.s32 s2, s24;
	[dreg:$0x15] =	wrdreg s23  }
0x19: {  	s8 =	sadd.s32 s3, s5;
	s0 =	sadd.s32 s3, s14;
	[dreg:$0x18] =	wrdreg s26  }
0x1a: {  	s5 =	sor.u32 $0x1C00, s5;
	[dreg:$0xe] =	wrdreg s0;
	s0 =	sadd.s32 s3, s15  }
0x1b: {  	s2 =	sadd.s32 s2, s5;
	[dreg:$0x12] =	wrdreg s0  }
0x1c: {  	s0 =	sadd.s32 s3, s20;
	[dreg:$0x19] =	wrdreg s2  }
0x1d: {  	s2 =	sadd.s32 s3, s5;
	[dreg:$0x16] =	wrdreg s0  }
0x1e: {  	s0 =	sadd.s32 s3, s24;
	[dreg:$0x1b] =	wrdreg s2  }
0x1f: {  	s3 =	smax.u32 s4, $0x1;
	[dreg:$0x1a] =	wrdreg s0  }
0x20: {  	s4 =	sadd.s32 $0x40400, s8;
	_ =	strace $0x80000047;
	[dreg:$0x1c] =	wrdreg s3  }
0x21: {  	s5 =	sadd.s32 $0x80400, s8;
	[dreg:$0x1d] =	wrdreg s4  }
0x22: {  	s6 =	sadd.s32 $0xC0400, s8;
	[dreg:$0x1e] =	wrdreg s5  }
0x23: {  	s7 =	sadd.s32 $0x40800, s8;
	[dreg:$0x1f] =	wrdreg s6  }
0x24: {  	s9 =	sadd.s32 $0x80800, s8;
	[smem:$0x7EC] =	sst s7  }
0x25: {  	s10 =	sadd.s32 $0xC0800, s8;
	[smem:$0x7ED] =	sst s9  }
0x26: {  	s11 =	sadd.s32 $0x40C00, s8;
	[smem:$0x7EE] =	sst s10  }
0x27: {  	s12 =	sadd.s32 $0x80C00, s8;
	[smem:$0x7EF] =	sst s11  }
0x28: {  	s13 =	sadd.s32 $0xC0C00, s8;
	[smem:$0x7F0] =	sst s12  }
0x29: {  	s14 =	sadd.s32 $0x41000, s8;
	[smem:$0x7F1] =	sst s13  }
0x2a: {  	s15 =	sadd.s32 $0x81000, s8;
	[smem:$0x7F2] =	sst s14  }
0x2b: {  	s16 =	sadd.s32 $0xC1000, s8;
	[smem:$0x7F3] =	sst s15  }
0x2c: {  	s17 =	sadd.s32 $0x41400, s8;
	[smem:$0x7F4] =	sst s16  }
0x2d: {  	s18 =	sadd.s32 $0x81400, s8;
	[smem:$0x7F5] =	sst s17  }
0x2e: {  	s19 =	sadd.s32 $0xC1400, s8;
	[smem:$0x7F6] =	sst s18  }
0x2f: {  	s20 =	sadd.s32 $0x41800, s8;
	[smem:$0x7F7] =	sst s19  }
0x30: {  	s21 =	sadd.s32 $0x81800, s8;
	[smem:$0x7F8] =	sst s20  }
0x31: {  	s23 =	sadd.s32 $0xC1800, s8;
	[smem:$0x7F9] =	sst s21  }
0x32: {  	s24 =	sadd.s32 $0x41C00, s8;
	[smem:$0x7FA] =	sst s23  }
0x33: {  	s28 =	simm.s32 $0x0;
	s25 =	sadd.s32 $0x81C00, s8;
	[smem:$0x7FB] =	sst s24  }
0x34: {  	s29 =	sadd.s32 $0x100, s22;
	s30 =	sadd.s32 $0x200, s22;
	[smem:$0x7FC] =	sst s25  }
0x35: {  	s31 =	sadd.s32 $0x300, s22;
	s26 =	sadd.s32 $0xC1C00, s8;
	[dreg:$0xb] =	wrdreg s8  }
0x36: {  	s2 =	simm.s32 $0xA200;
	[smem:$0x7FD] =	sst s26;
	s24 =	simm.s32 $0x1B  }
0x37: {  	s25 =	simm.s32 $0x4200;
	s13 =	simm.s32 $0x6200;
	s21 =	simm.s32 $0x8200  }
0x38: {  	v0 =	vlaneseq.u32;
	s5 =	simm.s32 $0xC200;
	s7 =	simm.s32 $0xE200;
	s8 =	simm.s32 $0x10200  }
0x39: {  	v1 =	vshrl.u32 v0, $0x3;
	s9 =	simm.s32 $0x12200;
	s12 =	simm.s32 $0x1;
	s11 =	simm.s32 $0x16200  }
0x3a: {  	vm0 =	vmmov $0xffff;
	v0 =	vand.u32 $0x7, v0;
	v1 =	vmul.u32 $0x8, v1;
	s15 =	simm.s32 $0x18200;
	s6 =	simm.s32 $0x1A200;
	s3 =	simm.s32 $0x2  }
.LBB2_1:
0x3b: {  	s0 =	rddreg [dreg:$0x5]  }
0x3c: {  	[tilespmem:s1], [sflag:$0x1B] =	stream.linear.gather [hbm4b:s0+s1], $0x40, $0x38;
	[tilespmem:$0x1C200] =	vst v63  }
0x3d: {  	s16 =	rddreg [dreg:$0x6];
	s4 =	simm.s32 $0x80  }
0x3e: {  	[tilespmem:s4], [sflag:$0x1B] =	stream.linear.gather [hbm4b:s16+s1], $0x40, $0x38;
	[tilespmem:$0x1C200] =	vst v63  }
0x3f: {  	s17 =	rddreg [dreg:$0x7];
	s18 =	simm.s32 $0x100  }
0x40: {  	[tilespmem:s18], [sflag:$0x1B] =	stream.linear.gather [hbm4b:s17+s1], $0x40, $0x38;
	[tilespmem:$0x1C200] =	vst v63  }
0x41: {  	s19 =	rddreg [dreg:$0x8];
	s20 =	simm.s32 $0x180  }
0x42: {  	[tilespmem:s20], [sflag:$0x1B] =	stream.linear.gather [hbm4b:s19+s1], $0x40, $0x38;
	[tilespmem:$0x1C200] =	vst v63  }
0x43: {  	_ =	swait.ge [sflag:s24], $0x40  }
0x44: {  	[sflag:s24] =	ssyncset.done $0x0  }
0x45: {  	[sflag:s24] =	ssyncadd.s32 $0xFFFFFFC0  }
0x46: {  	_ =	swait.ge [sflag:s24], $0x40  }
0x47: {  	[sflag:s24] =	ssyncset.done $0x0  }
0x48: {  	[sflag:s24] =	ssyncadd.s32 $0xFFFFFFC0  }
0x49: {  	_ =	swait.ge [sflag:s24], $0x40  }
0x4a: {  	[sflag:s24] =	ssyncset.done $0x0  }
0x4b: {  	[sflag:s24] =	ssyncadd.s32 $0xFFFFFFC0  }
0x4c: {  	_ =	swait.ge [sflag:s24], $0x40  }
0x4d: {  	[sflag:s24] =	ssyncset.done $0x0  }
0x4e: {  	s26 =	simm.s32 $0x200;
	s23 =	rddreg [dreg:$0x9];
	[sflag:s24] =	ssyncadd.s32 $0xFFFFFFC0  }
0x4f: {  	[tilespmem:s26], [sflag:$0x1] =	stream.linear.gather [hbm4b:s23+s1], $0x2000, $0x38;
	[tilespmem:$0x1C200] =	vst v63  }
0x50: {  	v2 =	vld.msk [tilespmem:$0x0], $0xff;
	_ =	sdelay $0x4  }
0x51: {  	v3 =	vshll.u32 v2, $0x3  }
0x52: {  	v2 =	vand.u32 $0x7, v2;
	v3 =	vand.u32 $0xFFFFFFC0, v3  }
0x53: {  	v2 =	vor.u32 v2, v3  }
0x54: {  	v2 =	vperm.xlane v2, v0;
	_ =	sdelay $0x1  }
0x55: {  	v2 =	vadd.s32 v1, v2;
	_ =	sdelay $0x4  }
0x56: {  	[tilespmem:s25], [sflag:$0x3] =	stream.indirect_vreg.gather [hbm4b:s22+s1], $0x80, v2, vm0, $0xb8;
	[tilespmem:$0x1C200] =	vst v63  }
0x57: {  	s10 =	simm.s32 $0x4A00  }
0x58: {  	[tilespmem:s10], [sflag:$0x3] =	stream.indirect_vreg.gather [hbm4b:s29+s1], $0x80, v2, vm0, $0xb8;
	[tilespmem:$0x1C200] =	vst v63  }
0x59: {  	s14 =	simm.s32 $0x5200  }
0x5a: {  	[tilespmem:s14], [sflag:$0x3] =	stream.indirect_vreg.gather [hbm4b:s30+s1], $0x80, v2, vm0, $0xb8;
	[tilespmem:$0x1C200] =	vst v63  }
0x5b: {  	s16 =	simm.s32 $0x5A00  }
0x5c: {  	[tilespmem:s16], [sflag:$0x3] =	stream.indirect_vreg.gather [hbm4b:s31+s1], $0x80, v2, vm0, $0xb8;
	[tilespmem:$0x1C200] =	vst v63  }
0x5d: {  	v2 =	vld.msk [tilespmem:$0x80], $0xff;
	_ =	sdelay $0x4  }
0x5e: {  	v3 =	vshll.u32 v2, $0x3  }
0x5f: {  	v2 =	vand.u32 $0x7, v2;
	v3 =	vand.u32 $0xFFFFFFC0, v3  }
0x60: {  	v2 =	vor.u32 v2, v3  }
0x61: {  	v2 =	vperm.xlane v2, v0;
	_ =	sdelay $0x1  }
0x62: {  	v2 =	vadd.s32 v1, v2;
	_ =	sdelay $0x4  }
0x63: {  	[tilespmem:s13], [sflag:$0x4] =	stream.indirect_vreg.gather [hbm4b:s22+s1], $0x80, v2, vm0, $0xb8;
	[tilespmem:$0x1C200] =	vst v63  }
0x64: {  	s17 =	simm.s32 $0x6A00  }
0x65: {  	[tilespmem:s17], [sflag:$0x4] =	stream.indirect_vreg.gather [hbm4b:s29+s1], $0x80, v2, vm0, $0xb8;
	[tilespmem:$0x1C200] =	vst v63  }
0x66: {  	s18 =	simm.s32 $0x7200  }
0x67: {  	[tilespmem:s18], [sflag:$0x4] =	stream.indirect_vreg.gather [hbm4b:s30+s1], $0x80, v2, vm0, $0xb8;
	[tilespmem:$0x1C200] =	vst v63  }
0x68: {  	s19 =	simm.s32 $0x7A00  }
0x69: {  	[tilespmem:s19], [sflag:$0x4] =	stream.indirect_vreg.gather [hbm4b:s31+s1], $0x80, v2, vm0, $0xb8;
	[tilespmem:$0x1C200] =	vst v63  }
0x6a: {  	v2 =	vld.msk [tilespmem:$0x100], $0xff;
	_ =	sdelay $0x4  }
0x6b: {  	v3 =	vshll.u32 v2, $0x3  }
0x6c: {  	v2 =	vand.u32 $0x7, v2;
	v3 =	vand.u32 $0xFFFFFFC0, v3  }
0x6d: {  	v2 =	vor.u32 v2, v3  }
0x6e: {  	v2 =	vperm.xlane v2, v0;
	_ =	sdelay $0x1  }
0x6f: {  	v2 =	vadd.s32 v1, v2;
	_ =	sdelay $0x4  }
0x70: {  	[tilespmem:s21], [sflag:$0x5] =	stream.indirect_vreg.gather [hbm4b:s22+s1], $0x80, v2, vm0, $0xb8;
	[tilespmem:$0x1C200] =	vst v63  }
0x71: {  	s20 =	simm.s32 $0x8A00  }
0x72: {  	[tilespmem:s20], [sflag:$0x5] =	stream.indirect_vreg.gather [hbm4b:s29+s1], $0x80, v2, vm0, $0xb8;
	[tilespmem:$0x1C200] =	vst v63  }
0x73: {  	s21 =	simm.s32 $0x9200  }
0x74: {  	[tilespmem:s21], [sflag:$0x5] =	stream.indirect_vreg.gather [hbm4b:s30+s1], $0x80, v2, vm0, $0xb8;
	[tilespmem:$0x1C200] =	vst v63  }
0x75: {  	s23 =	simm.s32 $0x9A00  }
0x76: {  	[tilespmem:s23], [sflag:$0x5] =	stream.indirect_vreg.gather [hbm4b:s31+s1], $0x80, v2, vm0, $0xb8;
	[tilespmem:$0x1C200] =	vst v63  }
0x77: {  	v2 =	vld.msk [tilespmem:$0x180], $0xff;
	_ =	sdelay $0x4  }
0x78: {  	v3 =	vshll.u32 v2, $0x3  }
0x79: {  	v2 =	vand.u32 $0x7, v2;
	v3 =	vand.u32 $0xFFFFFFC0, v3  }
0x7a: {  	v2 =	vor.u32 v2, v3  }
0x7b: {  	v2 =	vperm.xlane v2, v0;
	_ =	sdelay $0x1  }
0x7c: {  	v2 =	vadd.s32 v1, v2;
	_ =	sdelay $0x4  }
0x7d: {  	[tilespmem:s2], [sflag:$0x6] =	stream.indirect_vreg.gather [hbm4b:s22+s1], $0x80, v2, vm0, $0xb8;
	[tilespmem:$0x1C200] =	vst v63  }
0x7e: {  	s25 =	simm.s32 $0xAA00  }
0x7f: {  	[tilespmem:s25], [sflag:$0x6] =	stream.indirect_vreg.gather [hbm4b:s29+s1], $0x80, v2, vm0, $0xb8;
	[tilespmem:$0x1C200] =	vst v63  }
0x80: {  	s26 =	simm.s32 $0xB200  }
0x81: {  	[tilespmem:s26], [sflag:$0x6] =	stream.indirect_vreg.gather [hbm4b:s30+s1], $0x80, v2, vm0, $0xb8;
	[tilespmem:$0x1C200] =	vst v63  }
0x82: {  	s2 =	simm.s32 $0xBA00  }
0x83: {  	[tilespmem:s2], [sflag:$0x6] =	stream.indirect_vreg.gather [hbm4b:s31+s1], $0x80, v2, vm0, $0xb8;
	[tilespmem:$0x1C200] =	vst v63  }
0x84: {  	v2 =	vld.msk [tilespmem:$0x8], $0xff;
	_ =	sdelay $0x4  }
0x85: {  	v3 =	vshll.u32 v2, $0x3  }
0x86: {  	v2 =	vand.u32 $0x7, v2;
	v3 =	vand.u32 $0xFFFFFFC0, v3  }
0x87: {  	v2 =	vor.u32 v2, v3  }
0x88: {  	v2 =	vperm.xlane v2, v0;
	_ =	sdelay $0x1  }
0x89: {  	v2 =	vadd.s32 v1, v2;
	_ =	sdelay $0x4  }
0x8a: {  	[tilespmem:s5], [sflag:$0x7] =	stream.indirect_vreg.gather [hbm4b:s22+s1], $0x80, v2, vm0, $0xb8;
	[tilespmem:$0x1C200] =	vst v63  }
0x8b: {  	s4 =	simm.s32 $0xCA00  }
0x8c: {  	[tilespmem:s4], [sflag:$0x7] =	stream.indirect_vreg.gather [hbm4b:s29+s1], $0x80, v2, vm0, $0xb8;
	[tilespmem:$0x1C200] =	vst v63  }
0x8d: {  	s5 =	simm.s32 $0xD200  }
0x8e: {  	[tilespmem:s5], [sflag:$0x7] =	stream.indirect_vreg.gather [hbm4b:s30+s1], $0x80, v2, vm0, $0xb8;
	[tilespmem:$0x1C200] =	vst v63  }
0x8f: {  	s10 =	simm.s32 $0xDA00  }
0x90: {  	[tilespmem:s10], [sflag:$0x7] =	stream.indirect_vreg.gather [hbm4b:s31+s1], $0x80, v2, vm0, $0xb8;
	[tilespmem:$0x1C200] =	vst v63  }
0x91: {  	v2 =	vld.msk [tilespmem:$0x88], $0xff;
	_ =	sdelay $0x4  }
0x92: {  	v3 =	vshll.u32 v2, $0x3  }
0x93: {  	v2 =	vand.u32 $0x7, v2;
	v3 =	vand.u32 $0xFFFFFFC0, v3  }
0x94: {  	v2 =	vor.u32 v2, v3  }
0x95: {  	v2 =	vperm.xlane v2, v0;
	_ =	sdelay $0x1  }
0x96: {  	v2 =	vadd.s32 v1, v2;
	_ =	sdelay $0x4  }
0x97: {  	[tilespmem:s7], [sflag:$0x8] =	stream.indirect_vreg.gather [hbm4b:s22+s1], $0x80, v2, vm0, $0xb8;
	[tilespmem:$0x1C200] =	vst v63  }
0x98: {  	s13 =	simm.s32 $0xEA00  }
0x99: {  	[tilespmem:s13], [sflag:$0x8] =	stream.indirect_vreg.gather [hbm4b:s29+s1], $0x80, v2, vm0, $0xb8;
	[tilespmem:$0x1C200] =	vst v63  }
0x9a: {  	s14 =	simm.s32 $0xF200  }
0x9b: {  	[tilespmem:s14], [sflag:$0x8] =	stream.indirect_vreg.gather [hbm4b:s30+s1], $0x80, v2, vm0, $0xb8;
	[tilespmem:$0x1C200] =	vst v63  }
0x9c: {  	s16 =	simm.s32 $0xFA00  }
0x9d: {  	[tilespmem:s16], [sflag:$0x8] =	stream.indirect_vreg.gather [hbm4b:s31+s1], $0x80, v2, vm0, $0xb8;
	[tilespmem:$0x1C200] =	vst v63  }
0x9e: {  	v2 =	vld.msk [tilespmem:$0x108], $0xff;
	_ =	sdelay $0x4  }
0x9f: {  	v3 =	vshll.u32 v2, $0x3  }
0xa0: {  	v2 =	vand.u32 $0x7, v2;
	v3 =	vand.u32 $0xFFFFFFC0, v3  }
0xa1: {  	v2 =	vor.u32 v2, v3  }
0xa2: {  	v2 =	vperm.xlane v2, v0;
	_ =	sdelay $0x1  }
0xa3: {  	v2 =	vadd.s32 v1, v2;
	_ =	sdelay $0x4  }
0xa4: {  	[tilespmem:s8], [sflag:$0x9] =	stream.indirect_vreg.gather [hbm4b:s22+s1], $0x80, v2, vm0, $0xb8;
	[tilespmem:$0x1C200] =	vst v63  }
0xa5: {  	s17 =	simm.s32 $0x10A00  }
0xa6: {  	[tilespmem:s17], [sflag:$0x9] =	stream.indirect_vreg.gather [hbm4b:s29+s1], $0x80, v2, vm0, $0xb8;
	[tilespmem:$0x1C200] =	vst v63  }
0xa7: {  	s18 =	simm.s32 $0x11200  }
0xa8: {  	[tilespmem:s18], [sflag:$0x9] =	stream.indirect_vreg.gather [hbm4b:s30+s1], $0x80, v2, vm0, $0xb8;
	[tilespmem:$0x1C200] =	vst v63  }
0xa9: {  	s19 =	simm.s32 $0x11A00  }
0xaa: {  	[tilespmem:s19], [sflag:$0x9] =	stream.indirect_vreg.gather [hbm4b:s31+s1], $0x80, v2, vm0, $0xb8;
	[tilespmem:$0x1C200] =	vst v63  }
0xab: {  	v2 =	vld.msk [tilespmem:$0x188], $0xff;
	_ =	sdelay $0x4  }
0xac: {  	v3 =	vshll.u32 v2, $0x3  }
0xad: {  	v2 =	vand.u32 $0x7, v2;
	v3 =	vand.u32 $0xFFFFFFC0, v3  }
0xae: {  	v2 =	vor.u32 v2, v3  }
0xaf: {  	v2 =	vperm.xlane v2, v0;
	_ =	sdelay $0x1  }
0xb0: {  	v2 =	vadd.s32 v1, v2;
	_ =	sdelay $0x4  }
0xb1: {  	[tilespmem:s9], [sflag:$0xA] =	stream.indirect_vreg.gather [hbm4b:s22+s1], $0x80, v2, vm0, $0xb8;
	[tilespmem:$0x1C200] =	vst v63  }
0xb2: {  	s20 =	simm.s32 $0x12A00  }
0xb3: {  	[tilespmem:s20], [sflag:$0xA] =	stream.indirect_vreg.gather [hbm4b:s29+s1], $0x80, v2, vm0, $0xb8;
	[tilespmem:$0x1C200] =	vst v63  }
0xb4: {  	s21 =	simm.s32 $0x13200  }
0xb5: {  	[tilespmem:s21], [sflag:$0xA] =	stream.indirect_vreg.gather [hbm4b:s30+s1], $0x80, v2, vm0, $0xb8;
	[tilespmem:$0x1C200] =	vst v63  }
0xb6: {  	s23 =	simm.s32 $0x13A00  }
0xb7: {  	[tilespmem:s23], [sflag:$0xA] =	stream.indirect_vreg.gather [hbm4b:s31+s1], $0x80, v2, vm0, $0xb8;
	[tilespmem:$0x1C200] =	vst v63  }
0xb8: {  	_ =	swait.ge [sflag:s12], $0x2000  }
0xb9: {  	s26 =	simm.s32 $0x2200;
	[sflag:s12] =	ssyncset.done $0x0  }
0xba: {  	s4 =	simm.s32 $0x3;
	s25 =	rddreg [dreg:$0xa];
	[sflag:s12] =	ssyncadd.s32 $0xFFFFE000  }
0xbb: {  	[tilespmem:s26], [sflag:$0x2] =	stream.linear.gather [hbm4b:s25+s1], $0x2000, $0x38;
	[tilespmem:$0x1C200] =	vst v63  }
0xbc: {  	_ =	swait.ge [sflag:s4], $0x2000  }
0xbd: {  	[sflag:s4] =	ssyncset.done $0x0  }
0xbe: {  	s5 =	simm.s32 $0x4;
	[sflag:s4] =	ssyncadd.s32 $0xFFFFE000  }
0xbf: {  	_ =	swait.ge [sflag:s5], $0x2000  }
0xc0: {  	[sflag:s5] =	ssyncset.done $0x0  }
0xc1: {  	s7 =	simm.s32 $0x5;
	[sflag:s5] =	ssyncadd.s32 $0xFFFFE000  }
0xc2: {  	_ =	swait.ge [sflag:s7], $0x2000  }
0xc3: {  	[sflag:s7] =	ssyncset.done $0x0  }
0xc4: {  	s8 =	simm.s32 $0x6;
	[sflag:s7] =	ssyncadd.s32 $0xFFFFE000  }
0xc5: {  	_ =	swait.ge [sflag:s8], $0x2000  }
0xc6: {  	[sflag:s8] =	ssyncset.done $0x0  }
0xc7: {  	[sflag:s8] =	ssyncadd.s32 $0xFFFFE000  }
0xc8: {  	v2 =	vld.msk [tilespmem:$0x10], $0xff;
	_ =	sdelay $0x4  }
0xc9: {  	v3 =	vshll.u32 v2, $0x3  }
0xca: {  	v2 =	vand.u32 $0x7, v2;
	v3 =	vand.u32 $0xFFFFFFC0, v3  }
0xcb: {  	v2 =	vor.u32 v2, v3  }
0xcc: {  	v2 =	vperm.xlane v2, v0;
	_ =	sdelay $0x1  }
0xcd: {  	v2 =	vadd.s32 v1, v2;
	_ =	sdelay $0x3  }
0xce: {  	s9 =	simm.s32 $0x14200  }
0xcf: {  	[tilespmem:s9], [sflag:$0xB] =	stream.indirect_vreg.gather [hbm4b:s22+s1], $0x80, v2, vm0, $0xb8;
	[tilespmem:$0x1C200] =	vst v63  }
0xd0: {  	s10 =	simm.s32 $0x14A00  }
0xd1: {  	[tilespmem:s10], [sflag:$0xB] =	stream.indirect_vreg.gather [hbm4b:s29+s1], $0x80, v2, vm0, $0xb8;
	[tilespmem:$0x1C200] =	vst v63  }
0xd2: {  	s13 =	simm.s32 $0x15200  }
0xd3: {  	[tilespmem:s13], [sflag:$0xB] =	stream.indirect_vreg.gather [hbm4b:s30+s1], $0x80, v2, vm0, $0xb8;
	[tilespmem:$0x1C200] =	vst v63  }
0xd4: {  	s14 =	simm.s32 $0x15A00  }
0xd5: {  	[tilespmem:s14], [sflag:$0xB] =	stream.indirect_vreg.gather [hbm4b:s31+s1], $0x80, v2, vm0, $0xb8;
	[tilespmem:$0x1C200] =	vst v63  }
0xd6: {  	v2 =	vld.msk [tilespmem:$0x90], $0xff;
	_ =	sdelay $0x4  }
0xd7: {  	v3 =	vshll.u32 v2, $0x3  }
0xd8: {  	v2 =	vand.u32 $0x7, v2;
	v3 =	vand.u32 $0xFFFFFFC0, v3  }
0xd9: {  	v2 =	vor.u32 v2, v3  }
0xda: {  	v2 =	vperm.xlane v2, v0;
	_ =	sdelay $0x1  }
0xdb: {  	v2 =	vadd.s32 v1, v2;
	_ =	sdelay $0x4  }
0xdc: {  	[tilespmem:s11], [sflag:$0xC] =	stream.indirect_vreg.gather [hbm4b:s22+s1], $0x80, v2, vm0, $0xb8;
	[tilespmem:$0x1C200] =	vst v63  }
0xdd: {  	s16 =	simm.s32 $0x16A00  }
0xde: {  	[tilespmem:s16], [sflag:$0xC] =	stream.indirect_vreg.gather [hbm4b:s29+s1], $0x80, v2, vm0, $0xb8;
	[tilespmem:$0x1C200] =	vst v63  }
0xdf: {  	s17 =	simm.s32 $0x17200  }
0xe0: {  	[tilespmem:s17], [sflag:$0xC] =	stream.indirect_vreg.gather [hbm4b:s30+s1], $0x80, v2, vm0, $0xb8;
	[tilespmem:$0x1C200] =	vst v63  }
0xe1: {  	s18 =	simm.s32 $0x17A00  }
0xe2: {  	[tilespmem:s18], [sflag:$0xC] =	stream.indirect_vreg.gather [hbm4b:s31+s1], $0x80, v2, vm0, $0xb8;
	[tilespmem:$0x1C200] =	vst v63  }
0xe3: {  	v2 =	vld.msk [tilespmem:$0x110], $0xff;
	_ =	sdelay $0x4  }
0xe4: {  	v3 =	vshll.u32 v2, $0x3  }
0xe5: {  	v2 =	vand.u32 $0x7, v2;
	v3 =	vand.u32 $0xFFFFFFC0, v3  }
0xe6: {  	v2 =	vor.u32 v2, v3  }
0xe7: {  	v2 =	vperm.xlane v2, v0;
	_ =	sdelay $0x1  }
0xe8: {  	v2 =	vadd.s32 v1, v2;
	_ =	sdelay $0x4  }
0xe9: {  	[tilespmem:s15], [sflag:$0xD] =	stream.indirect_vreg.gather [hbm4b:s22+s1], $0x80, v2, vm0, $0xb8;
	[tilespmem:$0x1C200] =	vst v63  }
0xea: {  	s19 =	simm.s32 $0x18A00  }
0xeb: {  	[tilespmem:s19], [sflag:$0xD] =	stream.indirect_vreg.gather [hbm4b:s29+s1], $0x80, v2, vm0, $0xb8;
	[tilespmem:$0x1C200] =	vst v63  }
0xec: {  	s20 =	simm.s32 $0x19200  }
0xed: {  	[tilespmem:s20], [sflag:$0xD] =	stream.indirect_vreg.gather [hbm4b:s30+s1], $0x80, v2, vm0, $0xb8;
	[tilespmem:$0x1C200] =	vst v63  }
0xee: {  	s21 =	simm.s32 $0x19A00  }
0xef: {  	[tilespmem:s21], [sflag:$0xD] =	stream.indirect_vreg.gather [hbm4b:s31+s1], $0x80, v2, vm0, $0xb8;
	[tilespmem:$0x1C200] =	vst v63  }
0xf0: {  	v2 =	vld.msk [tilespmem:$0x190], $0xff;
	_ =	sdelay $0x4  }
0xf1: {  	v3 =	vshll.u32 v2, $0x3  }
0xf2: {  	v2 =	vand.u32 $0x7, v2;
	v3 =	vand.u32 $0xFFFFFFC0, v3  }
0xf3: {  	v2 =	vor.u32 v2, v3  }
0xf4: {  	v2 =	vperm.xlane v2, v0;
	_ =	sdelay $0x1  }
0xf5: {  	v2 =	vadd.s32 v1, v2;
	_ =	sdelay $0x4  }
0xf6: {  	[tilespmem:s6], [sflag:$0xE] =	stream.indirect_vreg.gather [hbm4b:s22+s1], $0x80, v2, vm0, $0xb8;
	[tilespmem:$0x1C200] =	vst v63  }
0xf7: {  	s23 =	simm.s32 $0x1AA00  }
0xf8: {  	[tilespmem:s23], [sflag:$0xE] =	stream.indirect_vreg.gather [hbm4b:s29+s1], $0x80, v2, vm0, $0xb8;
	[tilespmem:$0x1C200] =	vst v63  }
0xf9: {  	s25 =	simm.s32 $0x1B200  }
0xfa: {  	[tilespmem:s25], [sflag:$0xE] =	stream.indirect_vreg.gather [hbm4b:s30+s1], $0x80, v2, vm0, $0xb8;
	[tilespmem:$0x1C200] =	vst v63  }
0xfb: {  	s0 =	simm.s32 $0x0;
	s26 =	simm.s32 $0x1BA00  }
0xfc: {  	[tilespmem:s26], [sflag:$0xE] =	stream.indirect_vreg.gather [hbm4b:s31+s1], $0x80, v2, vm0, $0xb8;
	[tilespmem:$0x1C200] =	vst v63  }
.LBB2_2:
0xfd: {  	s26 =	sshll.u32 s0, $0x7;
	s20 =	simm.s32 $0x0  }
0xfe: {  	s23 =	simm.s32 $0x0;
	s5 =	sor.u32 $0x30, s26;
	s4 =	sand.u32 $0x40, s20  }
0xff: {  	s16 =	sand.u32 $0x1C00, s23;
	s14 =	sor.u32 s5, s4  }
0x100: {  	s19 =	sor.u32 s16, s14  }
0x101: {  	s25 =	sor.u32 s26, s4;
	v2 =	vld [tilespmem:s19+$0x200]  }
0x102: {  	s7 =	sor.u32 s16, s25;
	v3 =	vld [tilespmem:s19+$0xA200]  }
0x103: {  	v5 =	vld [tilespmem:s7+$0x200]  }
0x104: {  	v6 =	vld [tilespmem:s7+$0x4200]  }
0x105: {  	s14 =	sor.u32 $0x10, s26;
	v7 =	vld [tilespmem:s7+$0x6200]  }
0x106: {  	s17 =	sor.u32 s14, s4;
	v8 =	vld [tilespmem:s7+$0x8200]  }
0x107: {  	v9 =	vld [tilespmem:s7+$0xA200];
	s17 =	sor.u32 s16, s17  }
0x108: {  	v4 =	vld [tilespmem:s17+$0x200]  }
0x109: {  	v10 =	vld [tilespmem:s17+$0x4200];
	v3 =	vadd.f32 v3, v2  }
0x10a: {  	s18 =	sor.u32 $0x20, s26;
	v11 =	vld [tilespmem:s17+$0x6200];
	v6 =	vadd.f32 v6, v5  }
0x10b: {  	s4 =	sor.u32 s18, s4;
	v12 =	vld [tilespmem:s17+$0x8200];
	[tilespmem:s19+$0xA200] =	vst v3;
	v3 =	vadd.f32 v7, v5  }
0x10c: {  	s16 =	sor.u32 s16, s4;
	[tilespmem:s7+$0x4200] =	vst v6;
	v6 =	vadd.f32 v8, v5;
	v8 =	vld [tilespmem:s17+$0xA200]  }
0x10d: {  	v5 =	vadd.f32 v9, v5;
	v7 =	vld [tilespmem:s16+$0x4200];
	[tilespmem:s7+$0x6200] =	vst v3  }
0x10e: {  	v9 =	vadd.f32 v10, v4;
	v3 =	vld [tilespmem:s16+$0x200];
	[tilespmem:s7+$0x8200] =	vst v6  }
0x10f: {  	v10 =	vadd.f32 v11, v4;
	[tilespmem:s7+$0xA200] =	vst v5;
	v6 =	vld [tilespmem:s16+$0x6200]  }
0x110: {  	[tilespmem:s17+$0x4200] =	vst v9;
	v9 =	vadd.f32 v12, v4;
	v5 =	vld [tilespmem:s16+$0x8200]  }
.LBB2_3:
0x111: {  	s20 =	sadd.s32 $0x40, s20;
	[tilespmem:s17+$0x6200] =	vst v10;
	v4 =	vadd.f32 v8, v4;
	v8 =	vld [tilespmem:s16+$0xA200]  }
0x112: {  	s23 =	sadd.s32 $0x200, s23;
	s4 =	sand.u32 $0x40, s20;
	p0 =	slt.u32 s20, $0x3C0;
	[tilespmem:s17+$0x8200] =	vst v9;
	v9 =	vld [tilespmem:s19+$0x4200]  }
0x113: {  	s7 =	sand.u32 $0x1C00, s23;
	s9 =	sor.u32 s26, s4;
	s10 =	sor.u32 s5, s4;
	[tilespmem:s17+$0xA200] =	vst v4;
	v4 =	vadd.f32 v7, v3;
	v7 =	vld [tilespmem:s19+$0x6200]  }
0x114: {  	s17 =	sor.u32 s14, s4;
	s4 =	sor.u32 s18, s4;
	s10 =	sor.u32 s7, s10;
	v6 =	vadd.f32 v6, v3;
	v10 =	vld [tilespmem:s19+$0x8200]  }
0x115: {  	s9 =	sor.u32 s7, s9;
	s17 =	sor.u32 s7, s17;
	s4 =	sor.u32 s7, s4;
	v11 =	vld [tilespmem:s10+$0x200];
	[tilespmem:s16+$0x4200] =	vst v4;
	v4 =	vadd.f32 v5, v3  }
0x116: {  	v5 =	vld [tilespmem:s10+$0xA200];
	[tilespmem:s16+$0x6200] =	vst v6;
	v3 =	vadd.f32 v8, v3  }
0x117: {  	v6 =	vld [tilespmem:s9+$0x200];
	[tilespmem:s16+$0x8200] =	vst v4;
	v4 =	vadd.f32 v9, v2  }
0x118: {  	v8 =	vld [tilespmem:s9+$0x4200];
	[tilespmem:s16+$0xA200] =	vst v3;
	v3 =	vadd.f32 v7, v2;
	s16 =	smov.u32 s4  }
0x119: {  	v7 =	vld [tilespmem:s9+$0x6200];
	[tilespmem:s19+$0x4200] =	vst v4;
	v4 =	vadd.f32 v10, v2  }
0x11a: {  	v9 =	vld [tilespmem:s9+$0x8200];
	[tilespmem:s19+$0x6200] =	vst v3;
	v2 =	vmov v11  }
0x11b: {  	v3 =	vld [tilespmem:s9+$0xA200];
	v5 =	vadd.f32 v5, v2;
	[tilespmem:s19+$0x8200] =	vst v4;
	s19 =	smov.u32 s10  }
0x11c: {  	v4 =	vld [tilespmem:s17+$0x200]  }
0x11d: {  	v8 =	vadd.f32 v8, v6;
	v10 =	vld [tilespmem:s17+$0x4200];
	[tilespmem:s19+$0xA200] =	vst v5  }
0x11e: {  	v5 =	vadd.f32 v7, v6;
	v11 =	vld [tilespmem:s17+$0x6200]  }
0x11f: {  	[tilespmem:s9+$0x4200] =	vst v8;
	v7 =	vadd.f32 v9, v6;
	v9 =	vld [tilespmem:s17+$0x8200]  }
.Ltmp0:
0x120: {  	[tilespmem:s9+$0x6200] =	vst v5;
	v5 =	vadd.f32 v3, v6;
	v8 =	vld [tilespmem:s17+$0xA200];
	(pc) =	sbr.rel @p0 .LBB2_3-.Ltmp0, $4  }
0x121: {  	[tilespmem:s9+$0x8200] =	vst v7;
	v3 =	vld [tilespmem:s16+$0x200]  }
0x122: {  	[tilespmem:s9+$0xA200] =	vst v5;
	v5 =	vadd.f32 v10, v4;
	v7 =	vld [tilespmem:s16+$0x4200]  }
0x123: {  	v10 =	vadd.f32 v11, v4;
	v6 =	vld [tilespmem:s16+$0x6200]  }
0x124: {  	[tilespmem:s17+$0x4200] =	vst v5;
	v9 =	vadd.f32 v9, v4;
	v5 =	vld [tilespmem:s16+$0x8200]  }
0x125: {  	v11 =	vld [tilespmem:s16+$0xA200]  }
0x126: {  	[tilespmem:s17+$0x6200] =	vst v10;
	v4 =	vadd.f32 v8, v4;
	v59 =	vld [tilespmem:s19+$0x4200]  }
0x127: {  	v60 =	vld [tilespmem:s19+$0x6200];
	[tilespmem:s17+$0x8200] =	vst v9;
	v7 =	vadd.f32 v7, v3  }
0x128: {  	v62 =	vld [tilespmem:s19+$0x8200];
	[tilespmem:s17+$0xA200] =	vst v4;
	v61 =	vadd.f32 v6, v3  }
0x129: {  	s0 =	sadd.s32 $0x1, s0;
	[tilespmem:s16+$0x4200] =	vst v7;
	v5 =	vadd.f32 v5, v3  }
0x12a: {  	p0 =	sne.s32 s0, $0x8;
	[tilespmem:s16+$0x6200] =	vst v61;
	v3 =	vadd.f32 v11, v3  }
.Ltmp1:
0x12b: {  	v63 =	vadd.f32 v59, v2;
	[tilespmem:s16+$0x8200] =	vst v5;
	(pc) =	sbr.rel @p0 .LBB2_2-.Ltmp1, $4  }
0x12c: {  	[tilespmem:s16+$0xA200] =	vst v3;
	v3 =	vadd.f32 v60, v2  }
0x12d: {  	[tilespmem:s19+$0x4200] =	vst v63;
	v2 =	vadd.f32 v62, v2  }
0x12e: {  	[tilespmem:s19+$0x6200] =	vst v3  }
0x12f: {  	[tilespmem:s19+$0x8200] =	vst v2  }
0x130: {  	s0 =	simm.s32 $0x0;
	s4 =	rddreg [dreg:$0xb];
	s7 =	simm.s32 $0x4200  }
0x131: {  	[hbm4b:s4+s0] =	stream.linear.scatter [tilespmem:s7], [sflag:$0xF], $0x2000, $0x38;
	[tilespmem:$0x1C200] =	vst v63  }
0x132: {  	s18 =	rddreg [dreg:$0xc];
	s8 =	simm.s32 $0x6200  }
0x133: {  	[hbm4b:s18+s0] =	stream.linear.scatter [tilespmem:s8], [sflag:$0x10], $0x2000, $0x38;
	[tilespmem:$0x1C200] =	vst v63  }
0x134: {  	s19 =	rddreg [dreg:$0xd];
	s9 =	simm.s32 $0x8200  }
0x135: {  	[hbm4b:s19+s0] =	stream.linear.scatter [tilespmem:s9], [sflag:$0x11], $0x2000, $0x38;
	[tilespmem:$0x1C200] =	vst v63  }
0x136: {  	s20 =	rddreg [dreg:$0xe];
	s2 =	simm.s32 $0xA200  }
0x137: {  	[hbm4b:s20+s0] =	stream.linear.scatter [tilespmem:s2], [sflag:$0x12], $0x2000, $0x38;
	[tilespmem:$0x1C200] =	vst v63  }
0x138: {  	_ =	swait.ge [sflag:s3], $0x2000  }
0x139: {  	s5 =	simm.s32 $0x200;
	[sflag:s3] =	ssyncset.done $0x0  }
0x13a: {  	s23 =	simm.s32 $0x7;
	s21 =	rddreg [dreg:$0xf];
	[sflag:s3] =	ssyncadd.s32 $0xFFFFE000  }
0x13b: {  	[tilespmem:s5], [sflag:$0x1] =	stream.linear.gather [hbm4b:s21+s0], $0x2000, $0x38;
	[tilespmem:$0x1C200] =	vst v63  }
0x13c: {  	_ =	swait.ge [sflag:s23], $0x2000  }
0x13d: {  	[sflag:s23] =	ssyncset.done $0x0  }
0x13e: {  	s25 =	simm.s32 $0x8;
	[sflag:s23] =	ssyncadd.s32 $0xFFFFE000  }
0x13f: {  	_ =	swait.ge [sflag:s25], $0x2000  }
0x140: {  	[sflag:s25] =	ssyncset.done $0x0  }
0x141: {  	s26 =	simm.s32 $0x9;
	[sflag:s25] =	ssyncadd.s32 $0xFFFFE000  }
0x142: {  	_ =	swait.ge [sflag:s26], $0x2000  }
0x143: {  	[sflag:s26] =	ssyncset.done $0x0  }
0x144: {  	s5 =	simm.s32 $0xA;
	[sflag:s26] =	ssyncadd.s32 $0xFFFFE000  }
0x145: {  	_ =	swait.ge [sflag:s5], $0x2000  }
0x146: {  	[sflag:s5] =	ssyncset.done $0x0  }
0x147: {  	s6 =	simm.s32 $0xF;
	[sflag:s5] =	ssyncadd.s32 $0xFFFFE000  }
0x148: {  	_ =	swait.ge [sflag:s6], $0x2000  }
0x149: {  	[sflag:s6] =	ssyncset.done $0x0  }
0x14a: {  	[sflag:s6] =	ssyncadd.s32 $0xFFFFE000  }
0x14b: {  	v2 =	vld.msk [tilespmem:$0x18], $0xff;
	_ =	sdelay $0x4  }
0x14c: {  	v3 =	vshll.u32 v2, $0x3  }
0x14d: {  	v2 =	vand.u32 $0x7, v2;
	v3 =	vand.u32 $0xFFFFFFC0, v3  }
0x14e: {  	v2 =	vor.u32 v2, v3  }
0x14f: {  	v2 =	vperm.xlane v2, v0;
	_ =	sdelay $0x1  }
0x150: {  	v2 =	vadd.s32 v1, v2;
	_ =	sdelay $0x4  }
0x151: {  	[tilespmem:s7], [sflag:$0x3] =	stream.indirect_vreg.gather [hbm4b:s22+s0], $0x80, v2, vm0, $0xb8;
	[tilespmem:$0x1C200] =	vst v63  }
0x152: {  	s7 =	simm.s32 $0x4A00  }
0x153: {  	[tilespmem:s7], [sflag:$0x3] =	stream.indirect_vreg.gather [hbm4b:s29+s0], $0x80, v2, vm0, $0xb8;
	[tilespmem:$0x1C200] =	vst v63  }
0x154: {  	s10 =	simm.s32 $0x5200  }
0x155: {  	[tilespmem:s10], [sflag:$0x3] =	stream.indirect_vreg.gather [hbm4b:s30+s0], $0x80, v2, vm0, $0xb8;
	[tilespmem:$0x1C200] =	vst v63  }
0x156: {  	s11 =	simm.s32 $0x5A00;
	s13 =	simm.s32 $0x10  }
0x157: {  	[tilespmem:s11], [sflag:$0x3] =	stream.indirect_vreg.gather [hbm4b:s31+s0], $0x80, v2, vm0, $0xb8;
	[tilespmem:$0x1C200] =	vst v63  }
0x158: {  	_ =	swait.ge [sflag:s13], $0x2000  }
0x159: {  	[sflag:s13] =	ssyncset.done $0x0  }
0x15a: {  	[sflag:s13] =	ssyncadd.s32 $0xFFFFE000  }
0x15b: {  	v2 =	vld.msk [tilespmem:$0x98], $0xff;
	_ =	sdelay $0x4  }
0x15c: {  	v3 =	vshll.u32 v2, $0x3  }
0x15d: {  	v2 =	vand.u32 $0x7, v2;
	v3 =	vand.u32 $0xFFFFFFC0, v3  }
0x15e: {  	v2 =	vor.u32 v2, v3  }
0x15f: {  	v2 =	vperm.xlane v2, v0;
	_ =	sdelay $0x1  }
0x160: {  	v2 =	vadd.s32 v1, v2;
	_ =	sdelay $0x4  }
0x161: {  	[tilespmem:s8], [sflag:$0x4] =	stream.indirect_vreg.gather [hbm4b:s22+s0], $0x80, v2, vm0, $0xb8;
	[tilespmem:$0x1C200] =	vst v63  }
0x162: {  	s14 =	simm.s32 $0x6A00  }
0x163: {  	[tilespmem:s14], [sflag:$0x4] =	stream.indirect_vreg.gather [hbm4b:s29+s0], $0x80, v2, vm0, $0xb8;
	[tilespmem:$0x1C200] =	vst v63  }
0x164: {  	s15 =	simm.s32 $0x7200  }
0x165: {  	[tilespmem:s15], [sflag:$0x4] =	stream.indirect_vreg.gather [hbm4b:s30+s0], $0x80, v2, vm0, $0xb8;
	[tilespmem:$0x1C200] =	vst v63  }
0x166: {  	s16 =	simm.s32 $0x7A00;
	s17 =	simm.s32 $0x11  }
0x167: {  	[tilespmem:s16], [sflag:$0x4] =	stream.indirect_vreg.gather [hbm4b:s31+s0], $0x80, v2, vm0, $0xb8;
	[tilespmem:$0x1C200] =	vst v63  }
0x168: {  	_ =	swait.ge [sflag:s17], $0x2000  }
0x169: {  	[sflag:s17] =	ssyncset.done $0x0  }
0x16a: {  	[sflag:s17] =	ssyncadd.s32 $0xFFFFE000  }
0x16b: {  	v2 =	vld.msk [tilespmem:$0x118], $0xff;
	_ =	sdelay $0x4  }
0x16c: {  	v3 =	vshll.u32 v2, $0x3  }
0x16d: {  	v2 =	vand.u32 $0x7, v2;
	v3 =	vand.u32 $0xFFFFFFC0, v3  }
0x16e: {  	v2 =	vor.u32 v2, v3  }
0x16f: {  	v2 =	vperm.xlane v2, v0;
	_ =	sdelay $0x1  }
0x170: {  	v2 =	vadd.s32 v1, v2;
	_ =	sdelay $0x4  }
0x171: {  	[tilespmem:s9], [sflag:$0x5] =	stream.indirect_vreg.gather [hbm4b:s22+s0], $0x80, v2, vm0, $0xb8;
	[tilespmem:$0x1C200] =	vst v63  }
0x172: {  	s18 =	simm.s32 $0x8A00  }
0x173: {  	[tilespmem:s18], [sflag:$0x5] =	stream.indirect_vreg.gather [hbm4b:s29+s0], $0x80, v2, vm0, $0xb8;
	[tilespmem:$0x1C200] =	vst v63  }
0x174: {  	s19 =	simm.s32 $0x9200  }
0x175: {  	[tilespmem:s19], [sflag:$0x5] =	stream.indirect_vreg.gather [hbm4b:s30+s0], $0x80, v2, vm0, $0xb8;
	[tilespmem:$0x1C200] =	vst v63  }
0x176: {  	s20 =	simm.s32 $0x9A00;
	s21 =	simm.s32 $0x12  }
0x177: {  	[tilespmem:s20], [sflag:$0x5] =	stream.indirect_vreg.gather [hbm4b:s31+s0], $0x80, v2, vm0, $0xb8;
	[tilespmem:$0x1C200] =	vst v63  }
0x178: {  	_ =	swait.ge [sflag:s21], $0x2000  }
0x179: {  	[sflag:s21] =	ssyncset.done $0x0  }
0x17a: {  	[sflag:s21] =	ssyncadd.s32 $0xFFFFE000  }
0x17b: {  	v2 =	vld.msk [tilespmem:$0x198], $0xff;
	_ =	sdelay $0x4  }
0x17c: {  	v3 =	vshll.u32 v2, $0x3  }
0x17d: {  	v2 =	vand.u32 $0x7, v2;
	v3 =	vand.u32 $0xFFFFFFC0, v3  }
0x17e: {  	v2 =	vor.u32 v2, v3  }
0x17f: {  	v2 =	vperm.xlane v2, v0;
	_ =	sdelay $0x1  }
0x180: {  	v2 =	vadd.s32 v1, v2;
	_ =	sdelay $0x4  }
0x181: {  	[tilespmem:s2], [sflag:$0x6] =	stream.indirect_vreg.gather [hbm4b:s22+s0], $0x80, v2, vm0, $0xb8;
	[tilespmem:$0x1C200] =	vst v63  }
0x182: {  	s23 =	simm.s32 $0xAA00  }
0x183: {  	[tilespmem:s23], [sflag:$0x6] =	stream.indirect_vreg.gather [hbm4b:s29+s0], $0x80, v2, vm0, $0xb8;
	[tilespmem:$0x1C200] =	vst v63  }
0x184: {  	s25 =	simm.s32 $0xB200  }
0x185: {  	[tilespmem:s25], [sflag:$0x6] =	stream.indirect_vreg.gather [hbm4b:s30+s0], $0x80, v2, vm0, $0xb8;
	[tilespmem:$0x1C200] =	vst v63  }
0x186: {  	s26 =	simm.s32 $0xBA00  }
0x187: {  	[tilespmem:s26], [sflag:$0x6] =	stream.indirect_vreg.gather [hbm4b:s31+s0], $0x80, v2, vm0, $0xb8;
	[tilespmem:$0x1C200] =	vst v63  }
0x188: {  	s26 =	simm.s32 $0x0  }
.LBB2_6:
0x189: {  	s20 =	sshll.u32 s26, $0x7;
	s5 =	simm.s32 $0x0  }
0x18a: {  	s23 =	sor.u32 $0x30, s20;
	s4 =	sand.u32 $0x40, s5  }
0x18b: {  	s7 =	sand.u32 $0x1C00, s0;
	s9 =	sor.u32 s23, s4  }
0x18c: {  	s19 =	sor.u32 s7, s9  }
0x18d: {  	s25 =	sor.u32 s20, s4;
	v2 =	vld [tilespmem:s19+$0x2200]  }
0x18e: {  	s9 =	sor.u32 s7, s25;
	v3 =	vld [tilespmem:s19+$0x12200]  }
0x18f: {  	v5 =	vld [tilespmem:s9+$0x2200]  }
0x190: {  	v6 =	vld [tilespmem:s9+$0xC200]  }
0x191: {  	s14 =	sor.u32 $0x10, s20;
	v7 =	vld [tilespmem:s9+$0xE200]  }
0x192: {  	s10 =	sor.u32 s14, s4;
	v8 =	vld [tilespmem:s9+$0x10200]  }
0x193: {  	s17 =	sor.u32 s7, s10;
	v9 =	vld [tilespmem:s9+$0x12200]  }
0x194: {  	v4 =	vld [tilespmem:s17+$0x2200]  }
0x195: {  	v10 =	vld [tilespmem:s17+$0xC200];
	v3 =	vadd.f32 v3, v2  }
0x196: {  	s18 =	sor.u32 $0x20, s20;
	v11 =	vld [tilespmem:s17+$0xE200];
	v6 =	vadd.f32 v6, v5  }
0x197: {  	s4 =	sor.u32 s18, s4;
	v12 =	vld [tilespmem:s17+$0x10200];
	[tilespmem:s19+$0x12200] =	vst v3;
	v3 =	vadd.f32 v7, v5  }
0x198: {  	s16 =	sor.u32 s7, s4;
	[tilespmem:s9+$0xC200] =	vst v6;
	v6 =	vadd.f32 v8, v5;
	v8 =	vld [tilespmem:s17+$0x12200]  }
0x199: {  	v5 =	vadd.f32 v9, v5;
	v7 =	vld [tilespmem:s16+$0xC200];
	[tilespmem:s9+$0xE200] =	vst v3  }
0x19a: {  	v9 =	vadd.f32 v10, v4;
	v3 =	vld [tilespmem:s16+$0x2200];
	[tilespmem:s9+$0x10200] =	vst v6  }
0x19b: {  	v10 =	vadd.f32 v11, v4;
	[tilespmem:s9+$0x12200] =	vst v5;
	v6 =	vld [tilespmem:s16+$0xE200]  }
0x19c: {  	s4 =	simm.s32 $0x0;
	[tilespmem:s17+$0xC200] =	vst v9;
	v9 =	vadd.f32 v12, v4;
	v5 =	vld [tilespmem:s16+$0x10200]  }
.LBB2_7:
0x19d: {  	s5 =	sadd.s32 $0x40, s5;
	[tilespmem:s17+$0xE200] =	vst v10;
	v4 =	vadd.f32 v8, v4;
	v8 =	vld [tilespmem:s16+$0x12200]  }
0x19e: {  	s4 =	sadd.s32 $0x200, s4;
	s7 =	sand.u32 $0x40, s5;
	p0 =	slt.u32 s5, $0x3C0;
	[tilespmem:s17+$0x10200] =	vst v9;
	v9 =	vld [tilespmem:s19+$0xC200]  }
0x19f: {  	s9 =	sand.u32 $0x1C00, s4;
	s10 =	sor.u32 s20, s7;
	s8 =	sor.u32 s23, s7;
	[tilespmem:s17+$0x12200] =	vst v4;
	v4 =	vadd.f32 v7, v3;
	v7 =	vld [tilespmem:s19+$0xE200]  }
0x1a0: {  	s17 =	sor.u32 s14, s7;
	s7 =	sor.u32 s18, s7;
	s8 =	sor.u32 s9, s8;
	v6 =	vadd.f32 v6, v3;
	v10 =	vld [tilespmem:s19+$0x10200]  }
0x1a1: {  	s10 =	sor.u32 s9, s10;
	s17 =	sor.u32 s9, s17;
	s7 =	sor.u32 s9, s7;
	v11 =	vld [tilespmem:s8+$0x2200];
	[tilespmem:s16+$0xC200] =	vst v4;
	v4 =	vadd.f32 v5, v3  }
0x1a2: {  	v5 =	vld [tilespmem:s8+$0x12200];
	[tilespmem:s16+$0xE200] =	vst v6;
	v3 =	vadd.f32 v8, v3  }
0x1a3: {  	v6 =	vld [tilespmem:s10+$0x2200];
	[tilespmem:s16+$0x10200] =	vst v4;
	v4 =	vadd.f32 v9, v2  }
0x1a4: {  	v8 =	vld [tilespmem:s10+$0xC200];
	[tilespmem:s16+$0x12200] =	vst v3;
	v3 =	vadd.f32 v7, v2;
	s16 =	smov.u32 s7  }
0x1a5: {  	v7 =	vld [tilespmem:s10+$0xE200];
	[tilespmem:s19+$0xC200] =	vst v4;
	v4 =	vadd.f32 v10, v2  }
0x1a6: {  	v9 =	vld [tilespmem:s10+$0x10200];
	[tilespmem:s19+$0xE200] =	vst v3;
	v2 =	vmov v11  }
0x1a7: {  	v3 =	vld [tilespmem:s10+$0x12200];
	v5 =	vadd.f32 v5, v2;
	[tilespmem:s19+$0x10200] =	vst v4;
	s19 =	smov.u32 s8  }
0x1a8: {  	v4 =	vld [tilespmem:s17+$0x2200]  }
0x1a9: {  	v8 =	vadd.f32 v8, v6;
	v10 =	vld [tilespmem:s17+$0xC200];
	[tilespmem:s19+$0x12200] =	vst v5  }
0x1aa: {  	v5 =	vadd.f32 v7, v6;
	v11 =	vld [tilespmem:s17+$0xE200]  }
0x1ab: {  	[tilespmem:s10+$0xC200] =	vst v8;
	v7 =	vadd.f32 v9, v6;
	v9 =	vld [tilespmem:s17+$0x10200]  }
.Ltmp2:
0x1ac: {  	[tilespmem:s10+$0xE200] =	vst v5;
	v5 =	vadd.f32 v3, v6;
	v8 =	vld [tilespmem:s17+$0x12200];
	(pc) =	sbr.rel @p0 .LBB2_7-.Ltmp2, $4  }
0x1ad: {  	[tilespmem:s10+$0x10200] =	vst v7;
	v3 =	vld [tilespmem:s16+$0x2200]  }
0x1ae: {  	[tilespmem:s10+$0x12200] =	vst v5;
	v5 =	vadd.f32 v10, v4;
	v7 =	vld [tilespmem:s16+$0xC200]  }
0x1af: {  	v10 =	vadd.f32 v11, v4;
	v6 =	vld [tilespmem:s16+$0xE200]  }
0x1b0: {  	[tilespmem:s17+$0xC200] =	vst v5;
	v9 =	vadd.f32 v9, v4;
	v5 =	vld [tilespmem:s16+$0x10200]  }
0x1b1: {  	v11 =	vld [tilespmem:s16+$0x12200]  }
0x1b2: {  	[tilespmem:s17+$0xE200] =	vst v10;
	v4 =	vadd.f32 v8, v4;
	v59 =	vld [tilespmem:s19+$0xC200]  }
0x1b3: {  	v60 =	vld [tilespmem:s19+$0xE200];
	[tilespmem:s17+$0x10200] =	vst v9;
	v7 =	vadd.f32 v7, v3  }
0x1b4: {  	v62 =	vld [tilespmem:s19+$0x10200];
	[tilespmem:s17+$0x12200] =	vst v4;
	v61 =	vadd.f32 v6, v3  }
0x1b5: {  	s26 =	sadd.s32 $0x1, s26;
	[tilespmem:s16+$0xC200] =	vst v7;
	v5 =	vadd.f32 v5, v3  }
0x1b6: {  	p0 =	sne.s32 s26, $0x8;
	[tilespmem:s16+$0xE200] =	vst v61;
	v3 =	vadd.f32 v11, v3  }
.Ltmp3:
0x1b7: {  	v63 =	vadd.f32 v59, v2;
	[tilespmem:s16+$0x10200] =	vst v5;
	(pc) =	sbr.rel @p0 .LBB2_6-.Ltmp3, $4  }
0x1b8: {  	[tilespmem:s16+$0x12200] =	vst v3;
	v3 =	vadd.f32 v60, v2  }
0x1b9: {  	[tilespmem:s19+$0xC200] =	vst v63;
	v2 =	vadd.f32 v62, v2  }
0x1ba: {  	[tilespmem:s19+$0xE200] =	vst v3  }
0x1bb: {  	[tilespmem:s19+$0x10200] =	vst v2  }
0x1bc: {  	s0 =	simm.s32 $0x0;
	s4 =	rddreg [dreg:$0x10];
	s2 =	simm.s32 $0xC200  }
0x1bd: {  	[hbm4b:s4+s0] =	stream.linear.scatter [tilespmem:s2], [sflag:$0x13], $0x2000, $0x38;
	[tilespmem:$0x1C200] =	vst v63  }
0x1be: {  	s17 =	rddreg [dreg:$0x1d];
	s5 =	simm.s32 $0xE200  }
0x1bf: {  	[hbm4b:s17+s0] =	stream.linear.scatter [tilespmem:s5], [sflag:$0x14], $0x2000, $0x38;
	[tilespmem:$0x1C200] =	vst v63  }
0x1c0: {  	s18 =	rddreg [dreg:$0x1e];
	s7 =	simm.s32 $0x10200  }
0x1c1: {  	[hbm4b:s18+s0] =	stream.linear.scatter [tilespmem:s7], [sflag:$0x15], $0x2000, $0x38;
	[tilespmem:$0x1C200] =	vst v63  }
0x1c2: {  	s19 =	rddreg [dreg:$0x1f];
	s8 =	simm.s32 $0x12200  }
0x1c3: {  	[hbm4b:s19+s0] =	stream.linear.scatter [tilespmem:s8], [sflag:$0x16], $0x2000, $0x38;
	[tilespmem:$0x1C200] =	vst v63  }
0x1c4: {  	_ =	swait.ge [sflag:s12], $0x2000  }
0x1c5: {  	s9 =	simm.s32 $0x2200;
	[sflag:s12] =	ssyncset.done $0x0  }
0x1c6: {  	s21 =	simm.s32 $0xB;
	s20 =	rddreg [dreg:$0x11];
	[sflag:s12] =	ssyncadd.s32 $0xFFFFE000  }
0x1c7: {  	[tilespmem:s9], [sflag:$0x2] =	stream.linear.gather [hbm4b:s20+s0], $0x2000, $0x38;
	[tilespmem:$0x1C200] =	vst v63  }
0x1c8: {  	_ =	swait.ge [sflag:s21], $0x2000  }
0x1c9: {  	[sflag:s21] =	ssyncset.done $0x0  }
0x1ca: {  	s23 =	simm.s32 $0xC;
	[sflag:s21] =	ssyncadd.s32 $0xFFFFE000  }
0x1cb: {  	_ =	swait.ge [sflag:s23], $0x2000  }
0x1cc: {  	[sflag:s23] =	ssyncset.done $0x0  }
0x1cd: {  	s25 =	simm.s32 $0xD;
	[sflag:s23] =	ssyncadd.s32 $0xFFFFE000  }
0x1ce: {  	_ =	swait.ge [sflag:s25], $0x2000  }
0x1cf: {  	[sflag:s25] =	ssyncset.done $0x0  }
0x1d0: {  	s26 =	simm.s32 $0xE;
	[sflag:s25] =	ssyncadd.s32 $0xFFFFE000  }
0x1d1: {  	_ =	swait.ge [sflag:s26], $0x2000  }
0x1d2: {  	[sflag:s26] =	ssyncset.done $0x0  }
0x1d3: {  	s6 =	simm.s32 $0x13;
	[sflag:s26] =	ssyncadd.s32 $0xFFFFE000  }
0x1d4: {  	_ =	swait.ge [sflag:s6], $0x2000  }
0x1d5: {  	[sflag:s6] =	ssyncset.done $0x0  }
0x1d6: {  	[sflag:s6] =	ssyncadd.s32 $0xFFFFE000  }
0x1d7: {  	v2 =	vld.msk [tilespmem:$0x20], $0xff;
	_ =	sdelay $0x4  }
0x1d8: {  	v3 =	vshll.u32 v2, $0x3  }
0x1d9: {  	v2 =	vand.u32 $0x7, v2;
	v3 =	vand.u32 $0xFFFFFFC0, v3  }
0x1da: {  	v2 =	vor.u32 v2, v3  }
0x1db: {  	v2 =	vperm.xlane v2, v0;
	_ =	sdelay $0x1  }
0x1dc: {  	v2 =	vadd.s32 v1, v2;
	_ =	sdelay $0x4  }
0x1dd: {  	[tilespmem:s2], [sflag:$0x7] =	stream.indirect_vreg.gather [hbm4b:s22+s0], $0x80, v2, vm0, $0xb8;
	[tilespmem:$0x1C200] =	vst v63  }
0x1de: {  	s9 =	simm.s32 $0xCA00  }
0x1df: {  	[tilespmem:s9], [sflag:$0x7] =	stream.indirect_vreg.gather [hbm4b:s29+s0], $0x80, v2, vm0, $0xb8;
	[tilespmem:$0x1C200] =	vst v63  }
0x1e0: {  	s10 =	simm.s32 $0xD200  }
0x1e1: {  	[tilespmem:s10], [sflag:$0x7] =	stream.indirect_vreg.gather [hbm4b:s30+s0], $0x80, v2, vm0, $0xb8;
	[tilespmem:$0x1C200] =	vst v63  }
0x1e2: {  	s11 =	simm.s32 $0xDA00;
	s13 =	simm.s32 $0x14  }
0x1e3: {  	[tilespmem:s11], [sflag:$0x7] =	stream.indirect_vreg.gather [hbm4b:s31+s0], $0x80, v2, vm0, $0xb8;
	[tilespmem:$0x1C200] =	vst v63  }
0x1e4: {  	_ =	swait.ge [sflag:s13], $0x2000  }
0x1e5: {  	[sflag:s13] =	ssyncset.done $0x0  }
0x1e6: {  	[sflag:s13] =	ssyncadd.s32 $0xFFFFE000  }
0x1e7: {  	v2 =	vld.msk [tilespmem:$0xA0], $0xff;
	_ =	sdelay $0x4  }
0x1e8: {  	v3 =	vshll.u32 v2, $0x3  }
0x1e9: {  	v2 =	vand.u32 $0x7, v2;
	v3 =	vand.u32 $0xFFFFFFC0, v3  }
0x1ea: {  	v2 =	vor.u32 v2, v3  }
0x1eb: {  	v2 =	vperm.xlane v2, v0;
	_ =	sdelay $0x1  }
0x1ec: {  	v2 =	vadd.s32 v1, v2;
	_ =	sdelay $0x4  }
0x1ed: {  	[tilespmem:s5], [sflag:$0x8] =	stream.indirect_vreg.gather [hbm4b:s22+s0], $0x80, v2, vm0, $0xb8;
	[tilespmem:$0x1C200] =	vst v63  }
0x1ee: {  	s14 =	simm.s32 $0xEA00  }
0x1ef: {  	[tilespmem:s14], [sflag:$0x8] =	stream.indirect_vreg.gather [hbm4b:s29+s0], $0x80, v2, vm0, $0xb8;
	[tilespmem:$0x1C200] =	vst v63  }
0x1f0: {  	s15 =	simm.s32 $0xF200  }
0x1f1: {  	[tilespmem:s15], [sflag:$0x8] =	stream.indirect_vreg.gather [hbm4b:s30+s0], $0x80, v2, vm0, $0xb8;
	[tilespmem:$0x1C200] =	vst v63  }
0x1f2: {  	s16 =	simm.s32 $0xFA00;
	s17 =	simm.s32 $0x15  }
0x1f3: {  	[tilespmem:s16], [sflag:$0x8] =	stream.indirect_vreg.gather [hbm4b:s31+s0], $0x80, v2, vm0, $0xb8;
	[tilespmem:$0x1C200] =	vst v63  }
0x1f4: {  	_ =	swait.ge [sflag:s17], $0x2000  }
0x1f5: {  	[sflag:s17] =	ssyncset.done $0x0  }
0x1f6: {  	[sflag:s17] =	ssyncadd.s32 $0xFFFFE000  }
0x1f7: {  	v2 =	vld.msk [tilespmem:$0x120], $0xff;
	_ =	sdelay $0x4  }
0x1f8: {  	v3 =	vshll.u32 v2, $0x3  }
0x1f9: {  	v2 =	vand.u32 $0x7, v2;
	v3 =	vand.u32 $0xFFFFFFC0, v3  }
0x1fa: {  	v2 =	vor.u32 v2, v3  }
0x1fb: {  	v2 =	vperm.xlane v2, v0;
	_ =	sdelay $0x1  }
0x1fc: {  	v2 =	vadd.s32 v1, v2;
	_ =	sdelay $0x4  }
0x1fd: {  	[tilespmem:s7], [sflag:$0x9] =	stream.indirect_vreg.gather [hbm4b:s22+s0], $0x80, v2, vm0, $0xb8;
	[tilespmem:$0x1C200] =	vst v63  }
0x1fe: {  	s18 =	simm.s32 $0x10A00  }
0x1ff: {  	[tilespmem:s18], [sflag:$0x9] =	stream.indirect_vreg.gather [hbm4b:s29+s0], $0x80, v2, vm0, $0xb8;
	[tilespmem:$0x1C200] =	vst v63  }
0x200: {  	s19 =	simm.s32 $0x11200  }
0x201: {  	[tilespmem:s19], [sflag:$0x9] =	stream.indirect_vreg.gather [hbm4b:s30+s0], $0x80, v2, vm0, $0xb8;
	[tilespmem:$0x1C200] =	vst v63  }
0x202: {  	s20 =	simm.s32 $0x11A00;
	s21 =	simm.s32 $0x16  }
0x203: {  	[tilespmem:s20], [sflag:$0x9] =	stream.indirect_vreg.gather [hbm4b:s31+s0], $0x80, v2, vm0, $0xb8;
	[tilespmem:$0x1C200] =	vst v63  }
0x204: {  	_ =	swait.ge [sflag:s21], $0x2000  }
0x205: {  	[sflag:s21] =	ssyncset.done $0x0  }
0x206: {  	[sflag:s21] =	ssyncadd.s32 $0xFFFFE000  }
0x207: {  	v2 =	vld.msk [tilespmem:$0x1A0], $0xff;
	_ =	sdelay $0x4  }
0x208: {  	v3 =	vshll.u32 v2, $0x3  }
0x209: {  	v2 =	vand.u32 $0x7, v2;
	v3 =	vand.u32 $0xFFFFFFC0, v3  }
0x20a: {  	v2 =	vor.u32 v2, v3  }
0x20b: {  	v2 =	vperm.xlane v2, v0;
	_ =	sdelay $0x1  }
0x20c: {  	v2 =	vadd.s32 v1, v2;
	_ =	sdelay $0x4  }
0x20d: {  	[tilespmem:s8], [sflag:$0xA] =	stream.indirect_vreg.gather [hbm4b:s22+s0], $0x80, v2, vm0, $0xb8;
	[tilespmem:$0x1C200] =	vst v63  }
0x20e: {  	s23 =	simm.s32 $0x12A00  }
0x20f: {  	[tilespmem:s23], [sflag:$0xA] =	stream.indirect_vreg.gather [hbm4b:s29+s0], $0x80, v2, vm0, $0xb8;
	[tilespmem:$0x1C200] =	vst v63  }
0x210: {  	s25 =	simm.s32 $0x13200  }
0x211: {  	[tilespmem:s25], [sflag:$0xA] =	stream.indirect_vreg.gather [hbm4b:s30+s0], $0x80, v2, vm0, $0xb8;
	[tilespmem:$0x1C200] =	vst v63  }
0x212: {  	s26 =	simm.s32 $0x13A00  }
0x213: {  	[tilespmem:s26], [sflag:$0xA] =	stream.indirect_vreg.gather [hbm4b:s31+s0], $0x80, v2, vm0, $0xb8;
	[tilespmem:$0x1C200] =	vst v63  }
0x214: {  	s26 =	simm.s32 $0x0  }
.LBB2_10:
0x215: {  	s20 =	sshll.u32 s26, $0x7;
	s5 =	simm.s32 $0x0  }
0x216: {  	s23 =	sor.u32 $0x30, s20;
	s4 =	sand.u32 $0x40, s5  }
0x217: {  	s7 =	sand.u32 $0x1C00, s0;
	s8 =	sor.u32 s23, s4  }
0x218: {  	s19 =	sor.u32 s7, s8  }
0x219: {  	s25 =	sor.u32 s20, s4;
	v2 =	vld [tilespmem:s19+$0x200]  }
0x21a: {  	s8 =	sor.u32 s7, s25;
	v3 =	vld [tilespmem:s19+$0x1A200]  }
0x21b: {  	v5 =	vld [tilespmem:s8+$0x200]  }
0x21c: {  	v6 =	vld [tilespmem:s8+$0x14200]  }
0x21d: {  	s14 =	sor.u32 $0x10, s20;
	v7 =	vld [tilespmem:s8+$0x16200]  }
0x21e: {  	s9 =	sor.u32 s14, s4;
	v8 =	vld [tilespmem:s8+$0x18200]  }
0x21f: {  	s17 =	sor.u32 s7, s9;
	v9 =	vld [tilespmem:s8+$0x1A200]  }
0x220: {  	v4 =	vld [tilespmem:s17+$0x200]  }
0x221: {  	v10 =	vld [tilespmem:s17+$0x14200];
	v3 =	vadd.f32 v3, v2  }
0x222: {  	s18 =	sor.u32 $0x20, s20;
	v11 =	vld [tilespmem:s17+$0x16200];
	v6 =	vadd.f32 v6, v5  }
0x223: {  	s4 =	sor.u32 s18, s4;
	v12 =	vld [tilespmem:s17+$0x18200];
	[tilespmem:s19+$0x1A200] =	vst v3;
	v3 =	vadd.f32 v7, v5  }
0x224: {  	s16 =	sor.u32 s7, s4;
	[tilespmem:s8+$0x14200] =	vst v6;
	v6 =	vadd.f32 v8, v5;
	v8 =	vld [tilespmem:s17+$0x1A200]  }
0x225: {  	v5 =	vadd.f32 v9, v5;
	v7 =	vld [tilespmem:s16+$0x14200];
	[tilespmem:s8+$0x16200] =	vst v3  }
0x226: {  	v9 =	vadd.f32 v10, v4;
	v3 =	vld [tilespmem:s16+$0x200];
	[tilespmem:s8+$0x18200] =	vst v6  }
0x227: {  	v10 =	vadd.f32 v11, v4;
	[tilespmem:s8+$0x1A200] =	vst v5;
	v6 =	vld [tilespmem:s16+$0x16200]  }
0x228: {  	s4 =	simm.s32 $0x0;
	[tilespmem:s17+$0x14200] =	vst v9;
	v9 =	vadd.f32 v12, v4;
	v5 =	vld [tilespmem:s16+$0x18200]  }
.LBB2_11:
0x229: {  	s5 =	sadd.s32 $0x40, s5;
	[tilespmem:s17+$0x16200] =	vst v10;
	v4 =	vadd.f32 v8, v4;
	v8 =	vld [tilespmem:s16+$0x1A200]  }
0x22a: {  	s4 =	sadd.s32 $0x200, s4;
	s7 =	sand.u32 $0x40, s5;
	p0 =	slt.u32 s5, $0x3C0;
	[tilespmem:s17+$0x18200] =	vst v9;
	v9 =	vld [tilespmem:s19+$0x14200]  }
0x22b: {  	s8 =	sand.u32 $0x1C00, s4;
	s9 =	sor.u32 s20, s7;
	s10 =	sor.u32 s23, s7;
	[tilespmem:s17+$0x1A200] =	vst v4;
	v4 =	vadd.f32 v7, v3;
	v7 =	vld [tilespmem:s19+$0x16200]  }
0x22c: {  	s17 =	sor.u32 s14, s7;
	s7 =	sor.u32 s18, s7;
	s10 =	sor.u32 s8, s10;
	v6 =	vadd.f32 v6, v3;
	v10 =	vld [tilespmem:s19+$0x18200]  }
0x22d: {  	s9 =	sor.u32 s8, s9;
	s17 =	sor.u32 s8, s17;
	s7 =	sor.u32 s8, s7;
	v11 =	vld [tilespmem:s10+$0x200];
	[tilespmem:s16+$0x14200] =	vst v4;
	v4 =	vadd.f32 v5, v3  }
0x22e: {  	v5 =	vld [tilespmem:s10+$0x1A200];
	[tilespmem:s16+$0x16200] =	vst v6;
	v3 =	vadd.f32 v8, v3  }
0x22f: {  	v6 =	vld [tilespmem:s9+$0x200];
	[tilespmem:s16+$0x18200] =	vst v4;
	v4 =	vadd.f32 v9, v2  }
0x230: {  	v8 =	vld [tilespmem:s9+$0x14200];
	[tilespmem:s16+$0x1A200] =	vst v3;
	v3 =	vadd.f32 v7, v2;
	s16 =	smov.u32 s7  }
0x231: {  	v7 =	vld [tilespmem:s9+$0x16200];
	[tilespmem:s19+$0x14200] =	vst v4;
	v4 =	vadd.f32 v10, v2  }
0x232: {  	v9 =	vld [tilespmem:s9+$0x18200];
	[tilespmem:s19+$0x16200] =	vst v3;
	v2 =	vmov v11  }
0x233: {  	v3 =	vld [tilespmem:s9+$0x1A200];
	v5 =	vadd.f32 v5, v2;
	[tilespmem:s19+$0x18200] =	vst v4;
	s19 =	smov.u32 s10  }
0x234: {  	v4 =	vld [tilespmem:s17+$0x200]  }
0x235: {  	v8 =	vadd.f32 v8, v6;
	v10 =	vld [tilespmem:s17+$0x14200];
	[tilespmem:s19+$0x1A200] =	vst v5  }
0x236: {  	v5 =	vadd.f32 v7, v6;
	v11 =	vld [tilespmem:s17+$0x16200]  }
0x237: {  	[tilespmem:s9+$0x14200] =	vst v8;
	v7 =	vadd.f32 v9, v6;
	v9 =	vld [tilespmem:s17+$0x18200]  }
.Ltmp4:
0x238: {  	[tilespmem:s9+$0x16200] =	vst v5;
	v5 =	vadd.f32 v3, v6;
	v8 =	vld [tilespmem:s17+$0x1A200];
	(pc) =	sbr.rel @p0 .LBB2_11-.Ltmp4, $4  }
0x239: {  	[tilespmem:s9+$0x18200] =	vst v7;
	v3 =	vld [tilespmem:s16+$0x200]  }
0x23a: {  	[tilespmem:s9+$0x1A200] =	vst v5;
	v5 =	vadd.f32 v10, v4;
	v7 =	vld [tilespmem:s16+$0x14200]  }
0x23b: {  	v10 =	vadd.f32 v11, v4;
	v6 =	vld [tilespmem:s16+$0x16200]  }
0x23c: {  	[tilespmem:s17+$0x14200] =	vst v5;
	v9 =	vadd.f32 v9, v4;
	v5 =	vld [tilespmem:s16+$0x18200]  }
0x23d: {  	v11 =	vld [tilespmem:s16+$0x1A200]  }
0x23e: {  	[tilespmem:s17+$0x16200] =	vst v10;
	v4 =	vadd.f32 v8, v4;
	v59 =	vld [tilespmem:s19+$0x14200]  }
0x23f: {  	v60 =	vld [tilespmem:s19+$0x16200];
	[tilespmem:s17+$0x18200] =	vst v9;
	v7 =	vadd.f32 v7, v3  }
0x240: {  	v62 =	vld [tilespmem:s19+$0x18200];
	[tilespmem:s17+$0x1A200] =	vst v4;
	v61 =	vadd.f32 v6, v3  }
0x241: {  	s26 =	sadd.s32 $0x1, s26;
	[tilespmem:s16+$0x14200] =	vst v7;
	v5 =	vadd.f32 v5, v3  }
0x242: {  	p0 =	sne.s32 s26, $0x8;
	[tilespmem:s16+$0x16200] =	vst v61;
	v3 =	vadd.f32 v11, v3  }
.Ltmp5:
0x243: {  	v63 =	vadd.f32 v59, v2;
	[tilespmem:s16+$0x18200] =	vst v5;
	(pc) =	sbr.rel @p0 .LBB2_10-.Ltmp5, $4  }
0x244: {  	[tilespmem:s16+$0x1A200] =	vst v3;
	v3 =	vadd.f32 v60, v2  }
0x245: {  	[tilespmem:s19+$0x14200] =	vst v63;
	v2 =	vadd.f32 v62, v2  }
0x246: {  	[tilespmem:s19+$0x16200] =	vst v3  }
0x247: {  	[tilespmem:s19+$0x18200] =	vst v2  }
0x248: {  	s4 =	rddreg [dreg:$0x12]  }
0x249: {  	s0 =	simm.s32 $0x0;
	s7 =	simm.s32 $0x14200;
	s19 =	sld [smem:$0x7EC]  }
0x24a: {  	[hbm4b:s4+s0] =	stream.linear.scatter [tilespmem:s7], [sflag:$0x17], $0x2000, $0x38;
	[tilespmem:$0x1C200] =	vst v63  }
0x24b: {  	s8 =	simm.s32 $0x16200;
	s20 =	sld [smem:$0x7ED]  }
0x24c: {  	[hbm4b:s19+s0] =	stream.linear.scatter [tilespmem:s8], [sflag:$0x18], $0x2000, $0x38;
	[tilespmem:$0x1C200] =	vst v63  }
0x24d: {  	s9 =	simm.s32 $0x18200;
	s21 =	sld [smem:$0x7EE]  }
0x24e: {  	[hbm4b:s20+s0] =	stream.linear.scatter [tilespmem:s9], [sflag:$0x19], $0x2000, $0x38;
	[tilespmem:$0x1C200] =	vst v63  }
0x24f: {  	s10 =	simm.s32 $0x1A200  }
0x250: {  	[hbm4b:s21+s0] =	stream.linear.scatter [tilespmem:s10], [sflag:$0x1A], $0x2000, $0x38;
	[tilespmem:$0x1C200] =	vst v63  }
0x251: {  	_ =	swait.ge [sflag:s3], $0x2000  }
0x252: {  	s5 =	simm.s32 $0x200;
	[sflag:s3] =	ssyncset.done $0x0  }
0x253: {  	s2 =	simm.s32 $0x3;
	s23 =	rddreg [dreg:$0x13];
	[sflag:s3] =	ssyncadd.s32 $0xFFFFE000  }
0x254: {  	[tilespmem:s5], [sflag:$0x1] =	stream.linear.gather [hbm4b:s23+s0], $0x2000, $0x38;
	[tilespmem:$0x1C200] =	vst v63  }
0x255: {  	_ =	swait.ge [sflag:s2], $0x2000  }
0x256: {  	[sflag:s2] =	ssyncset.done $0x0  }
0x257: {  	s25 =	simm.s32 $0x4;
	[sflag:s2] =	ssyncadd.s32 $0xFFFFE000  }
0x258: {  	_ =	swait.ge [sflag:s25], $0x2000  }
0x259: {  	[sflag:s25] =	ssyncset.done $0x0  }
0x25a: {  	s26 =	simm.s32 $0x5;
	[sflag:s25] =	ssyncadd.s32 $0xFFFFE000  }
0x25b: {  	_ =	swait.ge [sflag:s26], $0x2000  }
0x25c: {  	[sflag:s26] =	ssyncset.done $0x0  }
0x25d: {  	s4 =	simm.s32 $0x6;
	[sflag:s26] =	ssyncadd.s32 $0xFFFFE000  }
0x25e: {  	_ =	swait.ge [sflag:s4], $0x2000  }
0x25f: {  	[sflag:s4] =	ssyncset.done $0x0  }
0x260: {  	s5 =	simm.s32 $0x17;
	[sflag:s4] =	ssyncadd.s32 $0xFFFFE000  }
0x261: {  	_ =	swait.ge [sflag:s5], $0x2000  }
0x262: {  	[sflag:s5] =	ssyncset.done $0x0  }
0x263: {  	[sflag:s5] =	ssyncadd.s32 $0xFFFFE000  }
0x264: {  	v2 =	vld.msk [tilespmem:$0x28], $0xff;
	_ =	sdelay $0x4  }
0x265: {  	v3 =	vshll.u32 v2, $0x3  }
0x266: {  	v2 =	vand.u32 $0x7, v2;
	v3 =	vand.u32 $0xFFFFFFC0, v3  }
0x267: {  	v2 =	vor.u32 v2, v3  }
0x268: {  	v2 =	vperm.xlane v2, v0;
	_ =	sdelay $0x1  }
0x269: {  	v2 =	vadd.s32 v1, v2;
	_ =	sdelay $0x4  }
0x26a: {  	[tilespmem:s7], [sflag:$0xB] =	stream.indirect_vreg.gather [hbm4b:s22+s0], $0x80, v2, vm0, $0xb8;
	[tilespmem:$0x1C200] =	vst v63  }
0x26b: {  	s6 =	simm.s32 $0x14A00  }
0x26c: {  	[tilespmem:s6], [sflag:$0xB] =	stream.indirect_vreg.gather [hbm4b:s29+s0], $0x80, v2, vm0, $0xb8;
	[tilespmem:$0x1C200] =	vst v63  }
0x26d: {  	s7 =	simm.s32 $0x15200  }
0x26e: {  	[tilespmem:s7], [sflag:$0xB] =	stream.indirect_vreg.gather [hbm4b:s30+s0], $0x80, v2, vm0, $0xb8;
	[tilespmem:$0x1C200] =	vst v63  }
0x26f: {  	s11 =	simm.s32 $0x15A00;
	s13 =	simm.s32 $0x18  }
0x270: {  	[tilespmem:s11], [sflag:$0xB] =	stream.indirect_vreg.gather [hbm4b:s31+s0], $0x80, v2, vm0, $0xb8;
	[tilespmem:$0x1C200] =	vst v63  }
0x271: {  	_ =	swait.ge [sflag:s13], $0x2000  }
0x272: {  	[sflag:s13] =	ssyncset.done $0x0  }
0x273: {  	[sflag:s13] =	ssyncadd.s32 $0xFFFFE000  }
0x274: {  	v2 =	vld.msk [tilespmem:$0xA8], $0xff;
	_ =	sdelay $0x4  }
0x275: {  	v3 =	vshll.u32 v2, $0x3  }
0x276: {  	v2 =	vand.u32 $0x7, v2;
	v3 =	vand.u32 $0xFFFFFFC0, v3  }
0x277: {  	v2 =	vor.u32 v2, v3  }
0x278: {  	v2 =	vperm.xlane v2, v0;
	_ =	sdelay $0x1  }
0x279: {  	v2 =	vadd.s32 v1, v2;
	_ =	sdelay $0x4  }
0x27a: {  	[tilespmem:s8], [sflag:$0xC] =	stream.indirect_vreg.gather [hbm4b:s22+s0], $0x80, v2, vm0, $0xb8;
	[tilespmem:$0x1C200] =	vst v63  }
0x27b: {  	s14 =	simm.s32 $0x16A00  }
0x27c: {  	[tilespmem:s14], [sflag:$0xC] =	stream.indirect_vreg.gather [hbm4b:s29+s0], $0x80, v2, vm0, $0xb8;
	[tilespmem:$0x1C200] =	vst v63  }
0x27d: {  	s15 =	simm.s32 $0x17200  }
0x27e: {  	[tilespmem:s15], [sflag:$0xC] =	stream.indirect_vreg.gather [hbm4b:s30+s0], $0x80, v2, vm0, $0xb8;
	[tilespmem:$0x1C200] =	vst v63  }
0x27f: {  	s16 =	simm.s32 $0x17A00;
	s17 =	simm.s32 $0x19  }
0x280: {  	[tilespmem:s16], [sflag:$0xC] =	stream.indirect_vreg.gather [hbm4b:s31+s0], $0x80, v2, vm0, $0xb8;
	[tilespmem:$0x1C200] =	vst v63  }
0x281: {  	_ =	swait.ge [sflag:s17], $0x2000  }
0x282: {  	[sflag:s17] =	ssyncset.done $0x0  }
0x283: {  	[sflag:s17] =	ssyncadd.s32 $0xFFFFE000  }
0x284: {  	v2 =	vld.msk [tilespmem:$0x128], $0xff;
	_ =	sdelay $0x4  }
0x285: {  	v3 =	vshll.u32 v2, $0x3  }
0x286: {  	v2 =	vand.u32 $0x7, v2;
	v3 =	vand.u32 $0xFFFFFFC0, v3  }
0x287: {  	v2 =	vor.u32 v2, v3  }
0x288: {  	v2 =	vperm.xlane v2, v0;
	_ =	sdelay $0x1  }
0x289: {  	v2 =	vadd.s32 v1, v2;
	_ =	sdelay $0x4  }
0x28a: {  	[tilespmem:s9], [sflag:$0xD] =	stream.indirect_vreg.gather [hbm4b:s22+s0], $0x80, v2, vm0, $0xb8;
	[tilespmem:$0x1C200] =	vst v63  }
0x28b: {  	s18 =	simm.s32 $0x18A00  }
0x28c: {  	[tilespmem:s18], [sflag:$0xD] =	stream.indirect_vreg.gather [hbm4b:s29+s0], $0x80, v2, vm0, $0xb8;
	[tilespmem:$0x1C200] =	vst v63  }
0x28d: {  	s19 =	simm.s32 $0x19200  }
0x28e: {  	[tilespmem:s19], [sflag:$0xD] =	stream.indirect_vreg.gather [hbm4b:s30+s0], $0x80, v2, vm0, $0xb8;
	[tilespmem:$0x1C200] =	vst v63  }
0x28f: {  	s20 =	simm.s32 $0x19A00;
	s21 =	simm.s32 $0x1A  }
0x290: {  	[tilespmem:s20], [sflag:$0xD] =	stream.indirect_vreg.gather [hbm4b:s31+s0], $0x80, v2, vm0, $0xb8;
	[tilespmem:$0x1C200] =	vst v63  }
0x291: {  	_ =	swait.ge [sflag:s21], $0x2000  }
0x292: {  	[sflag:s21] =	ssyncset.done $0x0  }
0x293: {  	[sflag:s21] =	ssyncadd.s32 $0xFFFFE000  }
0x294: {  	v2 =	vld.msk [tilespmem:$0x1A8], $0xff;
	_ =	sdelay $0x4  }
0x295: {  	v3 =	vshll.u32 v2, $0x3  }
0x296: {  	v2 =	vand.u32 $0x7, v2;
	v3 =	vand.u32 $0xFFFFFFC0, v3  }
0x297: {  	v2 =	vor.u32 v2, v3  }
0x298: {  	v2 =	vperm.xlane v2, v0;
	_ =	sdelay $0x1  }
0x299: {  	v2 =	vadd.s32 v1, v2;
	_ =	sdelay $0x4  }
0x29a: {  	[tilespmem:s10], [sflag:$0xE] =	stream.indirect_vreg.gather [hbm4b:s22+s0], $0x80, v2, vm0, $0xb8;
	[tilespmem:$0x1C200] =	vst v63  }
0x29b: {  	s23 =	simm.s32 $0x1AA00  }
0x29c: {  	[tilespmem:s23], [sflag:$0xE] =	stream.indirect_vreg.gather [hbm4b:s29+s0], $0x80, v2, vm0, $0xb8;
	[tilespmem:$0x1C200] =	vst v63  }
0x29d: {  	s25 =	simm.s32 $0x1B200  }
0x29e: {  	[tilespmem:s25], [sflag:$0xE] =	stream.indirect_vreg.gather [hbm4b:s30+s0], $0x80, v2, vm0, $0xb8;
	[tilespmem:$0x1C200] =	vst v63  }
0x29f: {  	s26 =	simm.s32 $0x1BA00;
	s6 =	simm.s32 $0x1A200  }
0x2a0: {  	[tilespmem:s26], [sflag:$0xE] =	stream.indirect_vreg.gather [hbm4b:s31+s0], $0x80, v2, vm0, $0xb8;
	[tilespmem:$0x1C200] =	vst v63  }
0x2a1: {  	s11 =	simm.s32 $0x16200;
	s15 =	simm.s32 $0x18200;
	s26 =	simm.s32 $0x0  }
.LBB2_14:
0x2a2: {  	s20 =	sshll.u32 s26, $0x7;
	s5 =	simm.s32 $0x0  }
0x2a3: {  	s23 =	sor.u32 $0x30, s20;
	s4 =	sand.u32 $0x40, s5  }
0x2a4: {  	s7 =	sand.u32 $0x1C00, s0;
	s8 =	sor.u32 s23, s4  }
0x2a5: {  	s19 =	sor.u32 s7, s8  }
0x2a6: {  	s25 =	sor.u32 s20, s4;
	v2 =	vld [tilespmem:s19+$0x2200]  }
0x2a7: {  	s8 =	sor.u32 s7, s25;
	v3 =	vld [tilespmem:s19+$0xA200]  }
0x2a8: {  	v5 =	vld [tilespmem:s8+$0x2200]  }
0x2a9: {  	v6 =	vld [tilespmem:s8+$0x4200]  }
0x2aa: {  	s14 =	sor.u32 $0x10, s20;
	v7 =	vld [tilespmem:s8+$0x6200]  }
0x2ab: {  	s9 =	sor.u32 s14, s4;
	v8 =	vld [tilespmem:s8+$0x8200]  }
0x2ac: {  	s17 =	sor.u32 s7, s9;
	v9 =	vld [tilespmem:s8+$0xA200]  }
0x2ad: {  	v4 =	vld [tilespmem:s17+$0x2200]  }
0x2ae: {  	v10 =	vld [tilespmem:s17+$0x4200];
	v3 =	vadd.f32 v3, v2  }
0x2af: {  	s18 =	sor.u32 $0x20, s20;
	v11 =	vld [tilespmem:s17+$0x6200];
	v6 =	vadd.f32 v6, v5  }
0x2b0: {  	s4 =	sor.u32 s18, s4;
	v12 =	vld [tilespmem:s17+$0x8200];
	[tilespmem:s19+$0xA200] =	vst v3;
	v3 =	vadd.f32 v7, v5  }
0x2b1: {  	s16 =	sor.u32 s7, s4;
	[tilespmem:s8+$0x4200] =	vst v6;
	v6 =	vadd.f32 v8, v5;
	v8 =	vld [tilespmem:s17+$0xA200]  }
0x2b2: {  	v5 =	vadd.f32 v9, v5;
	v7 =	vld [tilespmem:s16+$0x4200];
	[tilespmem:s8+$0x6200] =	vst v3  }
0x2b3: {  	v9 =	vadd.f32 v10, v4;
	v3 =	vld [tilespmem:s16+$0x2200];
	[tilespmem:s8+$0x8200] =	vst v6  }
0x2b4: {  	v10 =	vadd.f32 v11, v4;
	[tilespmem:s8+$0xA200] =	vst v5;
	v6 =	vld [tilespmem:s16+$0x6200]  }
0x2b5: {  	s4 =	simm.s32 $0x0;
	[tilespmem:s17+$0x4200] =	vst v9;
	v9 =	vadd.f32 v12, v4;
	v5 =	vld [tilespmem:s16+$0x8200]  }
.LBB2_15:
0x2b6: {  	s5 =	sadd.s32 $0x40, s5;
	[tilespmem:s17+$0x6200] =	vst v10;
	v4 =	vadd.f32 v8, v4;
	v8 =	vld [tilespmem:s16+$0xA200]  }
0x2b7: {  	s4 =	sadd.s32 $0x200, s4;
	s7 =	sand.u32 $0x40, s5;
	p0 =	slt.u32 s5, $0x3C0;
	[tilespmem:s17+$0x8200] =	vst v9;
	v9 =	vld [tilespmem:s19+$0x4200]  }
0x2b8: {  	s8 =	sand.u32 $0x1C00, s4;
	s9 =	sor.u32 s20, s7;
	s10 =	sor.u32 s23, s7;
	[tilespmem:s17+$0xA200] =	vst v4;
	v4 =	vadd.f32 v7, v3;
	v7 =	vld [tilespmem:s19+$0x6200]  }
0x2b9: {  	s17 =	sor.u32 s14, s7;
	s7 =	sor.u32 s18, s7;
	s10 =	sor.u32 s8, s10;
	v6 =	vadd.f32 v6, v3;
	v10 =	vld [tilespmem:s19+$0x8200]  }
0x2ba: {  	s9 =	sor.u32 s8, s9;
	s17 =	sor.u32 s8, s17;
	s7 =	sor.u32 s8, s7;
	v11 =	vld [tilespmem:s10+$0x2200];
	[tilespmem:s16+$0x4200] =	vst v4;
	v4 =	vadd.f32 v5, v3  }
0x2bb: {  	v5 =	vld [tilespmem:s10+$0xA200];
	[tilespmem:s16+$0x6200] =	vst v6;
	v3 =	vadd.f32 v8, v3  }
0x2bc: {  	v6 =	vld [tilespmem:s9+$0x2200];
	[tilespmem:s16+$0x8200] =	vst v4;
	v4 =	vadd.f32 v9, v2  }
0x2bd: {  	v8 =	vld [tilespmem:s9+$0x4200];
	[tilespmem:s16+$0xA200] =	vst v3;
	v3 =	vadd.f32 v7, v2;
	s16 =	smov.u32 s7  }
0x2be: {  	v7 =	vld [tilespmem:s9+$0x6200];
	[tilespmem:s19+$0x4200] =	vst v4;
	v4 =	vadd.f32 v10, v2  }
0x2bf: {  	v9 =	vld [tilespmem:s9+$0x8200];
	[tilespmem:s19+$0x6200] =	vst v3;
	v2 =	vmov v11  }
0x2c0: {  	v3 =	vld [tilespmem:s9+$0xA200];
	v5 =	vadd.f32 v5, v2;
	[tilespmem:s19+$0x8200] =	vst v4;
	s19 =	smov.u32 s10  }
0x2c1: {  	v4 =	vld [tilespmem:s17+$0x2200]  }
0x2c2: {  	v8 =	vadd.f32 v8, v6;
	v10 =	vld [tilespmem:s17+$0x4200];
	[tilespmem:s19+$0xA200] =	vst v5  }
0x2c3: {  	v5 =	vadd.f32 v7, v6;
	v11 =	vld [tilespmem:s17+$0x6200]  }
0x2c4: {  	[tilespmem:s9+$0x4200] =	vst v8;
	v7 =	vadd.f32 v9, v6;
	v9 =	vld [tilespmem:s17+$0x8200]  }
.Ltmp6:
0x2c5: {  	[tilespmem:s9+$0x6200] =	vst v5;
	v5 =	vadd.f32 v3, v6;
	v8 =	vld [tilespmem:s17+$0xA200];
	(pc) =	sbr.rel @p0 .LBB2_15-.Ltmp6, $4  }
0x2c6: {  	[tilespmem:s9+$0x8200] =	vst v7;
	v3 =	vld [tilespmem:s16+$0x2200]  }
0x2c7: {  	[tilespmem:s9+$0xA200] =	vst v5;
	v5 =	vadd.f32 v10, v4;
	v7 =	vld [tilespmem:s16+$0x4200]  }
0x2c8: {  	v10 =	vadd.f32 v11, v4;
	v6 =	vld [tilespmem:s16+$0x6200]  }
0x2c9: {  	[tilespmem:s17+$0x4200] =	vst v5;
	v9 =	vadd.f32 v9, v4;
	v5 =	vld [tilespmem:s16+$0x8200]  }
0x2ca: {  	v11 =	vld [tilespmem:s16+$0xA200]  }
0x2cb: {  	[tilespmem:s17+$0x6200] =	vst v10;
	v4 =	vadd.f32 v8, v4;
	v59 =	vld [tilespmem:s19+$0x4200]  }
0x2cc: {  	v60 =	vld [tilespmem:s19+$0x6200];
	[tilespmem:s17+$0x8200] =	vst v9;
	v7 =	vadd.f32 v7, v3  }
0x2cd: {  	v62 =	vld [tilespmem:s19+$0x8200];
	[tilespmem:s17+$0xA200] =	vst v4;
	v61 =	vadd.f32 v6, v3  }
0x2ce: {  	s26 =	sadd.s32 $0x1, s26;
	[tilespmem:s16+$0x4200] =	vst v7;
	v5 =	vadd.f32 v5, v3  }
0x2cf: {  	p0 =	sne.s32 s26, $0x8;
	[tilespmem:s16+$0x6200] =	vst v61;
	v3 =	vadd.f32 v11, v3  }
.Ltmp7:
0x2d0: {  	v63 =	vadd.f32 v59, v2;
	[tilespmem:s16+$0x8200] =	vst v5;
	(pc) =	sbr.rel @p0 .LBB2_14-.Ltmp7, $4  }
0x2d1: {  	[tilespmem:s16+$0xA200] =	vst v3;
	v3 =	vadd.f32 v60, v2  }
0x2d2: {  	[tilespmem:s19+$0x4200] =	vst v63;
	v2 =	vadd.f32 v62, v2  }
0x2d3: {  	[tilespmem:s19+$0x6200] =	vst v3  }
0x2d4: {  	[tilespmem:s19+$0x8200] =	vst v2  }
0x2d5: {  	s4 =	rddreg [dreg:$0x14]  }
0x2d6: {  	s0 =	simm.s32 $0x0;
	s5 =	simm.s32 $0x4200;
	s10 =	sld [smem:$0x7EF]  }
0x2d7: {  	[hbm4b:s4+s0] =	stream.linear.scatter [tilespmem:s5], [sflag:$0xF], $0x2000, $0x38;
	[tilespmem:$0x1C200] =	vst v63  }
0x2d8: {  	s7 =	simm.s32 $0x6200;
	s13 =	sld [smem:$0x7F0]  }
0x2d9: {  	[hbm4b:s10+s0] =	stream.linear.scatter [tilespmem:s7], [sflag:$0x10], $0x2000, $0x38;
	[tilespmem:$0x1C200] =	vst v63  }
0x2da: {  	s8 =	simm.s32 $0x8200;
	s14 =	sld [smem:$0x7F1]  }
0x2db: {  	[hbm4b:s13+s0] =	stream.linear.scatter [tilespmem:s8], [sflag:$0x11], $0x2000, $0x38;
	[tilespmem:$0x1C200] =	vst v63  }
0x2dc: {  	s9 =	simm.s32 $0xA200  }
0x2dd: {  	[hbm4b:s14+s0] =	stream.linear.scatter [tilespmem:s9], [sflag:$0x12], $0x2000, $0x38;
	[tilespmem:$0x1C200] =	vst v63  }
0x2de: {  	_ =	swait.ge [sflag:s12], $0x2000  }
0x2df: {  	s2 =	simm.s32 $0x2200;
	[sflag:s12] =	ssyncset.done $0x0  }
0x2e0: {  	s17 =	simm.s32 $0x7;
	s16 =	rddreg [dreg:$0x15];
	[sflag:s12] =	ssyncadd.s32 $0xFFFFE000  }
0x2e1: {  	[tilespmem:s2], [sflag:$0x2] =	stream.linear.gather [hbm4b:s16+s0], $0x2000, $0x38;
	[tilespmem:$0x1C200] =	vst v63  }
0x2e2: {  	_ =	swait.ge [sflag:s17], $0x2000  }
0x2e3: {  	[sflag:s17] =	ssyncset.done $0x0  }
0x2e4: {  	s18 =	simm.s32 $0x8;
	[sflag:s17] =	ssyncadd.s32 $0xFFFFE000  }
0x2e5: {  	_ =	swait.ge [sflag:s18], $0x2000  }
0x2e6: {  	[sflag:s18] =	ssyncset.done $0x0  }
0x2e7: {  	s19 =	simm.s32 $0x9;
	[sflag:s18] =	ssyncadd.s32 $0xFFFFE000  }
0x2e8: {  	_ =	swait.ge [sflag:s19], $0x2000  }
0x2e9: {  	[sflag:s19] =	ssyncset.done $0x0  }
0x2ea: {  	s20 =	simm.s32 $0xA;
	[sflag:s19] =	ssyncadd.s32 $0xFFFFE000  }
0x2eb: {  	_ =	swait.ge [sflag:s20], $0x2000  }
0x2ec: {  	[sflag:s20] =	ssyncset.done $0x0  }
0x2ed: {  	s21 =	simm.s32 $0xF;
	[sflag:s20] =	ssyncadd.s32 $0xFFFFE000  }
0x2ee: {  	_ =	swait.ge [sflag:s21], $0x2000  }
0x2ef: {  	[sflag:s21] =	ssyncset.done $0x0  }
0x2f0: {  	[sflag:s21] =	ssyncadd.s32 $0xFFFFE000  }
0x2f1: {  	v2 =	vld.msk [tilespmem:$0x30], $0xff;
	_ =	sdelay $0x4  }
0x2f2: {  	v3 =	vshll.u32 v2, $0x3  }
0x2f3: {  	v2 =	vand.u32 $0x7, v2;
	v3 =	vand.u32 $0xFFFFFFC0, v3  }
0x2f4: {  	v2 =	vor.u32 v2, v3  }
0x2f5: {  	v2 =	vperm.xlane v2, v0;
	_ =	sdelay $0x1  }
0x2f6: {  	v2 =	vadd.s32 v1, v2;
	_ =	sdelay $0x4  }
0x2f7: {  	[tilespmem:s5], [sflag:$0x3] =	stream.indirect_vreg.gather [hbm4b:s22+s0], $0x80, v2, vm0, $0xb8;
	[tilespmem:$0x1C200] =	vst v63  }
0x2f8: {  	s23 =	simm.s32 $0x4A00  }
0x2f9: {  	[tilespmem:s23], [sflag:$0x3] =	stream.indirect_vreg.gather [hbm4b:s29+s0], $0x80, v2, vm0, $0xb8;
	[tilespmem:$0x1C200] =	vst v63  }
0x2fa: {  	s26 =	simm.s32 $0x5200  }
0x2fb: {  	[tilespmem:s26], [sflag:$0x3] =	stream.indirect_vreg.gather [hbm4b:s30+s0], $0x80, v2, vm0, $0xb8;
	[tilespmem:$0x1C200] =	vst v63  }
0x2fc: {  	s4 =	simm.s32 $0x10;
	s2 =	simm.s32 $0x5A00  }
0x2fd: {  	[tilespmem:s2], [sflag:$0x3] =	stream.indirect_vreg.gather [hbm4b:s31+s0], $0x80, v2, vm0, $0xb8;
	[tilespmem:$0x1C200] =	vst v63  }
0x2fe: {  	_ =	swait.ge [sflag:s4], $0x2000  }
0x2ff: {  	[sflag:s4] =	ssyncset.done $0x0  }
0x300: {  	[sflag:s4] =	ssyncadd.s32 $0xFFFFE000  }
0x301: {  	v2 =	vld.msk [tilespmem:$0xB0], $0xff;
	_ =	sdelay $0x4  }
0x302: {  	v3 =	vshll.u32 v2, $0x3  }
0x303: {  	v2 =	vand.u32 $0x7, v2;
	v3 =	vand.u32 $0xFFFFFFC0, v3  }
0x304: {  	v2 =	vor.u32 v2, v3  }
0x305: {  	v2 =	vperm.xlane v2, v0;
	_ =	sdelay $0x1  }
0x306: {  	v2 =	vadd.s32 v1, v2;
	_ =	sdelay $0x4  }
0x307: {  	[tilespmem:s7], [sflag:$0x4] =	stream.indirect_vreg.gather [hbm4b:s22+s0], $0x80, v2, vm0, $0xb8;
	[tilespmem:$0x1C200] =	vst v63  }
0x308: {  	s5 =	simm.s32 $0x6A00  }
0x309: {  	[tilespmem:s5], [sflag:$0x4] =	stream.indirect_vreg.gather [hbm4b:s29+s0], $0x80, v2, vm0, $0xb8;
	[tilespmem:$0x1C200] =	vst v63  }
0x30a: {  	s7 =	simm.s32 $0x7200  }
0x30b: {  	[tilespmem:s7], [sflag:$0x4] =	stream.indirect_vreg.gather [hbm4b:s30+s0], $0x80, v2, vm0, $0xb8;
	[tilespmem:$0x1C200] =	vst v63  }
0x30c: {  	s10 =	simm.s32 $0x7A00;
	s14 =	simm.s32 $0x11  }
0x30d: {  	[tilespmem:s10], [sflag:$0x4] =	stream.indirect_vreg.gather [hbm4b:s31+s0], $0x80, v2, vm0, $0xb8;
	[tilespmem:$0x1C200] =	vst v63  }
0x30e: {  	_ =	swait.ge [sflag:s14], $0x2000  }
0x30f: {  	[sflag:s14] =	ssyncset.done $0x0  }
0x310: {  	[sflag:s14] =	ssyncadd.s32 $0xFFFFE000  }
0x311: {  	v2 =	vld.msk [tilespmem:$0x130], $0xff;
	_ =	sdelay $0x4  }
0x312: {  	v3 =	vshll.u32 v2, $0x3  }
0x313: {  	v2 =	vand.u32 $0x7, v2;
	v3 =	vand.u32 $0xFFFFFFC0, v3  }
0x314: {  	v2 =	vor.u32 v2, v3  }
0x315: {  	v2 =	vperm.xlane v2, v0;
	_ =	sdelay $0x1  }
0x316: {  	v2 =	vadd.s32 v1, v2;
	_ =	sdelay $0x4  }
0x317: {  	[tilespmem:s8], [sflag:$0x5] =	stream.indirect_vreg.gather [hbm4b:s22+s0], $0x80, v2, vm0, $0xb8;
	[tilespmem:$0x1C200] =	vst v63  }
0x318: {  	s16 =	simm.s32 $0x8A00  }
0x319: {  	[tilespmem:s16], [sflag:$0x5] =	stream.indirect_vreg.gather [hbm4b:s29+s0], $0x80, v2, vm0, $0xb8;
	[tilespmem:$0x1C200] =	vst v63  }
0x31a: {  	s17 =	simm.s32 $0x9200  }
0x31b: {  	[tilespmem:s17], [sflag:$0x5] =	stream.indirect_vreg.gather [hbm4b:s30+s0], $0x80, v2, vm0, $0xb8;
	[tilespmem:$0x1C200] =	vst v63  }
0x31c: {  	s18 =	simm.s32 $0x9A00;
	s19 =	simm.s32 $0x12  }
0x31d: {  	[tilespmem:s18], [sflag:$0x5] =	stream.indirect_vreg.gather [hbm4b:s31+s0], $0x80, v2, vm0, $0xb8;
	[tilespmem:$0x1C200] =	vst v63  }
0x31e: {  	_ =	swait.ge [sflag:s19], $0x2000  }
0x31f: {  	[sflag:s19] =	ssyncset.done $0x0  }
0x320: {  	[sflag:s19] =	ssyncadd.s32 $0xFFFFE000  }
0x321: {  	v2 =	vld.msk [tilespmem:$0x1B0], $0xff;
	_ =	sdelay $0x4  }
0x322: {  	v3 =	vshll.u32 v2, $0x3  }
0x323: {  	v2 =	vand.u32 $0x7, v2;
	v3 =	vand.u32 $0xFFFFFFC0, v3  }
0x324: {  	v2 =	vor.u32 v2, v3  }
0x325: {  	v2 =	vperm.xlane v2, v0;
	_ =	sdelay $0x1  }
0x326: {  	v2 =	vadd.s32 v1, v2;
	_ =	sdelay $0x4  }
0x327: {  	[tilespmem:s9], [sflag:$0x6] =	stream.indirect_vreg.gather [hbm4b:s22+s0], $0x80, v2, vm0, $0xb8;
	[tilespmem:$0x1C200] =	vst v63  }
0x328: {  	s20 =	simm.s32 $0xAA00  }
0x329: {  	[tilespmem:s20], [sflag:$0x6] =	stream.indirect_vreg.gather [hbm4b:s29+s0], $0x80, v2, vm0, $0xb8;
	[tilespmem:$0x1C200] =	vst v63  }
0x32a: {  	s23 =	simm.s32 $0xB200  }
0x32b: {  	[tilespmem:s23], [sflag:$0x6] =	stream.indirect_vreg.gather [hbm4b:s30+s0], $0x80, v2, vm0, $0xb8;
	[tilespmem:$0x1C200] =	vst v63  }
0x32c: {  	s25 =	simm.s32 $0x4200;
	s13 =	simm.s32 $0x6200;
	s26 =	simm.s32 $0xBA00  }
0x32d: {  	[tilespmem:s26], [sflag:$0x6] =	stream.indirect_vreg.gather [hbm4b:s31+s0], $0x80, v2, vm0, $0xb8;
	[tilespmem:$0x1C200] =	vst v63  }
0x32e: {  	s21 =	simm.s32 $0x8200;
	s2 =	simm.s32 $0xA200;
	s26 =	simm.s32 $0x0  }
.LBB2_18:
0x32f: {  	s20 =	sshll.u32 s26, $0x7;
	s5 =	simm.s32 $0x0  }
0x330: {  	s23 =	sor.u32 $0x30, s20;
	s4 =	sand.u32 $0x40, s5  }
0x331: {  	s7 =	sand.u32 $0x1C00, s0;
	s8 =	sor.u32 s23, s4  }
0x332: {  	s19 =	sor.u32 s7, s8  }
0x333: {  	s18 =	sor.u32 s20, s4;
	v2 =	vld [tilespmem:s19+$0x200]  }
0x334: {  	s8 =	sor.u32 s7, s18;
	v3 =	vld [tilespmem:s19+$0x12200]  }
0x335: {  	v5 =	vld [tilespmem:s8+$0x200]  }
0x336: {  	v6 =	vld [tilespmem:s8+$0xC200]  }
0x337: {  	s14 =	sor.u32 $0x10, s20;
	v7 =	vld [tilespmem:s8+$0xE200]  }
0x338: {  	s9 =	sor.u32 s14, s4;
	v8 =	vld [tilespmem:s8+$0x10200]  }
0x339: {  	s17 =	sor.u32 s7, s9;
	v9 =	vld [tilespmem:s8+$0x12200]  }
0x33a: {  	v4 =	vld [tilespmem:s17+$0x200]  }
0x33b: {  	v10 =	vld [tilespmem:s17+$0xC200];
	v3 =	vadd.f32 v3, v2  }
0x33c: {  	s18 =	sor.u32 $0x20, s20;
	v11 =	vld [tilespmem:s17+$0xE200];
	v6 =	vadd.f32 v6, v5  }
0x33d: {  	s4 =	sor.u32 s18, s4;
	v12 =	vld [tilespmem:s17+$0x10200];
	[tilespmem:s19+$0x12200] =	vst v3;
	v3 =	vadd.f32 v7, v5  }
0x33e: {  	s16 =	sor.u32 s7, s4;
	[tilespmem:s8+$0xC200] =	vst v6;
	v6 =	vadd.f32 v8, v5;
	v8 =	vld [tilespmem:s17+$0x12200]  }
0x33f: {  	v5 =	vadd.f32 v9, v5;
	v7 =	vld [tilespmem:s16+$0xC200];
	[tilespmem:s8+$0xE200] =	vst v3  }
0x340: {  	v9 =	vadd.f32 v10, v4;
	v3 =	vld [tilespmem:s16+$0x200];
	[tilespmem:s8+$0x10200] =	vst v6  }
0x341: {  	v10 =	vadd.f32 v11, v4;
	[tilespmem:s8+$0x12200] =	vst v5;
	v6 =	vld [tilespmem:s16+$0xE200]  }
0x342: {  	s4 =	simm.s32 $0x0;
	[tilespmem:s17+$0xC200] =	vst v9;
	v9 =	vadd.f32 v12, v4;
	v5 =	vld [tilespmem:s16+$0x10200]  }
.LBB2_19:
0x343: {  	s5 =	sadd.s32 $0x40, s5;
	[tilespmem:s17+$0xE200] =	vst v10;
	v4 =	vadd.f32 v8, v4;
	v8 =	vld [tilespmem:s16+$0x12200]  }
0x344: {  	s4 =	sadd.s32 $0x200, s4;
	s7 =	sand.u32 $0x40, s5;
	p0 =	slt.u32 s5, $0x3C0;
	[tilespmem:s17+$0x10200] =	vst v9;
	v9 =	vld [tilespmem:s19+$0xC200]  }
0x345: {  	s8 =	sand.u32 $0x1C00, s4;
	s9 =	sor.u32 s20, s7;
	s10 =	sor.u32 s23, s7;
	[tilespmem:s17+$0x12200] =	vst v4;
	v4 =	vadd.f32 v7, v3;
	v7 =	vld [tilespmem:s19+$0xE200]  }
0x346: {  	s17 =	sor.u32 s14, s7;
	s7 =	sor.u32 s18, s7;
	s10 =	sor.u32 s8, s10;
	v6 =	vadd.f32 v6, v3;
	v10 =	vld [tilespmem:s19+$0x10200]  }
0x347: {  	s9 =	sor.u32 s8, s9;
	s17 =	sor.u32 s8, s17;
	s7 =	sor.u32 s8, s7;
	v11 =	vld [tilespmem:s10+$0x200];
	[tilespmem:s16+$0xC200] =	vst v4;
	v4 =	vadd.f32 v5, v3  }
0x348: {  	v5 =	vld [tilespmem:s10+$0x12200];
	[tilespmem:s16+$0xE200] =	vst v6;
	v3 =	vadd.f32 v8, v3  }
0x349: {  	v6 =	vld [tilespmem:s9+$0x200];
	[tilespmem:s16+$0x10200] =	vst v4;
	v4 =	vadd.f32 v9, v2  }
0x34a: {  	v8 =	vld [tilespmem:s9+$0xC200];
	[tilespmem:s16+$0x12200] =	vst v3;
	v3 =	vadd.f32 v7, v2;
	s16 =	smov.u32 s7  }
0x34b: {  	v7 =	vld [tilespmem:s9+$0xE200];
	[tilespmem:s19+$0xC200] =	vst v4;
	v4 =	vadd.f32 v10, v2  }
0x34c: {  	v9 =	vld [tilespmem:s9+$0x10200];
	[tilespmem:s19+$0xE200] =	vst v3;
	v2 =	vmov v11  }
0x34d: {  	v3 =	vld [tilespmem:s9+$0x12200];
	v5 =	vadd.f32 v5, v2;
	[tilespmem:s19+$0x10200] =	vst v4;
	s19 =	smov.u32 s10  }
0x34e: {  	v4 =	vld [tilespmem:s17+$0x200]  }
0x34f: {  	v8 =	vadd.f32 v8, v6;
	v10 =	vld [tilespmem:s17+$0xC200];
	[tilespmem:s19+$0x12200] =	vst v5  }
0x350: {  	v5 =	vadd.f32 v7, v6;
	v11 =	vld [tilespmem:s17+$0xE200]  }
0x351: {  	[tilespmem:s9+$0xC200] =	vst v8;
	v7 =	vadd.f32 v9, v6;
	v9 =	vld [tilespmem:s17+$0x10200]  }
.Ltmp8:
0x352: {  	[tilespmem:s9+$0xE200] =	vst v5;
	v5 =	vadd.f32 v3, v6;
	v8 =	vld [tilespmem:s17+$0x12200];
	(pc) =	sbr.rel @p0 .LBB2_19-.Ltmp8, $4  }
0x353: {  	[tilespmem:s9+$0x10200] =	vst v7;
	v3 =	vld [tilespmem:s16+$0x200]  }
0x354: {  	[tilespmem:s9+$0x12200] =	vst v5;
	v5 =	vadd.f32 v10, v4;
	v7 =	vld [tilespmem:s16+$0xC200]  }
0x355: {  	v10 =	vadd.f32 v11, v4;
	v6 =	vld [tilespmem:s16+$0xE200]  }
0x356: {  	[tilespmem:s17+$0xC200] =	vst v5;
	v9 =	vadd.f32 v9, v4;
	v5 =	vld [tilespmem:s16+$0x10200]  }
0x357: {  	v11 =	vld [tilespmem:s16+$0x12200]  }
0x358: {  	[tilespmem:s17+$0xE200] =	vst v10;
	v4 =	vadd.f32 v8, v4;
	v59 =	vld [tilespmem:s19+$0xC200]  }
0x359: {  	v60 =	vld [tilespmem:s19+$0xE200];
	[tilespmem:s17+$0x10200] =	vst v9;
	v7 =	vadd.f32 v7, v3  }
0x35a: {  	v62 =	vld [tilespmem:s19+$0x10200];
	[tilespmem:s17+$0x12200] =	vst v4;
	v61 =	vadd.f32 v6, v3  }
0x35b: {  	s26 =	sadd.s32 $0x1, s26;
	[tilespmem:s16+$0xC200] =	vst v7;
	v5 =	vadd.f32 v5, v3  }
0x35c: {  	p0 =	sne.s32 s26, $0x8;
	[tilespmem:s16+$0xE200] =	vst v61;
	v3 =	vadd.f32 v11, v3  }
.Ltmp9:
0x35d: {  	v63 =	vadd.f32 v59, v2;
	[tilespmem:s16+$0x10200] =	vst v5;
	(pc) =	sbr.rel @p0 .LBB2_18-.Ltmp9, $4  }
0x35e: {  	[tilespmem:s16+$0x12200] =	vst v3;
	v3 =	vadd.f32 v60, v2  }
0x35f: {  	[tilespmem:s19+$0xC200] =	vst v63;
	v2 =	vadd.f32 v62, v2  }
0x360: {  	[tilespmem:s19+$0xE200] =	vst v3  }
0x361: {  	[tilespmem:s19+$0x10200] =	vst v2  }
0x362: {  	s4 =	rddreg [dreg:$0x16]  }
0x363: {  	s0 =	simm.s32 $0x0;
	s7 =	simm.s32 $0xC200;
	s19 =	sld [smem:$0x7F2]  }
0x364: {  	[hbm4b:s4+s0] =	stream.linear.scatter [tilespmem:s7], [sflag:$0x13], $0x2000, $0x38;
	[tilespmem:$0x1C200] =	vst v63  }
0x365: {  	s8 =	simm.s32 $0xE200;
	s20 =	sld [smem:$0x7F3]  }
0x366: {  	[hbm4b:s19+s0] =	stream.linear.scatter [tilespmem:s8], [sflag:$0x14], $0x2000, $0x38;
	[tilespmem:$0x1C200] =	vst v63  }
0x367: {  	s9 =	simm.s32 $0x10200;
	s23 =	sld [smem:$0x7F4]  }
0x368: {  	[hbm4b:s20+s0] =	stream.linear.scatter [tilespmem:s9], [sflag:$0x15], $0x2000, $0x38;
	[tilespmem:$0x1C200] =	vst v63  }
0x369: {  	s10 =	simm.s32 $0x12200  }
0x36a: {  	[hbm4b:s23+s0] =	stream.linear.scatter [tilespmem:s10], [sflag:$0x16], $0x2000, $0x38;
	[tilespmem:$0x1C200] =	vst v63  }
0x36b: {  	_ =	swait.ge [sflag:s3], $0x2000  }
0x36c: {  	[sflag:s3] =	ssyncset.done $0x0  }
0x36d: {  	s5 =	simm.s32 $0x200;
	s26 =	rddreg [dreg:$0x18];
	[sflag:s3] =	ssyncadd.s32 $0xFFFFE000  }
0x36e: {  	[tilespmem:s5], [sflag:$0x1] =	stream.linear.gather [hbm4b:s26+s0], $0x2000, $0x38;
	[tilespmem:$0x1C200] =	vst v63  }
0x36f: {  	s5 =	simm.s32 $0xB  }
0x370: {  	_ =	swait.ge [sflag:s5], $0x2000  }
0x371: {  	[sflag:s5] =	ssyncset.done $0x0  }
0x372: {  	s14 =	simm.s32 $0xC;
	[sflag:s5] =	ssyncadd.s32 $0xFFFFE000  }
0x373: {  	_ =	swait.ge [sflag:s14], $0x2000  }
0x374: {  	[sflag:s14] =	ssyncset.done $0x0  }
0x375: {  	s16 =	simm.s32 $0xD;
	[sflag:s14] =	ssyncadd.s32 $0xFFFFE000  }
0x376: {  	_ =	swait.ge [sflag:s16], $0x2000  }
0x377: {  	[sflag:s16] =	ssyncset.done $0x0  }
0x378: {  	s17 =	simm.s32 $0xE;
	[sflag:s16] =	ssyncadd.s32 $0xFFFFE000  }
0x379: {  	_ =	swait.ge [sflag:s17], $0x2000  }
0x37a: {  	[sflag:s17] =	ssyncset.done $0x0  }
0x37b: {  	s18 =	simm.s32 $0x13;
	[sflag:s17] =	ssyncadd.s32 $0xFFFFE000  }
0x37c: {  	_ =	swait.ge [sflag:s18], $0x2000  }
0x37d: {  	[sflag:s18] =	ssyncset.done $0x0  }
0x37e: {  	[sflag:s18] =	ssyncadd.s32 $0xFFFFE000  }
0x37f: {  	v2 =	vld.msk [tilespmem:$0x38], $0xff;
	_ =	sdelay $0x4  }
0x380: {  	v3 =	vshll.u32 v2, $0x3  }
0x381: {  	v2 =	vand.u32 $0x7, v2;
	v3 =	vand.u32 $0xFFFFFFC0, v3  }
0x382: {  	v2 =	vor.u32 v2, v3  }
0x383: {  	v2 =	vperm.xlane v2, v0;
	_ =	sdelay $0x1  }
0x384: {  	v2 =	vadd.s32 v1, v2;
	_ =	sdelay $0x4  }
0x385: {  	[tilespmem:s7], [sflag:$0x7] =	stream.indirect_vreg.gather [hbm4b:s22+s0], $0x80, v2, vm0, $0xb8;
	[tilespmem:$0x1C200] =	vst v63  }
0x386: {  	s19 =	simm.s32 $0xCA00  }
0x387: {  	[tilespmem:s19], [sflag:$0x7] =	stream.indirect_vreg.gather [hbm4b:s29+s0], $0x80, v2, vm0, $0xb8;
	[tilespmem:$0x1C200] =	vst v63  }
0x388: {  	s20 =	simm.s32 $0xD200  }
0x389: {  	[tilespmem:s20], [sflag:$0x7] =	stream.indirect_vreg.gather [hbm4b:s30+s0], $0x80, v2, vm0, $0xb8;
	[tilespmem:$0x1C200] =	vst v63  }
0x38a: {  	s23 =	simm.s32 $0xDA00;
	s26 =	simm.s32 $0x14  }
0x38b: {  	[tilespmem:s23], [sflag:$0x7] =	stream.indirect_vreg.gather [hbm4b:s31+s0], $0x80, v2, vm0, $0xb8;
	[tilespmem:$0x1C200] =	vst v63  }
0x38c: {  	_ =	swait.ge [sflag:s26], $0x2000  }
0x38d: {  	[sflag:s26] =	ssyncset.done $0x0  }
0x38e: {  	[sflag:s26] =	ssyncadd.s32 $0xFFFFE000  }
0x38f: {  	v2 =	vld.msk [tilespmem:$0xB8], $0xff;
	_ =	sdelay $0x4  }
0x390: {  	v3 =	vshll.u32 v2, $0x3  }
0x391: {  	v2 =	vand.u32 $0x7, v2;
	v3 =	vand.u32 $0xFFFFFFC0, v3  }
0x392: {  	v2 =	vor.u32 v2, v3  }
0x393: {  	v2 =	vperm.xlane v2, v0;
	_ =	sdelay $0x1  }
0x394: {  	v2 =	vadd.s32 v1, v2;
	_ =	sdelay $0x4  }
0x395: {  	[tilespmem:s8], [sflag:$0x8] =	stream.indirect_vreg.gather [hbm4b:s22+s0], $0x80, v2, vm0, $0xb8;
	[tilespmem:$0x1C200] =	vst v63  }
0x396: {  	s5 =	simm.s32 $0xEA00  }
0x397: {  	[tilespmem:s5], [sflag:$0x8] =	stream.indirect_vreg.gather [hbm4b:s29+s0], $0x80, v2, vm0, $0xb8;
	[tilespmem:$0x1C200] =	vst v63  }
0x398: {  	s7 =	simm.s32 $0xF200  }
0x399: {  	[tilespmem:s7], [sflag:$0x8] =	stream.indirect_vreg.gather [hbm4b:s30+s0], $0x80, v2, vm0, $0xb8;
	[tilespmem:$0x1C200] =	vst v63  }
0x39a: {  	s14 =	simm.s32 $0x15;
	s8 =	simm.s32 $0xFA00  }
0x39b: {  	[tilespmem:s8], [sflag:$0x8] =	stream.indirect_vreg.gather [hbm4b:s31+s0], $0x80, v2, vm0, $0xb8;
	[tilespmem:$0x1C200] =	vst v63  }
0x39c: {  	_ =	swait.ge [sflag:s14], $0x2000  }
0x39d: {  	[sflag:s14] =	ssyncset.done $0x0  }
0x39e: {  	[sflag:s14] =	ssyncadd.s32 $0xFFFFE000  }
0x39f: {  	v2 =	vld.msk [tilespmem:$0x138], $0xff;
	_ =	sdelay $0x4  }
0x3a0: {  	v3 =	vshll.u32 v2, $0x3  }
0x3a1: {  	v2 =	vand.u32 $0x7, v2;
	v3 =	vand.u32 $0xFFFFFFC0, v3  }
0x3a2: {  	v2 =	vor.u32 v2, v3  }
0x3a3: {  	v2 =	vperm.xlane v2, v0;
	_ =	sdelay $0x1  }
0x3a4: {  	v2 =	vadd.s32 v1, v2;
	_ =	sdelay $0x4  }
0x3a5: {  	[tilespmem:s9], [sflag:$0x9] =	stream.indirect_vreg.gather [hbm4b:s22+s0], $0x80, v2, vm0, $0xb8;
	[tilespmem:$0x1C200] =	vst v63  }
0x3a6: {  	s16 =	simm.s32 $0x10A00  }
0x3a7: {  	[tilespmem:s16], [sflag:$0x9] =	stream.indirect_vreg.gather [hbm4b:s29+s0], $0x80, v2, vm0, $0xb8;
	[tilespmem:$0x1C200] =	vst v63  }
0x3a8: {  	s17 =	simm.s32 $0x11200  }
0x3a9: {  	[tilespmem:s17], [sflag:$0x9] =	stream.indirect_vreg.gather [hbm4b:s30+s0], $0x80, v2, vm0, $0xb8;
	[tilespmem:$0x1C200] =	vst v63  }
0x3aa: {  	s18 =	simm.s32 $0x11A00;
	s19 =	simm.s32 $0x16  }
0x3ab: {  	[tilespmem:s18], [sflag:$0x9] =	stream.indirect_vreg.gather [hbm4b:s31+s0], $0x80, v2, vm0, $0xb8;
	[tilespmem:$0x1C200] =	vst v63  }
0x3ac: {  	_ =	swait.ge [sflag:s19], $0x2000  }
0x3ad: {  	[sflag:s19] =	ssyncset.done $0x0  }
0x3ae: {  	[sflag:s19] =	ssyncadd.s32 $0xFFFFE000  }
0x3af: {  	v2 =	vld.msk [tilespmem:$0x1B8], $0xff;
	_ =	sdelay $0x4  }
0x3b0: {  	v3 =	vshll.u32 v2, $0x3  }
0x3b1: {  	v2 =	vand.u32 $0x7, v2;
	v3 =	vand.u32 $0xFFFFFFC0, v3  }
0x3b2: {  	v2 =	vor.u32 v2, v3  }
0x3b3: {  	v2 =	vperm.xlane v2, v0;
	_ =	sdelay $0x1  }
0x3b4: {  	v2 =	vadd.s32 v1, v2;
	_ =	sdelay $0x4  }
0x3b5: {  	[tilespmem:s10], [sflag:$0xA] =	stream.indirect_vreg.gather [hbm4b:s22+s0], $0x80, v2, vm0, $0xb8;
	[tilespmem:$0x1C200] =	vst v63  }
0x3b6: {  	s20 =	simm.s32 $0x12A00  }
0x3b7: {  	[tilespmem:s20], [sflag:$0xA] =	stream.indirect_vreg.gather [hbm4b:s29+s0], $0x80, v2, vm0, $0xb8;
	[tilespmem:$0x1C200] =	vst v63  }
0x3b8: {  	s23 =	simm.s32 $0x13200  }
0x3b9: {  	[tilespmem:s23], [sflag:$0xA] =	stream.indirect_vreg.gather [hbm4b:s30+s0], $0x80, v2, vm0, $0xb8;
	[tilespmem:$0x1C200] =	vst v63  }
0x3ba: {  	s26 =	simm.s32 $0x13A00  }
0x3bb: {  	[tilespmem:s26], [sflag:$0xA] =	stream.indirect_vreg.gather [hbm4b:s31+s0], $0x80, v2, vm0, $0xb8;
	[tilespmem:$0x1C200] =	vst v63  }
0x3bc: {  	s26 =	simm.s32 $0x0  }
.LBB2_22:
0x3bd: {  	s20 =	sshll.u32 s26, $0x7;
	s5 =	simm.s32 $0x0  }
0x3be: {  	s23 =	sor.u32 $0x30, s20;
	s4 =	sand.u32 $0x40, s5  }
0x3bf: {  	s7 =	sand.u32 $0x1C00, s0;
	s8 =	sor.u32 s23, s4  }
0x3c0: {  	s19 =	sor.u32 s7, s8  }
0x3c1: {  	s18 =	sor.u32 s20, s4;
	v2 =	vld [tilespmem:s19+$0x2200]  }
0x3c2: {  	s8 =	sor.u32 s7, s18;
	v3 =	vld [tilespmem:s19+$0x1A200]  }
0x3c3: {  	v5 =	vld [tilespmem:s8+$0x2200]  }
0x3c4: {  	v6 =	vld [tilespmem:s8+$0x14200]  }
0x3c5: {  	s14 =	sor.u32 $0x10, s20;
	v7 =	vld [tilespmem:s8+$0x16200]  }
0x3c6: {  	s9 =	sor.u32 s14, s4;
	v8 =	vld [tilespmem:s8+$0x18200]  }
0x3c7: {  	s17 =	sor.u32 s7, s9;
	v9 =	vld [tilespmem:s8+$0x1A200]  }
0x3c8: {  	v4 =	vld [tilespmem:s17+$0x2200]  }
0x3c9: {  	v10 =	vld [tilespmem:s17+$0x14200];
	v3 =	vadd.f32 v3, v2  }
0x3ca: {  	s18 =	sor.u32 $0x20, s20;
	v11 =	vld [tilespmem:s17+$0x16200];
	v6 =	vadd.f32 v6, v5  }
0x3cb: {  	s4 =	sor.u32 s18, s4;
	v12 =	vld [tilespmem:s17+$0x18200];
	[tilespmem:s19+$0x1A200] =	vst v3;
	v3 =	vadd.f32 v7, v5  }
0x3cc: {  	s16 =	sor.u32 s7, s4;
	[tilespmem:s8+$0x14200] =	vst v6;
	v6 =	vadd.f32 v8, v5;
	v8 =	vld [tilespmem:s17+$0x1A200]  }
0x3cd: {  	v5 =	vadd.f32 v9, v5;
	v7 =	vld [tilespmem:s16+$0x14200];
	[tilespmem:s8+$0x16200] =	vst v3  }
0x3ce: {  	v9 =	vadd.f32 v10, v4;
	v3 =	vld [tilespmem:s16+$0x2200];
	[tilespmem:s8+$0x18200] =	vst v6  }
0x3cf: {  	v10 =	vadd.f32 v11, v4;
	[tilespmem:s8+$0x1A200] =	vst v5;
	v6 =	vld [tilespmem:s16+$0x16200]  }
0x3d0: {  	s4 =	simm.s32 $0x0;
	[tilespmem:s17+$0x14200] =	vst v9;
	v9 =	vadd.f32 v12, v4;
	v5 =	vld [tilespmem:s16+$0x18200]  }
.LBB2_23:
0x3d1: {  	s5 =	sadd.s32 $0x40, s5;
	[tilespmem:s17+$0x16200] =	vst v10;
	v4 =	vadd.f32 v8, v4;
	v8 =	vld [tilespmem:s16+$0x1A200]  }
0x3d2: {  	s4 =	sadd.s32 $0x200, s4;
	s7 =	sand.u32 $0x40, s5;
	p0 =	slt.u32 s5, $0x3C0;
	[tilespmem:s17+$0x18200] =	vst v9;
	v9 =	vld [tilespmem:s19+$0x14200]  }
0x3d3: {  	s8 =	sand.u32 $0x1C00, s4;
	s9 =	sor.u32 s20, s7;
	s10 =	sor.u32 s23, s7;
	[tilespmem:s17+$0x1A200] =	vst v4;
	v4 =	vadd.f32 v7, v3;
	v7 =	vld [tilespmem:s19+$0x16200]  }
0x3d4: {  	s17 =	sor.u32 s14, s7;
	s7 =	sor.u32 s18, s7;
	s10 =	sor.u32 s8, s10;
	v6 =	vadd.f32 v6, v3;
	v10 =	vld [tilespmem:s19+$0x18200]  }
0x3d5: {  	s9 =	sor.u32 s8, s9;
	s17 =	sor.u32 s8, s17;
	s7 =	sor.u32 s8, s7;
	v11 =	vld [tilespmem:s10+$0x2200];
	[tilespmem:s16+$0x14200] =	vst v4;
	v4 =	vadd.f32 v5, v3  }
0x3d6: {  	v5 =	vld [tilespmem:s10+$0x1A200];
	[tilespmem:s16+$0x16200] =	vst v6;
	v3 =	vadd.f32 v8, v3  }
0x3d7: {  	v6 =	vld [tilespmem:s9+$0x2200];
	[tilespmem:s16+$0x18200] =	vst v4;
	v4 =	vadd.f32 v9, v2  }
0x3d8: {  	v8 =	vld [tilespmem:s9+$0x14200];
	[tilespmem:s16+$0x1A200] =	vst v3;
	v3 =	vadd.f32 v7, v2;
	s16 =	smov.u32 s7  }
0x3d9: {  	v7 =	vld [tilespmem:s9+$0x16200];
	[tilespmem:s19+$0x14200] =	vst v4;
	v4 =	vadd.f32 v10, v2  }
0x3da: {  	v9 =	vld [tilespmem:s9+$0x18200];
	[tilespmem:s19+$0x16200] =	vst v3;
	v2 =	vmov v11  }
0x3db: {  	v3 =	vld [tilespmem:s9+$0x1A200];
	v5 =	vadd.f32 v5, v2;
	[tilespmem:s19+$0x18200] =	vst v4;
	s19 =	smov.u32 s10  }
0x3dc: {  	v4 =	vld [tilespmem:s17+$0x2200]  }
0x3dd: {  	v8 =	vadd.f32 v8, v6;
	v10 =	vld [tilespmem:s17+$0x14200];
	[tilespmem:s19+$0x1A200] =	vst v5  }
0x3de: {  	v5 =	vadd.f32 v7, v6;
	v11 =	vld [tilespmem:s17+$0x16200]  }
0x3df: {  	[tilespmem:s9+$0x14200] =	vst v8;
	v7 =	vadd.f32 v9, v6;
	v9 =	vld [tilespmem:s17+$0x18200]  }
.Ltmp10:
0x3e0: {  	[tilespmem:s9+$0x16200] =	vst v5;
	v5 =	vadd.f32 v3, v6;
	v8 =	vld [tilespmem:s17+$0x1A200];
	(pc) =	sbr.rel @p0 .LBB2_23-.Ltmp10, $4  }
0x3e1: {  	[tilespmem:s9+$0x18200] =	vst v7;
	v3 =	vld [tilespmem:s16+$0x2200]  }
0x3e2: {  	[tilespmem:s9+$0x1A200] =	vst v5;
	v5 =	vadd.f32 v10, v4;
	v7 =	vld [tilespmem:s16+$0x14200]  }
0x3e3: {  	v10 =	vadd.f32 v11, v4;
	v6 =	vld [tilespmem:s16+$0x16200]  }
0x3e4: {  	[tilespmem:s17+$0x14200] =	vst v5;
	v9 =	vadd.f32 v9, v4;
	v5 =	vld [tilespmem:s16+$0x18200]  }
0x3e5: {  	v11 =	vld [tilespmem:s16+$0x1A200]  }
0x3e6: {  	[tilespmem:s17+$0x16200] =	vst v10;
	v4 =	vadd.f32 v8, v4;
	v59 =	vld [tilespmem:s19+$0x14200]  }
0x3e7: {  	v60 =	vld [tilespmem:s19+$0x16200];
	[tilespmem:s17+$0x18200] =	vst v9;
	v7 =	vadd.f32 v7, v3  }
0x3e8: {  	v62 =	vld [tilespmem:s19+$0x18200];
	[tilespmem:s17+$0x1A200] =	vst v4;
	v61 =	vadd.f32 v6, v3  }
0x3e9: {  	s26 =	sadd.s32 $0x1, s26;
	[tilespmem:s16+$0x14200] =	vst v7;
	v5 =	vadd.f32 v5, v3  }
0x3ea: {  	p0 =	sne.s32 s26, $0x8;
	[tilespmem:s16+$0x16200] =	vst v61;
	v3 =	vadd.f32 v11, v3  }
.Ltmp11:
0x3eb: {  	v63 =	vadd.f32 v59, v2;
	[tilespmem:s16+$0x18200] =	vst v5;
	(pc) =	sbr.rel @p0 .LBB2_22-.Ltmp11, $4  }
0x3ec: {  	[tilespmem:s16+$0x1A200] =	vst v3;
	v3 =	vadd.f32 v60, v2  }
0x3ed: {  	[tilespmem:s19+$0x14200] =	vst v63;
	v2 =	vadd.f32 v62, v2  }
0x3ee: {  	[tilespmem:s19+$0x16200] =	vst v3  }
0x3ef: {  	[tilespmem:s19+$0x18200] =	vst v2  }
0x3f0: {  	s4 =	rddreg [dreg:$0x17]  }
0x3f1: {  	s0 =	simm.s32 $0x0;
	s5 =	simm.s32 $0x14200;
	s10 =	sld [smem:$0x7F5]  }
0x3f2: {  	[hbm4b:s4+s0] =	stream.linear.scatter [tilespmem:s5], [sflag:$0x17], $0x2000, $0x38;
	[tilespmem:$0x1C200] =	vst v63  }
0x3f3: {  	s14 =	sld [smem:$0x7F6]  }
0x3f4: {  	[hbm4b:s10+s0] =	stream.linear.scatter [tilespmem:s11], [sflag:$0x18], $0x2000, $0x38;
	[tilespmem:$0x1C200] =	vst v63  }
0x3f5: {  	s16 =	sld [smem:$0x7F7]  }
0x3f6: {  	[hbm4b:s14+s0] =	stream.linear.scatter [tilespmem:s15], [sflag:$0x19], $0x2000, $0x38;
	[tilespmem:$0x1C200] =	vst v63  }
0x3f7: {  	_ = 	snop  }
0x3f8: {  	[hbm4b:s16+s0] =	stream.linear.scatter [tilespmem:s6], [sflag:$0x1A], $0x2000, $0x38;
	[tilespmem:$0x1C200] =	vst v63  }
0x3f9: {  	_ =	swait.ge [sflag:s12], $0x2000  }
0x3fa: {  	s18 =	simm.s32 $0x2200;
	[sflag:s12] =	ssyncset.done $0x0  }
0x3fb: {  	s19 =	simm.s32 $0x3;
	s17 =	rddreg [dreg:$0x19];
	[sflag:s12] =	ssyncadd.s32 $0xFFFFE000  }
0x3fc: {  	[tilespmem:s18], [sflag:$0x2] =	stream.linear.gather [hbm4b:s17+s0], $0x2000, $0x38;
	[tilespmem:$0x1C200] =	vst v63  }
0x3fd: {  	_ =	swait.ge [sflag:s19], $0x2000  }
0x3fe: {  	[sflag:s19] =	ssyncset.done $0x0  }
0x3ff: {  	s20 =	simm.s32 $0x4;
	[sflag:s19] =	ssyncadd.s32 $0xFFFFE000  }
0x400: {  	_ =	swait.ge [sflag:s20], $0x2000  }
0x401: {  	[sflag:s20] =	ssyncset.done $0x0  }
0x402: {  	s23 =	simm.s32 $0x5;
	[sflag:s20] =	ssyncadd.s32 $0xFFFFE000  }
0x403: {  	_ =	swait.ge [sflag:s23], $0x2000  }
0x404: {  	[sflag:s23] =	ssyncset.done $0x0  }
0x405: {  	s26 =	simm.s32 $0x6;
	[sflag:s23] =	ssyncadd.s32 $0xFFFFE000  }
0x406: {  	_ =	swait.ge [sflag:s26], $0x2000  }
0x407: {  	[sflag:s26] =	ssyncset.done $0x0  }
0x408: {  	[sflag:s26] =	ssyncadd.s32 $0xFFFFE000;
	s26 =	simm.s32 $0x0  }
.LBB2_26:
0x409: {  	s20 =	sshll.u32 s26, $0x7;
	s5 =	simm.s32 $0x0  }
0x40a: {  	s23 =	sor.u32 $0x30, s20;
	s4 =	sand.u32 $0x40, s5  }
0x40b: {  	s7 =	sand.u32 $0x1C00, s0;
	s8 =	sor.u32 s23, s4  }
0x40c: {  	s19 =	sor.u32 s7, s8  }
0x40d: {  	s18 =	sor.u32 s20, s4;
	v2 =	vld [tilespmem:s19+$0x200]  }
0x40e: {  	s8 =	sor.u32 s7, s18;
	v3 =	vld [tilespmem:s19+$0xA200]  }
0x40f: {  	v5 =	vld [tilespmem:s8+$0x200]  }
0x410: {  	v6 =	vld [tilespmem:s8+$0x4200]  }
0x411: {  	s14 =	sor.u32 $0x10, s20;
	v7 =	vld [tilespmem:s8+$0x6200]  }
0x412: {  	s9 =	sor.u32 s14, s4;
	v8 =	vld [tilespmem:s8+$0x8200]  }
0x413: {  	s17 =	sor.u32 s7, s9;
	v9 =	vld [tilespmem:s8+$0xA200]  }
0x414: {  	v4 =	vld [tilespmem:s17+$0x200]  }
0x415: {  	v10 =	vld [tilespmem:s17+$0x4200];
	v3 =	vadd.f32 v3, v2  }
0x416: {  	s18 =	sor.u32 $0x20, s20;
	v11 =	vld [tilespmem:s17+$0x6200];
	v6 =	vadd.f32 v6, v5  }
0x417: {  	s4 =	sor.u32 s18, s4;
	v12 =	vld [tilespmem:s17+$0x8200];
	[tilespmem:s19+$0xA200] =	vst v3;
	v3 =	vadd.f32 v7, v5  }
0x418: {  	s16 =	sor.u32 s7, s4;
	[tilespmem:s8+$0x4200] =	vst v6;
	v6 =	vadd.f32 v8, v5;
	v8 =	vld [tilespmem:s17+$0xA200]  }
0x419: {  	v5 =	vadd.f32 v9, v5;
	v7 =	vld [tilespmem:s16+$0x4200];
	[tilespmem:s8+$0x6200] =	vst v3  }
0x41a: {  	v9 =	vadd.f32 v10, v4;
	v3 =	vld [tilespmem:s16+$0x200];
	[tilespmem:s8+$0x8200] =	vst v6  }
0x41b: {  	v10 =	vadd.f32 v11, v4;
	[tilespmem:s8+$0xA200] =	vst v5;
	v6 =	vld [tilespmem:s16+$0x6200]  }
0x41c: {  	s4 =	simm.s32 $0x0;
	[tilespmem:s17+$0x4200] =	vst v9;
	v9 =	vadd.f32 v12, v4;
	v5 =	vld [tilespmem:s16+$0x8200]  }
.LBB2_27:
0x41d: {  	s5 =	sadd.s32 $0x40, s5;
	[tilespmem:s17+$0x6200] =	vst v10;
	v4 =	vadd.f32 v8, v4;
	v8 =	vld [tilespmem:s16+$0xA200]  }
0x41e: {  	s4 =	sadd.s32 $0x200, s4;
	s7 =	sand.u32 $0x40, s5;
	p0 =	slt.u32 s5, $0x3C0;
	[tilespmem:s17+$0x8200] =	vst v9;
	v9 =	vld [tilespmem:s19+$0x4200]  }
0x41f: {  	s8 =	sand.u32 $0x1C00, s4;
	s9 =	sor.u32 s20, s7;
	s10 =	sor.u32 s23, s7;
	[tilespmem:s17+$0xA200] =	vst v4;
	v4 =	vadd.f32 v7, v3;
	v7 =	vld [tilespmem:s19+$0x6200]  }
0x420: {  	s17 =	sor.u32 s14, s7;
	s7 =	sor.u32 s18, s7;
	s10 =	sor.u32 s8, s10;
	v6 =	vadd.f32 v6, v3;
	v10 =	vld [tilespmem:s19+$0x8200]  }
0x421: {  	s9 =	sor.u32 s8, s9;
	s17 =	sor.u32 s8, s17;
	s7 =	sor.u32 s8, s7;
	v11 =	vld [tilespmem:s10+$0x200];
	[tilespmem:s16+$0x4200] =	vst v4;
	v4 =	vadd.f32 v5, v3  }
0x422: {  	v5 =	vld [tilespmem:s10+$0xA200];
	[tilespmem:s16+$0x6200] =	vst v6;
	v3 =	vadd.f32 v8, v3  }
0x423: {  	v6 =	vld [tilespmem:s9+$0x200];
	[tilespmem:s16+$0x8200] =	vst v4;
	v4 =	vadd.f32 v9, v2  }
0x424: {  	v8 =	vld [tilespmem:s9+$0x4200];
	[tilespmem:s16+$0xA200] =	vst v3;
	v3 =	vadd.f32 v7, v2;
	s16 =	smov.u32 s7  }
0x425: {  	v7 =	vld [tilespmem:s9+$0x6200];
	[tilespmem:s19+$0x4200] =	vst v4;
	v4 =	vadd.f32 v10, v2  }
0x426: {  	v9 =	vld [tilespmem:s9+$0x8200];
	[tilespmem:s19+$0x6200] =	vst v3;
	v2 =	vmov v11  }
0x427: {  	v3 =	vld [tilespmem:s9+$0xA200];
	v5 =	vadd.f32 v5, v2;
	[tilespmem:s19+$0x8200] =	vst v4;
	s19 =	smov.u32 s10  }
0x428: {  	v4 =	vld [tilespmem:s17+$0x200]  }
0x429: {  	v8 =	vadd.f32 v8, v6;
	v10 =	vld [tilespmem:s17+$0x4200];
	[tilespmem:s19+$0xA200] =	vst v5  }
0x42a: {  	v5 =	vadd.f32 v7, v6;
	v11 =	vld [tilespmem:s17+$0x6200]  }
0x42b: {  	[tilespmem:s9+$0x4200] =	vst v8;
	v7 =	vadd.f32 v9, v6;
	v9 =	vld [tilespmem:s17+$0x8200]  }
.Ltmp12:
0x42c: {  	[tilespmem:s9+$0x6200] =	vst v5;
	v5 =	vadd.f32 v3, v6;
	v8 =	vld [tilespmem:s17+$0xA200];
	(pc) =	sbr.rel @p0 .LBB2_27-.Ltmp12, $4  }
0x42d: {  	[tilespmem:s9+$0x8200] =	vst v7;
	v3 =	vld [tilespmem:s16+$0x200]  }
0x42e: {  	[tilespmem:s9+$0xA200] =	vst v5;
	v5 =	vadd.f32 v10, v4;
	v7 =	vld [tilespmem:s16+$0x4200]  }
0x42f: {  	v10 =	vadd.f32 v11, v4;
	v6 =	vld [tilespmem:s16+$0x6200]  }
0x430: {  	[tilespmem:s17+$0x4200] =	vst v5;
	v9 =	vadd.f32 v9, v4;
	v5 =	vld [tilespmem:s16+$0x8200]  }
0x431: {  	v11 =	vld [tilespmem:s16+$0xA200]  }
0x432: {  	[tilespmem:s17+$0x6200] =	vst v10;
	v4 =	vadd.f32 v8, v4;
	v59 =	vld [tilespmem:s19+$0x4200]  }
0x433: {  	v60 =	vld [tilespmem:s19+$0x6200];
	[tilespmem:s17+$0x8200] =	vst v9;
	v7 =	vadd.f32 v7, v3  }
0x434: {  	v62 =	vld [tilespmem:s19+$0x8200];
	[tilespmem:s17+$0xA200] =	vst v4;
	v61 =	vadd.f32 v6, v3  }
0x435: {  	s26 =	sadd.s32 $0x1, s26;
	[tilespmem:s16+$0x4200] =	vst v7;
	v5 =	vadd.f32 v5, v3  }
0x436: {  	p0 =	sne.s32 s26, $0x8;
	[tilespmem:s16+$0x6200] =	vst v61;
	v3 =	vadd.f32 v11, v3  }
.Ltmp13:
0x437: {  	v63 =	vadd.f32 v59, v2;
	[tilespmem:s16+$0x8200] =	vst v5;
	(pc) =	sbr.rel @p0 .LBB2_26-.Ltmp13, $4  }
0x438: {  	[tilespmem:s16+$0xA200] =	vst v3;
	v3 =	vadd.f32 v60, v2  }
0x439: {  	[tilespmem:s19+$0x4200] =	vst v63;
	v2 =	vadd.f32 v62, v2  }
0x43a: {  	[tilespmem:s19+$0x6200] =	vst v3  }
0x43b: {  	[tilespmem:s19+$0x8200] =	vst v2  }
0x43c: {  	s4 =	rddreg [dreg:$0x1a]  }
0x43d: {  	s0 =	simm.s32 $0x0;
	s16 =	sld [smem:$0x7F8]  }
0x43e: {  	[hbm4b:s4+s0] =	stream.linear.scatter [tilespmem:s25], [sflag:$0xF], $0x2000, $0x38;
	[tilespmem:$0x1C200] =	vst v63  }
0x43f: {  	s17 =	sld [smem:$0x7F9]  }
0x440: {  	[hbm4b:s16+s0] =	stream.linear.scatter [tilespmem:s13], [sflag:$0x10], $0x2000, $0x38;
	[tilespmem:$0x1C200] =	vst v63  }
0x441: {  	s18 =	sld [smem:$0x7FA]  }
0x442: {  	[hbm4b:s17+s0] =	stream.linear.scatter [tilespmem:s21], [sflag:$0x11], $0x2000, $0x38;
	[tilespmem:$0x1C200] =	vst v63  }
0x443: {  	_ = 	snop  }
0x444: {  	[hbm4b:s18+s0] =	stream.linear.scatter [tilespmem:s2], [sflag:$0x12], $0x2000, $0x38;
	[tilespmem:$0x1C200] =	vst v63  }
0x445: {  	_ =	swait.ge [sflag:s3], $0x2000  }
0x446: {  	[sflag:s3] =	ssyncset.done $0x0  }
0x447: {  	s19 =	simm.s32 $0x7;
	[sflag:s3] =	ssyncadd.s32 $0xFFFFE000  }
0x448: {  	_ =	swait.ge [sflag:s19], $0x2000  }
0x449: {  	[sflag:s19] =	ssyncset.done $0x0  }
0x44a: {  	s20 =	simm.s32 $0x8;
	[sflag:s19] =	ssyncadd.s32 $0xFFFFE000  }
0x44b: {  	_ =	swait.ge [sflag:s20], $0x2000  }
0x44c: {  	[sflag:s20] =	ssyncset.done $0x0  }
0x44d: {  	s23 =	simm.s32 $0x9;
	[sflag:s20] =	ssyncadd.s32 $0xFFFFE000  }
0x44e: {  	_ =	swait.ge [sflag:s23], $0x2000  }
0x44f: {  	[sflag:s23] =	ssyncset.done $0x0  }
0x450: {  	s26 =	simm.s32 $0xA;
	[sflag:s23] =	ssyncadd.s32 $0xFFFFE000  }
0x451: {  	_ =	swait.ge [sflag:s26], $0x2000  }
0x452: {  	[sflag:s26] =	ssyncset.done $0x0  }
0x453: {  	[sflag:s26] =	ssyncadd.s32 $0xFFFFE000;
	s26 =	simm.s32 $0x0  }
.LBB2_30:
0x454: {  	s20 =	sshll.u32 s26, $0x7;
	s5 =	simm.s32 $0x0  }
0x455: {  	s23 =	sor.u32 $0x30, s20;
	s4 =	sand.u32 $0x40, s5  }
0x456: {  	s7 =	sand.u32 $0x1C00, s0;
	s8 =	sor.u32 s23, s4  }
0x457: {  	s19 =	sor.u32 s7, s8  }
0x458: {  	s18 =	sor.u32 s20, s4;
	v2 =	vld [tilespmem:s19+$0x2200]  }
0x459: {  	s8 =	sor.u32 s7, s18;
	v3 =	vld [tilespmem:s19+$0x12200]  }
0x45a: {  	v5 =	vld [tilespmem:s8+$0x2200]  }
0x45b: {  	v6 =	vld [tilespmem:s8+$0xC200]  }
0x45c: {  	s14 =	sor.u32 $0x10, s20;
	v7 =	vld [tilespmem:s8+$0xE200]  }
0x45d: {  	s9 =	sor.u32 s14, s4;
	v8 =	vld [tilespmem:s8+$0x10200]  }
0x45e: {  	s17 =	sor.u32 s7, s9;
	v9 =	vld [tilespmem:s8+$0x12200]  }
0x45f: {  	v4 =	vld [tilespmem:s17+$0x2200]  }
0x460: {  	v10 =	vld [tilespmem:s17+$0xC200];
	v3 =	vadd.f32 v3, v2  }
0x461: {  	s18 =	sor.u32 $0x20, s20;
	v11 =	vld [tilespmem:s17+$0xE200];
	v6 =	vadd.f32 v6, v5  }
0x462: {  	s4 =	sor.u32 s18, s4;
	v12 =	vld [tilespmem:s17+$0x10200];
	[tilespmem:s19+$0x12200] =	vst v3;
	v3 =	vadd.f32 v7, v5  }
0x463: {  	s16 =	sor.u32 s7, s4;
	[tilespmem:s8+$0xC200] =	vst v6;
	v6 =	vadd.f32 v8, v5;
	v8 =	vld [tilespmem:s17+$0x12200]  }
0x464: {  	v5 =	vadd.f32 v9, v5;
	v7 =	vld [tilespmem:s16+$0xC200];
	[tilespmem:s8+$0xE200] =	vst v3  }
0x465: {  	v9 =	vadd.f32 v10, v4;
	v3 =	vld [tilespmem:s16+$0x2200];
	[tilespmem:s8+$0x10200] =	vst v6  }
0x466: {  	v10 =	vadd.f32 v11, v4;
	[tilespmem:s8+$0x12200] =	vst v5;
	v6 =	vld [tilespmem:s16+$0xE200]  }
0x467: {  	s4 =	simm.s32 $0x0;
	[tilespmem:s17+$0xC200] =	vst v9;
	v9 =	vadd.f32 v12, v4;
	v5 =	vld [tilespmem:s16+$0x10200]  }
.LBB2_31:
0x468: {  	s5 =	sadd.s32 $0x40, s5;
	[tilespmem:s17+$0xE200] =	vst v10;
	v4 =	vadd.f32 v8, v4;
	v8 =	vld [tilespmem:s16+$0x12200]  }
0x469: {  	s4 =	sadd.s32 $0x200, s4;
	s7 =	sand.u32 $0x40, s5;
	p0 =	slt.u32 s5, $0x3C0;
	[tilespmem:s17+$0x10200] =	vst v9;
	v9 =	vld [tilespmem:s19+$0xC200]  }
0x46a: {  	s8 =	sand.u32 $0x1C00, s4;
	s9 =	sor.u32 s20, s7;
	s10 =	sor.u32 s23, s7;
	[tilespmem:s17+$0x12200] =	vst v4;
	v4 =	vadd.f32 v7, v3;
	v7 =	vld [tilespmem:s19+$0xE200]  }
0x46b: {  	s17 =	sor.u32 s14, s7;
	s7 =	sor.u32 s18, s7;
	s10 =	sor.u32 s8, s10;
	v6 =	vadd.f32 v6, v3;
	v10 =	vld [tilespmem:s19+$0x10200]  }
0x46c: {  	s9 =	sor.u32 s8, s9;
	s17 =	sor.u32 s8, s17;
	s7 =	sor.u32 s8, s7;
	v11 =	vld [tilespmem:s10+$0x2200];
	[tilespmem:s16+$0xC200] =	vst v4;
	v4 =	vadd.f32 v5, v3  }
0x46d: {  	v5 =	vld [tilespmem:s10+$0x12200];
	[tilespmem:s16+$0xE200] =	vst v6;
	v3 =	vadd.f32 v8, v3  }
0x46e: {  	v6 =	vld [tilespmem:s9+$0x2200];
	[tilespmem:s16+$0x10200] =	vst v4;
	v4 =	vadd.f32 v9, v2  }
0x46f: {  	v8 =	vld [tilespmem:s9+$0xC200];
	[tilespmem:s16+$0x12200] =	vst v3;
	v3 =	vadd.f32 v7, v2;
	s16 =	smov.u32 s7  }
0x470: {  	v7 =	vld [tilespmem:s9+$0xE200];
	[tilespmem:s19+$0xC200] =	vst v4;
	v4 =	vadd.f32 v10, v2  }
0x471: {  	v9 =	vld [tilespmem:s9+$0x10200];
	[tilespmem:s19+$0xE200] =	vst v3;
	v2 =	vmov v11  }
0x472: {  	v3 =	vld [tilespmem:s9+$0x12200];
	v5 =	vadd.f32 v5, v2;
	[tilespmem:s19+$0x10200] =	vst v4;
	s19 =	smov.u32 s10  }
0x473: {  	v4 =	vld [tilespmem:s17+$0x2200]  }
0x474: {  	v8 =	vadd.f32 v8, v6;
	v10 =	vld [tilespmem:s17+$0xC200];
	[tilespmem:s19+$0x12200] =	vst v5  }
0x475: {  	v5 =	vadd.f32 v7, v6;
	v11 =	vld [tilespmem:s17+$0xE200]  }
0x476: {  	[tilespmem:s9+$0xC200] =	vst v8;
	v7 =	vadd.f32 v9, v6;
	v9 =	vld [tilespmem:s17+$0x10200]  }
.Ltmp14:
0x477: {  	[tilespmem:s9+$0xE200] =	vst v5;
	v5 =	vadd.f32 v3, v6;
	v8 =	vld [tilespmem:s17+$0x12200];
	(pc) =	sbr.rel @p0 .LBB2_31-.Ltmp14, $4  }
0x478: {  	[tilespmem:s9+$0x10200] =	vst v7;
	v3 =	vld [tilespmem:s16+$0x2200]  }
0x479: {  	[tilespmem:s9+$0x12200] =	vst v5;
	v5 =	vadd.f32 v10, v4;
	v7 =	vld [tilespmem:s16+$0xC200]  }
0x47a: {  	v10 =	vadd.f32 v11, v4;
	v6 =	vld [tilespmem:s16+$0xE200]  }
0x47b: {  	[tilespmem:s17+$0xC200] =	vst v5;
	v9 =	vadd.f32 v9, v4;
	v5 =	vld [tilespmem:s16+$0x10200]  }
0x47c: {  	v11 =	vld [tilespmem:s16+$0x12200]  }
0x47d: {  	[tilespmem:s17+$0xE200] =	vst v10;
	v4 =	vadd.f32 v8, v4;
	v59 =	vld [tilespmem:s19+$0xC200]  }
0x47e: {  	v60 =	vld [tilespmem:s19+$0xE200];
	[tilespmem:s17+$0x10200] =	vst v9;
	v7 =	vadd.f32 v7, v3  }
0x47f: {  	v62 =	vld [tilespmem:s19+$0x10200];
	[tilespmem:s17+$0x12200] =	vst v4;
	v61 =	vadd.f32 v6, v3  }
0x480: {  	s26 =	sadd.s32 $0x1, s26;
	[tilespmem:s16+$0xC200] =	vst v7;
	v5 =	vadd.f32 v5, v3  }
0x481: {  	p0 =	sne.s32 s26, $0x8;
	[tilespmem:s16+$0xE200] =	vst v61;
	v3 =	vadd.f32 v11, v3  }
.Ltmp15:
0x482: {  	v63 =	vadd.f32 v59, v2;
	[tilespmem:s16+$0x10200] =	vst v5;
	(pc) =	sbr.rel @p0 .LBB2_30-.Ltmp15, $4  }
0x483: {  	[tilespmem:s16+$0x12200] =	vst v3;
	v3 =	vadd.f32 v60, v2  }
0x484: {  	[tilespmem:s19+$0xC200] =	vst v63;
	v2 =	vadd.f32 v62, v2  }
0x485: {  	[tilespmem:s19+$0xE200] =	vst v3  }
0x486: {  	[tilespmem:s19+$0x10200] =	vst v2  }
0x487: {  	s0 =	rddreg [dreg:$0x1b]  }
0x488: {  	s5 =	simm.s32 $0xC200;
	s18 =	sld [smem:$0x7FB]  }
0x489: {  	[hbm4b:s0+s1] =	stream.linear.scatter [tilespmem:s5], [sflag:$0x13], $0x2000, $0x38;
	[tilespmem:$0x1C200] =	vst v63  }
0x48a: {  	s7 =	simm.s32 $0xE200;
	s19 =	sld [smem:$0x7FC]  }
0x48b: {  	[hbm4b:s18+s1] =	stream.linear.scatter [tilespmem:s7], [sflag:$0x14], $0x2000, $0x38;
	[tilespmem:$0x1C200] =	vst v63  }
0x48c: {  	s8 =	simm.s32 $0x10200;
	s20 =	sld [smem:$0x7FD]  }
0x48d: {  	[hbm4b:s19+s1] =	stream.linear.scatter [tilespmem:s8], [sflag:$0x15], $0x2000, $0x38;
	[tilespmem:$0x1C200] =	vst v63  }
0x48e: {  	s9 =	simm.s32 $0x12200;
	s23 =	simm.s32 $0x17  }
0x48f: {  	[hbm4b:s20+s1] =	stream.linear.scatter [tilespmem:s9], [sflag:$0x16], $0x2000, $0x38;
	[tilespmem:$0x1C200] =	vst v63  }
0x490: {  	_ =	swait.ge [sflag:s23], $0x2000  }
0x491: {  	[sflag:s23] =	ssyncset.done $0x0  }
0x492: {  	s26 =	simm.s32 $0x18;
	[sflag:s23] =	ssyncadd.s32 $0xFFFFE000  }
0x493: {  	_ =	swait.ge [sflag:s26], $0x2000  }
0x494: {  	[sflag:s26] =	ssyncset.done $0x0  }
0x495: {  	s4 =	simm.s32 $0x19;
	[sflag:s26] =	ssyncadd.s32 $0xFFFFE000  }
0x496: {  	_ =	swait.ge [sflag:s4], $0x2000  }
0x497: {  	[sflag:s4] =	ssyncset.done $0x0  }
0x498: {  	s10 =	simm.s32 $0x1A;
	[sflag:s4] =	ssyncadd.s32 $0xFFFFE000  }
0x499: {  	_ =	swait.ge [sflag:s10], $0x2000  }
0x49a: {  	[sflag:s10] =	ssyncset.done $0x0  }
0x49b: {  	s14 =	simm.s32 $0xF;
	[sflag:s10] =	ssyncadd.s32 $0xFFFFE000  }
0x49c: {  	_ =	swait.ge [sflag:s14], $0x2000  }
0x49d: {  	[sflag:s14] =	ssyncset.done $0x0  }
0x49e: {  	s16 =	simm.s32 $0x10;
	[sflag:s14] =	ssyncadd.s32 $0xFFFFE000  }
0x49f: {  	_ =	swait.ge [sflag:s16], $0x2000  }
0x4a0: {  	[sflag:s16] =	ssyncset.done $0x0  }
0x4a1: {  	s17 =	simm.s32 $0x11;
	[sflag:s16] =	ssyncadd.s32 $0xFFFFE000  }
0x4a2: {  	_ =	swait.ge [sflag:s17], $0x2000  }
0x4a3: {  	[sflag:s17] =	ssyncset.done $0x0  }
0x4a4: {  	s18 =	simm.s32 $0x12;
	[sflag:s17] =	ssyncadd.s32 $0xFFFFE000  }
0x4a5: {  	_ =	swait.ge [sflag:s18], $0x2000  }
0x4a6: {  	[sflag:s18] =	ssyncset.done $0x0  }
0x4a7: {  	s19 =	simm.s32 $0x13;
	[sflag:s18] =	ssyncadd.s32 $0xFFFFE000  }
0x4a8: {  	_ =	swait.ge [sflag:s19], $0x2000  }
0x4a9: {  	[sflag:s19] =	ssyncset.done $0x0  }
0x4aa: {  	s20 =	simm.s32 $0x14;
	[sflag:s19] =	ssyncadd.s32 $0xFFFFE000  }
0x4ab: {  	_ =	swait.ge [sflag:s20], $0x2000  }
0x4ac: {  	[sflag:s20] =	ssyncset.done $0x0  }
0x4ad: {  	s23 =	simm.s32 $0x15;
	[sflag:s20] =	ssyncadd.s32 $0xFFFFE000  }
0x4ae: {  	_ =	swait.ge [sflag:s23], $0x2000  }
0x4af: {  	[sflag:s23] =	ssyncset.done $0x0  }
0x4b0: {  	s4 =	simm.s32 $0x16;
	[sflag:s23] =	ssyncadd.s32 $0xFFFFE000  }
0x4b1: {  	_ =	swait.ge [sflag:s4], $0x2000  }
0x4b2: {  	s28 =	sadd.s32 $0x1, s28;
	s26 =	rddreg [dreg:$0x1c]  }
0x4b3: {  	p0 =	sne.s32 s28, s26  }
.Ltmp16:
0x4b4: {  	_ = 	snop;
	(pc) =	sbr.rel @p0 .LBB2_1-.Ltmp16, $3  }
0x4b5: {  	_ =	sdelay $0x1  }
0x4b6: {  	[sflag:s4] =	ssyncset.done $0x0  }
0x4b7: {  	[sflag:s4] =	ssyncadd.s32 $0xFFFFE000  }
0x4b8: {  	_ =	sfence.sel $0x180000  }
0x4b9: {  	[bflag:$0x0] =	sbarrier.arrive $0xFFFF  }
0x4ba: {  	_ =	strace $0x90000047  }
0x4bb: {  	s0 =	stileid.u32;
	[bflag:$0x2] =	sbarrier.arrive $0xFFFF  }
0x4bc: {  	p0 =	sne.s32 s0, $0x0;
	s0 =	rddreg [dreg:$0x4]  }
0x4bd: {  	s0 =	sadd.s32 @!p0 $0x100000, s0  }
0x4be: {  	[sflag:s0] =	ssyncadd.tile.s32 @!p0 $0x1;
	_ =	shalt  }
.Lfunc_end2:
_tile_overlayer_lowered:
.L_overlay_start_2:
0x4bf: {  	(tag) =	ssettag $0x2  }
0x4c0: {  	s0 =	rddreg [dreg:$0x0];
	s2 =	stileid.u32  }
0x4c1: {  	s1 =	rddreg [dreg:$0x1];
	p0 =	sne.s32 s2, $0x0  }
0x4c2: {  	s3 =	rddreg [dreg:$0x2];
	[bflag:$0x3] =	sbarrier.arrive $0xFFFF;
	s2 =	simm.s32 @!p0 $0x1C1C  }
0x4c3: {  	[timem:s3], [sflag:s2] =	dma.local @!p0 [hbm:s0], s1  }
0x4c4: {  	s0 =	simm.s32 @!p0 $0x1C  }
0x4c5: {  	_ =	swait.ge @!p0 [sflag:s0], s1  }
0x4c6: {  	s1 =	ssub.s32 @!p0 $0x0, s1;
	[sflag:s0] =	ssyncset.done @!p0 $0x0  }
0x4c7: {  	[sflag:s0] =	ssyncadd.s32 @!p0 s1  }
0x4c8: {  	[bflag:$0x3] =	sbarrier.arrive $0xFFFF  }
0x4c9: {  	_ =	shalt  }

</sc_bundles>
